<compile_context>
chip_gen: v7x
topology: tpu7x:2x2x1
jax: 0.10.2.dev20260603
libtpu: 0.0.44.dev20260713+nightly
codegen_flags: <defaults>
</compile_context>

<pallas_src>
import jax
import jax.numpy as jnp
from jax import lax
from jax.experimental import pallas as pl
from jax.experimental.pallas import tpu as pltpu
from jax.experimental.pallas import tpu_sc as plsc

B = 4
D = 3
ROW = 16
NW = 32

N_EDGES = 3200000
N_NODES = 100000

CH = 800
NK = 125

CHN = 800
NCHN = 125

_CP = pltpu.CompilerParams(needs_layout_passes=False, use_tc_tiling_on_sc=False)


def _wid():
    return lax.axis_index("s") * 2 + lax.axis_index("c")


def _pack_body(nv_hbm, pts_hbm, table_hbm, pbuf, nvbuf, obuf):
    wid = _wid()

    def chunk_body(k, carry):
        chunk = k * NW + wid

        @pl.when(chunk < NCHN)
        def _():
            base = chunk * CHN
            pltpu.sync_copy(pts_hbm.at[pl.ds(base * D, CHN * D)], pbuf)
            for b in range(B):
                pltpu.sync_copy(
                    nv_hbm.at[pl.ds((b * N_NODES + base) * D, CHN * D)],
                    nvbuf.at[pl.ds(b * CHN * D, CHN * D)])

            def group_body(g, carry2):
                ridx = g * 16 + lax.iota(jnp.int32, 16)

                def put(col, v):
                    plsc.store_scatter(
                        obuf, [ridx, jnp.bitwise_and(ridx + col, 15)], v)

                for d in range(D):
                    put(d, plsc.load_gather(pbuf, [ridx * D + d]))
                for b in range(B):
                    for d in range(D):
                        v = plsc.load_gather(
                            nvbuf, [(b * CHN + ridx) * D + d])
                        put(3 + 3 * b + d, v)
                return carry2

            lax.fori_loop(0, CHN // 16, group_body, 0, unroll=False)
            pltpu.sync_copy(obuf, table_hbm.at[pl.ds(base, CHN)])
        return carry

    lax.fori_loop(0, (NCHN + NW - 1) // NW, chunk_body, 0, unroll=False)


def _compute_groups(srows, drows, sidxr, didxr, oacc):
    def group_body(g, carry):
        row0 = g * 16
        ridx = row0 + lax.iota(jnp.int32, 16)
        ns = jnp.bitwise_and(sidxr[pl.ds(row0, 16)], 15)
        nd = jnp.bitwise_and(didxr[pl.ds(row0, 16)], 15)

        def col(refr, rot, c):
            return plsc.load_gather(
                refr, [ridx, jnp.bitwise_and(rot + c, 15)])

        ev0 = col(srows, ns, 0) - col(drows, nd, 0)
        ev1 = col(srows, ns, 1) - col(drows, nd, 1)
        ev2 = col(srows, ns, 2) - col(drows, nd, 2)
        for b in range(B):
            acc = ((col(srows, ns, 3 + 3 * b) + col(drows, nd, 3 + 3 * b)) * ev0
                   + (col(srows, ns, 4 + 3 * b) + col(drows, nd, 4 + 3 * b)) * ev1
                   + (col(srows, ns, 5 + 3 * b) + col(drows, nd, 5 + 3 * b)) * ev2)
            oacc[b, pl.ds(row0, 16)] = acc * 0.5
        return carry

    lax.fori_loop(0, CH // 16, group_body, 0, unroll=False)


def _flux_body(table_hbm, src_hbm, dst_hbm, out_hbm,
               sidx0, sidx1, sidx2, sidx3, didx0, didx1, didx2, didx3,
               srows0, srows1, drows0, drows1, oacc0, oacc1,
               semI0, semI1, semI2, semI3, semG0, semG1, semO0, semO1):
    wid = _wid()
    sidx = [sidx0, sidx1, sidx2, sidx3]
    didx = [didx0, didx1, didx2, didx3]
    srows = [srows0, srows1]
    drows = [drows0, drows1]
    oacc = [oacc0, oacc1]
    semI = [semI0, semI1, semI2, semI3]
    semG = [semG0, semG1]
    semO = [semO0, semO1]

    def base_of(k):
        return (k * NW + wid) * CH

    def idx_copies(k, q):
        b = base_of(k)
        return (pltpu.make_async_copy(src_hbm.at[pl.ds(b, CH)], sidx[q], semI[q]),
                pltpu.make_async_copy(dst_hbm.at[pl.ds(b, CH)], didx[q], semI[q]))

    def gather_copies(s, q):
        cps = []
        for j in range(CH // 80):
            sl = pl.ds(j * 80, 80)
            cps.append(pltpu.make_async_copy(
                table_hbm.at[sidx[q].at[sl]], srows[s].at[sl], semG[s]))
            cps.append(pltpu.make_async_copy(
                table_hbm.at[didx[q].at[sl]], drows[s].at[sl], semG[s]))
        return cps

    def out_copies(k, s):
        base = base_of(k)
        return [pltpu.make_async_copy(
            oacc[s].at[b], out_hbm.at[pl.ds(b * N_EDGES + base, CH)], semO[s])
            for b in range(B)]

    def fire(copies):
        for cp in copies:
            cp.start()

    def drain(copies):
        for cp in copies:
            cp.wait()

    fire(idx_copies(0, 0))
    fire(idx_copies(1, 1))
    fire(idx_copies(2, 2))
    drain(idx_copies(0, 0))
    fire(gather_copies(0, 0))

    def quad_body(kk, carry):
        for s in range(4):
            k = kk * 4 + s
            rs = s % 2

            @pl.when(k < NK)
            def _():
                @pl.when(k + 1 < NK)
                def _():
                    drain(idx_copies(k + 1, (s + 1) % 4))
                    fire(gather_copies(rs ^ 1, (s + 1) % 4))

                @pl.when(k + 3 < NK)
                def _():
                    fire(idx_copies(k + 3, (s + 3) % 4))

                drain(gather_copies(rs, s))

                @pl.when(k >= 2)
                def _():
                    drain(out_copies(k - 2, rs))

                _compute_groups(srows[rs], drows[rs],
                                sidx[s], didx[s], oacc[rs])
                fire(out_copies(k, rs))
        return carry

    lax.fori_loop(0, (NK + 3) // 4, quad_body, 0, unroll=False)
    drain(out_copies(NK - 2, (NK - 2) % 2))
    drain(out_copies(NK - 1, (NK - 1) % 2))


_RBLK = 128000


def _relayout_body(f0, f1, f2, f3, out_ref):
    for b, f in enumerate((f0, f1, f2, f3)):
        out_ref[b, :] = f[...]


def _relayout(flat):
    grid = N_EDGES // _RBLK
    in_specs = [
        pl.BlockSpec((_RBLK,), lambda j, b=b: (b * grid + j,))
        for b in range(B)
    ]
    return pl.pallas_call(
        _relayout_body,
        grid=(grid,),
        in_specs=in_specs,
        out_specs=pl.BlockSpec((B, _RBLK), lambda j: (0, j)),
        out_shape=jax.ShapeDtypeStruct((B, N_EDGES), jnp.float32),
    )(flat, flat, flat, flat)


def kernel(node_vectors, points, edge_src, edge_dst):
    mesh = plsc.VectorSubcoreMesh(core_axis_name="c", subcore_axis_name="s",
                                  num_cores=2, num_subcores=16)

    table = pl.kernel(
        _pack_body,
        out_type=jax.ShapeDtypeStruct((N_NODES, ROW), jnp.float32),
        mesh=mesh,
        compiler_params=_CP,
        scratch_types=[
            pltpu.VMEM((CHN * D,), jnp.float32),
            pltpu.VMEM((B * CHN * D,), jnp.float32),
            pltpu.VMEM((CHN, ROW), jnp.float32),
        ],
    )(node_vectors.reshape(-1), points.reshape(-1))

    flat = pl.kernel(
        _flux_body,
        out_type=jax.ShapeDtypeStruct((B * N_EDGES,), jnp.float32),
        mesh=mesh,
        compiler_params=_CP,
        scratch_types=(
            [pltpu.VMEM((CH,), jnp.int32) for _ in range(8)]
            + [pltpu.VMEM((CH, ROW), jnp.float32) for _ in range(4)]
            + [pltpu.VMEM((B, CH), jnp.float32) for _ in range(2)]
            + [pltpu.SemaphoreType.DMA for _ in range(8)]
        ),
    )(table, edge_src, edge_dst)
    return _relayout(flat)

# --- scband reference (transcript-rebuilt; emitter-appended) ---
"""Pipeline reference for scband-flux-mapper-12859132084977 (READ-ONLY COPY).

The authoritative reference and input builder live on the scoring server;
editing this copy changes nothing except your own understanding.
"""

import jax, jax.numpy as jnp
import numpy as np

B = 4
N_NODES = 100000
N_EDGES = 3200000
D = 3

def setup_inputs(seed: int = 0) -> dict:
    key = jax.random.key(seed)
    k1, k2, k3, k4 = jax.random.split(key, 4)
    node_vectors = jax.random.normal(k1, (B, N_NODES, D), dtype=jnp.float32)
    points = jax.random.normal(k2, (N_NODES, D), dtype=jnp.float32)
    edge_src = jax.random.randint(k3, (N_EDGES,), 0, N_NODES, dtype=jnp.int32)
    edge_dst = jax.random.randint(k4, (N_EDGES,), 0, N_NODES, dtype=jnp.int32)
    return {"node_vectors": node_vectors, "points": points,
            "edge_src": edge_src, "edge_dst": edge_dst}

def reference(node_vectors, points, edge_src, edge_dst):
    # Buffer from __init__: edge_vectors = B1_signed @ points_t.
    # Each row of the incidence matrix B1 has +1 at src node, -1 at dst node,
    # so the sparse.mm is exactly a gather-difference per edge.
    edge_vectors = jnp.take(points, edge_src, axis=0) - jnp.take(points, edge_dst, axis=0)  # [E, D]

    # forward: u_sum = abs(B1) @ x_flat. abs(B1) has 1 at both endpoints, so the
    # sparse.mm over the flattened (N, B*D) tensor is equivalent to gathering both
    # endpoint features and summing, per edge, batched over B.
    u_sum = jnp.take(node_vectors, edge_src, axis=1) + jnp.take(node_vectors, edge_dst, axis=1)  # [B, E, D]
    u_mid = u_sum / 2.0

    # flux = sum(u_mid * edge_vectors, dim=-1)
    flux = jnp.sum(u_mid * edge_vectors[None, :, :], axis=-1)  # [B, E]
    return flux

if __name__ == "__main__":
    import jax
    _d = setup_inputs()
    print(jax.jit(kernel)(*tuple(_d.values())))

</pallas_src>

<mosaic_0001>
#map = affine_map<(d0, d1) -> (0)>
#map1 = affine_map<(d0, d1) -> (0, 0)>
module attributes {stable_mosaic.version = 14 : i64} {
  func.func @_pack_body(%arg0: i32, %arg1: i32, %arg2: memref<1200000xf32, #tpu.memory_space<hbm>>, %arg3: memref<300000xf32, #tpu.memory_space<hbm>>, %arg4: memref<100000x16xf32, #tpu.memory_space<hbm>>, %arg5: memref<2400xf32, #tpu.memory_space<vmem>>, %arg6: memref<9600xf32, #tpu.memory_space<vmem>>, %arg7: memref<800x16xf32, #tpu.memory_space<vmem>>) attributes {dimension_semantics = [#tpu.dimension_semantics<core_parallel>, #tpu.dimension_semantics<subcore_parallel>], iteration_bounds = array<i64: 2, 16>, scalar_prefetch = 0 : i64, scratch_operands = 3 : i64, tpu.core_type = #tpu.core_type<sc_vector_subcore>, window_params = [{transform_indices = #map}, {transform_indices = #map}, {transform_indices = #map1}]} {
    %mul3A = arith.constant 2 : i32
    %mul3A_0 = arith.muli %arg1, %mul3A : i32
    %add3A = arith.addi %mul3A_0, %arg0 : i32
    %scan3A = arith.constant 0 : i32
    %scan3A_1 = arith.constant 0 : i32
    %scan3A_2 = arith.constant 4 : i32
    %scan3A_3 = arith.addi %scan3A_1, %scan3A_2 : i32
    %scan3A_4 = arith.constant 1 : i32
    scf.for %scan3A_6 = %scan3A_1 to %scan3A_3 step %scan3A_4  : i32 {
      %mul3A_7 = arith.constant 32 : i32
      %mul3A_8 = arith.muli %scan3A_6, %mul3A_7 : i32
      %add3A_9 = arith.addi %mul3A_8, %add3A : i32
      %lt3A = arith.constant 125 : i32
      %lt3A_10 = arith.cmpi slt, %add3A_9, %lt3A : i32
      %convert_element_type3A = arith.extui %lt3A_10 : i1 to i32
      %cond3A = arith.constant 0 : i32
      %cond3A_11 = arith.cmpi ne, %convert_element_type3A, %cond3A : i32
      scf.if %cond3A_11 {
        %mul3A_12 = arith.constant 800 : i32
        %mul3A_13 = arith.muli %add3A_9, %mul3A_12 : i32
        %mul3A_14 = arith.constant 3 : i32
        %mul3A_15 = arith.muli %mul3A_13, %mul3A_14 : i32
        "tpu.region"() ({
          %run_scoped3A = tpu.sem_alloc : memref<!tpu.dma_semaphore, #tpu.memory_space<semaphore_mem>>
          %dma_start3A = tpu.memref_slice %arg3[%mul3A_15] : memref<300000xf32, #tpu.memory_space<hbm>> -> memref<2400xf32, #tpu.memory_space<hbm>>
          %dma_start3A_38 = tpu.memref_slice %arg3[%mul3A_15] : memref<300000xf32, #tpu.memory_space<hbm>> -> memref<2400xf32, #tpu.memory_space<hbm>>
          tpu.enqueue_dma source(%dma_start3A_38 : memref<2400xf32, #tpu.memory_space<hbm>>) target(%arg5 : memref<2400xf32, #tpu.memory_space<vmem>>) target_semaphore(%run_scoped3A : memref<!tpu.dma_semaphore, #tpu.memory_space<semaphore_mem>>)
          %dma_wait3A = tpu.memref_slice %arg3[%mul3A_15] : memref<300000xf32, #tpu.memory_space<hbm>> -> memref<2400xf32, #tpu.memory_space<hbm>>
          %dma_wait3A_39 = tpu.memref_slice %arg3[%mul3A_15] : memref<300000xf32, #tpu.memory_space<hbm>> -> memref<2400xf32, #tpu.memory_space<hbm>>
          tpu.wait_dma2 semaphore(%run_scoped3A : memref<!tpu.dma_semaphore, #tpu.memory_space<semaphore_mem>>) src(%dma_wait3A_39 : memref<2400xf32, #tpu.memory_space<hbm>>) dst(%arg5 : memref<2400xf32, #tpu.memory_space<vmem>>)
          tpu.yield
        }) : () -> ()
        %add3A_16 = arith.constant 0 : i32
        %add3A_17 = arith.addi %add3A_16, %mul3A_13 : i32
        %mul3A_18 = arith.constant 3 : i32
        %mul3A_19 = arith.muli %add3A_17, %mul3A_18 : i32
        "tpu.region"() ({
          %run_scoped3A = tpu.sem_alloc : memref<!tpu.dma_semaphore, #tpu.memory_space<semaphore_mem>>
          %dma_start3A = arith.constant 0 : i32
          %dma_start3A_38 = tpu.memref_slice %arg6[%dma_start3A] : memref<9600xf32, #tpu.memory_space<vmem>> -> memref<2400xf32, #tpu.memory_space<vmem>>
          %dma_start3A_39 = tpu.memref_slice %arg2[%mul3A_19] : memref<1200000xf32, #tpu.memory_space<hbm>> -> memref<2400xf32, #tpu.memory_space<hbm>>
          %dma_start3A_40 = arith.constant 0 : i32
          %dma_start3A_41 = tpu.memref_slice %arg6[%dma_start3A_40] : memref<9600xf32, #tpu.memory_space<vmem>> -> memref<2400xf32, #tpu.memory_space<vmem>>
          %dma_start3A_42 = tpu.memref_slice %arg2[%mul3A_19] : memref<1200000xf32, #tpu.memory_space<hbm>> -> memref<2400xf32, #tpu.memory_space<hbm>>
          tpu.enqueue_dma source(%dma_start3A_42 : memref<2400xf32, #tpu.memory_space<hbm>>) target(%dma_start3A_41 : memref<2400xf32, #tpu.memory_space<vmem>>) target_semaphore(%run_scoped3A : memref<!tpu.dma_semaphore, #tpu.memory_space<semaphore_mem>>)
          %dma_wait3A = arith.constant 0 : i32
          %dma_wait3A_43 = tpu.memref_slice %arg6[%dma_wait3A] : memref<9600xf32, #tpu.memory_space<vmem>> -> memref<2400xf32, #tpu.memory_space<vmem>>
          %dma_wait3A_44 = tpu.memref_slice %arg2[%mul3A_19] : memref<1200000xf32, #tpu.memory_space<hbm>> -> memref<2400xf32, #tpu.memory_space<hbm>>
          %dma_wait3A_45 = arith.constant 0 : i32
          %dma_wait3A_46 = tpu.memref_slice %arg6[%dma_wait3A_45] : memref<9600xf32, #tpu.memory_space<vmem>> -> memref<2400xf32, #tpu.memory_space<vmem>>
          %dma_wait3A_47 = tpu.memref_slice %arg2[%mul3A_19] : memref<1200000xf32, #tpu.memory_space<hbm>> -> memref<2400xf32, #tpu.memory_space<hbm>>
          tpu.wait_dma2 semaphore(%run_scoped3A : memref<!tpu.dma_semaphore, #tpu.memory_space<semaphore_mem>>) src(%dma_wait3A_47 : memref<2400xf32, #tpu.memory_space<hbm>>) dst(%dma_wait3A_46 : memref<2400xf32, #tpu.memory_space<vmem>>)
          tpu.yield
        }) : () -> ()
        %add3A_20 = arith.constant 100000 : i32
        %add3A_21 = arith.addi %add3A_20, %mul3A_13 : i32
        %mul3A_22 = arith.constant 3 : i32
        %mul3A_23 = arith.muli %add3A_21, %mul3A_22 : i32
        "tpu.region"() ({
          %run_scoped3A = tpu.sem_alloc : memref<!tpu.dma_semaphore, #tpu.memory_space<semaphore_mem>>
          %dma_start3A = arith.constant 2400 : i32
          %dma_start3A_38 = tpu.memref_slice %arg6[%dma_start3A] : memref<9600xf32, #tpu.memory_space<vmem>> -> memref<2400xf32, #tpu.memory_space<vmem>>
          %dma_start3A_39 = tpu.memref_slice %arg2[%mul3A_23] : memref<1200000xf32, #tpu.memory_space<hbm>> -> memref<2400xf32, #tpu.memory_space<hbm>>
          %dma_start3A_40 = arith.constant 2400 : i32
          %dma_start3A_41 = tpu.memref_slice %arg6[%dma_start3A_40] : memref<9600xf32, #tpu.memory_space<vmem>> -> memref<2400xf32, #tpu.memory_space<vmem>>
          %dma_start3A_42 = tpu.memref_slice %arg2[%mul3A_23] : memref<1200000xf32, #tpu.memory_space<hbm>> -> memref<2400xf32, #tpu.memory_space<hbm>>
          tpu.enqueue_dma source(%dma_start3A_42 : memref<2400xf32, #tpu.memory_space<hbm>>) target(%dma_start3A_41 : memref<2400xf32, #tpu.memory_space<vmem>>) target_semaphore(%run_scoped3A : memref<!tpu.dma_semaphore, #tpu.memory_space<semaphore_mem>>)
          %dma_wait3A = arith.constant 2400 : i32
          %dma_wait3A_43 = tpu.memref_slice %arg6[%dma_wait3A] : memref<9600xf32, #tpu.memory_space<vmem>> -> memref<2400xf32, #tpu.memory_space<vmem>>
          %dma_wait3A_44 = tpu.memref_slice %arg2[%mul3A_23] : memref<1200000xf32, #tpu.memory_space<hbm>> -> memref<2400xf32, #tpu.memory_space<hbm>>
          %dma_wait3A_45 = arith.constant 2400 : i32
          %dma_wait3A_46 = tpu.memref_slice %arg6[%dma_wait3A_45] : memref<9600xf32, #tpu.memory_space<vmem>> -> memref<2400xf32, #tpu.memory_space<vmem>>
          %dma_wait3A_47 = tpu.memref_slice %arg2[%mul3A_23] : memref<1200000xf32, #tpu.memory_space<hbm>> -> memref<2400xf32, #tpu.memory_space<hbm>>
          tpu.wait_dma2 semaphore(%run_scoped3A : memref<!tpu.dma_semaphore, #tpu.memory_space<semaphore_mem>>) src(%dma_wait3A_47 : memref<2400xf32, #tpu.memory_space<hbm>>) dst(%dma_wait3A_46 : memref<2400xf32, #tpu.memory_space<vmem>>)
          tpu.yield
        }) : () -> ()
        %add3A_24 = arith.constant 200000 : i32
        %add3A_25 = arith.addi %add3A_24, %mul3A_13 : i32
        %mul3A_26 = arith.constant 3 : i32
        %mul3A_27 = arith.muli %add3A_25, %mul3A_26 : i32
        "tpu.region"() ({
          %run_scoped3A = tpu.sem_alloc : memref<!tpu.dma_semaphore, #tpu.memory_space<semaphore_mem>>
          %dma_start3A = arith.constant 4800 : i32
          %dma_start3A_38 = tpu.memref_slice %arg6[%dma_start3A] : memref<9600xf32, #tpu.memory_space<vmem>> -> memref<2400xf32, #tpu.memory_space<vmem>>
          %dma_start3A_39 = tpu.memref_slice %arg2[%mul3A_27] : memref<1200000xf32, #tpu.memory_space<hbm>> -> memref<2400xf32, #tpu.memory_space<hbm>>
          %dma_start3A_40 = arith.constant 4800 : i32
          %dma_start3A_41 = tpu.memref_slice %arg6[%dma_start3A_40] : memref<9600xf32, #tpu.memory_space<vmem>> -> memref<2400xf32, #tpu.memory_space<vmem>>
          %dma_start3A_42 = tpu.memref_slice %arg2[%mul3A_27] : memref<1200000xf32, #tpu.memory_space<hbm>> -> memref<2400xf32, #tpu.memory_space<hbm>>
          tpu.enqueue_dma source(%dma_start3A_42 : memref<2400xf32, #tpu.memory_space<hbm>>) target(%dma_start3A_41 : memref<2400xf32, #tpu.memory_space<vmem>>) target_semaphore(%run_scoped3A : memref<!tpu.dma_semaphore, #tpu.memory_space<semaphore_mem>>)
          %dma_wait3A = arith.constant 4800 : i32
          %dma_wait3A_43 = tpu.memref_slice %arg6[%dma_wait3A] : memref<9600xf32, #tpu.memory_space<vmem>> -> memref<2400xf32, #tpu.memory_space<vmem>>
          %dma_wait3A_44 = tpu.memref_slice %arg2[%mul3A_27] : memref<1200000xf32, #tpu.memory_space<hbm>> -> memref<2400xf32, #tpu.memory_space<hbm>>
          %dma_wait3A_45 = arith.constant 4800 : i32
          %dma_wait3A_46 = tpu.memref_slice %arg6[%dma_wait3A_45] : memref<9600xf32, #tpu.memory_space<vmem>> -> memref<2400xf32, #tpu.memory_space<vmem>>
          %dma_wait3A_47 = tpu.memref_slice %arg2[%mul3A_27] : memref<1200000xf32, #tpu.memory_space<hbm>> -> memref<2400xf32, #tpu.memory_space<hbm>>
          tpu.wait_dma2 semaphore(%run_scoped3A : memref<!tpu.dma_semaphore, #tpu.memory_space<semaphore_mem>>) src(%dma_wait3A_47 : memref<2400xf32, #tpu.memory_space<hbm>>) dst(%dma_wait3A_46 : memref<2400xf32, #tpu.memory_space<vmem>>)
          tpu.yield
        }) : () -> ()
        %add3A_28 = arith.constant 300000 : i32
        %add3A_29 = arith.addi %add3A_28, %mul3A_13 : i32
        %mul3A_30 = arith.constant 3 : i32
        %mul3A_31 = arith.muli %add3A_29, %mul3A_30 : i32
        "tpu.region"() ({
          %run_scoped3A = tpu.sem_alloc : memref<!tpu.dma_semaphore, #tpu.memory_space<semaphore_mem>>
          %dma_start3A = arith.constant 7200 : i32
          %dma_start3A_38 = tpu.memref_slice %arg6[%dma_start3A] : memref<9600xf32, #tpu.memory_space<vmem>> -> memref<2400xf32, #tpu.memory_space<vmem>>
          %dma_start3A_39 = tpu.memref_slice %arg2[%mul3A_31] : memref<1200000xf32, #tpu.memory_space<hbm>> -> memref<2400xf32, #tpu.memory_space<hbm>>
          %dma_start3A_40 = arith.constant 7200 : i32
          %dma_start3A_41 = tpu.memref_slice %arg6[%dma_start3A_40] : memref<9600xf32, #tpu.memory_space<vmem>> -> memref<2400xf32, #tpu.memory_space<vmem>>
          %dma_start3A_42 = tpu.memref_slice %arg2[%mul3A_31] : memref<1200000xf32, #tpu.memory_space<hbm>> -> memref<2400xf32, #tpu.memory_space<hbm>>
          tpu.enqueue_dma source(%dma_start3A_42 : memref<2400xf32, #tpu.memory_space<hbm>>) target(%dma_start3A_41 : memref<2400xf32, #tpu.memory_space<vmem>>) target_semaphore(%run_scoped3A : memref<!tpu.dma_semaphore, #tpu.memory_space<semaphore_mem>>)
          %dma_wait3A = arith.constant 7200 : i32
          %dma_wait3A_43 = tpu.memref_slice %arg6[%dma_wait3A] : memref<9600xf32, #tpu.memory_space<vmem>> -> memref<2400xf32, #tpu.memory_space<vmem>>
          %dma_wait3A_44 = tpu.memref_slice %arg2[%mul3A_31] : memref<1200000xf32, #tpu.memory_space<hbm>> -> memref<2400xf32, #tpu.memory_space<hbm>>
          %dma_wait3A_45 = arith.constant 7200 : i32
          %dma_wait3A_46 = tpu.memref_slice %arg6[%dma_wait3A_45] : memref<9600xf32, #tpu.memory_space<vmem>> -> memref<2400xf32, #tpu.memory_space<vmem>>
          %dma_wait3A_47 = tpu.memref_slice %arg2[%mul3A_31] : memref<1200000xf32, #tpu.memory_space<hbm>> -> memref<2400xf32, #tpu.memory_space<hbm>>
          tpu.wait_dma2 semaphore(%run_scoped3A : memref<!tpu.dma_semaphore, #tpu.memory_space<semaphore_mem>>) src(%dma_wait3A_47 : memref<2400xf32, #tpu.memory_space<hbm>>) dst(%dma_wait3A_46 : memref<2400xf32, #tpu.memory_space<vmem>>)
          tpu.yield
        }) : () -> ()
        %scan3A_32 = arith.constant 0 : i32
        %scan3A_33 = arith.constant 0 : i32
        %scan3A_34 = arith.constant 50 : i32
        %scan3A_35 = arith.addi %scan3A_33, %scan3A_34 : i32
        %scan3A_36 = arith.constant 1 : i32
        scf.for %scan3A_38 = %scan3A_33 to %scan3A_35 step %scan3A_36  : i32 {
          %mul3A_39 = arith.constant 16 : i32
          %mul3A_40 = arith.muli %scan3A_38, %mul3A_39 : i32
          %iota3A = tpu.iota {dimensions = array<i32: 0>} : vector<16xi32>
          %add3A_41 = vector.broadcast %mul3A_40 : i32 to vector<16xi32>
          %add3A_42 = arith.addi %add3A_41, %iota3A : vector<16xi32>
          %mul3A_43 = arith.constant 3 : i32
          %mul3A_44 = vector.broadcast %mul3A_43 : i32 to vector<16xi32>
          %mul3A_45 = arith.muli %add3A_42, %mul3A_44 : vector<16xi32>
          %add3A_46 = arith.constant 0 : i32
          %add3A_47 = vector.broadcast %add3A_46 : i32 to vector<16xi32>
          %add3A_48 = arith.addi %mul3A_45, %add3A_47 : vector<16xi32>
          %gather3A = tpu.vector_load_idx %arg5[%add3A_48] : memref<2400xf32, #tpu.memory_space<vmem>>[vector<16xi32>], vector<16xf32>,
          %add3A_49 = arith.constant 0 : i32
          %add3A_50 = vector.broadcast %add3A_49 : i32 to vector<16xi32>
          %add3A_51 = arith.addi %add3A_42, %add3A_50 : vector<16xi32>
          %and3A = arith.constant 15 : i32
          %and3A_52 = vector.broadcast %and3A : i32 to vector<16xi32>
          %and3A_53 = arith.andi %add3A_51, %and3A_52 : vector<16xi32>
          tpu.vector_store_idx %arg7[%add3A_42, %and3A_53], %gather3A : memref<800x16xf32, #tpu.memory_space<vmem>>[vector<16xi32>, vector<16xi32>], vector<16xf32>,
          %mul3A_54 = arith.constant 3 : i32
          %mul3A_55 = vector.broadcast %mul3A_54 : i32 to vector<16xi32>
          %mul3A_56 = arith.muli %add3A_42, %mul3A_55 : vector<16xi32>
          %add3A_57 = arith.constant 1 : i32
          %add3A_58 = vector.broadcast %add3A_57 : i32 to vector<16xi32>
          %add3A_59 = arith.addi %mul3A_56, %add3A_58 : vector<16xi32>
          %gather3A_60 = tpu.vector_load_idx %arg5[%add3A_59] : memref<2400xf32, #tpu.memory_space<vmem>>[vector<16xi32>], vector<16xf32>,
          %add3A_61 = arith.constant 1 : i32
          %add3A_62 = vector.broadcast %add3A_61 : i32 to vector<16xi32>
          %add3A_63 = arith.addi %add3A_42, %add3A_62 : vector<16xi32>
          %and3A_64 = arith.constant 15 : i32
          %and3A_65 = vector.broadcast %and3A_64 : i32 to vector<16xi32>
          %and3A_66 = arith.andi %add3A_63, %and3A_65 : vector<16xi32>
          tpu.vector_store_idx %arg7[%add3A_42, %and3A_66], %gather3A_60 : memref<800x16xf32, #tpu.memory_space<vmem>>[vector<16xi32>, vector<16xi32>], vector<16xf32>,
          %mul3A_67 = arith.constant 3 : i32
          %mul3A_68 = vector.broadcast %mul3A_67 : i32 to vector<16xi32>
          %mul3A_69 = arith.muli %add3A_42, %mul3A_68 : vector<16xi32>
          %add3A_70 = arith.constant 2 : i32
          %add3A_71 = vector.broadcast %add3A_70 : i32 to vector<16xi32>
          %add3A_72 = arith.addi %mul3A_69, %add3A_71 : vector<16xi32>
          %gather3A_73 = tpu.vector_load_idx %arg5[%add3A_72] : memref<2400xf32, #tpu.memory_space<vmem>>[vector<16xi32>], vector<16xf32>,
          %add3A_74 = arith.constant 2 : i32
          %add3A_75 = vector.broadcast %add3A_74 : i32 to vector<16xi32>
          %add3A_76 = arith.addi %add3A_42, %add3A_75 : vector<16xi32>
          %and3A_77 = arith.constant 15 : i32
          %and3A_78 = vector.broadcast %and3A_77 : i32 to vector<16xi32>
          %and3A_79 = arith.andi %add3A_76, %and3A_78 : vector<16xi32>
          tpu.vector_store_idx %arg7[%add3A_42, %and3A_79], %gather3A_73 : memref<800x16xf32, #tpu.memory_space<vmem>>[vector<16xi32>, vector<16xi32>], vector<16xf32>,
          %add3A_80 = arith.constant 0 : i32
          %add3A_81 = vector.broadcast %add3A_80 : i32 to vector<16xi32>
          %add3A_82 = arith.addi %add3A_81, %add3A_42 : vector<16xi32>
          %mul3A_83 = arith.constant 3 : i32
          %mul3A_84 = vector.broadcast %mul3A_83 : i32 to vector<16xi32>
          %mul3A_85 = arith.muli %add3A_82, %mul3A_84 : vector<16xi32>
          %add3A_86 = arith.constant 0 : i32
          %add3A_87 = vector.broadcast %add3A_86 : i32 to vector<16xi32>
          %add3A_88 = arith.addi %mul3A_85, %add3A_87 : vector<16xi32>
          %gather3A_89 = tpu.vector_load_idx %arg6[%add3A_88] : memref<9600xf32, #tpu.memory_space<vmem>>[vector<16xi32>], vector<16xf32>,
          %add3A_90 = arith.constant 3 : i32
          %add3A_91 = vector.broadcast %add3A_90 : i32 to vector<16xi32>
          %add3A_92 = arith.addi %add3A_42, %add3A_91 : vector<16xi32>
          %and3A_93 = arith.constant 15 : i32
          %and3A_94 = vector.broadcast %and3A_93 : i32 to vector<16xi32>
          %and3A_95 = arith.andi %add3A_92, %and3A_94 : vector<16xi32>
          tpu.vector_store_idx %arg7[%add3A_42, %and3A_95], %gather3A_89 : memref<800x16xf32, #tpu.memory_space<vmem>>[vector<16xi32>, vector<16xi32>], vector<16xf32>,
          %add3A_96 = arith.constant 0 : i32
          %add3A_97 = vector.broadcast %add3A_96 : i32 to vector<16xi32>
          %add3A_98 = arith.addi %add3A_97, %add3A_42 : vector<16xi32>
          %mul3A_99 = arith.constant 3 : i32
          %mul3A_100 = vector.broadcast %mul3A_99 : i32 to vector<16xi32>
          %mul3A_101 = arith.muli %add3A_98, %mul3A_100 : vector<16xi32>
          %add3A_102 = arith.constant 1 : i32
          %add3A_103 = vector.broadcast %add3A_102 : i32 to vector<16xi32>
          %add3A_104 = arith.addi %mul3A_101, %add3A_103 : vector<16xi32>
          %gather3A_105 = tpu.vector_load_idx %arg6[%add3A_104] : memref<9600xf32, #tpu.memory_space<vmem>>[vector<16xi32>], vector<16xf32>,
          %add3A_106 = arith.constant 4 : i32
          %add3A_107 = vector.broadcast %add3A_106 : i32 to vector<16xi32>
          %add3A_108 = arith.addi %add3A_42, %add3A_107 : vector<16xi32>
          %and3A_109 = arith.constant 15 : i32
          %and3A_110 = vector.broadcast %and3A_109 : i32 to vector<16xi32>
          %and3A_111 = arith.andi %add3A_108, %and3A_110 : vector<16xi32>
          tpu.vector_store_idx %arg7[%add3A_42, %and3A_111], %gather3A_105 : memref<800x16xf32, #tpu.memory_space<vmem>>[vector<16xi32>, vector<16xi32>], vector<16xf32>,
          %add3A_112 = arith.constant 0 : i32
          %add3A_113 = vector.broadcast %add3A_112 : i32 to vector<16xi32>
          %add3A_114 = arith.addi %add3A_113, %add3A_42 : vector<16xi32>
          %mul3A_115 = arith.constant 3 : i32
          %mul3A_116 = vector.broadcast %mul3A_115 : i32 to vector<16xi32>
          %mul3A_117 = arith.muli %add3A_114, %mul3A_116 : vector<16xi32>
          %add3A_118 = arith.constant 2 : i32
          %add3A_119 = vector.broadcast %add3A_118 : i32 to vector<16xi32>
          %add3A_120 = arith.addi %mul3A_117, %add3A_119 : vector<16xi32>
          %gather3A_121 = tpu.vector_load_idx %arg6[%add3A_120] : memref<9600xf32, #tpu.memory_space<vmem>>[vector<16xi32>], vector<16xf32>,
          %add3A_122 = arith.constant 5 : i32
          %add3A_123 = vector.broadcast %add3A_122 : i32 to vector<16xi32>
          %add3A_124 = arith.addi %add3A_42, %add3A_123 : vector<16xi32>
          %and3A_125 = arith.constant 15 : i32
          %and3A_126 = vector.broadcast %and3A_125 : i32 to vector<16xi32>
          %and3A_127 = arith.andi %add3A_124, %and3A_126 : vector<16xi32>
          tpu.vector_store_idx %arg7[%add3A_42, %and3A_127], %gather3A_121 : memref<800x16xf32, #tpu.memory_space<vmem>>[vector<16xi32>, vector<16xi32>], vector<16xf32>,
          %add3A_128 = arith.constant 800 : i32
          %add3A_129 = vector.broadcast %add3A_128 : i32 to vector<16xi32>
          %add3A_130 = arith.addi %add3A_129, %add3A_42 : vector<16xi32>
          %mul3A_131 = arith.constant 3 : i32
          %mul3A_132 = vector.broadcast %mul3A_131 : i32 to vector<16xi32>
          %mul3A_133 = arith.muli %add3A_130, %mul3A_132 : vector<16xi32>
          %add3A_134 = arith.constant 0 : i32
          %add3A_135 = vector.broadcast %add3A_134 : i32 to vector<16xi32>
          %add3A_136 = arith.addi %mul3A_133, %add3A_135 : vector<16xi32>
          %gather3A_137 = tpu.vector_load_idx %arg6[%add3A_136] : memref<9600xf32, #tpu.memory_space<vmem>>[vector<16xi32>], vector<16xf32>,
          %add3A_138 = arith.constant 6 : i32
          %add3A_139 = vector.broadcast %add3A_138 : i32 to vector<16xi32>
          %add3A_140 = arith.addi %add3A_42, %add3A_139 : vector<16xi32>
          %and3A_141 = arith.constant 15 : i32
          %and3A_142 = vector.broadcast %and3A_141 : i32 to vector<16xi32>
          %and3A_143 = arith.andi %add3A_140, %and3A_142 : vector<16xi32>
          tpu.vector_store_idx %arg7[%add3A_42, %and3A_143], %gather3A_137 : memref<800x16xf32, #tpu.memory_space<vmem>>[vector<16xi32>, vector<16xi32>], vector<16xf32>,
          %add3A_144 = arith.constant 800 : i32
          %add3A_145 = vector.broadcast %add3A_144 : i32 to vector<16xi32>
          %add3A_146 = arith.addi %add3A_145, %add3A_42 : vector<16xi32>
          %mul3A_147 = arith.constant 3 : i32
          %mul3A_148 = vector.broadcast %mul3A_147 : i32 to vector<16xi32>
          %mul3A_149 = arith.muli %add3A_146, %mul3A_148 : vector<16xi32>
          %add3A_150 = arith.constant 1 : i32
          %add3A_151 = vector.broadcast %add3A_150 : i32 to vector<16xi32>
          %add3A_152 = arith.addi %mul3A_149, %add3A_151 : vector<16xi32>
          %gather3A_153 = tpu.vector_load_idx %arg6[%add3A_152] : memref<9600xf32, #tpu.memory_space<vmem>>[vector<16xi32>], vector<16xf32>,
          %add3A_154 = arith.constant 7 : i32
          %add3A_155 = vector.broadcast %add3A_154 : i32 to vector<16xi32>
          %add3A_156 = arith.addi %add3A_42, %add3A_155 : vector<16xi32>
          %and3A_157 = arith.constant 15 : i32
          %and3A_158 = vector.broadcast %and3A_157 : i32 to vector<16xi32>
          %and3A_159 = arith.andi %add3A_156, %and3A_158 : vector<16xi32>
          tpu.vector_store_idx %arg7[%add3A_42, %and3A_159], %gather3A_153 : memref<800x16xf32, #tpu.memory_space<vmem>>[vector<16xi32>, vector<16xi32>], vector<16xf32>,
          %add3A_160 = arith.constant 800 : i32
          %add3A_161 = vector.broadcast %add3A_160 : i32 to vector<16xi32>
          %add3A_162 = arith.addi %add3A_161, %add3A_42 : vector<16xi32>
          %mul3A_163 = arith.constant 3 : i32
          %mul3A_164 = vector.broadcast %mul3A_163 : i32 to vector<16xi32>
          %mul3A_165 = arith.muli %add3A_162, %mul3A_164 : vector<16xi32>
          %add3A_166 = arith.constant 2 : i32
          %add3A_167 = vector.broadcast %add3A_166 : i32 to vector<16xi32>
          %add3A_168 = arith.addi %mul3A_165, %add3A_167 : vector<16xi32>
          %gather3A_169 = tpu.vector_load_idx %arg6[%add3A_168] : memref<9600xf32, #tpu.memory_space<vmem>>[vector<16xi32>], vector<16xf32>,
          %add3A_170 = arith.constant 8 : i32
          %add3A_171 = vector.broadcast %add3A_170 : i32 to vector<16xi32>
          %add3A_172 = arith.addi %add3A_42, %add3A_171 : vector<16xi32>
          %and3A_173 = arith.constant 15 : i32
          %and3A_174 = vector.broadcast %and3A_173 : i32 to vector<16xi32>
          %and3A_175 = arith.andi %add3A_172, %and3A_174 : vector<16xi32>
          tpu.vector_store_idx %arg7[%add3A_42, %and3A_175], %gather3A_169 : memref<800x16xf32, #tpu.memory_space<vmem>>[vector<16xi32>, vector<16xi32>], vector<16xf32>,
          %add3A_176 = arith.constant 1600 : i32
          %add3A_177 = vector.broadcast %add3A_176 : i32 to vector<16xi32>
          %add3A_178 = arith.addi %add3A_177, %add3A_42 : vector<16xi32>
          %mul3A_179 = arith.constant 3 : i32
          %mul3A_180 = vector.broadcast %mul3A_179 : i32 to vector<16xi32>
          %mul3A_181 = arith.muli %add3A_178, %mul3A_180 : vector<16xi32>
          %add3A_182 = arith.constant 0 : i32
          %add3A_183 = vector.broadcast %add3A_182 : i32 to vector<16xi32>
          %add3A_184 = arith.addi %mul3A_181, %add3A_183 : vector<16xi32>
          %gather3A_185 = tpu.vector_load_idx %arg6[%add3A_184] : memref<9600xf32, #tpu.memory_space<vmem>>[vector<16xi32>], vector<16xf32>,
          %add3A_186 = arith.constant 9 : i32
          %add3A_187 = vector.broadcast %add3A_186 : i32 to vector<16xi32>
          %add3A_188 = arith.addi %add3A_42, %add3A_187 : vector<16xi32>
          %and3A_189 = arith.constant 15 : i32
          %and3A_190 = vector.broadcast %and3A_189 : i32 to vector<16xi32>
          %and3A_191 = arith.andi %add3A_188, %and3A_190 : vector<16xi32>
          tpu.vector_store_idx %arg7[%add3A_42, %and3A_191], %gather3A_185 : memref<800x16xf32, #tpu.memory_space<vmem>>[vector<16xi32>, vector<16xi32>], vector<16xf32>,
          %add3A_192 = arith.constant 1600 : i32
          %add3A_193 = vector.broadcast %add3A_192 : i32 to vector<16xi32>
          %add3A_194 = arith.addi %add3A_193, %add3A_42 : vector<16xi32>
          %mul3A_195 = arith.constant 3 : i32
          %mul3A_196 = vector.broadcast %mul3A_195 : i32 to vector<16xi32>
          %mul3A_197 = arith.muli %add3A_194, %mul3A_196 : vector<16xi32>
          %add3A_198 = arith.constant 1 : i32
          %add3A_199 = vector.broadcast %add3A_198 : i32 to vector<16xi32>
          %add3A_200 = arith.addi %mul3A_197, %add3A_199 : vector<16xi32>
          %gather3A_201 = tpu.vector_load_idx %arg6[%add3A_200] : memref<9600xf32, #tpu.memory_space<vmem>>[vector<16xi32>], vector<16xf32>,
          %add3A_202 = arith.constant 10 : i32
          %add3A_203 = vector.broadcast %add3A_202 : i32 to vector<16xi32>
          %add3A_204 = arith.addi %add3A_42, %add3A_203 : vector<16xi32>
          %and3A_205 = arith.constant 15 : i32
          %and3A_206 = vector.broadcast %and3A_205 : i32 to vector<16xi32>
          %and3A_207 = arith.andi %add3A_204, %and3A_206 : vector<16xi32>
          tpu.vector_store_idx %arg7[%add3A_42, %and3A_207], %gather3A_201 : memref<800x16xf32, #tpu.memory_space<vmem>>[vector<16xi32>, vector<16xi32>], vector<16xf32>,
          %add3A_208 = arith.constant 1600 : i32
          %add3A_209 = vector.broadcast %add3A_208 : i32 to vector<16xi32>
          %add3A_210 = arith.addi %add3A_209, %add3A_42 : vector<16xi32>
          %mul3A_211 = arith.constant 3 : i32
          %mul3A_212 = vector.broadcast %mul3A_211 : i32 to vector<16xi32>
          %mul3A_213 = arith.muli %add3A_210, %mul3A_212 : vector<16xi32>
          %add3A_214 = arith.constant 2 : i32
          %add3A_215 = vector.broadcast %add3A_214 : i32 to vector<16xi32>
          %add3A_216 = arith.addi %mul3A_213, %add3A_215 : vector<16xi32>
          %gather3A_217 = tpu.vector_load_idx %arg6[%add3A_216] : memref<9600xf32, #tpu.memory_space<vmem>>[vector<16xi32>], vector<16xf32>,
          %add3A_218 = arith.constant 11 : i32
          %add3A_219 = vector.broadcast %add3A_218 : i32 to vector<16xi32>
          %add3A_220 = arith.addi %add3A_42, %add3A_219 : vector<16xi32>
          %and3A_221 = arith.constant 15 : i32
          %and3A_222 = vector.broadcast %and3A_221 : i32 to vector<16xi32>
          %and3A_223 = arith.andi %add3A_220, %and3A_222 : vector<16xi32>
          tpu.vector_store_idx %arg7[%add3A_42, %and3A_223], %gather3A_217 : memref<800x16xf32, #tpu.memory_space<vmem>>[vector<16xi32>, vector<16xi32>], vector<16xf32>,
          %add3A_224 = arith.constant 2400 : i32
          %add3A_225 = vector.broadcast %add3A_224 : i32 to vector<16xi32>
          %add3A_226 = arith.addi %add3A_225, %add3A_42 : vector<16xi32>
          %mul3A_227 = arith.constant 3 : i32
          %mul3A_228 = vector.broadcast %mul3A_227 : i32 to vector<16xi32>
          %mul3A_229 = arith.muli %add3A_226, %mul3A_228 : vector<16xi32>
          %add3A_230 = arith.constant 0 : i32
          %add3A_231 = vector.broadcast %add3A_230 : i32 to vector<16xi32>
          %add3A_232 = arith.addi %mul3A_229, %add3A_231 : vector<16xi32>
          %gather3A_233 = tpu.vector_load_idx %arg6[%add3A_232] : memref<9600xf32, #tpu.memory_space<vmem>>[vector<16xi32>], vector<16xf32>,
          %add3A_234 = arith.constant 12 : i32
          %add3A_235 = vector.broadcast %add3A_234 : i32 to vector<16xi32>
          %add3A_236 = arith.addi %add3A_42, %add3A_235 : vector<16xi32>
          %and3A_237 = arith.constant 15 : i32
          %and3A_238 = vector.broadcast %and3A_237 : i32 to vector<16xi32>
          %and3A_239 = arith.andi %add3A_236, %and3A_238 : vector<16xi32>
          tpu.vector_store_idx %arg7[%add3A_42, %and3A_239], %gather3A_233 : memref<800x16xf32, #tpu.memory_space<vmem>>[vector<16xi32>, vector<16xi32>], vector<16xf32>,
          %add3A_240 = arith.constant 2400 : i32
          %add3A_241 = vector.broadcast %add3A_240 : i32 to vector<16xi32>
          %add3A_242 = arith.addi %add3A_241, %add3A_42 : vector<16xi32>
          %mul3A_243 = arith.constant 3 : i32
          %mul3A_244 = vector.broadcast %mul3A_243 : i32 to vector<16xi32>
          %mul3A_245 = arith.muli %add3A_242, %mul3A_244 : vector<16xi32>
          %add3A_246 = arith.constant 1 : i32
          %add3A_247 = vector.broadcast %add3A_246 : i32 to vector<16xi32>
          %add3A_248 = arith.addi %mul3A_245, %add3A_247 : vector<16xi32>
          %gather3A_249 = tpu.vector_load_idx %arg6[%add3A_248] : memref<9600xf32, #tpu.memory_space<vmem>>[vector<16xi32>], vector<16xf32>,
          %add3A_250 = arith.constant 13 : i32
          %add3A_251 = vector.broadcast %add3A_250 : i32 to vector<16xi32>
          %add3A_252 = arith.addi %add3A_42, %add3A_251 : vector<16xi32>
          %and3A_253 = arith.constant 15 : i32
          %and3A_254 = vector.broadcast %and3A_253 : i32 to vector<16xi32>
          %and3A_255 = arith.andi %add3A_252, %and3A_254 : vector<16xi32>
          tpu.vector_store_idx %arg7[%add3A_42, %and3A_255], %gather3A_249 : memref<800x16xf32, #tpu.memory_space<vmem>>[vector<16xi32>, vector<16xi32>], vector<16xf32>,
          %add3A_256 = arith.constant 2400 : i32
          %add3A_257 = vector.broadcast %add3A_256 : i32 to vector<16xi32>
          %add3A_258 = arith.addi %add3A_257, %add3A_42 : vector<16xi32>
          %mul3A_259 = arith.constant 3 : i32
          %mul3A_260 = vector.broadcast %mul3A_259 : i32 to vector<16xi32>
          %mul3A_261 = arith.muli %add3A_258, %mul3A_260 : vector<16xi32>
          %add3A_262 = arith.constant 2 : i32
          %add3A_263 = vector.broadcast %add3A_262 : i32 to vector<16xi32>
          %add3A_264 = arith.addi %mul3A_261, %add3A_263 : vector<16xi32>
          %gather3A_265 = tpu.vector_load_idx %arg6[%add3A_264] : memref<9600xf32, #tpu.memory_space<vmem>>[vector<16xi32>], vector<16xf32>,
          %add3A_266 = arith.constant 14 : i32
          %add3A_267 = vector.broadcast %add3A_266 : i32 to vector<16xi32>
          %add3A_268 = arith.addi %add3A_42, %add3A_267 : vector<16xi32>
          %and3A_269 = arith.constant 15 : i32
          %and3A_270 = vector.broadcast %and3A_269 : i32 to vector<16xi32>
          %and3A_271 = arith.andi %add3A_268, %and3A_270 : vector<16xi32>
          tpu.vector_store_idx %arg7[%add3A_42, %and3A_271], %gather3A_265 : memref<800x16xf32, #tpu.memory_space<vmem>>[vector<16xi32>, vector<16xi32>], vector<16xf32>,
        }
        %scan3A_37 = arith.constant 50 : i32
        "tpu.region"() ({
          %run_scoped3A = tpu.sem_alloc : memref<!tpu.dma_semaphore, #tpu.memory_space<semaphore_mem>>
          %dma_start3A = arith.constant 0 : i32
          %dma_start3A_38 = tpu.memref_slice %arg4[%mul3A_13, %dma_start3A] : memref<100000x16xf32, #tpu.memory_space<hbm>> -> memref<800x16xf32, #tpu.memory_space<hbm>>
          %dma_start3A_39 = arith.constant 0 : i32
          %dma_start3A_40 = tpu.memref_slice %arg4[%mul3A_13, %dma_start3A_39] : memref<100000x16xf32, #tpu.memory_space<hbm>> -> memref<800x16xf32, #tpu.memory_space<hbm>>
          tpu.enqueue_dma source(%arg7 : memref<800x16xf32, #tpu.memory_space<vmem>>) target(%dma_start3A_40 : memref<800x16xf32, #tpu.memory_space<hbm>>) target_semaphore(%run_scoped3A : memref<!tpu.dma_semaphore, #tpu.memory_space<semaphore_mem>>)
          %dma_wait3A = arith.constant 0 : i32
          %dma_wait3A_41 = tpu.memref_slice %arg4[%mul3A_13, %dma_wait3A] : memref<100000x16xf32, #tpu.memory_space<hbm>> -> memref<800x16xf32, #tpu.memory_space<hbm>>
          %dma_wait3A_42 = arith.constant 0 : i32
          %dma_wait3A_43 = tpu.memref_slice %arg4[%mul3A_13, %dma_wait3A_42] : memref<100000x16xf32, #tpu.memory_space<hbm>> -> memref<800x16xf32, #tpu.memory_space<hbm>>
          tpu.wait_dma2 semaphore(%run_scoped3A : memref<!tpu.dma_semaphore, #tpu.memory_space<semaphore_mem>>) src(%arg7 : memref<800x16xf32, #tpu.memory_space<vmem>>) dst(%dma_wait3A_43 : memref<800x16xf32, #tpu.memory_space<hbm>>)
          tpu.yield
        }) : () -> ()
      } else {
      }
    }
    %scan3A_5 = arith.constant 4 : i32
    return
  }
}

#map = affine_map<(d0, d1) -> (0, 0)>
#map1 = affine_map<(d0, d1) -> (0)>
module attributes {stable_mosaic.version = 14 : i64} {
  func.func @_flux_body(%arg0: i32, %arg1: i32, %arg2: memref<100000x16xf32, #tpu.memory_space<hbm>>, %arg3: memref<3200000xi32, #tpu.memory_space<hbm>>, %arg4: memref<3200000xi32, #tpu.memory_space<hbm>>, %arg5: memref<12800000xf32, #tpu.memory_space<hbm>>, %arg6: memref<800xi32, #tpu.memory_space<vmem>>, %arg7: memref<800xi32, #tpu.memory_space<vmem>>, %arg8: memref<800xi32, #tpu.memory_space<vmem>>, %arg9: memref<800xi32, #tpu.memory_space<vmem>>, %arg10: memref<800xi32, #tpu.memory_space<vmem>>, %arg11: memref<800xi32, #tpu.memory_space<vmem>>, %arg12: memref<800xi32, #tpu.memory_space<vmem>>, %arg13: memref<800xi32, #tpu.memory_space<vmem>>, %arg14: memref<800x16xf32, #tpu.memory_space<vmem>>, %arg15: memref<800x16xf32, #tpu.memory_space<vmem>>, %arg16: memref<800x16xf32, #tpu.memory_space<vmem>>, %arg17: memref<800x16xf32, #tpu.memory_space<vmem>>, %arg18: memref<4x800xf32, #tpu.memory_space<vmem>>, %arg19: memref<4x800xf32, #tpu.memory_space<vmem>>, %arg20: memref<!tpu.dma_semaphore, #tpu.memory_space<semaphore_mem>>, %arg21: memref<!tpu.dma_semaphore, #tpu.memory_space<semaphore_mem>>, %arg22: memref<!tpu.dma_semaphore, #tpu.memory_space<semaphore_mem>>, %arg23: memref<!tpu.dma_semaphore, #tpu.memory_space<semaphore_mem>>, %arg24: memref<!tpu.dma_semaphore, #tpu.memory_space<semaphore_mem>>, %arg25: memref<!tpu.dma_semaphore, #tpu.memory_space<semaphore_mem>>, %arg26: memref<!tpu.dma_semaphore, #tpu.memory_space<semaphore_mem>>, %arg27: memref<!tpu.dma_semaphore, #tpu.memory_space<semaphore_mem>>) attributes {dimension_semantics = [#tpu.dimension_semantics<core_parallel>, #tpu.dimension_semantics<subcore_parallel>], iteration_bounds = array<i64: 2, 16>, scalar_prefetch = 0 : i64, scratch_operands = 22 : i64, tpu.core_type = #tpu.core_type<sc_vector_subcore>, window_params = [{transform_indices = #map}, {transform_indices = #map1}, {transform_indices = #map1}, {transform_indices = #map1}]} {
    %mul3A = arith.constant 2 : i32
    %mul3A_0 = arith.muli %arg1, %mul3A : i32
    %add3A = arith.addi %mul3A_0, %arg0 : i32
    %add3A_1 = arith.constant 0 : i32
    %add3A_2 = arith.addi %add3A_1, %add3A : i32
    %mul3A_3 = arith.constant 800 : i32
    %mul3A_4 = arith.muli %add3A_2, %mul3A_3 : i32
    %dma_start3A = tpu.memref_slice %arg3[%mul3A_4] : memref<3200000xi32, #tpu.memory_space<hbm>> -> memref<800xi32, #tpu.memory_space<hbm>>
    %dma_start3A_5 = tpu.memref_slice %arg3[%mul3A_4] : memref<3200000xi32, #tpu.memory_space<hbm>> -> memref<800xi32, #tpu.memory_space<hbm>>
    tpu.enqueue_dma source(%dma_start3A_5 : memref<800xi32, #tpu.memory_space<hbm>>) target(%arg6 : memref<800xi32, #tpu.memory_space<vmem>>) target_semaphore(%arg20 : memref<!tpu.dma_semaphore, #tpu.memory_space<semaphore_mem>>)
    %dma_start3A_6 = tpu.memref_slice %arg4[%mul3A_4] : memref<3200000xi32, #tpu.memory_space<hbm>> -> memref<800xi32, #tpu.memory_space<hbm>>
    %dma_start3A_7 = tpu.memref_slice %arg4[%mul3A_4] : memref<3200000xi32, #tpu.memory_space<hbm>> -> memref<800xi32, #tpu.memory_space<hbm>>
    tpu.enqueue_dma source(%dma_start3A_7 : memref<800xi32, #tpu.memory_space<hbm>>) target(%arg10 : memref<800xi32, #tpu.memory_space<vmem>>) target_semaphore(%arg20 : memref<!tpu.dma_semaphore, #tpu.memory_space<semaphore_mem>>)
    %add3A_8 = arith.constant 32 : i32
    %add3A_9 = arith.addi %add3A_8, %add3A : i32
    %mul3A_10 = arith.constant 800 : i32
    %mul3A_11 = arith.muli %add3A_9, %mul3A_10 : i32
    %dma_start3A_12 = tpu.memref_slice %arg3[%mul3A_11] : memref<3200000xi32, #tpu.memory_space<hbm>> -> memref<800xi32, #tpu.memory_space<hbm>>
    %dma_start3A_13 = tpu.memref_slice %arg3[%mul3A_11] : memref<3200000xi32, #tpu.memory_space<hbm>> -> memref<800xi32, #tpu.memory_space<hbm>>
    tpu.enqueue_dma source(%dma_start3A_13 : memref<800xi32, #tpu.memory_space<hbm>>) target(%arg7 : memref<800xi32, #tpu.memory_space<vmem>>) target_semaphore(%arg21 : memref<!tpu.dma_semaphore, #tpu.memory_space<semaphore_mem>>)
    %dma_start3A_14 = tpu.memref_slice %arg4[%mul3A_11] : memref<3200000xi32, #tpu.memory_space<hbm>> -> memref<800xi32, #tpu.memory_space<hbm>>
    %dma_start3A_15 = tpu.memref_slice %arg4[%mul3A_11] : memref<3200000xi32, #tpu.memory_space<hbm>> -> memref<800xi32, #tpu.memory_space<hbm>>
    tpu.enqueue_dma source(%dma_start3A_15 : memref<800xi32, #tpu.memory_space<hbm>>) target(%arg11 : memref<800xi32, #tpu.memory_space<vmem>>) target_semaphore(%arg21 : memref<!tpu.dma_semaphore, #tpu.memory_space<semaphore_mem>>)
    %add3A_16 = arith.constant 64 : i32
    %add3A_17 = arith.addi %add3A_16, %add3A : i32
    %mul3A_18 = arith.constant 800 : i32
    %mul3A_19 = arith.muli %add3A_17, %mul3A_18 : i32
    %dma_start3A_20 = tpu.memref_slice %arg3[%mul3A_19] : memref<3200000xi32, #tpu.memory_space<hbm>> -> memref<800xi32, #tpu.memory_space<hbm>>
    %dma_start3A_21 = tpu.memref_slice %arg3[%mul3A_19] : memref<3200000xi32, #tpu.memory_space<hbm>> -> memref<800xi32, #tpu.memory_space<hbm>>
    tpu.enqueue_dma source(%dma_start3A_21 : memref<800xi32, #tpu.memory_space<hbm>>) target(%arg8 : memref<800xi32, #tpu.memory_space<vmem>>) target_semaphore(%arg22 : memref<!tpu.dma_semaphore, #tpu.memory_space<semaphore_mem>>)
    %dma_start3A_22 = tpu.memref_slice %arg4[%mul3A_19] : memref<3200000xi32, #tpu.memory_space<hbm>> -> memref<800xi32, #tpu.memory_space<hbm>>
    %dma_start3A_23 = tpu.memref_slice %arg4[%mul3A_19] : memref<3200000xi32, #tpu.memory_space<hbm>> -> memref<800xi32, #tpu.memory_space<hbm>>
    tpu.enqueue_dma source(%dma_start3A_23 : memref<800xi32, #tpu.memory_space<hbm>>) target(%arg12 : memref<800xi32, #tpu.memory_space<vmem>>) target_semaphore(%arg22 : memref<!tpu.dma_semaphore, #tpu.memory_space<semaphore_mem>>)
    %add3A_24 = arith.constant 0 : i32
    %add3A_25 = arith.addi %add3A_24, %add3A : i32
    %mul3A_26 = arith.constant 800 : i32
    %mul3A_27 = arith.muli %add3A_25, %mul3A_26 : i32
    %dma_wait3A = tpu.memref_slice %arg3[%mul3A_27] : memref<3200000xi32, #tpu.memory_space<hbm>> -> memref<800xi32, #tpu.memory_space<hbm>>
    %dma_wait3A_28 = tpu.memref_slice %arg3[%mul3A_27] : memref<3200000xi32, #tpu.memory_space<hbm>> -> memref<800xi32, #tpu.memory_space<hbm>>
    tpu.wait_dma2 semaphore(%arg20 : memref<!tpu.dma_semaphore, #tpu.memory_space<semaphore_mem>>) src(%dma_wait3A_28 : memref<800xi32, #tpu.memory_space<hbm>>) dst(%arg6 : memref<800xi32, #tpu.memory_space<vmem>>)
    %dma_wait3A_29 = tpu.memref_slice %arg4[%mul3A_27] : memref<3200000xi32, #tpu.memory_space<hbm>> -> memref<800xi32, #tpu.memory_space<hbm>>
    %dma_wait3A_30 = tpu.memref_slice %arg4[%mul3A_27] : memref<3200000xi32, #tpu.memory_space<hbm>> -> memref<800xi32, #tpu.memory_space<hbm>>
    tpu.wait_dma2 semaphore(%arg20 : memref<!tpu.dma_semaphore, #tpu.memory_space<semaphore_mem>>) src(%dma_wait3A_30 : memref<800xi32, #tpu.memory_space<hbm>>) dst(%arg10 : memref<800xi32, #tpu.memory_space<vmem>>)
    %dma_start3A_31 = arith.constant 0 : i32
    %dma_start3A_32 = arith.constant 0 : i32
    %dma_start3A_33 = tpu.memref_slice %arg14[%dma_start3A_31, %dma_start3A_32] : memref<800x16xf32, #tpu.memory_space<vmem>> -> memref<80x16xf32, #tpu.memory_space<vmem>>
    %dma_start3A_34 = arith.constant 0 : i32
    %dma_start3A_35 = tpu.memref_slice %arg6[%dma_start3A_34] : memref<800xi32, #tpu.memory_space<vmem>> -> memref<80xi32, #tpu.memory_space<vmem>>
    %dma_start3A_36 = arith.constant 0 : i32
    %dma_start3A_37 = arith.constant 0 : i32
    %dma_start3A_38 = tpu.memref_slice %arg2[%dma_start3A_36, %dma_start3A_37] : memref<100000x16xf32, #tpu.memory_space<hbm>> -> memref<100000x16xf32, #tpu.memory_space<hbm>>
    tpu.enqueue_indirect_dma source(%dma_start3A_38 : memref<100000x16xf32, #tpu.memory_space<hbm>>) target(%dma_start3A_33 : memref<80x16xf32, #tpu.memory_space<vmem>>) offsets(%dma_start3A_35 : memref<80xi32, #tpu.memory_space<vmem>>) semaphore(%arg24 : memref<!tpu.dma_semaphore, #tpu.memory_space<semaphore_mem>>)
    %dma_start3A_39 = arith.constant 0 : i32
    %dma_start3A_40 = arith.constant 0 : i32
    %dma_start3A_41 = tpu.memref_slice %arg16[%dma_start3A_39, %dma_start3A_40] : memref<800x16xf32, #tpu.memory_space<vmem>> -> memref<80x16xf32, #tpu.memory_space<vmem>>
    %dma_start3A_42 = arith.constant 0 : i32
    %dma_start3A_43 = tpu.memref_slice %arg10[%dma_start3A_42] : memref<800xi32, #tpu.memory_space<vmem>> -> memref<80xi32, #tpu.memory_space<vmem>>
    %dma_start3A_44 = arith.constant 0 : i32
    %dma_start3A_45 = arith.constant 0 : i32
    %dma_start3A_46 = tpu.memref_slice %arg2[%dma_start3A_44, %dma_start3A_45] : memref<100000x16xf32, #tpu.memory_space<hbm>> -> memref<100000x16xf32, #tpu.memory_space<hbm>>
    tpu.enqueue_indirect_dma source(%dma_start3A_46 : memref<100000x16xf32, #tpu.memory_space<hbm>>) target(%dma_start3A_41 : memref<80x16xf32, #tpu.memory_space<vmem>>) offsets(%dma_start3A_43 : memref<80xi32, #tpu.memory_space<vmem>>) semaphore(%arg24 : memref<!tpu.dma_semaphore, #tpu.memory_space<semaphore_mem>>)
    %dma_start3A_47 = arith.constant 80 : i32
    %dma_start3A_48 = arith.constant 0 : i32
    %dma_start3A_49 = tpu.memref_slice %arg14[%dma_start3A_47, %dma_start3A_48] : memref<800x16xf32, #tpu.memory_space<vmem>> -> memref<80x16xf32, #tpu.memory_space<vmem>>
    %dma_start3A_50 = arith.constant 80 : i32
    %dma_start3A_51 = tpu.memref_slice %arg6[%dma_start3A_50] : memref<800xi32, #tpu.memory_space<vmem>> -> memref<80xi32, #tpu.memory_space<vmem>>
    %dma_start3A_52 = arith.constant 0 : i32
    %dma_start3A_53 = arith.constant 0 : i32
    %dma_start3A_54 = tpu.memref_slice %arg2[%dma_start3A_52, %dma_start3A_53] : memref<100000x16xf32, #tpu.memory_space<hbm>> -> memref<100000x16xf32, #tpu.memory_space<hbm>>
    tpu.enqueue_indirect_dma source(%dma_start3A_54 : memref<100000x16xf32, #tpu.memory_space<hbm>>) target(%dma_start3A_49 : memref<80x16xf32, #tpu.memory_space<vmem>>) offsets(%dma_start3A_51 : memref<80xi32, #tpu.memory_space<vmem>>) semaphore(%arg24 : memref<!tpu.dma_semaphore, #tpu.memory_space<semaphore_mem>>)
    %dma_start3A_55 = arith.constant 80 : i32
    %dma_start3A_56 = arith.constant 0 : i32
    %dma_start3A_57 = tpu.memref_slice %arg16[%dma_start3A_55, %dma_start3A_56] : memref<800x16xf32, #tpu.memory_space<vmem>> -> memref<80x16xf32, #tpu.memory_space<vmem>>
    %dma_start3A_58 = arith.constant 80 : i32
    %dma_start3A_59 = tpu.memref_slice %arg10[%dma_start3A_58] : memref<800xi32, #tpu.memory_space<vmem>> -> memref<80xi32, #tpu.memory_space<vmem>>
    %dma_start3A_60 = arith.constant 0 : i32
    %dma_start3A_61 = arith.constant 0 : i32
    %dma_start3A_62 = tpu.memref_slice %arg2[%dma_start3A_60, %dma_start3A_61] : memref<100000x16xf32, #tpu.memory_space<hbm>> -> memref<100000x16xf32, #tpu.memory_space<hbm>>
    tpu.enqueue_indirect_dma source(%dma_start3A_62 : memref<100000x16xf32, #tpu.memory_space<hbm>>) target(%dma_start3A_57 : memref<80x16xf32, #tpu.memory_space<vmem>>) offsets(%dma_start3A_59 : memref<80xi32, #tpu.memory_space<vmem>>) semaphore(%arg24 : memref<!tpu.dma_semaphore, #tpu.memory_space<semaphore_mem>>)
    %dma_start3A_63 = arith.constant 160 : i32
    %dma_start3A_64 = arith.constant 0 : i32
    %dma_start3A_65 = tpu.memref_slice %arg14[%dma_start3A_63, %dma_start3A_64] : memref<800x16xf32, #tpu.memory_space<vmem>> -> memref<80x16xf32, #tpu.memory_space<vmem>>
    %dma_start3A_66 = arith.constant 160 : i32
    %dma_start3A_67 = tpu.memref_slice %arg6[%dma_start3A_66] : memref<800xi32, #tpu.memory_space<vmem>> -> memref<80xi32, #tpu.memory_space<vmem>>
    %dma_start3A_68 = arith.constant 0 : i32
    %dma_start3A_69 = arith.constant 0 : i32
    %dma_start3A_70 = tpu.memref_slice %arg2[%dma_start3A_68, %dma_start3A_69] : memref<100000x16xf32, #tpu.memory_space<hbm>> -> memref<100000x16xf32, #tpu.memory_space<hbm>>
    tpu.enqueue_indirect_dma source(%dma_start3A_70 : memref<100000x16xf32, #tpu.memory_space<hbm>>) target(%dma_start3A_65 : memref<80x16xf32, #tpu.memory_space<vmem>>) offsets(%dma_start3A_67 : memref<80xi32, #tpu.memory_space<vmem>>) semaphore(%arg24 : memref<!tpu.dma_semaphore, #tpu.memory_space<semaphore_mem>>)
    %dma_start3A_71 = arith.constant 160 : i32
    %dma_start3A_72 = arith.constant 0 : i32
    %dma_start3A_73 = tpu.memref_slice %arg16[%dma_start3A_71, %dma_start3A_72] : memref<800x16xf32, #tpu.memory_space<vmem>> -> memref<80x16xf32, #tpu.memory_space<vmem>>
    %dma_start3A_74 = arith.constant 160 : i32
    %dma_start3A_75 = tpu.memref_slice %arg10[%dma_start3A_74] : memref<800xi32, #tpu.memory_space<vmem>> -> memref<80xi32, #tpu.memory_space<vmem>>
    %dma_start3A_76 = arith.constant 0 : i32
    %dma_start3A_77 = arith.constant 0 : i32
    %dma_start3A_78 = tpu.memref_slice %arg2[%dma_start3A_76, %dma_start3A_77] : memref<100000x16xf32, #tpu.memory_space<hbm>> -> memref<100000x16xf32, #tpu.memory_space<hbm>>
    tpu.enqueue_indirect_dma source(%dma_start3A_78 : memref<100000x16xf32, #tpu.memory_space<hbm>>) target(%dma_start3A_73 : memref<80x16xf32, #tpu.memory_space<vmem>>) offsets(%dma_start3A_75 : memref<80xi32, #tpu.memory_space<vmem>>) semaphore(%arg24 : memref<!tpu.dma_semaphore, #tpu.memory_space<semaphore_mem>>)
    %dma_start3A_79 = arith.constant 240 : i32
    %dma_start3A_80 = arith.constant 0 : i32
    %dma_start3A_81 = tpu.memref_slice %arg14[%dma_start3A_79, %dma_start3A_80] : memref<800x16xf32, #tpu.memory_space<vmem>> -> memref<80x16xf32, #tpu.memory_space<vmem>>
    %dma_start3A_82 = arith.constant 240 : i32
    %dma_start3A_83 = tpu.memref_slice %arg6[%dma_start3A_82] : memref<800xi32, #tpu.memory_space<vmem>> -> memref<80xi32, #tpu.memory_space<vmem>>
    %dma_start3A_84 = arith.constant 0 : i32
    %dma_start3A_85 = arith.constant 0 : i32
    %dma_start3A_86 = tpu.memref_slice %arg2[%dma_start3A_84, %dma_start3A_85] : memref<100000x16xf32, #tpu.memory_space<hbm>> -> memref<100000x16xf32, #tpu.memory_space<hbm>>
    tpu.enqueue_indirect_dma source(%dma_start3A_86 : memref<100000x16xf32, #tpu.memory_space<hbm>>) target(%dma_start3A_81 : memref<80x16xf32, #tpu.memory_space<vmem>>) offsets(%dma_start3A_83 : memref<80xi32, #tpu.memory_space<vmem>>) semaphore(%arg24 : memref<!tpu.dma_semaphore, #tpu.memory_space<semaphore_mem>>)
    %dma_start3A_87 = arith.constant 240 : i32
    %dma_start3A_88 = arith.constant 0 : i32
    %dma_start3A_89 = tpu.memref_slice %arg16[%dma_start3A_87, %dma_start3A_88] : memref<800x16xf32, #tpu.memory_space<vmem>> -> memref<80x16xf32, #tpu.memory_space<vmem>>
    %dma_start3A_90 = arith.constant 240 : i32
    %dma_start3A_91 = tpu.memref_slice %arg10[%dma_start3A_90] : memref<800xi32, #tpu.memory_space<vmem>> -> memref<80xi32, #tpu.memory_space<vmem>>
    %dma_start3A_92 = arith.constant 0 : i32
    %dma_start3A_93 = arith.constant 0 : i32
    %dma_start3A_94 = tpu.memref_slice %arg2[%dma_start3A_92, %dma_start3A_93] : memref<100000x16xf32, #tpu.memory_space<hbm>> -> memref<100000x16xf32, #tpu.memory_space<hbm>>
    tpu.enqueue_indirect_dma source(%dma_start3A_94 : memref<100000x16xf32, #tpu.memory_space<hbm>>) target(%dma_start3A_89 : memref<80x16xf32, #tpu.memory_space<vmem>>) offsets(%dma_start3A_91 : memref<80xi32, #tpu.memory_space<vmem>>) semaphore(%arg24 : memref<!tpu.dma_semaphore, #tpu.memory_space<semaphore_mem>>)
    %dma_start3A_95 = arith.constant 320 : i32
    %dma_start3A_96 = arith.constant 0 : i32
    %dma_start3A_97 = tpu.memref_slice %arg14[%dma_start3A_95, %dma_start3A_96] : memref<800x16xf32, #tpu.memory_space<vmem>> -> memref<80x16xf32, #tpu.memory_space<vmem>>
    %dma_start3A_98 = arith.constant 320 : i32
    %dma_start3A_99 = tpu.memref_slice %arg6[%dma_start3A_98] : memref<800xi32, #tpu.memory_space<vmem>> -> memref<80xi32, #tpu.memory_space<vmem>>
    %dma_start3A_100 = arith.constant 0 : i32
    %dma_start3A_101 = arith.constant 0 : i32
    %dma_start3A_102 = tpu.memref_slice %arg2[%dma_start3A_100, %dma_start3A_101] : memref<100000x16xf32, #tpu.memory_space<hbm>> -> memref<100000x16xf32, #tpu.memory_space<hbm>>
    tpu.enqueue_indirect_dma source(%dma_start3A_102 : memref<100000x16xf32, #tpu.memory_space<hbm>>) target(%dma_start3A_97 : memref<80x16xf32, #tpu.memory_space<vmem>>) offsets(%dma_start3A_99 : memref<80xi32, #tpu.memory_space<vmem>>) semaphore(%arg24 : memref<!tpu.dma_semaphore, #tpu.memory_space<semaphore_mem>>)
    %dma_start3A_103 = arith.constant 320 : i32
    %dma_start3A_104 = arith.constant 0 : i32
    %dma_start3A_105 = tpu.memref_slice %arg16[%dma_start3A_103, %dma_start3A_104] : memref<800x16xf32, #tpu.memory_space<vmem>> -> memref<80x16xf32, #tpu.memory_space<vmem>>
    %dma_start3A_106 = arith.constant 320 : i32
    %dma_start3A_107 = tpu.memref_slice %arg10[%dma_start3A_106] : memref<800xi32, #tpu.memory_space<vmem>> -> memref<80xi32, #tpu.memory_space<vmem>>
    %dma_start3A_108 = arith.constant 0 : i32
    %dma_start3A_109 = arith.constant 0 : i32
    %dma_start3A_110 = tpu.memref_slice %arg2[%dma_start3A_108, %dma_start3A_109] : memref<100000x16xf32, #tpu.memory_space<hbm>> -> memref<100000x16xf32, #tpu.memory_space<hbm>>
    tpu.enqueue_indirect_dma source(%dma_start3A_110 : memref<100000x16xf32, #tpu.memory_space<hbm>>) target(%dma_start3A_105 : memref<80x16xf32, #tpu.memory_space<vmem>>) offsets(%dma_start3A_107 : memref<80xi32, #tpu.memory_space<vmem>>) semaphore(%arg24 : memref<!tpu.dma_semaphore, #tpu.memory_space<semaphore_mem>>)
    %dma_start3A_111 = arith.constant 400 : i32
    %dma_start3A_112 = arith.constant 0 : i32
    %dma_start3A_113 = tpu.memref_slice %arg14[%dma_start3A_111, %dma_start3A_112] : memref<800x16xf32, #tpu.memory_space<vmem>> -> memref<80x16xf32, #tpu.memory_space<vmem>>
    %dma_start3A_114 = arith.constant 400 : i32
    %dma_start3A_115 = tpu.memref_slice %arg6[%dma_start3A_114] : memref<800xi32, #tpu.memory_space<vmem>> -> memref<80xi32, #tpu.memory_space<vmem>>
    %dma_start3A_116 = arith.constant 0 : i32
    %dma_start3A_117 = arith.constant 0 : i32
    %dma_start3A_118 = tpu.memref_slice %arg2[%dma_start3A_116, %dma_start3A_117] : memref<100000x16xf32, #tpu.memory_space<hbm>> -> memref<100000x16xf32, #tpu.memory_space<hbm>>
    tpu.enqueue_indirect_dma source(%dma_start3A_118 : memref<100000x16xf32, #tpu.memory_space<hbm>>) target(%dma_start3A_113 : memref<80x16xf32, #tpu.memory_space<vmem>>) offsets(%dma_start3A_115 : memref<80xi32, #tpu.memory_space<vmem>>) semaphore(%arg24 : memref<!tpu.dma_semaphore, #tpu.memory_space<semaphore_mem>>)
    %dma_start3A_119 = arith.constant 400 : i32
    %dma_start3A_120 = arith.constant 0 : i32
    %dma_start3A_121 = tpu.memref_slice %arg16[%dma_start3A_119, %dma_start3A_120] : memref<800x16xf32, #tpu.memory_space<vmem>> -> memref<80x16xf32, #tpu.memory_space<vmem>>
    %dma_start3A_122 = arith.constant 400 : i32
    %dma_start3A_123 = tpu.memref_slice %arg10[%dma_start3A_122] : memref<800xi32, #tpu.memory_space<vmem>> -> memref<80xi32, #tpu.memory_space<vmem>>
    %dma_start3A_124 = arith.constant 0 : i32
    %dma_start3A_125 = arith.constant 0 : i32
    %dma_start3A_126 = tpu.memref_slice %arg2[%dma_start3A_124, %dma_start3A_125] : memref<100000x16xf32, #tpu.memory_space<hbm>> -> memref<100000x16xf32, #tpu.memory_space<hbm>>
    tpu.enqueue_indirect_dma source(%dma_start3A_126 : memref<100000x16xf32, #tpu.memory_space<hbm>>) target(%dma_start3A_121 : memref<80x16xf32, #tpu.memory_space<vmem>>) offsets(%dma_start3A_123 : memref<80xi32, #tpu.memory_space<vmem>>) semaphore(%arg24 : memref<!tpu.dma_semaphore, #tpu.memory_space<semaphore_mem>>)
    %dma_start3A_127 = arith.constant 480 : i32
    %dma_start3A_128 = arith.constant 0 : i32
    %dma_start3A_129 = tpu.memref_slice %arg14[%dma_start3A_127, %dma_start3A_128] : memref<800x16xf32, #tpu.memory_space<vmem>> -> memref<80x16xf32, #tpu.memory_space<vmem>>
    %dma_start3A_130 = arith.constant 480 : i32
    %dma_start3A_131 = tpu.memref_slice %arg6[%dma_start3A_130] : memref<800xi32, #tpu.memory_space<vmem>> -> memref<80xi32, #tpu.memory_space<vmem>>
    %dma_start3A_132 = arith.constant 0 : i32
    %dma_start3A_133 = arith.constant 0 : i32
    %dma_start3A_134 = tpu.memref_slice %arg2[%dma_start3A_132, %dma_start3A_133] : memref<100000x16xf32, #tpu.memory_space<hbm>> -> memref<100000x16xf32, #tpu.memory_space<hbm>>
    tpu.enqueue_indirect_dma source(%dma_start3A_134 : memref<100000x16xf32, #tpu.memory_space<hbm>>) target(%dma_start3A_129 : memref<80x16xf32, #tpu.memory_space<vmem>>) offsets(%dma_start3A_131 : memref<80xi32, #tpu.memory_space<vmem>>) semaphore(%arg24 : memref<!tpu.dma_semaphore, #tpu.memory_space<semaphore_mem>>)
    %dma_start3A_135 = arith.constant 480 : i32
    %dma_start3A_136 = arith.constant 0 : i32
    %dma_start3A_137 = tpu.memref_slice %arg16[%dma_start3A_135, %dma_start3A_136] : memref<800x16xf32, #tpu.memory_space<vmem>> -> memref<80x16xf32, #tpu.memory_space<vmem>>
    %dma_start3A_138 = arith.constant 480 : i32
    %dma_start3A_139 = tpu.memref_slice %arg10[%dma_start3A_138] : memref<800xi32, #tpu.memory_space<vmem>> -> memref<80xi32, #tpu.memory_space<vmem>>
    %dma_start3A_140 = arith.constant 0 : i32
    %dma_start3A_141 = arith.constant 0 : i32
    %dma_start3A_142 = tpu.memref_slice %arg2[%dma_start3A_140, %dma_start3A_141] : memref<100000x16xf32, #tpu.memory_space<hbm>> -> memref<100000x16xf32, #tpu.memory_space<hbm>>
    tpu.enqueue_indirect_dma source(%dma_start3A_142 : memref<100000x16xf32, #tpu.memory_space<hbm>>) target(%dma_start3A_137 : memref<80x16xf32, #tpu.memory_space<vmem>>) offsets(%dma_start3A_139 : memref<80xi32, #tpu.memory_space<vmem>>) semaphore(%arg24 : memref<!tpu.dma_semaphore, #tpu.memory_space<semaphore_mem>>)
    %dma_start3A_143 = arith.constant 560 : i32
    %dma_start3A_144 = arith.constant 0 : i32
    %dma_start3A_145 = tpu.memref_slice %arg14[%dma_start3A_143, %dma_start3A_144] : memref<800x16xf32, #tpu.memory_space<vmem>> -> memref<80x16xf32, #tpu.memory_space<vmem>>
    %dma_start3A_146 = arith.constant 560 : i32
    %dma_start3A_147 = tpu.memref_slice %arg6[%dma_start3A_146] : memref<800xi32, #tpu.memory_space<vmem>> -> memref<80xi32, #tpu.memory_space<vmem>>
    %dma_start3A_148 = arith.constant 0 : i32
    %dma_start3A_149 = arith.constant 0 : i32
    %dma_start3A_150 = tpu.memref_slice %arg2[%dma_start3A_148, %dma_start3A_149] : memref<100000x16xf32, #tpu.memory_space<hbm>> -> memref<100000x16xf32, #tpu.memory_space<hbm>>
    tpu.enqueue_indirect_dma source(%dma_start3A_150 : memref<100000x16xf32, #tpu.memory_space<hbm>>) target(%dma_start3A_145 : memref<80x16xf32, #tpu.memory_space<vmem>>) offsets(%dma_start3A_147 : memref<80xi32, #tpu.memory_space<vmem>>) semaphore(%arg24 : memref<!tpu.dma_semaphore, #tpu.memory_space<semaphore_mem>>)
    %dma_start3A_151 = arith.constant 560 : i32
    %dma_start3A_152 = arith.constant 0 : i32
    %dma_start3A_153 = tpu.memref_slice %arg16[%dma_start3A_151, %dma_start3A_152] : memref<800x16xf32, #tpu.memory_space<vmem>> -> memref<80x16xf32, #tpu.memory_space<vmem>>
    %dma_start3A_154 = arith.constant 560 : i32
    %dma_start3A_155 = tpu.memref_slice %arg10[%dma_start3A_154] : memref<800xi32, #tpu.memory_space<vmem>> -> memref<80xi32, #tpu.memory_space<vmem>>
    %dma_start3A_156 = arith.constant 0 : i32
    %dma_start3A_157 = arith.constant 0 : i32
    %dma_start3A_158 = tpu.memref_slice %arg2[%dma_start3A_156, %dma_start3A_157] : memref<100000x16xf32, #tpu.memory_space<hbm>> -> memref<100000x16xf32, #tpu.memory_space<hbm>>
    tpu.enqueue_indirect_dma source(%dma_start3A_158 : memref<100000x16xf32, #tpu.memory_space<hbm>>) target(%dma_start3A_153 : memref<80x16xf32, #tpu.memory_space<vmem>>) offsets(%dma_start3A_155 : memref<80xi32, #tpu.memory_space<vmem>>) semaphore(%arg24 : memref<!tpu.dma_semaphore, #tpu.memory_space<semaphore_mem>>)
    %dma_start3A_159 = arith.constant 640 : i32
    %dma_start3A_160 = arith.constant 0 : i32
    %dma_start3A_161 = tpu.memref_slice %arg14[%dma_start3A_159, %dma_start3A_160] : memref<800x16xf32, #tpu.memory_space<vmem>> -> memref<80x16xf32, #tpu.memory_space<vmem>>
    %dma_start3A_162 = arith.constant 640 : i32
    %dma_start3A_163 = tpu.memref_slice %arg6[%dma_start3A_162] : memref<800xi32, #tpu.memory_space<vmem>> -> memref<80xi32, #tpu.memory_space<vmem>>
    %dma_start3A_164 = arith.constant 0 : i32
    %dma_start3A_165 = arith.constant 0 : i32
    %dma_start3A_166 = tpu.memref_slice %arg2[%dma_start3A_164, %dma_start3A_165] : memref<100000x16xf32, #tpu.memory_space<hbm>> -> memref<100000x16xf32, #tpu.memory_space<hbm>>
    tpu.enqueue_indirect_dma source(%dma_start3A_166 : memref<100000x16xf32, #tpu.memory_space<hbm>>) target(%dma_start3A_161 : memref<80x16xf32, #tpu.memory_space<vmem>>) offsets(%dma_start3A_163 : memref<80xi32, #tpu.memory_space<vmem>>) semaphore(%arg24 : memref<!tpu.dma_semaphore, #tpu.memory_space<semaphore_mem>>)
    %dma_start3A_167 = arith.constant 640 : i32
    %dma_start3A_168 = arith.constant 0 : i32
    %dma_start3A_169 = tpu.memref_slice %arg16[%dma_start3A_167, %dma_start3A_168] : memref<800x16xf32, #tpu.memory_space<vmem>> -> memref<80x16xf32, #tpu.memory_space<vmem>>
    %dma_start3A_170 = arith.constant 640 : i32
    %dma_start3A_171 = tpu.memref_slice %arg10[%dma_start3A_170] : memref<800xi32, #tpu.memory_space<vmem>> -> memref<80xi32, #tpu.memory_space<vmem>>
    %dma_start3A_172 = arith.constant 0 : i32
    %dma_start3A_173 = arith.constant 0 : i32
    %dma_start3A_174 = tpu.memref_slice %arg2[%dma_start3A_172, %dma_start3A_173] : memref<100000x16xf32, #tpu.memory_space<hbm>> -> memref<100000x16xf32, #tpu.memory_space<hbm>>
    tpu.enqueue_indirect_dma source(%dma_start3A_174 : memref<100000x16xf32, #tpu.memory_space<hbm>>) target(%dma_start3A_169 : memref<80x16xf32, #tpu.memory_space<vmem>>) offsets(%dma_start3A_171 : memref<80xi32, #tpu.memory_space<vmem>>) semaphore(%arg24 : memref<!tpu.dma_semaphore, #tpu.memory_space<semaphore_mem>>)
    %dma_start3A_175 = arith.constant 720 : i32
    %dma_start3A_176 = arith.constant 0 : i32
    %dma_start3A_177 = tpu.memref_slice %arg14[%dma_start3A_175, %dma_start3A_176] : memref<800x16xf32, #tpu.memory_space<vmem>> -> memref<80x16xf32, #tpu.memory_space<vmem>>
    %dma_start3A_178 = arith.constant 720 : i32
    %dma_start3A_179 = tpu.memref_slice %arg6[%dma_start3A_178] : memref<800xi32, #tpu.memory_space<vmem>> -> memref<80xi32, #tpu.memory_space<vmem>>
    %dma_start3A_180 = arith.constant 0 : i32
    %dma_start3A_181 = arith.constant 0 : i32
    %dma_start3A_182 = tpu.memref_slice %arg2[%dma_start3A_180, %dma_start3A_181] : memref<100000x16xf32, #tpu.memory_space<hbm>> -> memref<100000x16xf32, #tpu.memory_space<hbm>>
    tpu.enqueue_indirect_dma source(%dma_start3A_182 : memref<100000x16xf32, #tpu.memory_space<hbm>>) target(%dma_start3A_177 : memref<80x16xf32, #tpu.memory_space<vmem>>) offsets(%dma_start3A_179 : memref<80xi32, #tpu.memory_space<vmem>>) semaphore(%arg24 : memref<!tpu.dma_semaphore, #tpu.memory_space<semaphore_mem>>)
    %dma_start3A_183 = arith.constant 720 : i32
    %dma_start3A_184 = arith.constant 0 : i32
    %dma_start3A_185 = tpu.memref_slice %arg16[%dma_start3A_183, %dma_start3A_184] : memref<800x16xf32, #tpu.memory_space<vmem>> -> memref<80x16xf32, #tpu.memory_space<vmem>>
    %dma_start3A_186 = arith.constant 720 : i32
    %dma_start3A_187 = tpu.memref_slice %arg10[%dma_start3A_186] : memref<800xi32, #tpu.memory_space<vmem>> -> memref<80xi32, #tpu.memory_space<vmem>>
    %dma_start3A_188 = arith.constant 0 : i32
    %dma_start3A_189 = arith.constant 0 : i32
    %dma_start3A_190 = tpu.memref_slice %arg2[%dma_start3A_188, %dma_start3A_189] : memref<100000x16xf32, #tpu.memory_space<hbm>> -> memref<100000x16xf32, #tpu.memory_space<hbm>>
    tpu.enqueue_indirect_dma source(%dma_start3A_190 : memref<100000x16xf32, #tpu.memory_space<hbm>>) target(%dma_start3A_185 : memref<80x16xf32, #tpu.memory_space<vmem>>) offsets(%dma_start3A_187 : memref<80xi32, #tpu.memory_space<vmem>>) semaphore(%arg24 : memref<!tpu.dma_semaphore, #tpu.memory_space<semaphore_mem>>)
    %scan3A = arith.constant 0 : i32
    %scan3A_191 = arith.constant 0 : i32
    %scan3A_192 = arith.constant 32 : i32
    %scan3A_193 = arith.addi %scan3A_191, %scan3A_192 : i32
    %scan3A_194 = arith.constant 1 : i32
    scf.for %scan3A_292 = %scan3A_191 to %scan3A_193 step %scan3A_194  : i32 {
      %mul3A_293 = arith.constant 4 : i32
      %mul3A_294 = arith.muli %scan3A_292, %mul3A_293 : i32
      %add3A_295 = arith.constant 0 : i32
      %add3A_296 = arith.addi %mul3A_294, %add3A_295 : i32
      %lt3A = arith.constant 125 : i32
      %lt3A_297 = arith.cmpi slt, %add3A_296, %lt3A : i32
      %convert_element_type3A = arith.extui %lt3A_297 : i1 to i32
      %cond3A = arith.constant 0 : i32
      %cond3A_298 = arith.cmpi ne, %convert_element_type3A, %cond3A : i32
      scf.if %cond3A_298 {
        %add3A_326 = arith.constant 1 : i32
        %add3A_327 = arith.addi %add3A_296, %add3A_326 : i32
        %lt3A_328 = arith.constant 125 : i32
        %lt3A_329 = arith.cmpi slt, %add3A_327, %lt3A_328 : i32
        %convert_element_type3A_330 = arith.extui %lt3A_329 : i1 to i32
        %cond3A_331 = arith.constant 0 : i32
        %cond3A_332 = arith.cmpi ne, %convert_element_type3A_330, %cond3A_331 : i32
        scf.if %cond3A_332 {
          %add3A_559 = arith.constant 1 : i32
          %add3A_560 = arith.addi %add3A_296, %add3A_559 : i32
          %mul3A_561 = arith.constant 32 : i32
          %mul3A_562 = arith.muli %add3A_560, %mul3A_561 : i32
          %add3A_563 = arith.addi %mul3A_562, %add3A : i32
          %mul3A_564 = arith.constant 800 : i32
          %mul3A_565 = arith.muli %add3A_563, %mul3A_564 : i32
          %dma_wait3A_566 = tpu.memref_slice %arg3[%mul3A_565] : memref<3200000xi32, #tpu.memory_space<hbm>> -> memref<800xi32, #tpu.memory_space<hbm>>
          %dma_wait3A_567 = tpu.memref_slice %arg3[%mul3A_565] : memref<3200000xi32, #tpu.memory_space<hbm>> -> memref<800xi32, #tpu.memory_space<hbm>>
          tpu.wait_dma2 semaphore(%arg21 : memref<!tpu.dma_semaphore, #tpu.memory_space<semaphore_mem>>) src(%dma_wait3A_567 : memref<800xi32, #tpu.memory_space<hbm>>) dst(%arg7 : memref<800xi32, #tpu.memory_space<vmem>>)
          %dma_wait3A_568 = tpu.memref_slice %arg4[%mul3A_565] : memref<3200000xi32, #tpu.memory_space<hbm>> -> memref<800xi32, #tpu.memory_space<hbm>>
          %dma_wait3A_569 = tpu.memref_slice %arg4[%mul3A_565] : memref<3200000xi32, #tpu.memory_space<hbm>> -> memref<800xi32, #tpu.memory_space<hbm>>
          tpu.wait_dma2 semaphore(%arg21 : memref<!tpu.dma_semaphore, #tpu.memory_space<semaphore_mem>>) src(%dma_wait3A_569 : memref<800xi32, #tpu.memory_space<hbm>>) dst(%arg11 : memref<800xi32, #tpu.memory_space<vmem>>)
          %dma_start3A_570 = arith.constant 0 : i32
          %dma_start3A_571 = arith.constant 0 : i32
          %dma_start3A_572 = tpu.memref_slice %arg15[%dma_start3A_570, %dma_start3A_571] : memref<800x16xf32, #tpu.memory_space<vmem>> -> memref<80x16xf32, #tpu.memory_space<vmem>>
          %dma_start3A_573 = arith.constant 0 : i32
          %dma_start3A_574 = tpu.memref_slice %arg7[%dma_start3A_573] : memref<800xi32, #tpu.memory_space<vmem>> -> memref<80xi32, #tpu.memory_space<vmem>>
          %dma_start3A_575 = arith.constant 0 : i32
          %dma_start3A_576 = arith.constant 0 : i32
          %dma_start3A_577 = tpu.memref_slice %arg2[%dma_start3A_575, %dma_start3A_576] : memref<100000x16xf32, #tpu.memory_space<hbm>> -> memref<100000x16xf32, #tpu.memory_space<hbm>>
          tpu.enqueue_indirect_dma source(%dma_start3A_577 : memref<100000x16xf32, #tpu.memory_space<hbm>>) target(%dma_start3A_572 : memref<80x16xf32, #tpu.memory_space<vmem>>) offsets(%dma_start3A_574 : memref<80xi32, #tpu.memory_space<vmem>>) semaphore(%arg25 : memref<!tpu.dma_semaphore, #tpu.memory_space<semaphore_mem>>)
          %dma_start3A_578 = arith.constant 0 : i32
          %dma_start3A_579 = arith.constant 0 : i32
          %dma_start3A_580 = tpu.memref_slice %arg17[%dma_start3A_578, %dma_start3A_579] : memref<800x16xf32, #tpu.memory_space<vmem>> -> memref<80x16xf32, #tpu.memory_space<vmem>>
          %dma_start3A_581 = arith.constant 0 : i32
          %dma_start3A_582 = tpu.memref_slice %arg11[%dma_start3A_581] : memref<800xi32, #tpu.memory_space<vmem>> -> memref<80xi32, #tpu.memory_space<vmem>>
          %dma_start3A_583 = arith.constant 0 : i32
          %dma_start3A_584 = arith.constant 0 : i32
          %dma_start3A_585 = tpu.memref_slice %arg2[%dma_start3A_583, %dma_start3A_584] : memref<100000x16xf32, #tpu.memory_space<hbm>> -> memref<100000x16xf32, #tpu.memory_space<hbm>>
          tpu.enqueue_indirect_dma source(%dma_start3A_585 : memref<100000x16xf32, #tpu.memory_space<hbm>>) target(%dma_start3A_580 : memref<80x16xf32, #tpu.memory_space<vmem>>) offsets(%dma_start3A_582 : memref<80xi32, #tpu.memory_space<vmem>>) semaphore(%arg25 : memref<!tpu.dma_semaphore, #tpu.memory_space<semaphore_mem>>)
          %dma_start3A_586 = arith.constant 80 : i32
          %dma_start3A_587 = arith.constant 0 : i32
          %dma_start3A_588 = tpu.memref_slice %arg15[%dma_start3A_586, %dma_start3A_587] : memref<800x16xf32, #tpu.memory_space<vmem>> -> memref<80x16xf32, #tpu.memory_space<vmem>>
          %dma_start3A_589 = arith.constant 80 : i32
          %dma_start3A_590 = tpu.memref_slice %arg7[%dma_start3A_589] : memref<800xi32, #tpu.memory_space<vmem>> -> memref<80xi32, #tpu.memory_space<vmem>>
          %dma_start3A_591 = arith.constant 0 : i32
          %dma_start3A_592 = arith.constant 0 : i32
          %dma_start3A_593 = tpu.memref_slice %arg2[%dma_start3A_591, %dma_start3A_592] : memref<100000x16xf32, #tpu.memory_space<hbm>> -> memref<100000x16xf32, #tpu.memory_space<hbm>>
          tpu.enqueue_indirect_dma source(%dma_start3A_593 : memref<100000x16xf32, #tpu.memory_space<hbm>>) target(%dma_start3A_588 : memref<80x16xf32, #tpu.memory_space<vmem>>) offsets(%dma_start3A_590 : memref<80xi32, #tpu.memory_space<vmem>>) semaphore(%arg25 : memref<!tpu.dma_semaphore, #tpu.memory_space<semaphore_mem>>)
          %dma_start3A_594 = arith.constant 80 : i32
          %dma_start3A_595 = arith.constant 0 : i32
          %dma_start3A_596 = tpu.memref_slice %arg17[%dma_start3A_594, %dma_start3A_595] : memref<800x16xf32, #tpu.memory_space<vmem>> -> memref<80x16xf32, #tpu.memory_space<vmem>>
          %dma_start3A_597 = arith.constant 80 : i32
          %dma_start3A_598 = tpu.memref_slice %arg11[%dma_start3A_597] : memref<800xi32, #tpu.memory_space<vmem>> -> memref<80xi32, #tpu.memory_space<vmem>>
          %dma_start3A_599 = arith.constant 0 : i32
          %dma_start3A_600 = arith.constant 0 : i32
          %dma_start3A_601 = tpu.memref_slice %arg2[%dma_start3A_599, %dma_start3A_600] : memref<100000x16xf32, #tpu.memory_space<hbm>> -> memref<100000x16xf32, #tpu.memory_space<hbm>>
          tpu.enqueue_indirect_dma source(%dma_start3A_601 : memref<100000x16xf32, #tpu.memory_space<hbm>>) target(%dma_start3A_596 : memref<80x16xf32, #tpu.memory_space<vmem>>) offsets(%dma_start3A_598 : memref<80xi32, #tpu.memory_space<vmem>>) semaphore(%arg25 : memref<!tpu.dma_semaphore, #tpu.memory_space<semaphore_mem>>)
          %dma_start3A_602 = arith.constant 160 : i32
          %dma_start3A_603 = arith.constant 0 : i32
          %dma_start3A_604 = tpu.memref_slice %arg15[%dma_start3A_602, %dma_start3A_603] : memref<800x16xf32, #tpu.memory_space<vmem>> -> memref<80x16xf32, #tpu.memory_space<vmem>>
          %dma_start3A_605 = arith.constant 160 : i32
          %dma_start3A_606 = tpu.memref_slice %arg7[%dma_start3A_605] : memref<800xi32, #tpu.memory_space<vmem>> -> memref<80xi32, #tpu.memory_space<vmem>>
          %dma_start3A_607 = arith.constant 0 : i32
          %dma_start3A_608 = arith.constant 0 : i32
          %dma_start3A_609 = tpu.memref_slice %arg2[%dma_start3A_607, %dma_start3A_608] : memref<100000x16xf32, #tpu.memory_space<hbm>> -> memref<100000x16xf32, #tpu.memory_space<hbm>>
          tpu.enqueue_indirect_dma source(%dma_start3A_609 : memref<100000x16xf32, #tpu.memory_space<hbm>>) target(%dma_start3A_604 : memref<80x16xf32, #tpu.memory_space<vmem>>) offsets(%dma_start3A_606 : memref<80xi32, #tpu.memory_space<vmem>>) semaphore(%arg25 : memref<!tpu.dma_semaphore, #tpu.memory_space<semaphore_mem>>)
          %dma_start3A_610 = arith.constant 160 : i32
          %dma_start3A_611 = arith.constant 0 : i32
          %dma_start3A_612 = tpu.memref_slice %arg17[%dma_start3A_610, %dma_start3A_611] : memref<800x16xf32, #tpu.memory_space<vmem>> -> memref<80x16xf32, #tpu.memory_space<vmem>>
          %dma_start3A_613 = arith.constant 160 : i32
          %dma_start3A_614 = tpu.memref_slice %arg11[%dma_start3A_613] : memref<800xi32, #tpu.memory_space<vmem>> -> memref<80xi32, #tpu.memory_space<vmem>>
          %dma_start3A_615 = arith.constant 0 : i32
          %dma_start3A_616 = arith.constant 0 : i32
          %dma_start3A_617 = tpu.memref_slice %arg2[%dma_start3A_615, %dma_start3A_616] : memref<100000x16xf32, #tpu.memory_space<hbm>> -> memref<100000x16xf32, #tpu.memory_space<hbm>>
          tpu.enqueue_indirect_dma source(%dma_start3A_617 : memref<100000x16xf32, #tpu.memory_space<hbm>>) target(%dma_start3A_612 : memref<80x16xf32, #tpu.memory_space<vmem>>) offsets(%dma_start3A_614 : memref<80xi32, #tpu.memory_space<vmem>>) semaphore(%arg25 : memref<!tpu.dma_semaphore, #tpu.memory_space<semaphore_mem>>)
          %dma_start3A_618 = arith.constant 240 : i32
          %dma_start3A_619 = arith.constant 0 : i32
          %dma_start3A_620 = tpu.memref_slice %arg15[%dma_start3A_618, %dma_start3A_619] : memref<800x16xf32, #tpu.memory_space<vmem>> -> memref<80x16xf32, #tpu.memory_space<vmem>>
          %dma_start3A_621 = arith.constant 240 : i32
          %dma_start3A_622 = tpu.memref_slice %arg7[%dma_start3A_621] : memref<800xi32, #tpu.memory_space<vmem>> -> memref<80xi32, #tpu.memory_space<vmem>>
          %dma_start3A_623 = arith.constant 0 : i32
          %dma_start3A_624 = arith.constant 0 : i32
          %dma_start3A_625 = tpu.memref_slice %arg2[%dma_start3A_623, %dma_start3A_624] : memref<100000x16xf32, #tpu.memory_space<hbm>> -> memref<100000x16xf32, #tpu.memory_space<hbm>>
          tpu.enqueue_indirect_dma source(%dma_start3A_625 : memref<100000x16xf32, #tpu.memory_space<hbm>>) target(%dma_start3A_620 : memref<80x16xf32, #tpu.memory_space<vmem>>) offsets(%dma_start3A_622 : memref<80xi32, #tpu.memory_space<vmem>>) semaphore(%arg25 : memref<!tpu.dma_semaphore, #tpu.memory_space<semaphore_mem>>)
          %dma_start3A_626 = arith.constant 240 : i32
          %dma_start3A_627 = arith.constant 0 : i32
          %dma_start3A_628 = tpu.memref_slice %arg17[%dma_start3A_626, %dma_start3A_627] : memref<800x16xf32, #tpu.memory_space<vmem>> -> memref<80x16xf32, #tpu.memory_space<vmem>>
          %dma_start3A_629 = arith.constant 240 : i32
          %dma_start3A_630 = tpu.memref_slice %arg11[%dma_start3A_629] : memref<800xi32, #tpu.memory_space<vmem>> -> memref<80xi32, #tpu.memory_space<vmem>>
          %dma_start3A_631 = arith.constant 0 : i32
          %dma_start3A_632 = arith.constant 0 : i32
          %dma_start3A_633 = tpu.memref_slice %arg2[%dma_start3A_631, %dma_start3A_632] : memref<100000x16xf32, #tpu.memory_space<hbm>> -> memref<100000x16xf32, #tpu.memory_space<hbm>>
          tpu.enqueue_indirect_dma source(%dma_start3A_633 : memref<100000x16xf32, #tpu.memory_space<hbm>>) target(%dma_start3A_628 : memref<80x16xf32, #tpu.memory_space<vmem>>) offsets(%dma_start3A_630 : memref<80xi32, #tpu.memory_space<vmem>>) semaphore(%arg25 : memref<!tpu.dma_semaphore, #tpu.memory_space<semaphore_mem>>)
          %dma_start3A_634 = arith.constant 320 : i32
          %dma_start3A_635 = arith.constant 0 : i32
          %dma_start3A_636 = tpu.memref_slice %arg15[%dma_start3A_634, %dma_start3A_635] : memref<800x16xf32, #tpu.memory_space<vmem>> -> memref<80x16xf32, #tpu.memory_space<vmem>>
          %dma_start3A_637 = arith.constant 320 : i32
          %dma_start3A_638 = tpu.memref_slice %arg7[%dma_start3A_637] : memref<800xi32, #tpu.memory_space<vmem>> -> memref<80xi32, #tpu.memory_space<vmem>>
          %dma_start3A_639 = arith.constant 0 : i32
          %dma_start3A_640 = arith.constant 0 : i32
          %dma_start3A_641 = tpu.memref_slice %arg2[%dma_start3A_639, %dma_start3A_640] : memref<100000x16xf32, #tpu.memory_space<hbm>> -> memref<100000x16xf32, #tpu.memory_space<hbm>>
          tpu.enqueue_indirect_dma source(%dma_start3A_641 : memref<100000x16xf32, #tpu.memory_space<hbm>>) target(%dma_start3A_636 : memref<80x16xf32, #tpu.memory_space<vmem>>) offsets(%dma_start3A_638 : memref<80xi32, #tpu.memory_space<vmem>>) semaphore(%arg25 : memref<!tpu.dma_semaphore, #tpu.memory_space<semaphore_mem>>)
          %dma_start3A_642 = arith.constant 320 : i32
          %dma_start3A_643 = arith.constant 0 : i32
          %dma_start3A_644 = tpu.memref_slice %arg17[%dma_start3A_642, %dma_start3A_643] : memref<800x16xf32, #tpu.memory_space<vmem>> -> memref<80x16xf32, #tpu.memory_space<vmem>>
          %dma_start3A_645 = arith.constant 320 : i32
          %dma_start3A_646 = tpu.memref_slice %arg11[%dma_start3A_645] : memref<800xi32, #tpu.memory_space<vmem>> -> memref<80xi32, #tpu.memory_space<vmem>>
          %dma_start3A_647 = arith.constant 0 : i32
          %dma_start3A_648 = arith.constant 0 : i32
          %dma_start3A_649 = tpu.memref_slice %arg2[%dma_start3A_647, %dma_start3A_648] : memref<100000x16xf32, #tpu.memory_space<hbm>> -> memref<100000x16xf32, #tpu.memory_space<hbm>>
          tpu.enqueue_indirect_dma source(%dma_start3A_649 : memref<100000x16xf32, #tpu.memory_space<hbm>>) target(%dma_start3A_644 : memref<80x16xf32, #tpu.memory_space<vmem>>) offsets(%dma_start3A_646 : memref<80xi32, #tpu.memory_space<vmem>>) semaphore(%arg25 : memref<!tpu.dma_semaphore, #tpu.memory_space<semaphore_mem>>)
          %dma_start3A_650 = arith.constant 400 : i32
          %dma_start3A_651 = arith.constant 0 : i32
          %dma_start3A_652 = tpu.memref_slice %arg15[%dma_start3A_650, %dma_start3A_651] : memref<800x16xf32, #tpu.memory_space<vmem>> -> memref<80x16xf32, #tpu.memory_space<vmem>>
          %dma_start3A_653 = arith.constant 400 : i32
          %dma_start3A_654 = tpu.memref_slice %arg7[%dma_start3A_653] : memref<800xi32, #tpu.memory_space<vmem>> -> memref<80xi32, #tpu.memory_space<vmem>>
          %dma_start3A_655 = arith.constant 0 : i32
          %dma_start3A_656 = arith.constant 0 : i32
          %dma_start3A_657 = tpu.memref_slice %arg2[%dma_start3A_655, %dma_start3A_656] : memref<100000x16xf32, #tpu.memory_space<hbm>> -> memref<100000x16xf32, #tpu.memory_space<hbm>>
          tpu.enqueue_indirect_dma source(%dma_start3A_657 : memref<100000x16xf32, #tpu.memory_space<hbm>>) target(%dma_start3A_652 : memref<80x16xf32, #tpu.memory_space<vmem>>) offsets(%dma_start3A_654 : memref<80xi32, #tpu.memory_space<vmem>>) semaphore(%arg25 : memref<!tpu.dma_semaphore, #tpu.memory_space<semaphore_mem>>)
          %dma_start3A_658 = arith.constant 400 : i32
          %dma_start3A_659 = arith.constant 0 : i32
          %dma_start3A_660 = tpu.memref_slice %arg17[%dma_start3A_658, %dma_start3A_659] : memref<800x16xf32, #tpu.memory_space<vmem>> -> memref<80x16xf32, #tpu.memory_space<vmem>>
          %dma_start3A_661 = arith.constant 400 : i32
          %dma_start3A_662 = tpu.memref_slice %arg11[%dma_start3A_661] : memref<800xi32, #tpu.memory_space<vmem>> -> memref<80xi32, #tpu.memory_space<vmem>>
          %dma_start3A_663 = arith.constant 0 : i32
          %dma_start3A_664 = arith.constant 0 : i32
          %dma_start3A_665 = tpu.memref_slice %arg2[%dma_start3A_663, %dma_start3A_664] : memref<100000x16xf32, #tpu.memory_space<hbm>> -> memref<100000x16xf32, #tpu.memory_space<hbm>>
          tpu.enqueue_indirect_dma source(%dma_start3A_665 : memref<100000x16xf32, #tpu.memory_space<hbm>>) target(%dma_start3A_660 : memref<80x16xf32, #tpu.memory_space<vmem>>) offsets(%dma_start3A_662 : memref<80xi32, #tpu.memory_space<vmem>>) semaphore(%arg25 : memref<!tpu.dma_semaphore, #tpu.memory_space<semaphore_mem>>)
          %dma_start3A_666 = arith.constant 480 : i32
          %dma_start3A_667 = arith.constant 0 : i32
          %dma_start3A_668 = tpu.memref_slice %arg15[%dma_start3A_666, %dma_start3A_667] : memref<800x16xf32, #tpu.memory_space<vmem>> -> memref<80x16xf32, #tpu.memory_space<vmem>>
          %dma_start3A_669 = arith.constant 480 : i32
          %dma_start3A_670 = tpu.memref_slice %arg7[%dma_start3A_669] : memref<800xi32, #tpu.memory_space<vmem>> -> memref<80xi32, #tpu.memory_space<vmem>>
          %dma_start3A_671 = arith.constant 0 : i32
          %dma_start3A_672 = arith.constant 0 : i32
          %dma_start3A_673 = tpu.memref_slice %arg2[%dma_start3A_671, %dma_start3A_672] : memref<100000x16xf32, #tpu.memory_space<hbm>> -> memref<100000x16xf32, #tpu.memory_space<hbm>>
          tpu.enqueue_indirect_dma source(%dma_start3A_673 : memref<100000x16xf32, #tpu.memory_space<hbm>>) target(%dma_start3A_668 : memref<80x16xf32, #tpu.memory_space<vmem>>) offsets(%dma_start3A_670 : memref<80xi32, #tpu.memory_space<vmem>>) semaphore(%arg25 : memref<!tpu.dma_semaphore, #tpu.memory_space<semaphore_mem>>)
          %dma_start3A_674 = arith.constant 480 : i32
          %dma_start3A_675 = arith.constant 0 : i32
          %dma_start3A_676 = tpu.memref_slice %arg17[%dma_start3A_674, %dma_start3A_675] : memref<800x16xf32, #tpu.memory_space<vmem>> -> memref<80x16xf32, #tpu.memory_space<vmem>>
          %dma_start3A_677 = arith.constant 480 : i32
          %dma_start3A_678 = tpu.memref_slice %arg11[%dma_start3A_677] : memref<800xi32, #tpu.memory_space<vmem>> -> memref<80xi32, #tpu.memory_space<vmem>>
          %dma_start3A_679 = arith.constant 0 : i32
          %dma_start3A_680 = arith.constant 0 : i32
          %dma_start3A_681 = tpu.memref_slice %arg2[%dma_start3A_679, %dma_start3A_680] : memref<100000x16xf32, #tpu.memory_space<hbm>> -> memref<100000x16xf32, #tpu.memory_space<hbm>>
          tpu.enqueue_indirect_dma source(%dma_start3A_681 : memref<100000x16xf32, #tpu.memory_space<hbm>>) target(%dma_start3A_676 : memref<80x16xf32, #tpu.memory_space<vmem>>) offsets(%dma_start3A_678 : memref<80xi32, #tpu.memory_space<vmem>>) semaphore(%arg25 : memref<!tpu.dma_semaphore, #tpu.memory_space<semaphore_mem>>)
          %dma_start3A_682 = arith.constant 560 : i32
          %dma_start3A_683 = arith.constant 0 : i32
          %dma_start3A_684 = tpu.memref_slice %arg15[%dma_start3A_682, %dma_start3A_683] : memref<800x16xf32, #tpu.memory_space<vmem>> -> memref<80x16xf32, #tpu.memory_space<vmem>>
          %dma_start3A_685 = arith.constant 560 : i32
          %dma_start3A_686 = tpu.memref_slice %arg7[%dma_start3A_685] : memref<800xi32, #tpu.memory_space<vmem>> -> memref<80xi32, #tpu.memory_space<vmem>>
          %dma_start3A_687 = arith.constant 0 : i32
          %dma_start3A_688 = arith.constant 0 : i32
          %dma_start3A_689 = tpu.memref_slice %arg2[%dma_start3A_687, %dma_start3A_688] : memref<100000x16xf32, #tpu.memory_space<hbm>> -> memref<100000x16xf32, #tpu.memory_space<hbm>>
          tpu.enqueue_indirect_dma source(%dma_start3A_689 : memref<100000x16xf32, #tpu.memory_space<hbm>>) target(%dma_start3A_684 : memref<80x16xf32, #tpu.memory_space<vmem>>) offsets(%dma_start3A_686 : memref<80xi32, #tpu.memory_space<vmem>>) semaphore(%arg25 : memref<!tpu.dma_semaphore, #tpu.memory_space<semaphore_mem>>)
          %dma_start3A_690 = arith.constant 560 : i32
          %dma_start3A_691 = arith.constant 0 : i32
          %dma_start3A_692 = tpu.memref_slice %arg17[%dma_start3A_690, %dma_start3A_691] : memref<800x16xf32, #tpu.memory_space<vmem>> -> memref<80x16xf32, #tpu.memory_space<vmem>>
          %dma_start3A_693 = arith.constant 560 : i32
          %dma_start3A_694 = tpu.memref_slice %arg11[%dma_start3A_693] : memref<800xi32, #tpu.memory_space<vmem>> -> memref<80xi32, #tpu.memory_space<vmem>>
          %dma_start3A_695 = arith.constant 0 : i32
          %dma_start3A_696 = arith.constant 0 : i32
          %dma_start3A_697 = tpu.memref_slice %arg2[%dma_start3A_695, %dma_start3A_696] : memref<100000x16xf32, #tpu.memory_space<hbm>> -> memref<100000x16xf32, #tpu.memory_space<hbm>>
          tpu.enqueue_indirect_dma source(%dma_start3A_697 : memref<100000x16xf32, #tpu.memory_space<hbm>>) target(%dma_start3A_692 : memref<80x16xf32, #tpu.memory_space<vmem>>) offsets(%dma_start3A_694 : memref<80xi32, #tpu.memory_space<vmem>>) semaphore(%arg25 : memref<!tpu.dma_semaphore, #tpu.memory_space<semaphore_mem>>)
          %dma_start3A_698 = arith.constant 640 : i32
          %dma_start3A_699 = arith.constant 0 : i32
          %dma_start3A_700 = tpu.memref_slice %arg15[%dma_start3A_698, %dma_start3A_699] : memref<800x16xf32, #tpu.memory_space<vmem>> -> memref<80x16xf32, #tpu.memory_space<vmem>>
          %dma_start3A_701 = arith.constant 640 : i32
          %dma_start3A_702 = tpu.memref_slice %arg7[%dma_start3A_701] : memref<800xi32, #tpu.memory_space<vmem>> -> memref<80xi32, #tpu.memory_space<vmem>>
          %dma_start3A_703 = arith.constant 0 : i32
          %dma_start3A_704 = arith.constant 0 : i32
          %dma_start3A_705 = tpu.memref_slice %arg2[%dma_start3A_703, %dma_start3A_704] : memref<100000x16xf32, #tpu.memory_space<hbm>> -> memref<100000x16xf32, #tpu.memory_space<hbm>>
          tpu.enqueue_indirect_dma source(%dma_start3A_705 : memref<100000x16xf32, #tpu.memory_space<hbm>>) target(%dma_start3A_700 : memref<80x16xf32, #tpu.memory_space<vmem>>) offsets(%dma_start3A_702 : memref<80xi32, #tpu.memory_space<vmem>>) semaphore(%arg25 : memref<!tpu.dma_semaphore, #tpu.memory_space<semaphore_mem>>)
          %dma_start3A_706 = arith.constant 640 : i32
          %dma_start3A_707 = arith.constant 0 : i32
          %dma_start3A_708 = tpu.memref_slice %arg17[%dma_start3A_706, %dma_start3A_707] : memref<800x16xf32, #tpu.memory_space<vmem>> -> memref<80x16xf32, #tpu.memory_space<vmem>>
          %dma_start3A_709 = arith.constant 640 : i32
          %dma_start3A_710 = tpu.memref_slice %arg11[%dma_start3A_709] : memref<800xi32, #tpu.memory_space<vmem>> -> memref<80xi32, #tpu.memory_space<vmem>>
          %dma_start3A_711 = arith.constant 0 : i32
          %dma_start3A_712 = arith.constant 0 : i32
          %dma_start3A_713 = tpu.memref_slice %arg2[%dma_start3A_711, %dma_start3A_712] : memref<100000x16xf32, #tpu.memory_space<hbm>> -> memref<100000x16xf32, #tpu.memory_space<hbm>>
          tpu.enqueue_indirect_dma source(%dma_start3A_713 : memref<100000x16xf32, #tpu.memory_space<hbm>>) target(%dma_start3A_708 : memref<80x16xf32, #tpu.memory_space<vmem>>) offsets(%dma_start3A_710 : memref<80xi32, #tpu.memory_space<vmem>>) semaphore(%arg25 : memref<!tpu.dma_semaphore, #tpu.memory_space<semaphore_mem>>)
          %dma_start3A_714 = arith.constant 720 : i32
          %dma_start3A_715 = arith.constant 0 : i32
          %dma_start3A_716 = tpu.memref_slice %arg15[%dma_start3A_714, %dma_start3A_715] : memref<800x16xf32, #tpu.memory_space<vmem>> -> memref<80x16xf32, #tpu.memory_space<vmem>>
          %dma_start3A_717 = arith.constant 720 : i32
          %dma_start3A_718 = tpu.memref_slice %arg7[%dma_start3A_717] : memref<800xi32, #tpu.memory_space<vmem>> -> memref<80xi32, #tpu.memory_space<vmem>>
          %dma_start3A_719 = arith.constant 0 : i32
          %dma_start3A_720 = arith.constant 0 : i32
          %dma_start3A_721 = tpu.memref_slice %arg2[%dma_start3A_719, %dma_start3A_720] : memref<100000x16xf32, #tpu.memory_space<hbm>> -> memref<100000x16xf32, #tpu.memory_space<hbm>>
          tpu.enqueue_indirect_dma source(%dma_start3A_721 : memref<100000x16xf32, #tpu.memory_space<hbm>>) target(%dma_start3A_716 : memref<80x16xf32, #tpu.memory_space<vmem>>) offsets(%dma_start3A_718 : memref<80xi32, #tpu.memory_space<vmem>>) semaphore(%arg25 : memref<!tpu.dma_semaphore, #tpu.memory_space<semaphore_mem>>)
          %dma_start3A_722 = arith.constant 720 : i32
          %dma_start3A_723 = arith.constant 0 : i32
          %dma_start3A_724 = tpu.memref_slice %arg17[%dma_start3A_722, %dma_start3A_723] : memref<800x16xf32, #tpu.memory_space<vmem>> -> memref<80x16xf32, #tpu.memory_space<vmem>>
          %dma_start3A_725 = arith.constant 720 : i32
          %dma_start3A_726 = tpu.memref_slice %arg11[%dma_start3A_725] : memref<800xi32, #tpu.memory_space<vmem>> -> memref<80xi32, #tpu.memory_space<vmem>>
          %dma_start3A_727 = arith.constant 0 : i32
          %dma_start3A_728 = arith.constant 0 : i32
          %dma_start3A_729 = tpu.memref_slice %arg2[%dma_start3A_727, %dma_start3A_728] : memref<100000x16xf32, #tpu.memory_space<hbm>> -> memref<100000x16xf32, #tpu.memory_space<hbm>>
          tpu.enqueue_indirect_dma source(%dma_start3A_729 : memref<100000x16xf32, #tpu.memory_space<hbm>>) target(%dma_start3A_724 : memref<80x16xf32, #tpu.memory_space<vmem>>) offsets(%dma_start3A_726 : memref<80xi32, #tpu.memory_space<vmem>>) semaphore(%arg25 : memref<!tpu.dma_semaphore, #tpu.memory_space<semaphore_mem>>)
        } else {
        }
        %add3A_333 = arith.constant 3 : i32
        %add3A_334 = arith.addi %add3A_296, %add3A_333 : i32
        %lt3A_335 = arith.constant 125 : i32
        %lt3A_336 = arith.cmpi slt, %add3A_334, %lt3A_335 : i32
        %convert_element_type3A_337 = arith.extui %lt3A_336 : i1 to i32
        %cond3A_338 = arith.constant 0 : i32
        %cond3A_339 = arith.cmpi ne, %convert_element_type3A_337, %cond3A_338 : i32
        scf.if %cond3A_339 {
          %add3A_559 = arith.constant 3 : i32
          %add3A_560 = arith.addi %add3A_296, %add3A_559 : i32
          %mul3A_561 = arith.constant 32 : i32
          %mul3A_562 = arith.muli %add3A_560, %mul3A_561 : i32
          %add3A_563 = arith.addi %mul3A_562, %add3A : i32
          %mul3A_564 = arith.constant 800 : i32
          %mul3A_565 = arith.muli %add3A_563, %mul3A_564 : i32
          %dma_start3A_566 = tpu.memref_slice %arg3[%mul3A_565] : memref<3200000xi32, #tpu.memory_space<hbm>> -> memref<800xi32, #tpu.memory_space<hbm>>
          %dma_start3A_567 = tpu.memref_slice %arg3[%mul3A_565] : memref<3200000xi32, #tpu.memory_space<hbm>> -> memref<800xi32, #tpu.memory_space<hbm>>
          tpu.enqueue_dma source(%dma_start3A_567 : memref<800xi32, #tpu.memory_space<hbm>>) target(%arg9 : memref<800xi32, #tpu.memory_space<vmem>>) target_semaphore(%arg23 : memref<!tpu.dma_semaphore, #tpu.memory_space<semaphore_mem>>)
          %dma_start3A_568 = tpu.memref_slice %arg4[%mul3A_565] : memref<3200000xi32, #tpu.memory_space<hbm>> -> memref<800xi32, #tpu.memory_space<hbm>>
          %dma_start3A_569 = tpu.memref_slice %arg4[%mul3A_565] : memref<3200000xi32, #tpu.memory_space<hbm>> -> memref<800xi32, #tpu.memory_space<hbm>>
          tpu.enqueue_dma source(%dma_start3A_569 : memref<800xi32, #tpu.memory_space<hbm>>) target(%arg13 : memref<800xi32, #tpu.memory_space<vmem>>) target_semaphore(%arg23 : memref<!tpu.dma_semaphore, #tpu.memory_space<semaphore_mem>>)
        } else {
        }
        %dma_wait3A_340 = arith.constant 0 : i32
        %dma_wait3A_341 = arith.constant 0 : i32
        %dma_wait3A_342 = tpu.memref_slice %arg14[%dma_wait3A_340, %dma_wait3A_341] : memref<800x16xf32, #tpu.memory_space<vmem>> -> memref<80x16xf32, #tpu.memory_space<vmem>>
        %dma_wait3A_343 = arith.constant 0 : i32
        %dma_wait3A_344 = tpu.memref_slice %arg6[%dma_wait3A_343] : memref<800xi32, #tpu.memory_space<vmem>> -> memref<80xi32, #tpu.memory_space<vmem>>
        %dma_wait3A_345 = arith.constant 0 : i32
        %dma_wait3A_346 = arith.constant 0 : i32
        %dma_wait3A_347 = tpu.memref_slice %arg2[%dma_wait3A_345, %dma_wait3A_346] : memref<100000x16xf32, #tpu.memory_space<hbm>> -> memref<100000x16xf32, #tpu.memory_space<hbm>>
        tpu.wait_indirect_dma semaphore(%arg24 : memref<!tpu.dma_semaphore, #tpu.memory_space<semaphore_mem>>) src(%dma_wait3A_347 : memref<100000x16xf32, #tpu.memory_space<hbm>>) dst(%dma_wait3A_342 : memref<80x16xf32, #tpu.memory_space<vmem>>)
        %dma_wait3A_348 = arith.constant 0 : i32
        %dma_wait3A_349 = arith.constant 0 : i32
        %dma_wait3A_350 = tpu.memref_slice %arg16[%dma_wait3A_348, %dma_wait3A_349] : memref<800x16xf32, #tpu.memory_space<vmem>> -> memref<80x16xf32, #tpu.memory_space<vmem>>
        %dma_wait3A_351 = arith.constant 0 : i32
        %dma_wait3A_352 = tpu.memref_slice %arg10[%dma_wait3A_351] : memref<800xi32, #tpu.memory_space<vmem>> -> memref<80xi32, #tpu.memory_space<vmem>>
        %dma_wait3A_353 = arith.constant 0 : i32
        %dma_wait3A_354 = arith.constant 0 : i32
        %dma_wait3A_355 = tpu.memref_slice %arg2[%dma_wait3A_353, %dma_wait3A_354] : memref<100000x16xf32, #tpu.memory_space<hbm>> -> memref<100000x16xf32, #tpu.memory_space<hbm>>
        tpu.wait_indirect_dma semaphore(%arg24 : memref<!tpu.dma_semaphore, #tpu.memory_space<semaphore_mem>>) src(%dma_wait3A_355 : memref<100000x16xf32, #tpu.memory_space<hbm>>) dst(%dma_wait3A_350 : memref<80x16xf32, #tpu.memory_space<vmem>>)
        %dma_wait3A_356 = arith.constant 80 : i32
        %dma_wait3A_357 = arith.constant 0 : i32
        %dma_wait3A_358 = tpu.memref_slice %arg14[%dma_wait3A_356, %dma_wait3A_357] : memref<800x16xf32, #tpu.memory_space<vmem>> -> memref<80x16xf32, #tpu.memory_space<vmem>>
        %dma_wait3A_359 = arith.constant 80 : i32
        %dma_wait3A_360 = tpu.memref_slice %arg6[%dma_wait3A_359] : memref<800xi32, #tpu.memory_space<vmem>> -> memref<80xi32, #tpu.memory_space<vmem>>
        %dma_wait3A_361 = arith.constant 0 : i32
        %dma_wait3A_362 = arith.constant 0 : i32
        %dma_wait3A_363 = tpu.memref_slice %arg2[%dma_wait3A_361, %dma_wait3A_362] : memref<100000x16xf32, #tpu.memory_space<hbm>> -> memref<100000x16xf32, #tpu.memory_space<hbm>>
        tpu.wait_indirect_dma semaphore(%arg24 : memref<!tpu.dma_semaphore, #tpu.memory_space<semaphore_mem>>) src(%dma_wait3A_363 : memref<100000x16xf32, #tpu.memory_space<hbm>>) dst(%dma_wait3A_358 : memref<80x16xf32, #tpu.memory_space<vmem>>)
        %dma_wait3A_364 = arith.constant 80 : i32
        %dma_wait3A_365 = arith.constant 0 : i32
        %dma_wait3A_366 = tpu.memref_slice %arg16[%dma_wait3A_364, %dma_wait3A_365] : memref<800x16xf32, #tpu.memory_space<vmem>> -> memref<80x16xf32, #tpu.memory_space<vmem>>
        %dma_wait3A_367 = arith.constant 80 : i32
        %dma_wait3A_368 = tpu.memref_slice %arg10[%dma_wait3A_367] : memref<800xi32, #tpu.memory_space<vmem>> -> memref<80xi32, #tpu.memory_space<vmem>>
        %dma_wait3A_369 = arith.constant 0 : i32
        %dma_wait3A_370 = arith.constant 0 : i32
        %dma_wait3A_371 = tpu.memref_slice %arg2[%dma_wait3A_369, %dma_wait3A_370] : memref<100000x16xf32, #tpu.memory_space<hbm>> -> memref<100000x16xf32, #tpu.memory_space<hbm>>
        tpu.wait_indirect_dma semaphore(%arg24 : memref<!tpu.dma_semaphore, #tpu.memory_space<semaphore_mem>>) src(%dma_wait3A_371 : memref<100000x16xf32, #tpu.memory_space<hbm>>) dst(%dma_wait3A_366 : memref<80x16xf32, #tpu.memory_space<vmem>>)
        %dma_wait3A_372 = arith.constant 160 : i32
        %dma_wait3A_373 = arith.constant 0 : i32
        %dma_wait3A_374 = tpu.memref_slice %arg14[%dma_wait3A_372, %dma_wait3A_373] : memref<800x16xf32, #tpu.memory_space<vmem>> -> memref<80x16xf32, #tpu.memory_space<vmem>>
        %dma_wait3A_375 = arith.constant 160 : i32
        %dma_wait3A_376 = tpu.memref_slice %arg6[%dma_wait3A_375] : memref<800xi32, #tpu.memory_space<vmem>> -> memref<80xi32, #tpu.memory_space<vmem>>
        %dma_wait3A_377 = arith.constant 0 : i32
        %dma_wait3A_378 = arith.constant 0 : i32
        %dma_wait3A_379 = tpu.memref_slice %arg2[%dma_wait3A_377, %dma_wait3A_378] : memref<100000x16xf32, #tpu.memory_space<hbm>> -> memref<100000x16xf32, #tpu.memory_space<hbm>>
        tpu.wait_indirect_dma semaphore(%arg24 : memref<!tpu.dma_semaphore, #tpu.memory_space<semaphore_mem>>) src(%dma_wait3A_379 : memref<100000x16xf32, #tpu.memory_space<hbm>>) dst(%dma_wait3A_374 : memref<80x16xf32, #tpu.memory_space<vmem>>)
        %dma_wait3A_380 = arith.constant 160 : i32
        %dma_wait3A_381 = arith.constant 0 : i32
        %dma_wait3A_382 = tpu.memref_slice %arg16[%dma_wait3A_380, %dma_wait3A_381] : memref<800x16xf32, #tpu.memory_space<vmem>> -> memref<80x16xf32, #tpu.memory_space<vmem>>
        %dma_wait3A_383 = arith.constant 160 : i32
        %dma_wait3A_384 = tpu.memref_slice %arg10[%dma_wait3A_383] : memref<800xi32, #tpu.memory_space<vmem>> -> memref<80xi32, #tpu.memory_space<vmem>>
        %dma_wait3A_385 = arith.constant 0 : i32
        %dma_wait3A_386 = arith.constant 0 : i32
        %dma_wait3A_387 = tpu.memref_slice %arg2[%dma_wait3A_385, %dma_wait3A_386] : memref<100000x16xf32, #tpu.memory_space<hbm>> -> memref<100000x16xf32, #tpu.memory_space<hbm>>
        tpu.wait_indirect_dma semaphore(%arg24 : memref<!tpu.dma_semaphore, #tpu.memory_space<semaphore_mem>>) src(%dma_wait3A_387 : memref<100000x16xf32, #tpu.memory_space<hbm>>) dst(%dma_wait3A_382 : memref<80x16xf32, #tpu.memory_space<vmem>>)
        %dma_wait3A_388 = arith.constant 240 : i32
        %dma_wait3A_389 = arith.constant 0 : i32
        %dma_wait3A_390 = tpu.memref_slice %arg14[%dma_wait3A_388, %dma_wait3A_389] : memref<800x16xf32, #tpu.memory_space<vmem>> -> memref<80x16xf32, #tpu.memory_space<vmem>>
        %dma_wait3A_391 = arith.constant 240 : i32
        %dma_wait3A_392 = tpu.memref_slice %arg6[%dma_wait3A_391] : memref<800xi32, #tpu.memory_space<vmem>> -> memref<80xi32, #tpu.memory_space<vmem>>
        %dma_wait3A_393 = arith.constant 0 : i32
        %dma_wait3A_394 = arith.constant 0 : i32
        %dma_wait3A_395 = tpu.memref_slice %arg2[%dma_wait3A_393, %dma_wait3A_394] : memref<100000x16xf32, #tpu.memory_space<hbm>> -> memref<100000x16xf32, #tpu.memory_space<hbm>>
        tpu.wait_indirect_dma semaphore(%arg24 : memref<!tpu.dma_semaphore, #tpu.memory_space<semaphore_mem>>) src(%dma_wait3A_395 : memref<100000x16xf32, #tpu.memory_space<hbm>>) dst(%dma_wait3A_390 : memref<80x16xf32, #tpu.memory_space<vmem>>)
        %dma_wait3A_396 = arith.constant 240 : i32
        %dma_wait3A_397 = arith.constant 0 : i32
        %dma_wait3A_398 = tpu.memref_slice %arg16[%dma_wait3A_396, %dma_wait3A_397] : memref<800x16xf32, #tpu.memory_space<vmem>> -> memref<80x16xf32, #tpu.memory_space<vmem>>
        %dma_wait3A_399 = arith.constant 240 : i32
        %dma_wait3A_400 = tpu.memref_slice %arg10[%dma_wait3A_399] : memref<800xi32, #tpu.memory_space<vmem>> -> memref<80xi32, #tpu.memory_space<vmem>>
        %dma_wait3A_401 = arith.constant 0 : i32
        %dma_wait3A_402 = arith.constant 0 : i32
        %dma_wait3A_403 = tpu.memref_slice %arg2[%dma_wait3A_401, %dma_wait3A_402] : memref<100000x16xf32, #tpu.memory_space<hbm>> -> memref<100000x16xf32, #tpu.memory_space<hbm>>
        tpu.wait_indirect_dma semaphore(%arg24 : memref<!tpu.dma_semaphore, #tpu.memory_space<semaphore_mem>>) src(%dma_wait3A_403 : memref<100000x16xf32, #tpu.memory_space<hbm>>) dst(%dma_wait3A_398 : memref<80x16xf32, #tpu.memory_space<vmem>>)
        %dma_wait3A_404 = arith.constant 320 : i32
        %dma_wait3A_405 = arith.constant 0 : i32
        %dma_wait3A_406 = tpu.memref_slice %arg14[%dma_wait3A_404, %dma_wait3A_405] : memref<800x16xf32, #tpu.memory_space<vmem>> -> memref<80x16xf32, #tpu.memory_space<vmem>>
        %dma_wait3A_407 = arith.constant 320 : i32
        %dma_wait3A_408 = tpu.memref_slice %arg6[%dma_wait3A_407] : memref<800xi32, #tpu.memory_space<vmem>> -> memref<80xi32, #tpu.memory_space<vmem>>
        %dma_wait3A_409 = arith.constant 0 : i32
        %dma_wait3A_410 = arith.constant 0 : i32
        %dma_wait3A_411 = tpu.memref_slice %arg2[%dma_wait3A_409, %dma_wait3A_410] : memref<100000x16xf32, #tpu.memory_space<hbm>> -> memref<100000x16xf32, #tpu.memory_space<hbm>>
        tpu.wait_indirect_dma semaphore(%arg24 : memref<!tpu.dma_semaphore, #tpu.memory_space<semaphore_mem>>) src(%dma_wait3A_411 : memref<100000x16xf32, #tpu.memory_space<hbm>>) dst(%dma_wait3A_406 : memref<80x16xf32, #tpu.memory_space<vmem>>)
        %dma_wait3A_412 = arith.constant 320 : i32
        %dma_wait3A_413 = arith.constant 0 : i32
        %dma_wait3A_414 = tpu.memref_slice %arg16[%dma_wait3A_412, %dma_wait3A_413] : memref<800x16xf32, #tpu.memory_space<vmem>> -> memref<80x16xf32, #tpu.memory_space<vmem>>
        %dma_wait3A_415 = arith.constant 320 : i32
        %dma_wait3A_416 = tpu.memref_slice %arg10[%dma_wait3A_415] : memref<800xi32, #tpu.memory_space<vmem>> -> memref<80xi32, #tpu.memory_space<vmem>>
        %dma_wait3A_417 = arith.constant 0 : i32
        %dma_wait3A_418 = arith.constant 0 : i32
        %dma_wait3A_419 = tpu.memref_slice %arg2[%dma_wait3A_417, %dma_wait3A_418] : memref<100000x16xf32, #tpu.memory_space<hbm>> -> memref<100000x16xf32, #tpu.memory_space<hbm>>
        tpu.wait_indirect_dma semaphore(%arg24 : memref<!tpu.dma_semaphore, #tpu.memory_space<semaphore_mem>>) src(%dma_wait3A_419 : memref<100000x16xf32, #tpu.memory_space<hbm>>) dst(%dma_wait3A_414 : memref<80x16xf32, #tpu.memory_space<vmem>>)
        %dma_wait3A_420 = arith.constant 400 : i32
        %dma_wait3A_421 = arith.constant 0 : i32
        %dma_wait3A_422 = tpu.memref_slice %arg14[%dma_wait3A_420, %dma_wait3A_421] : memref<800x16xf32, #tpu.memory_space<vmem>> -> memref<80x16xf32, #tpu.memory_space<vmem>>
        %dma_wait3A_423 = arith.constant 400 : i32
        %dma_wait3A_424 = tpu.memref_slice %arg6[%dma_wait3A_423] : memref<800xi32, #tpu.memory_space<vmem>> -> memref<80xi32, #tpu.memory_space<vmem>>
        %dma_wait3A_425 = arith.constant 0 : i32
        %dma_wait3A_426 = arith.constant 0 : i32
        %dma_wait3A_427 = tpu.memref_slice %arg2[%dma_wait3A_425, %dma_wait3A_426] : memref<100000x16xf32, #tpu.memory_space<hbm>> -> memref<100000x16xf32, #tpu.memory_space<hbm>>
        tpu.wait_indirect_dma semaphore(%arg24 : memref<!tpu.dma_semaphore, #tpu.memory_space<semaphore_mem>>) src(%dma_wait3A_427 : memref<100000x16xf32, #tpu.memory_space<hbm>>) dst(%dma_wait3A_422 : memref<80x16xf32, #tpu.memory_space<vmem>>)
        %dma_wait3A_428 = arith.constant 400 : i32
        %dma_wait3A_429 = arith.constant 0 : i32
        %dma_wait3A_430 = tpu.memref_slice %arg16[%dma_wait3A_428, %dma_wait3A_429] : memref<800x16xf32, #tpu.memory_space<vmem>> -> memref<80x16xf32, #tpu.memory_space<vmem>>
        %dma_wait3A_431 = arith.constant 400 : i32
        %dma_wait3A_432 = tpu.memref_slice %arg10[%dma_wait3A_431] : memref<800xi32, #tpu.memory_space<vmem>> -> memref<80xi32, #tpu.memory_space<vmem>>
        %dma_wait3A_433 = arith.constant 0 : i32
        %dma_wait3A_434 = arith.constant 0 : i32
        %dma_wait3A_435 = tpu.memref_slice %arg2[%dma_wait3A_433, %dma_wait3A_434] : memref<100000x16xf32, #tpu.memory_space<hbm>> -> memref<100000x16xf32, #tpu.memory_space<hbm>>
        tpu.wait_indirect_dma semaphore(%arg24 : memref<!tpu.dma_semaphore, #tpu.memory_space<semaphore_mem>>) src(%dma_wait3A_435 : memref<100000x16xf32, #tpu.memory_space<hbm>>) dst(%dma_wait3A_430 : memref<80x16xf32, #tpu.memory_space<vmem>>)
        %dma_wait3A_436 = arith.constant 480 : i32
        %dma_wait3A_437 = arith.constant 0 : i32
        %dma_wait3A_438 = tpu.memref_slice %arg14[%dma_wait3A_436, %dma_wait3A_437] : memref<800x16xf32, #tpu.memory_space<vmem>> -> memref<80x16xf32, #tpu.memory_space<vmem>>
        %dma_wait3A_439 = arith.constant 480 : i32
        %dma_wait3A_440 = tpu.memref_slice %arg6[%dma_wait3A_439] : memref<800xi32, #tpu.memory_space<vmem>> -> memref<80xi32, #tpu.memory_space<vmem>>
        %dma_wait3A_441 = arith.constant 0 : i32
        %dma_wait3A_442 = arith.constant 0 : i32
        %dma_wait3A_443 = tpu.memref_slice %arg2[%dma_wait3A_441, %dma_wait3A_442] : memref<100000x16xf32, #tpu.memory_space<hbm>> -> memref<100000x16xf32, #tpu.memory_space<hbm>>
        tpu.wait_indirect_dma semaphore(%arg24 : memref<!tpu.dma_semaphore, #tpu.memory_space<semaphore_mem>>) src(%dma_wait3A_443 : memref<100000x16xf32, #tpu.memory_space<hbm>>) dst(%dma_wait3A_438 : memref<80x16xf32, #tpu.memory_space<vmem>>)
        %dma_wait3A_444 = arith.constant 480 : i32
        %dma_wait3A_445 = arith.constant 0 : i32
        %dma_wait3A_446 = tpu.memref_slice %arg16[%dma_wait3A_444, %dma_wait3A_445] : memref<800x16xf32, #tpu.memory_space<vmem>> -> memref<80x16xf32, #tpu.memory_space<vmem>>
        %dma_wait3A_447 = arith.constant 480 : i32
        %dma_wait3A_448 = tpu.memref_slice %arg10[%dma_wait3A_447] : memref<800xi32, #tpu.memory_space<vmem>> -> memref<80xi32, #tpu.memory_space<vmem>>
        %dma_wait3A_449 = arith.constant 0 : i32
        %dma_wait3A_450 = arith.constant 0 : i32
        %dma_wait3A_451 = tpu.memref_slice %arg2[%dma_wait3A_449, %dma_wait3A_450] : memref<100000x16xf32, #tpu.memory_space<hbm>> -> memref<100000x16xf32, #tpu.memory_space<hbm>>
        tpu.wait_indirect_dma semaphore(%arg24 : memref<!tpu.dma_semaphore, #tpu.memory_space<semaphore_mem>>) src(%dma_wait3A_451 : memref<100000x16xf32, #tpu.memory_space<hbm>>) dst(%dma_wait3A_446 : memref<80x16xf32, #tpu.memory_space<vmem>>)
        %dma_wait3A_452 = arith.constant 560 : i32
        %dma_wait3A_453 = arith.constant 0 : i32
        %dma_wait3A_454 = tpu.memref_slice %arg14[%dma_wait3A_452, %dma_wait3A_453] : memref<800x16xf32, #tpu.memory_space<vmem>> -> memref<80x16xf32, #tpu.memory_space<vmem>>
        %dma_wait3A_455 = arith.constant 560 : i32
        %dma_wait3A_456 = tpu.memref_slice %arg6[%dma_wait3A_455] : memref<800xi32, #tpu.memory_space<vmem>> -> memref<80xi32, #tpu.memory_space<vmem>>
        %dma_wait3A_457 = arith.constant 0 : i32
        %dma_wait3A_458 = arith.constant 0 : i32
        %dma_wait3A_459 = tpu.memref_slice %arg2[%dma_wait3A_457, %dma_wait3A_458] : memref<100000x16xf32, #tpu.memory_space<hbm>> -> memref<100000x16xf32, #tpu.memory_space<hbm>>
        tpu.wait_indirect_dma semaphore(%arg24 : memref<!tpu.dma_semaphore, #tpu.memory_space<semaphore_mem>>) src(%dma_wait3A_459 : memref<100000x16xf32, #tpu.memory_space<hbm>>) dst(%dma_wait3A_454 : memref<80x16xf32, #tpu.memory_space<vmem>>)
        %dma_wait3A_460 = arith.constant 560 : i32
        %dma_wait3A_461 = arith.constant 0 : i32
        %dma_wait3A_462 = tpu.memref_slice %arg16[%dma_wait3A_460, %dma_wait3A_461] : memref<800x16xf32, #tpu.memory_space<vmem>> -> memref<80x16xf32, #tpu.memory_space<vmem>>
        %dma_wait3A_463 = arith.constant 560 : i32
        %dma_wait3A_464 = tpu.memref_slice %arg10[%dma_wait3A_463] : memref<800xi32, #tpu.memory_space<vmem>> -> memref<80xi32, #tpu.memory_space<vmem>>
        %dma_wait3A_465 = arith.constant 0 : i32
        %dma_wait3A_466 = arith.constant 0 : i32
        %dma_wait3A_467 = tpu.memref_slice %arg2[%dma_wait3A_465, %dma_wait3A_466] : memref<100000x16xf32, #tpu.memory_space<hbm>> -> memref<100000x16xf32, #tpu.memory_space<hbm>>
        tpu.wait_indirect_dma semaphore(%arg24 : memref<!tpu.dma_semaphore, #tpu.memory_space<semaphore_mem>>) src(%dma_wait3A_467 : memref<100000x16xf32, #tpu.memory_space<hbm>>) dst(%dma_wait3A_462 : memref<80x16xf32, #tpu.memory_space<vmem>>)
        %dma_wait3A_468 = arith.constant 640 : i32
        %dma_wait3A_469 = arith.constant 0 : i32
        %dma_wait3A_470 = tpu.memref_slice %arg14[%dma_wait3A_468, %dma_wait3A_469] : memref<800x16xf32, #tpu.memory_space<vmem>> -> memref<80x16xf32, #tpu.memory_space<vmem>>
        %dma_wait3A_471 = arith.constant 640 : i32
        %dma_wait3A_472 = tpu.memref_slice %arg6[%dma_wait3A_471] : memref<800xi32, #tpu.memory_space<vmem>> -> memref<80xi32, #tpu.memory_space<vmem>>
        %dma_wait3A_473 = arith.constant 0 : i32
        %dma_wait3A_474 = arith.constant 0 : i32
        %dma_wait3A_475 = tpu.memref_slice %arg2[%dma_wait3A_473, %dma_wait3A_474] : memref<100000x16xf32, #tpu.memory_space<hbm>> -> memref<100000x16xf32, #tpu.memory_space<hbm>>
        tpu.wait_indirect_dma semaphore(%arg24 : memref<!tpu.dma_semaphore, #tpu.memory_space<semaphore_mem>>) src(%dma_wait3A_475 : memref<100000x16xf32, #tpu.memory_space<hbm>>) dst(%dma_wait3A_470 : memref<80x16xf32, #tpu.memory_space<vmem>>)
        %dma_wait3A_476 = arith.constant 640 : i32
        %dma_wait3A_477 = arith.constant 0 : i32
        %dma_wait3A_478 = tpu.memref_slice %arg16[%dma_wait3A_476, %dma_wait3A_477] : memref<800x16xf32, #tpu.memory_space<vmem>> -> memref<80x16xf32, #tpu.memory_space<vmem>>
        %dma_wait3A_479 = arith.constant 640 : i32
        %dma_wait3A_480 = tpu.memref_slice %arg10[%dma_wait3A_479] : memref<800xi32, #tpu.memory_space<vmem>> -> memref<80xi32, #tpu.memory_space<vmem>>
        %dma_wait3A_481 = arith.constant 0 : i32
        %dma_wait3A_482 = arith.constant 0 : i32
        %dma_wait3A_483 = tpu.memref_slice %arg2[%dma_wait3A_481, %dma_wait3A_482] : memref<100000x16xf32, #tpu.memory_space<hbm>> -> memref<100000x16xf32, #tpu.memory_space<hbm>>
        tpu.wait_indirect_dma semaphore(%arg24 : memref<!tpu.dma_semaphore, #tpu.memory_space<semaphore_mem>>) src(%dma_wait3A_483 : memref<100000x16xf32, #tpu.memory_space<hbm>>) dst(%dma_wait3A_478 : memref<80x16xf32, #tpu.memory_space<vmem>>)
        %dma_wait3A_484 = arith.constant 720 : i32
        %dma_wait3A_485 = arith.constant 0 : i32
        %dma_wait3A_486 = tpu.memref_slice %arg14[%dma_wait3A_484, %dma_wait3A_485] : memref<800x16xf32, #tpu.memory_space<vmem>> -> memref<80x16xf32, #tpu.memory_space<vmem>>
        %dma_wait3A_487 = arith.constant 720 : i32
        %dma_wait3A_488 = tpu.memref_slice %arg6[%dma_wait3A_487] : memref<800xi32, #tpu.memory_space<vmem>> -> memref<80xi32, #tpu.memory_space<vmem>>
        %dma_wait3A_489 = arith.constant 0 : i32
        %dma_wait3A_490 = arith.constant 0 : i32
        %dma_wait3A_491 = tpu.memref_slice %arg2[%dma_wait3A_489, %dma_wait3A_490] : memref<100000x16xf32, #tpu.memory_space<hbm>> -> memref<100000x16xf32, #tpu.memory_space<hbm>>
        tpu.wait_indirect_dma semaphore(%arg24 : memref<!tpu.dma_semaphore, #tpu.memory_space<semaphore_mem>>) src(%dma_wait3A_491 : memref<100000x16xf32, #tpu.memory_space<hbm>>) dst(%dma_wait3A_486 : memref<80x16xf32, #tpu.memory_space<vmem>>)
        %dma_wait3A_492 = arith.constant 720 : i32
        %dma_wait3A_493 = arith.constant 0 : i32
        %dma_wait3A_494 = tpu.memref_slice %arg16[%dma_wait3A_492, %dma_wait3A_493] : memref<800x16xf32, #tpu.memory_space<vmem>> -> memref<80x16xf32, #tpu.memory_space<vmem>>
        %dma_wait3A_495 = arith.constant 720 : i32
        %dma_wait3A_496 = tpu.memref_slice %arg10[%dma_wait3A_495] : memref<800xi32, #tpu.memory_space<vmem>> -> memref<80xi32, #tpu.memory_space<vmem>>
        %dma_wait3A_497 = arith.constant 0 : i32
        %dma_wait3A_498 = arith.constant 0 : i32
        %dma_wait3A_499 = tpu.memref_slice %arg2[%dma_wait3A_497, %dma_wait3A_498] : memref<100000x16xf32, #tpu.memory_space<hbm>> -> memref<100000x16xf32, #tpu.memory_space<hbm>>
        tpu.wait_indirect_dma semaphore(%arg24 : memref<!tpu.dma_semaphore, #tpu.memory_space<semaphore_mem>>) src(%dma_wait3A_499 : memref<100000x16xf32, #tpu.memory_space<hbm>>) dst(%dma_wait3A_494 : memref<80x16xf32, #tpu.memory_space<vmem>>)
        %ge3A = arith.constant 2 : i32
        %ge3A_500 = arith.cmpi sge, %add3A_296, %ge3A : i32
        %convert_element_type3A_501 = arith.extui %ge3A_500 : i1 to i32
        %cond3A_502 = arith.constant 0 : i32
        %cond3A_503 = arith.cmpi ne, %convert_element_type3A_501, %cond3A_502 : i32
        scf.if %cond3A_503 {
          %sub3A = arith.constant 2 : i32
          %sub3A_559 = arith.subi %add3A_296, %sub3A : i32
          %mul3A_560 = arith.constant 32 : i32
          %mul3A_561 = arith.muli %sub3A_559, %mul3A_560 : i32
          %add3A_562 = arith.addi %mul3A_561, %add3A : i32
          %mul3A_563 = arith.constant 800 : i32
          %mul3A_564 = arith.muli %add3A_562, %mul3A_563 : i32
          %add3A_565 = arith.constant 0 : i32
          %add3A_566 = arith.addi %add3A_565, %mul3A_564 : i32
          %add3A_567 = arith.constant 3200000 : i32
          %add3A_568 = arith.addi %add3A_567, %mul3A_564 : i32
          %add3A_569 = arith.constant 6400000 : i32
          %add3A_570 = arith.addi %add3A_569, %mul3A_564 : i32
          %add3A_571 = arith.constant 9600000 : i32
          %add3A_572 = arith.addi %add3A_571, %mul3A_564 : i32
          %dma_wait3A_573 = arith.constant 0 : i32
          %dma_wait3A_574 = arith.constant 0 : i32
          %dma_wait3A_575 = tpu.memref_slice %arg18[%dma_wait3A_573, %dma_wait3A_574] : memref<4x800xf32, #tpu.memory_space<vmem>> -> memref<1x800xf32, #tpu.memory_space<vmem>>
          %dma_wait3A_576 = tpu.memref_squeeze %dma_wait3A_575 : memref<1x800xf32, #tpu.memory_space<vmem>> -> memref<800xf32, #tpu.memory_space<vmem>>
          %dma_wait3A_577 = tpu.memref_slice %arg5[%add3A_566] : memref<12800000xf32, #tpu.memory_space<hbm>> -> memref<800xf32, #tpu.memory_space<hbm>>
          %dma_wait3A_578 = tpu.memref_slice %arg5[%add3A_566] : memref<12800000xf32, #tpu.memory_space<hbm>> -> memref<800xf32, #tpu.memory_space<hbm>>
          %dma_wait3A_579 = arith.constant 0 : i32
          %dma_wait3A_580 = tpu.memref_slice %arg18[%dma_wait3A_573, %dma_wait3A_579] : memref<4x800xf32, #tpu.memory_space<vmem>> -> memref<1x800xf32, #tpu.memory_space<vmem>>
          %dma_wait3A_581 = tpu.memref_squeeze %dma_wait3A_580 : memref<1x800xf32, #tpu.memory_space<vmem>> -> memref<800xf32, #tpu.memory_space<vmem>>
          tpu.wait_dma2 semaphore(%arg26 : memref<!tpu.dma_semaphore, #tpu.memory_space<semaphore_mem>>) src(%dma_wait3A_581 : memref<800xf32, #tpu.memory_space<vmem>>) dst(%dma_wait3A_578 : memref<800xf32, #tpu.memory_space<hbm>>)
          %dma_wait3A_582 = arith.constant 1 : i32
          %dma_wait3A_583 = arith.constant 0 : i32
          %dma_wait3A_584 = tpu.memref_slice %arg18[%dma_wait3A_582, %dma_wait3A_583] : memref<4x800xf32, #tpu.memory_space<vmem>> -> memref<1x800xf32, #tpu.memory_space<vmem>>
          %dma_wait3A_585 = tpu.memref_squeeze %dma_wait3A_584 : memref<1x800xf32, #tpu.memory_space<vmem>> -> memref<800xf32, #tpu.memory_space<vmem>>
          %dma_wait3A_586 = tpu.memref_slice %arg5[%add3A_568] : memref<12800000xf32, #tpu.memory_space<hbm>> -> memref<800xf32, #tpu.memory_space<hbm>>
          %dma_wait3A_587 = tpu.memref_slice %arg5[%add3A_568] : memref<12800000xf32, #tpu.memory_space<hbm>> -> memref<800xf32, #tpu.memory_space<hbm>>
          %dma_wait3A_588 = arith.constant 0 : i32
          %dma_wait3A_589 = tpu.memref_slice %arg18[%dma_wait3A_582, %dma_wait3A_588] : memref<4x800xf32, #tpu.memory_space<vmem>> -> memref<1x800xf32, #tpu.memory_space<vmem>>
          %dma_wait3A_590 = tpu.memref_squeeze %dma_wait3A_589 : memref<1x800xf32, #tpu.memory_space<vmem>> -> memref<800xf32, #tpu.memory_space<vmem>>
          tpu.wait_dma2 semaphore(%arg26 : memref<!tpu.dma_semaphore, #tpu.memory_space<semaphore_mem>>) src(%dma_wait3A_590 : memref<800xf32, #tpu.memory_space<vmem>>) dst(%dma_wait3A_587 : memref<800xf32, #tpu.memory_space<hbm>>)
          %dma_wait3A_591 = arith.constant 2 : i32
          %dma_wait3A_592 = arith.constant 0 : i32
          %dma_wait3A_593 = tpu.memref_slice %arg18[%dma_wait3A_591, %dma_wait3A_592] : memref<4x800xf32, #tpu.memory_space<vmem>> -> memref<1x800xf32, #tpu.memory_space<vmem>>
          %dma_wait3A_594 = tpu.memref_squeeze %dma_wait3A_593 : memref<1x800xf32, #tpu.memory_space<vmem>> -> memref<800xf32, #tpu.memory_space<vmem>>
          %dma_wait3A_595 = tpu.memref_slice %arg5[%add3A_570] : memref<12800000xf32, #tpu.memory_space<hbm>> -> memref<800xf32, #tpu.memory_space<hbm>>
          %dma_wait3A_596 = tpu.memref_slice %arg5[%add3A_570] : memref<12800000xf32, #tpu.memory_space<hbm>> -> memref<800xf32, #tpu.memory_space<hbm>>
          %dma_wait3A_597 = arith.constant 0 : i32
          %dma_wait3A_598 = tpu.memref_slice %arg18[%dma_wait3A_591, %dma_wait3A_597] : memref<4x800xf32, #tpu.memory_space<vmem>> -> memref<1x800xf32, #tpu.memory_space<vmem>>
          %dma_wait3A_599 = tpu.memref_squeeze %dma_wait3A_598 : memref<1x800xf32, #tpu.memory_space<vmem>> -> memref<800xf32, #tpu.memory_space<vmem>>
          tpu.wait_dma2 semaphore(%arg26 : memref<!tpu.dma_semaphore, #tpu.memory_space<semaphore_mem>>) src(%dma_wait3A_599 : memref<800xf32, #tpu.memory_space<vmem>>) dst(%dma_wait3A_596 : memref<800xf32, #tpu.memory_space<hbm>>)
          %dma_wait3A_600 = arith.constant 3 : i32
          %dma_wait3A_601 = arith.constant 0 : i32
          %dma_wait3A_602 = tpu.memref_slice %arg18[%dma_wait3A_600, %dma_wait3A_601] : memref<4x800xf32, #tpu.memory_space<vmem>> -> memref<1x800xf32, #tpu.memory_space<vmem>>
          %dma_wait3A_603 = tpu.memref_squeeze %dma_wait3A_602 : memref<1x800xf32, #tpu.memory_space<vmem>> -> memref<800xf32, #tpu.memory_space<vmem>>
          %dma_wait3A_604 = tpu.memref_slice %arg5[%add3A_572] : memref<12800000xf32, #tpu.memory_space<hbm>> -> memref<800xf32, #tpu.memory_space<hbm>>
          %dma_wait3A_605 = tpu.memref_slice %arg5[%add3A_572] : memref<12800000xf32, #tpu.memory_space<hbm>> -> memref<800xf32, #tpu.memory_space<hbm>>
          %dma_wait3A_606 = arith.constant 0 : i32
          %dma_wait3A_607 = tpu.memref_slice %arg18[%dma_wait3A_600, %dma_wait3A_606] : memref<4x800xf32, #tpu.memory_space<vmem>> -> memref<1x800xf32, #tpu.memory_space<vmem>>
          %dma_wait3A_608 = tpu.memref_squeeze %dma_wait3A_607 : memref<1x800xf32, #tpu.memory_space<vmem>> -> memref<800xf32, #tpu.memory_space<vmem>>
          tpu.wait_dma2 semaphore(%arg26 : memref<!tpu.dma_semaphore, #tpu.memory_space<semaphore_mem>>) src(%dma_wait3A_608 : memref<800xf32, #tpu.memory_space<vmem>>) dst(%dma_wait3A_605 : memref<800xf32, #tpu.memory_space<hbm>>)
        } else {
        }
        %scan3A_504 = arith.constant 0 : i32
        %scan3A_505 = arith.constant 0 : i32
        %scan3A_506 = arith.constant 50 : i32
        %scan3A_507 = arith.addi %scan3A_505, %scan3A_506 : i32
        %scan3A_508 = arith.constant 1 : i32
        scf.for %scan3A_559 = %scan3A_505 to %scan3A_507 step %scan3A_508  : i32 {
          %mul3A_560 = arith.constant 16 : i32
          %mul3A_561 = arith.muli %scan3A_559, %mul3A_560 : i32
          %iota3A = tpu.iota {dimensions = array<i32: 0>} : vector<16xi32>
          %add3A_562 = vector.broadcast %mul3A_561 : i32 to vector<16xi32>
          %add3A_563 = arith.addi %add3A_562, %iota3A : vector<16xi32>
          %get3A = arith.index_cast %mul3A_561 : i32 to index
          %get3A_564 = tpu.vector_load %arg6[%get3A] {strides = array<i32>} : memref<800xi32, #tpu.memory_space<vmem>>, vector<16xi32>,
          %and3A = arith.constant 15 : i32
          %and3A_565 = vector.broadcast %and3A : i32 to vector<16xi32>
          %and3A_566 = arith.andi %get3A_564, %and3A_565 : vector<16xi32>
          %get3A_567 = arith.index_cast %mul3A_561 : i32 to index
          %get3A_568 = tpu.vector_load %arg10[%get3A_567] {strides = array<i32>} : memref<800xi32, #tpu.memory_space<vmem>>, vector<16xi32>,
          %and3A_569 = arith.constant 15 : i32
          %and3A_570 = vector.broadcast %and3A_569 : i32 to vector<16xi32>
          %and3A_571 = arith.andi %get3A_568, %and3A_570 : vector<16xi32>
          %add3A_572 = arith.constant 0 : i32
          %add3A_573 = vector.broadcast %add3A_572 : i32 to vector<16xi32>
          %add3A_574 = arith.addi %and3A_566, %add3A_573 : vector<16xi32>
          %and3A_575 = arith.constant 15 : i32
          %and3A_576 = vector.broadcast %and3A_575 : i32 to vector<16xi32>
          %and3A_577 = arith.andi %add3A_574, %and3A_576 : vector<16xi32>
          %gather3A = tpu.vector_load_idx %arg14[%add3A_563, %and3A_577] : memref<800x16xf32, #tpu.memory_space<vmem>>[vector<16xi32>, vector<16xi32>], vector<16xf32>,
          %add3A_578 = arith.constant 0 : i32
          %add3A_579 = vector.broadcast %add3A_578 : i32 to vector<16xi32>
          %add3A_580 = arith.addi %and3A_571, %add3A_579 : vector<16xi32>
          %and3A_581 = arith.constant 15 : i32
          %and3A_582 = vector.broadcast %and3A_581 : i32 to vector<16xi32>
          %and3A_583 = arith.andi %add3A_580, %and3A_582 : vector<16xi32>
          %gather3A_584 = tpu.vector_load_idx %arg16[%add3A_563, %and3A_583] : memref<800x16xf32, #tpu.memory_space<vmem>>[vector<16xi32>, vector<16xi32>], vector<16xf32>,
          %sub3A = arith.subf %gather3A, %gather3A_584 : vector<16xf32>
          %add3A_585 = arith.constant 1 : i32
          %add3A_586 = vector.broadcast %add3A_585 : i32 to vector<16xi32>
          %add3A_587 = arith.addi %and3A_566, %add3A_586 : vector<16xi32>
          %and3A_588 = arith.constant 15 : i32
          %and3A_589 = vector.broadcast %and3A_588 : i32 to vector<16xi32>
          %and3A_590 = arith.andi %add3A_587, %and3A_589 : vector<16xi32>
          %gather3A_591 = tpu.vector_load_idx %arg14[%add3A_563, %and3A_590] : memref<800x16xf32, #tpu.memory_space<vmem>>[vector<16xi32>, vector<16xi32>], vector<16xf32>,
          %add3A_592 = arith.constant 1 : i32
          %add3A_593 = vector.broadcast %add3A_592 : i32 to vector<16xi32>
          %add3A_594 = arith.addi %and3A_571, %add3A_593 : vector<16xi32>
          %and3A_595 = arith.constant 15 : i32
          %and3A_596 = vector.broadcast %and3A_595 : i32 to vector<16xi32>
          %and3A_597 = arith.andi %add3A_594, %and3A_596 : vector<16xi32>
          %gather3A_598 = tpu.vector_load_idx %arg16[%add3A_563, %and3A_597] : memref<800x16xf32, #tpu.memory_space<vmem>>[vector<16xi32>, vector<16xi32>], vector<16xf32>,
          %sub3A_599 = arith.subf %gather3A_591, %gather3A_598 : vector<16xf32>
          %add3A_600 = arith.constant 2 : i32
          %add3A_601 = vector.broadcast %add3A_600 : i32 to vector<16xi32>
          %add3A_602 = arith.addi %and3A_566, %add3A_601 : vector<16xi32>
          %and3A_603 = arith.constant 15 : i32
          %and3A_604 = vector.broadcast %and3A_603 : i32 to vector<16xi32>
          %and3A_605 = arith.andi %add3A_602, %and3A_604 : vector<16xi32>
          %gather3A_606 = tpu.vector_load_idx %arg14[%add3A_563, %and3A_605] : memref<800x16xf32, #tpu.memory_space<vmem>>[vector<16xi32>, vector<16xi32>], vector<16xf32>,
          %add3A_607 = arith.constant 2 : i32
          %add3A_608 = vector.broadcast %add3A_607 : i32 to vector<16xi32>
          %add3A_609 = arith.addi %and3A_571, %add3A_608 : vector<16xi32>
          %and3A_610 = arith.constant 15 : i32
          %and3A_611 = vector.broadcast %and3A_610 : i32 to vector<16xi32>
          %and3A_612 = arith.andi %add3A_609, %and3A_611 : vector<16xi32>
          %gather3A_613 = tpu.vector_load_idx %arg16[%add3A_563, %and3A_612] : memref<800x16xf32, #tpu.memory_space<vmem>>[vector<16xi32>, vector<16xi32>], vector<16xf32>,
          %sub3A_614 = arith.subf %gather3A_606, %gather3A_613 : vector<16xf32>
          %add3A_615 = arith.constant 3 : i32
          %add3A_616 = vector.broadcast %add3A_615 : i32 to vector<16xi32>
          %add3A_617 = arith.addi %and3A_566, %add3A_616 : vector<16xi32>
          %and3A_618 = arith.constant 15 : i32
          %and3A_619 = vector.broadcast %and3A_618 : i32 to vector<16xi32>
          %and3A_620 = arith.andi %add3A_617, %and3A_619 : vector<16xi32>
          %gather3A_621 = tpu.vector_load_idx %arg14[%add3A_563, %and3A_620] : memref<800x16xf32, #tpu.memory_space<vmem>>[vector<16xi32>, vector<16xi32>], vector<16xf32>,
          %add3A_622 = arith.constant 3 : i32
          %add3A_623 = vector.broadcast %add3A_622 : i32 to vector<16xi32>
          %add3A_624 = arith.addi %and3A_571, %add3A_623 : vector<16xi32>
          %and3A_625 = arith.constant 15 : i32
          %and3A_626 = vector.broadcast %and3A_625 : i32 to vector<16xi32>
          %and3A_627 = arith.andi %add3A_624, %and3A_626 : vector<16xi32>
          %gather3A_628 = tpu.vector_load_idx %arg16[%add3A_563, %and3A_627] : memref<800x16xf32, #tpu.memory_space<vmem>>[vector<16xi32>, vector<16xi32>], vector<16xf32>,
          %add3A_629 = arith.addf %gather3A_621, %gather3A_628 : vector<16xf32>
          %mul3A_630 = arith.mulf %add3A_629, %sub3A : vector<16xf32>
          %add3A_631 = arith.constant 4 : i32
          %add3A_632 = vector.broadcast %add3A_631 : i32 to vector<16xi32>
          %add3A_633 = arith.addi %and3A_566, %add3A_632 : vector<16xi32>
          %and3A_634 = arith.constant 15 : i32
          %and3A_635 = vector.broadcast %and3A_634 : i32 to vector<16xi32>
          %and3A_636 = arith.andi %add3A_633, %and3A_635 : vector<16xi32>
          %gather3A_637 = tpu.vector_load_idx %arg14[%add3A_563, %and3A_636] : memref<800x16xf32, #tpu.memory_space<vmem>>[vector<16xi32>, vector<16xi32>], vector<16xf32>,
          %add3A_638 = arith.constant 4 : i32
          %add3A_639 = vector.broadcast %add3A_638 : i32 to vector<16xi32>
          %add3A_640 = arith.addi %and3A_571, %add3A_639 : vector<16xi32>
          %and3A_641 = arith.constant 15 : i32
          %and3A_642 = vector.broadcast %and3A_641 : i32 to vector<16xi32>
          %and3A_643 = arith.andi %add3A_640, %and3A_642 : vector<16xi32>
          %gather3A_644 = tpu.vector_load_idx %arg16[%add3A_563, %and3A_643] : memref<800x16xf32, #tpu.memory_space<vmem>>[vector<16xi32>, vector<16xi32>], vector<16xf32>,
          %add3A_645 = arith.addf %gather3A_637, %gather3A_644 : vector<16xf32>
          %mul3A_646 = arith.mulf %add3A_645, %sub3A_599 : vector<16xf32>
          %add3A_647 = arith.addf %mul3A_630, %mul3A_646 : vector<16xf32>
          %add3A_648 = arith.constant 5 : i32
          %add3A_649 = vector.broadcast %add3A_648 : i32 to vector<16xi32>
          %add3A_650 = arith.addi %and3A_566, %add3A_649 : vector<16xi32>
          %and3A_651 = arith.constant 15 : i32
          %and3A_652 = vector.broadcast %and3A_651 : i32 to vector<16xi32>
          %and3A_653 = arith.andi %add3A_650, %and3A_652 : vector<16xi32>
          %gather3A_654 = tpu.vector_load_idx %arg14[%add3A_563, %and3A_653] : memref<800x16xf32, #tpu.memory_space<vmem>>[vector<16xi32>, vector<16xi32>], vector<16xf32>,
          %add3A_655 = arith.constant 5 : i32
          %add3A_656 = vector.broadcast %add3A_655 : i32 to vector<16xi32>
          %add3A_657 = arith.addi %and3A_571, %add3A_656 : vector<16xi32>
          %and3A_658 = arith.constant 15 : i32
          %and3A_659 = vector.broadcast %and3A_658 : i32 to vector<16xi32>
          %and3A_660 = arith.andi %add3A_657, %and3A_659 : vector<16xi32>
          %gather3A_661 = tpu.vector_load_idx %arg16[%add3A_563, %and3A_660] : memref<800x16xf32, #tpu.memory_space<vmem>>[vector<16xi32>, vector<16xi32>], vector<16xf32>,
          %add3A_662 = arith.addf %gather3A_654, %gather3A_661 : vector<16xf32>
          %mul3A_663 = arith.mulf %add3A_662, %sub3A_614 : vector<16xf32>
          %add3A_664 = arith.addf %add3A_647, %mul3A_663 : vector<16xf32>
          %mul3A_665 = arith.constant 5.000000e-01 : f32
          %mul3A_666 = vector.broadcast %mul3A_665 : f32 to vector<16xf32>
          %mul3A_667 = arith.mulf %add3A_664, %mul3A_666 : vector<16xf32>
          %swap3A = arith.constant 0 : i32
          %swap3A_668 = arith.index_cast %swap3A : i32 to index
          %swap3A_669 = arith.index_cast %mul3A_561 : i32 to index
          %swap3A_670 = tpu.vector_load %arg18[%swap3A_668, %swap3A_669] {strides = array<i32>} : memref<4x800xf32, #tpu.memory_space<vmem>>, vector<16xf32>,
          tpu.vector_store %arg18[%swap3A_668, %swap3A_669], %mul3A_667 {strides = array<i32>} : memref<4x800xf32, #tpu.memory_space<vmem>>, vector<16xf32>,
          %add3A_671 = arith.constant 6 : i32
          %add3A_672 = vector.broadcast %add3A_671 : i32 to vector<16xi32>
          %add3A_673 = arith.addi %and3A_566, %add3A_672 : vector<16xi32>
          %and3A_674 = arith.constant 15 : i32
          %and3A_675 = vector.broadcast %and3A_674 : i32 to vector<16xi32>
          %and3A_676 = arith.andi %add3A_673, %and3A_675 : vector<16xi32>
          %gather3A_677 = tpu.vector_load_idx %arg14[%add3A_563, %and3A_676] : memref<800x16xf32, #tpu.memory_space<vmem>>[vector<16xi32>, vector<16xi32>], vector<16xf32>,
          %add3A_678 = arith.constant 6 : i32
          %add3A_679 = vector.broadcast %add3A_678 : i32 to vector<16xi32>
          %add3A_680 = arith.addi %and3A_571, %add3A_679 : vector<16xi32>
          %and3A_681 = arith.constant 15 : i32
          %and3A_682 = vector.broadcast %and3A_681 : i32 to vector<16xi32>
          %and3A_683 = arith.andi %add3A_680, %and3A_682 : vector<16xi32>
          %gather3A_684 = tpu.vector_load_idx %arg16[%add3A_563, %and3A_683] : memref<800x16xf32, #tpu.memory_space<vmem>>[vector<16xi32>, vector<16xi32>], vector<16xf32>,
          %add3A_685 = arith.addf %gather3A_677, %gather3A_684 : vector<16xf32>
          %mul3A_686 = arith.mulf %add3A_685, %sub3A : vector<16xf32>
          %add3A_687 = arith.constant 7 : i32
          %add3A_688 = vector.broadcast %add3A_687 : i32 to vector<16xi32>
          %add3A_689 = arith.addi %and3A_566, %add3A_688 : vector<16xi32>
          %and3A_690 = arith.constant 15 : i32
          %and3A_691 = vector.broadcast %and3A_690 : i32 to vector<16xi32>
          %and3A_692 = arith.andi %add3A_689, %and3A_691 : vector<16xi32>
          %gather3A_693 = tpu.vector_load_idx %arg14[%add3A_563, %and3A_692] : memref<800x16xf32, #tpu.memory_space<vmem>>[vector<16xi32>, vector<16xi32>], vector<16xf32>,
          %add3A_694 = arith.constant 7 : i32
          %add3A_695 = vector.broadcast %add3A_694 : i32 to vector<16xi32>
          %add3A_696 = arith.addi %and3A_571, %add3A_695 : vector<16xi32>
          %and3A_697 = arith.constant 15 : i32
          %and3A_698 = vector.broadcast %and3A_697 : i32 to vector<16xi32>
          %and3A_699 = arith.andi %add3A_696, %and3A_698 : vector<16xi32>
          %gather3A_700 = tpu.vector_load_idx %arg16[%add3A_563, %and3A_699] : memref<800x16xf32, #tpu.memory_space<vmem>>[vector<16xi32>, vector<16xi32>], vector<16xf32>,
          %add3A_701 = arith.addf %gather3A_693, %gather3A_700 : vector<16xf32>
          %mul3A_702 = arith.mulf %add3A_701, %sub3A_599 : vector<16xf32>
          %add3A_703 = arith.addf %mul3A_686, %mul3A_702 : vector<16xf32>
          %add3A_704 = arith.constant 8 : i32
          %add3A_705 = vector.broadcast %add3A_704 : i32 to vector<16xi32>
          %add3A_706 = arith.addi %and3A_566, %add3A_705 : vector<16xi32>
          %and3A_707 = arith.constant 15 : i32
          %and3A_708 = vector.broadcast %and3A_707 : i32 to vector<16xi32>
          %and3A_709 = arith.andi %add3A_706, %and3A_708 : vector<16xi32>
          %gather3A_710 = tpu.vector_load_idx %arg14[%add3A_563, %and3A_709] : memref<800x16xf32, #tpu.memory_space<vmem>>[vector<16xi32>, vector<16xi32>], vector<16xf32>,
          %add3A_711 = arith.constant 8 : i32
          %add3A_712 = vector.broadcast %add3A_711 : i32 to vector<16xi32>
          %add3A_713 = arith.addi %and3A_571, %add3A_712 : vector<16xi32>
          %and3A_714 = arith.constant 15 : i32
          %and3A_715 = vector.broadcast %and3A_714 : i32 to vector<16xi32>
          %and3A_716 = arith.andi %add3A_713, %and3A_715 : vector<16xi32>
          %gather3A_717 = tpu.vector_load_idx %arg16[%add3A_563, %and3A_716] : memref<800x16xf32, #tpu.memory_space<vmem>>[vector<16xi32>, vector<16xi32>], vector<16xf32>,
          %add3A_718 = arith.addf %gather3A_710, %gather3A_717 : vector<16xf32>
          %mul3A_719 = arith.mulf %add3A_718, %sub3A_614 : vector<16xf32>
          %add3A_720 = arith.addf %add3A_703, %mul3A_719 : vector<16xf32>
          %mul3A_721 = arith.constant 5.000000e-01 : f32
          %mul3A_722 = vector.broadcast %mul3A_721 : f32 to vector<16xf32>
          %mul3A_723 = arith.mulf %add3A_720, %mul3A_722 : vector<16xf32>
          %swap3A_724 = arith.constant 1 : i32
          %swap3A_725 = arith.index_cast %swap3A_724 : i32 to index
          %swap3A_726 = arith.index_cast %mul3A_561 : i32 to index
          %swap3A_727 = tpu.vector_load %arg18[%swap3A_725, %swap3A_726] {strides = array<i32>} : memref<4x800xf32, #tpu.memory_space<vmem>>, vector<16xf32>,
          tpu.vector_store %arg18[%swap3A_725, %swap3A_726], %mul3A_723 {strides = array<i32>} : memref<4x800xf32, #tpu.memory_space<vmem>>, vector<16xf32>,
          %add3A_728 = arith.constant 9 : i32
          %add3A_729 = vector.broadcast %add3A_728 : i32 to vector<16xi32>
          %add3A_730 = arith.addi %and3A_566, %add3A_729 : vector<16xi32>
          %and3A_731 = arith.constant 15 : i32
          %and3A_732 = vector.broadcast %and3A_731 : i32 to vector<16xi32>
          %and3A_733 = arith.andi %add3A_730, %and3A_732 : vector<16xi32>
          %gather3A_734 = tpu.vector_load_idx %arg14[%add3A_563, %and3A_733] : memref<800x16xf32, #tpu.memory_space<vmem>>[vector<16xi32>, vector<16xi32>], vector<16xf32>,
          %add3A_735 = arith.constant 9 : i32
          %add3A_736 = vector.broadcast %add3A_735 : i32 to vector<16xi32>
          %add3A_737 = arith.addi %and3A_571, %add3A_736 : vector<16xi32>
          %and3A_738 = arith.constant 15 : i32
          %and3A_739 = vector.broadcast %and3A_738 : i32 to vector<16xi32>
          %and3A_740 = arith.andi %add3A_737, %and3A_739 : vector<16xi32>
          %gather3A_741 = tpu.vector_load_idx %arg16[%add3A_563, %and3A_740] : memref<800x16xf32, #tpu.memory_space<vmem>>[vector<16xi32>, vector<16xi32>], vector<16xf32>,
          %add3A_742 = arith.addf %gather3A_734, %gather3A_741 : vector<16xf32>
          %mul3A_743 = arith.mulf %add3A_742, %sub3A : vector<16xf32>
          %add3A_744 = arith.constant 10 : i32
          %add3A_745 = vector.broadcast %add3A_744 : i32 to vector<16xi32>
          %add3A_746 = arith.addi %and3A_566, %add3A_745 : vector<16xi32>
          %and3A_747 = arith.constant 15 : i32
          %and3A_748 = vector.broadcast %and3A_747 : i32 to vector<16xi32>
          %and3A_749 = arith.andi %add3A_746, %and3A_748 : vector<16xi32>
          %gather3A_750 = tpu.vector_load_idx %arg14[%add3A_563, %and3A_749] : memref<800x16xf32, #tpu.memory_space<vmem>>[vector<16xi32>, vector<16xi32>], vector<16xf32>,
          %add3A_751 = arith.constant 10 : i32
          %add3A_752 = vector.broadcast %add3A_751 : i32 to vector<16xi32>
          %add3A_753 = arith.addi %and3A_571, %add3A_752 : vector<16xi32>
          %and3A_754 = arith.constant 15 : i32
          %and3A_755 = vector.broadcast %and3A_754 : i32 to vector<16xi32>
          %and3A_756 = arith.andi %add3A_753, %and3A_755 : vector<16xi32>
          %gather3A_757 = tpu.vector_load_idx %arg16[%add3A_563, %and3A_756] : memref<800x16xf32, #tpu.memory_space<vmem>>[vector<16xi32>, vector<16xi32>], vector<16xf32>,
          %add3A_758 = arith.addf %gather3A_750, %gather3A_757 : vector<16xf32>
          %mul3A_759 = arith.mulf %add3A_758, %sub3A_599 : vector<16xf32>
          %add3A_760 = arith.addf %mul3A_743, %mul3A_759 : vector<16xf32>
          %add3A_761 = arith.constant 11 : i32
          %add3A_762 = vector.broadcast %add3A_761 : i32 to vector<16xi32>
          %add3A_763 = arith.addi %and3A_566, %add3A_762 : vector<16xi32>
          %and3A_764 = arith.constant 15 : i32
          %and3A_765 = vector.broadcast %and3A_764 : i32 to vector<16xi32>
          %and3A_766 = arith.andi %add3A_763, %and3A_765 : vector<16xi32>
          %gather3A_767 = tpu.vector_load_idx %arg14[%add3A_563, %and3A_766] : memref<800x16xf32, #tpu.memory_space<vmem>>[vector<16xi32>, vector<16xi32>], vector<16xf32>,
          %add3A_768 = arith.constant 11 : i32
          %add3A_769 = vector.broadcast %add3A_768 : i32 to vector<16xi32>
          %add3A_770 = arith.addi %and3A_571, %add3A_769 : vector<16xi32>
          %and3A_771 = arith.constant 15 : i32
          %and3A_772 = vector.broadcast %and3A_771 : i32 to vector<16xi32>
          %and3A_773 = arith.andi %add3A_770, %and3A_772 : vector<16xi32>
          %gather3A_774 = tpu.vector_load_idx %arg16[%add3A_563, %and3A_773] : memref<800x16xf32, #tpu.memory_space<vmem>>[vector<16xi32>, vector<16xi32>], vector<16xf32>,
          %add3A_775 = arith.addf %gather3A_767, %gather3A_774 : vector<16xf32>
          %mul3A_776 = arith.mulf %add3A_775, %sub3A_614 : vector<16xf32>
          %add3A_777 = arith.addf %add3A_760, %mul3A_776 : vector<16xf32>
          %mul3A_778 = arith.constant 5.000000e-01 : f32
          %mul3A_779 = vector.broadcast %mul3A_778 : f32 to vector<16xf32>
          %mul3A_780 = arith.mulf %add3A_777, %mul3A_779 : vector<16xf32>
          %swap3A_781 = arith.constant 2 : i32
          %swap3A_782 = arith.index_cast %swap3A_781 : i32 to index
          %swap3A_783 = arith.index_cast %mul3A_561 : i32 to index
          %swap3A_784 = tpu.vector_load %arg18[%swap3A_782, %swap3A_783] {strides = array<i32>} : memref<4x800xf32, #tpu.memory_space<vmem>>, vector<16xf32>,
          tpu.vector_store %arg18[%swap3A_782, %swap3A_783], %mul3A_780 {strides = array<i32>} : memref<4x800xf32, #tpu.memory_space<vmem>>, vector<16xf32>,
          %add3A_785 = arith.constant 12 : i32
          %add3A_786 = vector.broadcast %add3A_785 : i32 to vector<16xi32>
          %add3A_787 = arith.addi %and3A_566, %add3A_786 : vector<16xi32>
          %and3A_788 = arith.constant 15 : i32
          %and3A_789 = vector.broadcast %and3A_788 : i32 to vector<16xi32>
          %and3A_790 = arith.andi %add3A_787, %and3A_789 : vector<16xi32>
          %gather3A_791 = tpu.vector_load_idx %arg14[%add3A_563, %and3A_790] : memref<800x16xf32, #tpu.memory_space<vmem>>[vector<16xi32>, vector<16xi32>], vector<16xf32>,
          %add3A_792 = arith.constant 12 : i32
          %add3A_793 = vector.broadcast %add3A_792 : i32 to vector<16xi32>
          %add3A_794 = arith.addi %and3A_571, %add3A_793 : vector<16xi32>
          %and3A_795 = arith.constant 15 : i32
          %and3A_796 = vector.broadcast %and3A_795 : i32 to vector<16xi32>
          %and3A_797 = arith.andi %add3A_794, %and3A_796 : vector<16xi32>
          %gather3A_798 = tpu.vector_load_idx %arg16[%add3A_563, %and3A_797] : memref<800x16xf32, #tpu.memory_space<vmem>>[vector<16xi32>, vector<16xi32>], vector<16xf32>,
          %add3A_799 = arith.addf %gather3A_791, %gather3A_798 : vector<16xf32>
          %mul3A_800 = arith.mulf %add3A_799, %sub3A : vector<16xf32>
          %add3A_801 = arith.constant 13 : i32
          %add3A_802 = vector.broadcast %add3A_801 : i32 to vector<16xi32>
          %add3A_803 = arith.addi %and3A_566, %add3A_802 : vector<16xi32>
          %and3A_804 = arith.constant 15 : i32
          %and3A_805 = vector.broadcast %and3A_804 : i32 to vector<16xi32>
          %and3A_806 = arith.andi %add3A_803, %and3A_805 : vector<16xi32>
          %gather3A_807 = tpu.vector_load_idx %arg14[%add3A_563, %and3A_806] : memref<800x16xf32, #tpu.memory_space<vmem>>[vector<16xi32>, vector<16xi32>], vector<16xf32>,
          %add3A_808 = arith.constant 13 : i32
          %add3A_809 = vector.broadcast %add3A_808 : i32 to vector<16xi32>
          %add3A_810 = arith.addi %and3A_571, %add3A_809 : vector<16xi32>
          %and3A_811 = arith.constant 15 : i32
          %and3A_812 = vector.broadcast %and3A_811 : i32 to vector<16xi32>
          %and3A_813 = arith.andi %add3A_810, %and3A_812 : vector<16xi32>
          %gather3A_814 = tpu.vector_load_idx %arg16[%add3A_563, %and3A_813] : memref<800x16xf32, #tpu.memory_space<vmem>>[vector<16xi32>, vector<16xi32>], vector<16xf32>,
          %add3A_815 = arith.addf %gather3A_807, %gather3A_814 : vector<16xf32>
          %mul3A_816 = arith.mulf %add3A_815, %sub3A_599 : vector<16xf32>
          %add3A_817 = arith.addf %mul3A_800, %mul3A_816 : vector<16xf32>
          %add3A_818 = arith.constant 14 : i32
          %add3A_819 = vector.broadcast %add3A_818 : i32 to vector<16xi32>
          %add3A_820 = arith.addi %and3A_566, %add3A_819 : vector<16xi32>
          %and3A_821 = arith.constant 15 : i32
          %and3A_822 = vector.broadcast %and3A_821 : i32 to vector<16xi32>
          %and3A_823 = arith.andi %add3A_820, %and3A_822 : vector<16xi32>
          %gather3A_824 = tpu.vector_load_idx %arg14[%add3A_563, %and3A_823] : memref<800x16xf32, #tpu.memory_space<vmem>>[vector<16xi32>, vector<16xi32>], vector<16xf32>,
          %add3A_825 = arith.constant 14 : i32
          %add3A_826 = vector.broadcast %add3A_825 : i32 to vector<16xi32>
          %add3A_827 = arith.addi %and3A_571, %add3A_826 : vector<16xi32>
          %and3A_828 = arith.constant 15 : i32
          %and3A_829 = vector.broadcast %and3A_828 : i32 to vector<16xi32>
          %and3A_830 = arith.andi %add3A_827, %and3A_829 : vector<16xi32>
          %gather3A_831 = tpu.vector_load_idx %arg16[%add3A_563, %and3A_830] : memref<800x16xf32, #tpu.memory_space<vmem>>[vector<16xi32>, vector<16xi32>], vector<16xf32>,
          %add3A_832 = arith.addf %gather3A_824, %gather3A_831 : vector<16xf32>
          %mul3A_833 = arith.mulf %add3A_832, %sub3A_614 : vector<16xf32>
          %add3A_834 = arith.addf %add3A_817, %mul3A_833 : vector<16xf32>
          %mul3A_835 = arith.constant 5.000000e-01 : f32
          %mul3A_836 = vector.broadcast %mul3A_835 : f32 to vector<16xf32>
          %mul3A_837 = arith.mulf %add3A_834, %mul3A_836 : vector<16xf32>
          %swap3A_838 = arith.constant 3 : i32
          %swap3A_839 = arith.index_cast %swap3A_838 : i32 to index
          %swap3A_840 = arith.index_cast %mul3A_561 : i32 to index
          %swap3A_841 = tpu.vector_load %arg18[%swap3A_839, %swap3A_840] {strides = array<i32>} : memref<4x800xf32, #tpu.memory_space<vmem>>, vector<16xf32>,
          tpu.vector_store %arg18[%swap3A_839, %swap3A_840], %mul3A_837 {strides = array<i32>} : memref<4x800xf32, #tpu.memory_space<vmem>>, vector<16xf32>,
        }
        %scan3A_509 = arith.constant 50 : i32
        %mul3A_510 = arith.constant 32 : i32
        %mul3A_511 = arith.muli %add3A_296, %mul3A_510 : i32
        %add3A_512 = arith.addi %mul3A_511, %add3A : i32
        %mul3A_513 = arith.constant 800 : i32
        %mul3A_514 = arith.muli %add3A_512, %mul3A_513 : i32
        %add3A_515 = arith.constant 0 : i32
        %add3A_516 = arith.addi %add3A_515, %mul3A_514 : i32
        %add3A_517 = arith.constant 3200000 : i32
        %add3A_518 = arith.addi %add3A_517, %mul3A_514 : i32
        %add3A_519 = arith.constant 6400000 : i32
        %add3A_520 = arith.addi %add3A_519, %mul3A_514 : i32
        %add3A_521 = arith.constant 9600000 : i32
        %add3A_522 = arith.addi %add3A_521, %mul3A_514 : i32
        %dma_start3A_523 = arith.constant 0 : i32
        %dma_start3A_524 = arith.constant 0 : i32
        %dma_start3A_525 = tpu.memref_slice %arg18[%dma_start3A_523, %dma_start3A_524] : memref<4x800xf32, #tpu.memory_space<vmem>> -> memref<1x800xf32, #tpu.memory_space<vmem>>
        %dma_start3A_526 = tpu.memref_squeeze %dma_start3A_525 : memref<1x800xf32, #tpu.memory_space<vmem>> -> memref<800xf32, #tpu.memory_space<vmem>>
        %dma_start3A_527 = tpu.memref_slice %arg5[%add3A_516] : memref<12800000xf32, #tpu.memory_space<hbm>> -> memref<800xf32, #tpu.memory_space<hbm>>
        %dma_start3A_528 = tpu.memref_slice %arg5[%add3A_516] : memref<12800000xf32, #tpu.memory_space<hbm>> -> memref<800xf32, #tpu.memory_space<hbm>>
        %dma_start3A_529 = arith.constant 0 : i32
        %dma_start3A_530 = tpu.memref_slice %arg18[%dma_start3A_523, %dma_start3A_529] : memref<4x800xf32, #tpu.memory_space<vmem>> -> memref<1x800xf32, #tpu.memory_space<vmem>>
        %dma_start3A_531 = tpu.memref_squeeze %dma_start3A_530 : memref<1x800xf32, #tpu.memory_space<vmem>> -> memref<800xf32, #tpu.memory_space<vmem>>
        tpu.enqueue_dma source(%dma_start3A_531 : memref<800xf32, #tpu.memory_space<vmem>>) target(%dma_start3A_528 : memref<800xf32, #tpu.memory_space<hbm>>) target_semaphore(%arg26 : memref<!tpu.dma_semaphore, #tpu.memory_space<semaphore_mem>>)
        %dma_start3A_532 = arith.constant 1 : i32
        %dma_start3A_533 = arith.constant 0 : i32
        %dma_start3A_534 = tpu.memref_slice %arg18[%dma_start3A_532, %dma_start3A_533] : memref<4x800xf32, #tpu.memory_space<vmem>> -> memref<1x800xf32, #tpu.memory_space<vmem>>
        %dma_start3A_535 = tpu.memref_squeeze %dma_start3A_534 : memref<1x800xf32, #tpu.memory_space<vmem>> -> memref<800xf32, #tpu.memory_space<vmem>>
        %dma_start3A_536 = tpu.memref_slice %arg5[%add3A_518] : memref<12800000xf32, #tpu.memory_space<hbm>> -> memref<800xf32, #tpu.memory_space<hbm>>
        %dma_start3A_537 = tpu.memref_slice %arg5[%add3A_518] : memref<12800000xf32, #tpu.memory_space<hbm>> -> memref<800xf32, #tpu.memory_space<hbm>>
        %dma_start3A_538 = arith.constant 0 : i32
        %dma_start3A_539 = tpu.memref_slice %arg18[%dma_start3A_532, %dma_start3A_538] : memref<4x800xf32, #tpu.memory_space<vmem>> -> memref<1x800xf32, #tpu.memory_space<vmem>>
        %dma_start3A_540 = tpu.memref_squeeze %dma_start3A_539 : memref<1x800xf32, #tpu.memory_space<vmem>> -> memref<800xf32, #tpu.memory_space<vmem>>
        tpu.enqueue_dma source(%dma_start3A_540 : memref<800xf32, #tpu.memory_space<vmem>>) target(%dma_start3A_537 : memref<800xf32, #tpu.memory_space<hbm>>) target_semaphore(%arg26 : memref<!tpu.dma_semaphore, #tpu.memory_space<semaphore_mem>>)
        %dma_start3A_541 = arith.constant 2 : i32
        %dma_start3A_542 = arith.constant 0 : i32
        %dma_start3A_543 = tpu.memref_slice %arg18[%dma_start3A_541, %dma_start3A_542] : memref<4x800xf32, #tpu.memory_space<vmem>> -> memref<1x800xf32, #tpu.memory_space<vmem>>
        %dma_start3A_544 = tpu.memref_squeeze %dma_start3A_543 : memref<1x800xf32, #tpu.memory_space<vmem>> -> memref<800xf32, #tpu.memory_space<vmem>>
        %dma_start3A_545 = tpu.memref_slice %arg5[%add3A_520] : memref<12800000xf32, #tpu.memory_space<hbm>> -> memref<800xf32, #tpu.memory_space<hbm>>
        %dma_start3A_546 = tpu.memref_slice %arg5[%add3A_520] : memref<12800000xf32, #tpu.memory_space<hbm>> -> memref<800xf32, #tpu.memory_space<hbm>>
        %dma_start3A_547 = arith.constant 0 : i32
        %dma_start3A_548 = tpu.memref_slice %arg18[%dma_start3A_541, %dma_start3A_547] : memref<4x800xf32, #tpu.memory_space<vmem>> -> memref<1x800xf32, #tpu.memory_space<vmem>>
        %dma_start3A_549 = tpu.memref_squeeze %dma_start3A_548 : memref<1x800xf32, #tpu.memory_space<vmem>> -> memref<800xf32, #tpu.memory_space<vmem>>
        tpu.enqueue_dma source(%dma_start3A_549 : memref<800xf32, #tpu.memory_space<vmem>>) target(%dma_start3A_546 : memref<800xf32, #tpu.memory_space<hbm>>) target_semaphore(%arg26 : memref<!tpu.dma_semaphore, #tpu.memory_space<semaphore_mem>>)
        %dma_start3A_550 = arith.constant 3 : i32
        %dma_start3A_551 = arith.constant 0 : i32
        %dma_start3A_552 = tpu.memref_slice %arg18[%dma_start3A_550, %dma_start3A_551] : memref<4x800xf32, #tpu.memory_space<vmem>> -> memref<1x800xf32, #tpu.memory_space<vmem>>
        %dma_start3A_553 = tpu.memref_squeeze %dma_start3A_552 : memref<1x800xf32, #tpu.memory_space<vmem>> -> memref<800xf32, #tpu.memory_space<vmem>>
        %dma_start3A_554 = tpu.memref_slice %arg5[%add3A_522] : memref<12800000xf32, #tpu.memory_space<hbm>> -> memref<800xf32, #tpu.memory_space<hbm>>
        %dma_start3A_555 = tpu.memref_slice %arg5[%add3A_522] : memref<12800000xf32, #tpu.memory_space<hbm>> -> memref<800xf32, #tpu.memory_space<hbm>>
        %dma_start3A_556 = arith.constant 0 : i32
        %dma_start3A_557 = tpu.memref_slice %arg18[%dma_start3A_550, %dma_start3A_556] : memref<4x800xf32, #tpu.memory_space<vmem>> -> memref<1x800xf32, #tpu.memory_space<vmem>>
        %dma_start3A_558 = tpu.memref_squeeze %dma_start3A_557 : memref<1x800xf32, #tpu.memory_space<vmem>> -> memref<800xf32, #tpu.memory_space<vmem>>
        tpu.enqueue_dma source(%dma_start3A_558 : memref<800xf32, #tpu.memory_space<vmem>>) target(%dma_start3A_555 : memref<800xf32, #tpu.memory_space<hbm>>) target_semaphore(%arg26 : memref<!tpu.dma_semaphore, #tpu.memory_space<semaphore_mem>>)
      } else {
      }
      %mul3A_299 = arith.constant 4 : i32
      %mul3A_300 = arith.muli %scan3A_292, %mul3A_299 : i32
      %add3A_301 = arith.constant 1 : i32
      %add3A_302 = arith.addi %mul3A_300, %add3A_301 : i32
      %lt3A_303 = arith.constant 125 : i32
      %lt3A_304 = arith.cmpi slt, %add3A_302, %lt3A_303 : i32
      %convert_element_type3A_305 = arith.extui %lt3A_304 : i1 to i32
      %cond3A_306 = arith.constant 0 : i32
      %cond3A_307 = arith.cmpi ne, %convert_element_type3A_305, %cond3A_306 : i32
      scf.if %cond3A_307 {
        %add3A_326 = arith.constant 1 : i32
        %add3A_327 = arith.addi %add3A_302, %add3A_326 : i32
        %lt3A_328 = arith.constant 125 : i32
        %lt3A_329 = arith.cmpi slt, %add3A_327, %lt3A_328 : i32
        %convert_element_type3A_330 = arith.extui %lt3A_329 : i1 to i32
        %cond3A_331 = arith.constant 0 : i32
        %cond3A_332 = arith.cmpi ne, %convert_element_type3A_330, %cond3A_331 : i32
        scf.if %cond3A_332 {
          %add3A_559 = arith.constant 1 : i32
          %add3A_560 = arith.addi %add3A_302, %add3A_559 : i32
          %mul3A_561 = arith.constant 32 : i32
          %mul3A_562 = arith.muli %add3A_560, %mul3A_561 : i32
          %add3A_563 = arith.addi %mul3A_562, %add3A : i32
          %mul3A_564 = arith.constant 800 : i32
          %mul3A_565 = arith.muli %add3A_563, %mul3A_564 : i32
          %dma_wait3A_566 = tpu.memref_slice %arg3[%mul3A_565] : memref<3200000xi32, #tpu.memory_space<hbm>> -> memref<800xi32, #tpu.memory_space<hbm>>
          %dma_wait3A_567 = tpu.memref_slice %arg3[%mul3A_565] : memref<3200000xi32, #tpu.memory_space<hbm>> -> memref<800xi32, #tpu.memory_space<hbm>>
          tpu.wait_dma2 semaphore(%arg22 : memref<!tpu.dma_semaphore, #tpu.memory_space<semaphore_mem>>) src(%dma_wait3A_567 : memref<800xi32, #tpu.memory_space<hbm>>) dst(%arg8 : memref<800xi32, #tpu.memory_space<vmem>>)
          %dma_wait3A_568 = tpu.memref_slice %arg4[%mul3A_565] : memref<3200000xi32, #tpu.memory_space<hbm>> -> memref<800xi32, #tpu.memory_space<hbm>>
          %dma_wait3A_569 = tpu.memref_slice %arg4[%mul3A_565] : memref<3200000xi32, #tpu.memory_space<hbm>> -> memref<800xi32, #tpu.memory_space<hbm>>
          tpu.wait_dma2 semaphore(%arg22 : memref<!tpu.dma_semaphore, #tpu.memory_space<semaphore_mem>>) src(%dma_wait3A_569 : memref<800xi32, #tpu.memory_space<hbm>>) dst(%arg12 : memref<800xi32, #tpu.memory_space<vmem>>)
          %dma_start3A_570 = arith.constant 0 : i32
          %dma_start3A_571 = arith.constant 0 : i32
          %dma_start3A_572 = tpu.memref_slice %arg14[%dma_start3A_570, %dma_start3A_571] : memref<800x16xf32, #tpu.memory_space<vmem>> -> memref<80x16xf32, #tpu.memory_space<vmem>>
          %dma_start3A_573 = arith.constant 0 : i32
          %dma_start3A_574 = tpu.memref_slice %arg8[%dma_start3A_573] : memref<800xi32, #tpu.memory_space<vmem>> -> memref<80xi32, #tpu.memory_space<vmem>>
          %dma_start3A_575 = arith.constant 0 : i32
          %dma_start3A_576 = arith.constant 0 : i32
          %dma_start3A_577 = tpu.memref_slice %arg2[%dma_start3A_575, %dma_start3A_576] : memref<100000x16xf32, #tpu.memory_space<hbm>> -> memref<100000x16xf32, #tpu.memory_space<hbm>>
          tpu.enqueue_indirect_dma source(%dma_start3A_577 : memref<100000x16xf32, #tpu.memory_space<hbm>>) target(%dma_start3A_572 : memref<80x16xf32, #tpu.memory_space<vmem>>) offsets(%dma_start3A_574 : memref<80xi32, #tpu.memory_space<vmem>>) semaphore(%arg24 : memref<!tpu.dma_semaphore, #tpu.memory_space<semaphore_mem>>)
          %dma_start3A_578 = arith.constant 0 : i32
          %dma_start3A_579 = arith.constant 0 : i32
          %dma_start3A_580 = tpu.memref_slice %arg16[%dma_start3A_578, %dma_start3A_579] : memref<800x16xf32, #tpu.memory_space<vmem>> -> memref<80x16xf32, #tpu.memory_space<vmem>>
          %dma_start3A_581 = arith.constant 0 : i32
          %dma_start3A_582 = tpu.memref_slice %arg12[%dma_start3A_581] : memref<800xi32, #tpu.memory_space<vmem>> -> memref<80xi32, #tpu.memory_space<vmem>>
          %dma_start3A_583 = arith.constant 0 : i32
          %dma_start3A_584 = arith.constant 0 : i32
          %dma_start3A_585 = tpu.memref_slice %arg2[%dma_start3A_583, %dma_start3A_584] : memref<100000x16xf32, #tpu.memory_space<hbm>> -> memref<100000x16xf32, #tpu.memory_space<hbm>>
          tpu.enqueue_indirect_dma source(%dma_start3A_585 : memref<100000x16xf32, #tpu.memory_space<hbm>>) target(%dma_start3A_580 : memref<80x16xf32, #tpu.memory_space<vmem>>) offsets(%dma_start3A_582 : memref<80xi32, #tpu.memory_space<vmem>>) semaphore(%arg24 : memref<!tpu.dma_semaphore, #tpu.memory_space<semaphore_mem>>)
          %dma_start3A_586 = arith.constant 80 : i32
          %dma_start3A_587 = arith.constant 0 : i32
          %dma_start3A_588 = tpu.memref_slice %arg14[%dma_start3A_586, %dma_start3A_587] : memref<800x16xf32, #tpu.memory_space<vmem>> -> memref<80x16xf32, #tpu.memory_space<vmem>>
          %dma_start3A_589 = arith.constant 80 : i32
          %dma_start3A_590 = tpu.memref_slice %arg8[%dma_start3A_589] : memref<800xi32, #tpu.memory_space<vmem>> -> memref<80xi32, #tpu.memory_space<vmem>>
          %dma_start3A_591 = arith.constant 0 : i32
          %dma_start3A_592 = arith.constant 0 : i32
          %dma_start3A_593 = tpu.memref_slice %arg2[%dma_start3A_591, %dma_start3A_592] : memref<100000x16xf32, #tpu.memory_space<hbm>> -> memref<100000x16xf32, #tpu.memory_space<hbm>>
          tpu.enqueue_indirect_dma source(%dma_start3A_593 : memref<100000x16xf32, #tpu.memory_space<hbm>>) target(%dma_start3A_588 : memref<80x16xf32, #tpu.memory_space<vmem>>) offsets(%dma_start3A_590 : memref<80xi32, #tpu.memory_space<vmem>>) semaphore(%arg24 : memref<!tpu.dma_semaphore, #tpu.memory_space<semaphore_mem>>)
          %dma_start3A_594 = arith.constant 80 : i32
          %dma_start3A_595 = arith.constant 0 : i32
          %dma_start3A_596 = tpu.memref_slice %arg16[%dma_start3A_594, %dma_start3A_595] : memref<800x16xf32, #tpu.memory_space<vmem>> -> memref<80x16xf32, #tpu.memory_space<vmem>>
          %dma_start3A_597 = arith.constant 80 : i32
          %dma_start3A_598 = tpu.memref_slice %arg12[%dma_start3A_597] : memref<800xi32, #tpu.memory_space<vmem>> -> memref<80xi32, #tpu.memory_space<vmem>>
          %dma_start3A_599 = arith.constant 0 : i32
          %dma_start3A_600 = arith.constant 0 : i32
          %dma_start3A_601 = tpu.memref_slice %arg2[%dma_start3A_599, %dma_start3A_600] : memref<100000x16xf32, #tpu.memory_space<hbm>> -> memref<100000x16xf32, #tpu.memory_space<hbm>>
          tpu.enqueue_indirect_dma source(%dma_start3A_601 : memref<100000x16xf32, #tpu.memory_space<hbm>>) target(%dma_start3A_596 : memref<80x16xf32, #tpu.memory_space<vmem>>) offsets(%dma_start3A_598 : memref<80xi32, #tpu.memory_space<vmem>>) semaphore(%arg24 : memref<!tpu.dma_semaphore, #tpu.memory_space<semaphore_mem>>)
          %dma_start3A_602 = arith.constant 160 : i32
          %dma_start3A_603 = arith.constant 0 : i32
          %dma_start3A_604 = tpu.memref_slice %arg14[%dma_start3A_602, %dma_start3A_603] : memref<800x16xf32, #tpu.memory_space<vmem>> -> memref<80x16xf32, #tpu.memory_space<vmem>>
          %dma_start3A_605 = arith.constant 160 : i32
          %dma_start3A_606 = tpu.memref_slice %arg8[%dma_start3A_605] : memref<800xi32, #tpu.memory_space<vmem>> -> memref<80xi32, #tpu.memory_space<vmem>>
          %dma_start3A_607 = arith.constant 0 : i32
          %dma_start3A_608 = arith.constant 0 : i32
          %dma_start3A_609 = tpu.memref_slice %arg2[%dma_start3A_607, %dma_start3A_608] : memref<100000x16xf32, #tpu.memory_space<hbm>> -> memref<100000x16xf32, #tpu.memory_space<hbm>>
          tpu.enqueue_indirect_dma source(%dma_start3A_609 : memref<100000x16xf32, #tpu.memory_space<hbm>>) target(%dma_start3A_604 : memref<80x16xf32, #tpu.memory_space<vmem>>) offsets(%dma_start3A_606 : memref<80xi32, #tpu.memory_space<vmem>>) semaphore(%arg24 : memref<!tpu.dma_semaphore, #tpu.memory_space<semaphore_mem>>)
          %dma_start3A_610 = arith.constant 160 : i32
          %dma_start3A_611 = arith.constant 0 : i32
          %dma_start3A_612 = tpu.memref_slice %arg16[%dma_start3A_610, %dma_start3A_611] : memref<800x16xf32, #tpu.memory_space<vmem>> -> memref<80x16xf32, #tpu.memory_space<vmem>>
          %dma_start3A_613 = arith.constant 160 : i32
          %dma_start3A_614 = tpu.memref_slice %arg12[%dma_start3A_613] : memref<800xi32, #tpu.memory_space<vmem>> -> memref<80xi32, #tpu.memory_space<vmem>>
          %dma_start3A_615 = arith.constant 0 : i32
          %dma_start3A_616 = arith.constant 0 : i32
          %dma_start3A_617 = tpu.memref_slice %arg2[%dma_start3A_615, %dma_start3A_616] : memref<100000x16xf32, #tpu.memory_space<hbm>> -> memref<100000x16xf32, #tpu.memory_space<hbm>>
          tpu.enqueue_indirect_dma source(%dma_start3A_617 : memref<100000x16xf32, #tpu.memory_space<hbm>>) target(%dma_start3A_612 : memref<80x16xf32, #tpu.memory_space<vmem>>) offsets(%dma_start3A_614 : memref<80xi32, #tpu.memory_space<vmem>>) semaphore(%arg24 : memref<!tpu.dma_semaphore, #tpu.memory_space<semaphore_mem>>)
          %dma_start3A_618 = arith.constant 240 : i32
          %dma_start3A_619 = arith.constant 0 : i32
          %dma_start3A_620 = tpu.memref_slice %arg14[%dma_start3A_618, %dma_start3A_619] : memref<800x16xf32, #tpu.memory_space<vmem>> -> memref<80x16xf32, #tpu.memory_space<vmem>>
          %dma_start3A_621 = arith.constant 240 : i32
          %dma_start3A_622 = tpu.memref_slice %arg8[%dma_start3A_621] : memref<800xi32, #tpu.memory_space<vmem>> -> memref<80xi32, #tpu.memory_space<vmem>>
          %dma_start3A_623 = arith.constant 0 : i32
          %dma_start3A_624 = arith.constant 0 : i32
          %dma_start3A_625 = tpu.memref_slice %arg2[%dma_start3A_623, %dma_start3A_624] : memref<100000x16xf32, #tpu.memory_space<hbm>> -> memref<100000x16xf32, #tpu.memory_space<hbm>>
          tpu.enqueue_indirect_dma source(%dma_start3A_625 : memref<100000x16xf32, #tpu.memory_space<hbm>>) target(%dma_start3A_620 : memref<80x16xf32, #tpu.memory_space<vmem>>) offsets(%dma_start3A_622 : memref<80xi32, #tpu.memory_space<vmem>>) semaphore(%arg24 : memref<!tpu.dma_semaphore, #tpu.memory_space<semaphore_mem>>)
          %dma_start3A_626 = arith.constant 240 : i32
          %dma_start3A_627 = arith.constant 0 : i32
          %dma_start3A_628 = tpu.memref_slice %arg16[%dma_start3A_626, %dma_start3A_627] : memref<800x16xf32, #tpu.memory_space<vmem>> -> memref<80x16xf32, #tpu.memory_space<vmem>>
          %dma_start3A_629 = arith.constant 240 : i32
          %dma_start3A_630 = tpu.memref_slice %arg12[%dma_start3A_629] : memref<800xi32, #tpu.memory_space<vmem>> -> memref<80xi32, #tpu.memory_space<vmem>>
          %dma_start3A_631 = arith.constant 0 : i32
          %dma_start3A_632 = arith.constant 0 : i32
          %dma_start3A_633 = tpu.memref_slice %arg2[%dma_start3A_631, %dma_start3A_632] : memref<100000x16xf32, #tpu.memory_space<hbm>> -> memref<100000x16xf32, #tpu.memory_space<hbm>>
          tpu.enqueue_indirect_dma source(%dma_start3A_633 : memref<100000x16xf32, #tpu.memory_space<hbm>>) target(%dma_start3A_628 : memref<80x16xf32, #tpu.memory_space<vmem>>) offsets(%dma_start3A_630 : memref<80xi32, #tpu.memory_space<vmem>>) semaphore(%arg24 : memref<!tpu.dma_semaphore, #tpu.memory_space<semaphore_mem>>)
          %dma_start3A_634 = arith.constant 320 : i32
          %dma_start3A_635 = arith.constant 0 : i32
          %dma_start3A_636 = tpu.memref_slice %arg14[%dma_start3A_634, %dma_start3A_635] : memref<800x16xf32, #tpu.memory_space<vmem>> -> memref<80x16xf32, #tpu.memory_space<vmem>>
          %dma_start3A_637 = arith.constant 320 : i32
          %dma_start3A_638 = tpu.memref_slice %arg8[%dma_start3A_637] : memref<800xi32, #tpu.memory_space<vmem>> -> memref<80xi32, #tpu.memory_space<vmem>>
          %dma_start3A_639 = arith.constant 0 : i32
          %dma_start3A_640 = arith.constant 0 : i32
          %dma_start3A_641 = tpu.memref_slice %arg2[%dma_start3A_639, %dma_start3A_640] : memref<100000x16xf32, #tpu.memory_space<hbm>> -> memref<100000x16xf32, #tpu.memory_space<hbm>>
          tpu.enqueue_indirect_dma source(%dma_start3A_641 : memref<100000x16xf32, #tpu.memory_space<hbm>>) target(%dma_start3A_636 : memref<80x16xf32, #tpu.memory_space<vmem>>) offsets(%dma_start3A_638 : memref<80xi32, #tpu.memory_space<vmem>>) semaphore(%arg24 : memref<!tpu.dma_semaphore, #tpu.memory_space<semaphore_mem>>)
          %dma_start3A_642 = arith.constant 320 : i32
          %dma_start3A_643 = arith.constant 0 : i32
          %dma_start3A_644 = tpu.memref_slice %arg16[%dma_start3A_642, %dma_start3A_643] : memref<800x16xf32, #tpu.memory_space<vmem>> -> memref<80x16xf32, #tpu.memory_space<vmem>>
          %dma_start3A_645 = arith.constant 320 : i32
          %dma_start3A_646 = tpu.memref_slice %arg12[%dma_start3A_645] : memref<800xi32, #tpu.memory_space<vmem>> -> memref<80xi32, #tpu.memory_space<vmem>>
          %dma_start3A_647 = arith.constant 0 : i32
          %dma_start3A_648 = arith.constant 0 : i32
          %dma_start3A_649 = tpu.memref_slice %arg2[%dma_start3A_647, %dma_start3A_648] : memref<100000x16xf32, #tpu.memory_space<hbm>> -> memref<100000x16xf32, #tpu.memory_space<hbm>>
          tpu.enqueue_indirect_dma source(%dma_start3A_649 : memref<100000x16xf32, #tpu.memory_space<hbm>>) target(%dma_start3A_644 : memref<80x16xf32, #tpu.memory_space<vmem>>) offsets(%dma_start3A_646 : memref<80xi32, #tpu.memory_space<vmem>>) semaphore(%arg24 : memref<!tpu.dma_semaphore, #tpu.memory_space<semaphore_mem>>)
          %dma_start3A_650 = arith.constant 400 : i32
          %dma_start3A_651 = arith.constant 0 : i32
          %dma_start3A_652 = tpu.memref_slice %arg14[%dma_start3A_650, %dma_start3A_651] : memref<800x16xf32, #tpu.memory_space<vmem>> -> memref<80x16xf32, #tpu.memory_space<vmem>>
          %dma_start3A_653 = arith.constant 400 : i32
          %dma_start3A_654 = tpu.memref_slice %arg8[%dma_start3A_653] : memref<800xi32, #tpu.memory_space<vmem>> -> memref<80xi32, #tpu.memory_space<vmem>>
          %dma_start3A_655 = arith.constant 0 : i32
          %dma_start3A_656 = arith.constant 0 : i32
          %dma_start3A_657 = tpu.memref_slice %arg2[%dma_start3A_655, %dma_start3A_656] : memref<100000x16xf32, #tpu.memory_space<hbm>> -> memref<100000x16xf32, #tpu.memory_space<hbm>>
          tpu.enqueue_indirect_dma source(%dma_start3A_657 : memref<100000x16xf32, #tpu.memory_space<hbm>>) target(%dma_start3A_652 : memref<80x16xf32, #tpu.memory_space<vmem>>) offsets(%dma_start3A_654 : memref<80xi32, #tpu.memory_space<vmem>>) semaphore(%arg24 : memref<!tpu.dma_semaphore, #tpu.memory_space<semaphore_mem>>)
          %dma_start3A_658 = arith.constant 400 : i32
          %dma_start3A_659 = arith.constant 0 : i32
          %dma_start3A_660 = tpu.memref_slice %arg16[%dma_start3A_658, %dma_start3A_659] : memref<800x16xf32, #tpu.memory_space<vmem>> -> memref<80x16xf32, #tpu.memory_space<vmem>>
          %dma_start3A_661 = arith.constant 400 : i32
          %dma_start3A_662 = tpu.memref_slice %arg12[%dma_start3A_661] : memref<800xi32, #tpu.memory_space<vmem>> -> memref<80xi32, #tpu.memory_space<vmem>>
          %dma_start3A_663 = arith.constant 0 : i32
          %dma_start3A_664 = arith.constant 0 : i32
          %dma_start3A_665 = tpu.memref_slice %arg2[%dma_start3A_663, %dma_start3A_664] : memref<100000x16xf32, #tpu.memory_space<hbm>> -> memref<100000x16xf32, #tpu.memory_space<hbm>>
          tpu.enqueue_indirect_dma source(%dma_start3A_665 : memref<100000x16xf32, #tpu.memory_space<hbm>>) target(%dma_start3A_660 : memref<80x16xf32, #tpu.memory_space<vmem>>) offsets(%dma_start3A_662 : memref<80xi32, #tpu.memory_space<vmem>>) semaphore(%arg24 : memref<!tpu.dma_semaphore, #tpu.memory_space<semaphore_mem>>)
          %dma_start3A_666 = arith.constant 480 : i32
          %dma_start3A_667 = arith.constant 0 : i32
          %dma_start3A_668 = tpu.memref_slice %arg14[%dma_start3A_666, %dma_start3A_667] : memref<800x16xf32, #tpu.memory_space<vmem>> -> memref<80x16xf32, #tpu.memory_space<vmem>>
          %dma_start3A_669 = arith.constant 480 : i32
          %dma_start3A_670 = tpu.memref_slice %arg8[%dma_start3A_669] : memref<800xi32, #tpu.memory_space<vmem>> -> memref<80xi32, #tpu.memory_space<vmem>>
          %dma_start3A_671 = arith.constant 0 : i32
          %dma_start3A_672 = arith.constant 0 : i32
          %dma_start3A_673 = tpu.memref_slice %arg2[%dma_start3A_671, %dma_start3A_672] : memref<100000x16xf32, #tpu.memory_space<hbm>> -> memref<100000x16xf32, #tpu.memory_space<hbm>>
          tpu.enqueue_indirect_dma source(%dma_start3A_673 : memref<100000x16xf32, #tpu.memory_space<hbm>>) target(%dma_start3A_668 : memref<80x16xf32, #tpu.memory_space<vmem>>) offsets(%dma_start3A_670 : memref<80xi32, #tpu.memory_space<vmem>>) semaphore(%arg24 : memref<!tpu.dma_semaphore, #tpu.memory_space<semaphore_mem>>)
          %dma_start3A_674 = arith.constant 480 : i32
          %dma_start3A_675 = arith.constant 0 : i32
          %dma_start3A_676 = tpu.memref_slice %arg16[%dma_start3A_674, %dma_start3A_675] : memref<800x16xf32, #tpu.memory_space<vmem>> -> memref<80x16xf32, #tpu.memory_space<vmem>>
          %dma_start3A_677 = arith.constant 480 : i32
          %dma_start3A_678 = tpu.memref_slice %arg12[%dma_start3A_677] : memref<800xi32, #tpu.memory_space<vmem>> -> memref<80xi32, #tpu.memory_space<vmem>>
          %dma_start3A_679 = arith.constant 0 : i32
          %dma_start3A_680 = arith.constant 0 : i32
          %dma_start3A_681 = tpu.memref_slice %arg2[%dma_start3A_679, %dma_start3A_680] : memref<100000x16xf32, #tpu.memory_space<hbm>> -> memref<100000x16xf32, #tpu.memory_space<hbm>>
          tpu.enqueue_indirect_dma source(%dma_start3A_681 : memref<100000x16xf32, #tpu.memory_space<hbm>>) target(%dma_start3A_676 : memref<80x16xf32, #tpu.memory_space<vmem>>) offsets(%dma_start3A_678 : memref<80xi32, #tpu.memory_space<vmem>>) semaphore(%arg24 : memref<!tpu.dma_semaphore, #tpu.memory_space<semaphore_mem>>)
          %dma_start3A_682 = arith.constant 560 : i32
          %dma_start3A_683 = arith.constant 0 : i32
          %dma_start3A_684 = tpu.memref_slice %arg14[%dma_start3A_682, %dma_start3A_683] : memref<800x16xf32, #tpu.memory_space<vmem>> -> memref<80x16xf32, #tpu.memory_space<vmem>>
          %dma_start3A_685 = arith.constant 560 : i32
          %dma_start3A_686 = tpu.memref_slice %arg8[%dma_start3A_685] : memref<800xi32, #tpu.memory_space<vmem>> -> memref<80xi32, #tpu.memory_space<vmem>>
          %dma_start3A_687 = arith.constant 0 : i32
          %dma_start3A_688 = arith.constant 0 : i32
          %dma_start3A_689 = tpu.memref_slice %arg2[%dma_start3A_687, %dma_start3A_688] : memref<100000x16xf32, #tpu.memory_space<hbm>> -> memref<100000x16xf32, #tpu.memory_space<hbm>>
          tpu.enqueue_indirect_dma source(%dma_start3A_689 : memref<100000x16xf32, #tpu.memory_space<hbm>>) target(%dma_start3A_684 : memref<80x16xf32, #tpu.memory_space<vmem>>) offsets(%dma_start3A_686 : memref<80xi32, #tpu.memory_space<vmem>>) semaphore(%arg24 : memref<!tpu.dma_semaphore, #tpu.memory_space<semaphore_mem>>)
          %dma_start3A_690 = arith.constant 560 : i32
          %dma_start3A_691 = arith.constant 0 : i32
          %dma_start3A_692 = tpu.memref_slice %arg16[%dma_start3A_690, %dma_start3A_691] : memref<800x16xf32, #tpu.memory_space<vmem>> -> memref<80x16xf32, #tpu.memory_space<vmem>>
          %dma_start3A_693 = arith.constant 560 : i32
          %dma_start3A_694 = tpu.memref_slice %arg12[%dma_start3A_693] : memref<800xi32, #tpu.memory_space<vmem>> -> memref<80xi32, #tpu.memory_space<vmem>>
          %dma_start3A_695 = arith.constant 0 : i32
          %dma_start3A_696 = arith.constant 0 : i32
          %dma_start3A_697 = tpu.memref_slice %arg2[%dma_start3A_695, %dma_start3A_696] : memref<100000x16xf32, #tpu.memory_space<hbm>> -> memref<100000x16xf32, #tpu.memory_space<hbm>>
          tpu.enqueue_indirect_dma source(%dma_start3A_697 : memref<100000x16xf32, #tpu.memory_space<hbm>>) target(%dma_start3A_692 : memref<80x16xf32, #tpu.memory_space<vmem>>) offsets(%dma_start3A_694 : memref<80xi32, #tpu.memory_space<vmem>>) semaphore(%arg24 : memref<!tpu.dma_semaphore, #tpu.memory_space<semaphore_mem>>)
          %dma_start3A_698 = arith.constant 640 : i32
          %dma_start3A_699 = arith.constant 0 : i32
          %dma_start3A_700 = tpu.memref_slice %arg14[%dma_start3A_698, %dma_start3A_699] : memref<800x16xf32, #tpu.memory_space<vmem>> -> memref<80x16xf32, #tpu.memory_space<vmem>>
          %dma_start3A_701 = arith.constant 640 : i32
          %dma_start3A_702 = tpu.memref_slice %arg8[%dma_start3A_701] : memref<800xi32, #tpu.memory_space<vmem>> -> memref<80xi32, #tpu.memory_space<vmem>>
          %dma_start3A_703 = arith.constant 0 : i32
          %dma_start3A_704 = arith.constant 0 : i32
          %dma_start3A_705 = tpu.memref_slice %arg2[%dma_start3A_703, %dma_start3A_704] : memref<100000x16xf32, #tpu.memory_space<hbm>> -> memref<100000x16xf32, #tpu.memory_space<hbm>>
          tpu.enqueue_indirect_dma source(%dma_start3A_705 : memref<100000x16xf32, #tpu.memory_space<hbm>>) target(%dma_start3A_700 : memref<80x16xf32, #tpu.memory_space<vmem>>) offsets(%dma_start3A_702 : memref<80xi32, #tpu.memory_space<vmem>>) semaphore(%arg24 : memref<!tpu.dma_semaphore, #tpu.memory_space<semaphore_mem>>)
          %dma_start3A_706 = arith.constant 640 : i32
          %dma_start3A_707 = arith.constant 0 : i32
          %dma_start3A_708 = tpu.memref_slice %arg16[%dma_start3A_706, %dma_start3A_707] : memref<800x16xf32, #tpu.memory_space<vmem>> -> memref<80x16xf32, #tpu.memory_space<vmem>>
          %dma_start3A_709 = arith.constant 640 : i32
          %dma_start3A_710 = tpu.memref_slice %arg12[%dma_start3A_709] : memref<800xi32, #tpu.memory_space<vmem>> -> memref<80xi32, #tpu.memory_space<vmem>>
          %dma_start3A_711 = arith.constant 0 : i32
          %dma_start3A_712 = arith.constant 0 : i32
          %dma_start3A_713 = tpu.memref_slice %arg2[%dma_start3A_711, %dma_start3A_712] : memref<100000x16xf32, #tpu.memory_space<hbm>> -> memref<100000x16xf32, #tpu.memory_space<hbm>>
          tpu.enqueue_indirect_dma source(%dma_start3A_713 : memref<100000x16xf32, #tpu.memory_space<hbm>>) target(%dma_start3A_708 : memref<80x16xf32, #tpu.memory_space<vmem>>) offsets(%dma_start3A_710 : memref<80xi32, #tpu.memory_space<vmem>>) semaphore(%arg24 : memref<!tpu.dma_semaphore, #tpu.memory_space<semaphore_mem>>)
          %dma_start3A_714 = arith.constant 720 : i32
          %dma_start3A_715 = arith.constant 0 : i32
          %dma_start3A_716 = tpu.memref_slice %arg14[%dma_start3A_714, %dma_start3A_715] : memref<800x16xf32, #tpu.memory_space<vmem>> -> memref<80x16xf32, #tpu.memory_space<vmem>>
          %dma_start3A_717 = arith.constant 720 : i32
          %dma_start3A_718 = tpu.memref_slice %arg8[%dma_start3A_717] : memref<800xi32, #tpu.memory_space<vmem>> -> memref<80xi32, #tpu.memory_space<vmem>>
          %dma_start3A_719 = arith.constant 0 : i32
          %dma_start3A_720 = arith.constant 0 : i32
          %dma_start3A_721 = tpu.memref_slice %arg2[%dma_start3A_719, %dma_start3A_720] : memref<100000x16xf32, #tpu.memory_space<hbm>> -> memref<100000x16xf32, #tpu.memory_space<hbm>>
          tpu.enqueue_indirect_dma source(%dma_start3A_721 : memref<100000x16xf32, #tpu.memory_space<hbm>>) target(%dma_start3A_716 : memref<80x16xf32, #tpu.memory_space<vmem>>) offsets(%dma_start3A_718 : memref<80xi32, #tpu.memory_space<vmem>>) semaphore(%arg24 : memref<!tpu.dma_semaphore, #tpu.memory_space<semaphore_mem>>)
          %dma_start3A_722 = arith.constant 720 : i32
          %dma_start3A_723 = arith.constant 0 : i32
          %dma_start3A_724 = tpu.memref_slice %arg16[%dma_start3A_722, %dma_start3A_723] : memref<800x16xf32, #tpu.memory_space<vmem>> -> memref<80x16xf32, #tpu.memory_space<vmem>>
          %dma_start3A_725 = arith.constant 720 : i32
          %dma_start3A_726 = tpu.memref_slice %arg12[%dma_start3A_725] : memref<800xi32, #tpu.memory_space<vmem>> -> memref<80xi32, #tpu.memory_space<vmem>>
          %dma_start3A_727 = arith.constant 0 : i32
          %dma_start3A_728 = arith.constant 0 : i32
          %dma_start3A_729 = tpu.memref_slice %arg2[%dma_start3A_727, %dma_start3A_728] : memref<100000x16xf32, #tpu.memory_space<hbm>> -> memref<100000x16xf32, #tpu.memory_space<hbm>>
          tpu.enqueue_indirect_dma source(%dma_start3A_729 : memref<100000x16xf32, #tpu.memory_space<hbm>>) target(%dma_start3A_724 : memref<80x16xf32, #tpu.memory_space<vmem>>) offsets(%dma_start3A_726 : memref<80xi32, #tpu.memory_space<vmem>>) semaphore(%arg24 : memref<!tpu.dma_semaphore, #tpu.memory_space<semaphore_mem>>)
        } else {
        }
        %add3A_333 = arith.constant 3 : i32
        %add3A_334 = arith.addi %add3A_302, %add3A_333 : i32
        %lt3A_335 = arith.constant 125 : i32
        %lt3A_336 = arith.cmpi slt, %add3A_334, %lt3A_335 : i32
        %convert_element_type3A_337 = arith.extui %lt3A_336 : i1 to i32
        %cond3A_338 = arith.constant 0 : i32
        %cond3A_339 = arith.cmpi ne, %convert_element_type3A_337, %cond3A_338 : i32
        scf.if %cond3A_339 {
          %add3A_559 = arith.constant 3 : i32
          %add3A_560 = arith.addi %add3A_302, %add3A_559 : i32
          %mul3A_561 = arith.constant 32 : i32
          %mul3A_562 = arith.muli %add3A_560, %mul3A_561 : i32
          %add3A_563 = arith.addi %mul3A_562, %add3A : i32
          %mul3A_564 = arith.constant 800 : i32
          %mul3A_565 = arith.muli %add3A_563, %mul3A_564 : i32
          %dma_start3A_566 = tpu.memref_slice %arg3[%mul3A_565] : memref<3200000xi32, #tpu.memory_space<hbm>> -> memref<800xi32, #tpu.memory_space<hbm>>
          %dma_start3A_567 = tpu.memref_slice %arg3[%mul3A_565] : memref<3200000xi32, #tpu.memory_space<hbm>> -> memref<800xi32, #tpu.memory_space<hbm>>
          tpu.enqueue_dma source(%dma_start3A_567 : memref<800xi32, #tpu.memory_space<hbm>>) target(%arg6 : memref<800xi32, #tpu.memory_space<vmem>>) target_semaphore(%arg20 : memref<!tpu.dma_semaphore, #tpu.memory_space<semaphore_mem>>)
          %dma_start3A_568 = tpu.memref_slice %arg4[%mul3A_565] : memref<3200000xi32, #tpu.memory_space<hbm>> -> memref<800xi32, #tpu.memory_space<hbm>>
          %dma_start3A_569 = tpu.memref_slice %arg4[%mul3A_565] : memref<3200000xi32, #tpu.memory_space<hbm>> -> memref<800xi32, #tpu.memory_space<hbm>>
          tpu.enqueue_dma source(%dma_start3A_569 : memref<800xi32, #tpu.memory_space<hbm>>) target(%arg10 : memref<800xi32, #tpu.memory_space<vmem>>) target_semaphore(%arg20 : memref<!tpu.dma_semaphore, #tpu.memory_space<semaphore_mem>>)
        } else {
        }
        %dma_wait3A_340 = arith.constant 0 : i32
        %dma_wait3A_341 = arith.constant 0 : i32
        %dma_wait3A_342 = tpu.memref_slice %arg15[%dma_wait3A_340, %dma_wait3A_341] : memref<800x16xf32, #tpu.memory_space<vmem>> -> memref<80x16xf32, #tpu.memory_space<vmem>>
        %dma_wait3A_343 = arith.constant 0 : i32
        %dma_wait3A_344 = tpu.memref_slice %arg7[%dma_wait3A_343] : memref<800xi32, #tpu.memory_space<vmem>> -> memref<80xi32, #tpu.memory_space<vmem>>
        %dma_wait3A_345 = arith.constant 0 : i32
        %dma_wait3A_346 = arith.constant 0 : i32
        %dma_wait3A_347 = tpu.memref_slice %arg2[%dma_wait3A_345, %dma_wait3A_346] : memref<100000x16xf32, #tpu.memory_space<hbm>> -> memref<100000x16xf32, #tpu.memory_space<hbm>>
        tpu.wait_indirect_dma semaphore(%arg25 : memref<!tpu.dma_semaphore, #tpu.memory_space<semaphore_mem>>) src(%dma_wait3A_347 : memref<100000x16xf32, #tpu.memory_space<hbm>>) dst(%dma_wait3A_342 : memref<80x16xf32, #tpu.memory_space<vmem>>)
        %dma_wait3A_348 = arith.constant 0 : i32
        %dma_wait3A_349 = arith.constant 0 : i32
        %dma_wait3A_350 = tpu.memref_slice %arg17[%dma_wait3A_348, %dma_wait3A_349] : memref<800x16xf32, #tpu.memory_space<vmem>> -> memref<80x16xf32, #tpu.memory_space<vmem>>
        %dma_wait3A_351 = arith.constant 0 : i32
        %dma_wait3A_352 = tpu.memref_slice %arg11[%dma_wait3A_351] : memref<800xi32, #tpu.memory_space<vmem>> -> memref<80xi32, #tpu.memory_space<vmem>>
        %dma_wait3A_353 = arith.constant 0 : i32
        %dma_wait3A_354 = arith.constant 0 : i32
        %dma_wait3A_355 = tpu.memref_slice %arg2[%dma_wait3A_353, %dma_wait3A_354] : memref<100000x16xf32, #tpu.memory_space<hbm>> -> memref<100000x16xf32, #tpu.memory_space<hbm>>
        tpu.wait_indirect_dma semaphore(%arg25 : memref<!tpu.dma_semaphore, #tpu.memory_space<semaphore_mem>>) src(%dma_wait3A_355 : memref<100000x16xf32, #tpu.memory_space<hbm>>) dst(%dma_wait3A_350 : memref<80x16xf32, #tpu.memory_space<vmem>>)
        %dma_wait3A_356 = arith.constant 80 : i32
        %dma_wait3A_357 = arith.constant 0 : i32
        %dma_wait3A_358 = tpu.memref_slice %arg15[%dma_wait3A_356, %dma_wait3A_357] : memref<800x16xf32, #tpu.memory_space<vmem>> -> memref<80x16xf32, #tpu.memory_space<vmem>>
        %dma_wait3A_359 = arith.constant 80 : i32
        %dma_wait3A_360 = tpu.memref_slice %arg7[%dma_wait3A_359] : memref<800xi32, #tpu.memory_space<vmem>> -> memref<80xi32, #tpu.memory_space<vmem>>
        %dma_wait3A_361 = arith.constant 0 : i32
        %dma_wait3A_362 = arith.constant 0 : i32
        %dma_wait3A_363 = tpu.memref_slice %arg2[%dma_wait3A_361, %dma_wait3A_362] : memref<100000x16xf32, #tpu.memory_space<hbm>> -> memref<100000x16xf32, #tpu.memory_space<hbm>>
        tpu.wait_indirect_dma semaphore(%arg25 : memref<!tpu.dma_semaphore, #tpu.memory_space<semaphore_mem>>) src(%dma_wait3A_363 : memref<100000x16xf32, #tpu.memory_space<hbm>>) dst(%dma_wait3A_358 : memref<80x16xf32, #tpu.memory_space<vmem>>)
        %dma_wait3A_364 = arith.constant 80 : i32
        %dma_wait3A_365 = arith.constant 0 : i32
        %dma_wait3A_366 = tpu.memref_slice %arg17[%dma_wait3A_364, %dma_wait3A_365] : memref<800x16xf32, #tpu.memory_space<vmem>> -> memref<80x16xf32, #tpu.memory_space<vmem>>
        %dma_wait3A_367 = arith.constant 80 : i32
        %dma_wait3A_368 = tpu.memref_slice %arg11[%dma_wait3A_367] : memref<800xi32, #tpu.memory_space<vmem>> -> memref<80xi32, #tpu.memory_space<vmem>>
        %dma_wait3A_369 = arith.constant 0 : i32
        %dma_wait3A_370 = arith.constant 0 : i32
        %dma_wait3A_371 = tpu.memref_slice %arg2[%dma_wait3A_369, %dma_wait3A_370] : memref<100000x16xf32, #tpu.memory_space<hbm>> -> memref<100000x16xf32, #tpu.memory_space<hbm>>
        tpu.wait_indirect_dma semaphore(%arg25 : memref<!tpu.dma_semaphore, #tpu.memory_space<semaphore_mem>>) src(%dma_wait3A_371 : memref<100000x16xf32, #tpu.memory_space<hbm>>) dst(%dma_wait3A_366 : memref<80x16xf32, #tpu.memory_space<vmem>>)
        %dma_wait3A_372 = arith.constant 160 : i32
        %dma_wait3A_373 = arith.constant 0 : i32
        %dma_wait3A_374 = tpu.memref_slice %arg15[%dma_wait3A_372, %dma_wait3A_373] : memref<800x16xf32, #tpu.memory_space<vmem>> -> memref<80x16xf32, #tpu.memory_space<vmem>>
        %dma_wait3A_375 = arith.constant 160 : i32
        %dma_wait3A_376 = tpu.memref_slice %arg7[%dma_wait3A_375] : memref<800xi32, #tpu.memory_space<vmem>> -> memref<80xi32, #tpu.memory_space<vmem>>
        %dma_wait3A_377 = arith.constant 0 : i32
        %dma_wait3A_378 = arith.constant 0 : i32
        %dma_wait3A_379 = tpu.memref_slice %arg2[%dma_wait3A_377, %dma_wait3A_378] : memref<100000x16xf32, #tpu.memory_space<hbm>> -> memref<100000x16xf32, #tpu.memory_space<hbm>>
        tpu.wait_indirect_dma semaphore(%arg25 : memref<!tpu.dma_semaphore, #tpu.memory_space<semaphore_mem>>) src(%dma_wait3A_379 : memref<100000x16xf32, #tpu.memory_space<hbm>>) dst(%dma_wait3A_374 : memref<80x16xf32, #tpu.memory_space<vmem>>)
        %dma_wait3A_380 = arith.constant 160 : i32
        %dma_wait3A_381 = arith.constant 0 : i32
        %dma_wait3A_382 = tpu.memref_slice %arg17[%dma_wait3A_380, %dma_wait3A_381] : memref<800x16xf32, #tpu.memory_space<vmem>> -> memref<80x16xf32, #tpu.memory_space<vmem>>
        %dma_wait3A_383 = arith.constant 160 : i32
        %dma_wait3A_384 = tpu.memref_slice %arg11[%dma_wait3A_383] : memref<800xi32, #tpu.memory_space<vmem>> -> memref<80xi32, #tpu.memory_space<vmem>>
        %dma_wait3A_385 = arith.constant 0 : i32
        %dma_wait3A_386 = arith.constant 0 : i32
        %dma_wait3A_387 = tpu.memref_slice %arg2[%dma_wait3A_385, %dma_wait3A_386] : memref<100000x16xf32, #tpu.memory_space<hbm>> -> memref<100000x16xf32, #tpu.memory_space<hbm>>
        tpu.wait_indirect_dma semaphore(%arg25 : memref<!tpu.dma_semaphore, #tpu.memory_space<semaphore_mem>>) src(%dma_wait3A_387 : memref<100000x16xf32, #tpu.memory_space<hbm>>) dst(%dma_wait3A_382 : memref<80x16xf32, #tpu.memory_space<vmem>>)
        %dma_wait3A_388 = arith.constant 240 : i32
        %dma_wait3A_389 = arith.constant 0 : i32
        %dma_wait3A_390 = tpu.memref_slice %arg15[%dma_wait3A_388, %dma_wait3A_389] : memref<800x16xf32, #tpu.memory_space<vmem>> -> memref<80x16xf32, #tpu.memory_space<vmem>>
        %dma_wait3A_391 = arith.constant 240 : i32
        %dma_wait3A_392 = tpu.memref_slice %arg7[%dma_wait3A_391] : memref<800xi32, #tpu.memory_space<vmem>> -> memref<80xi32, #tpu.memory_space<vmem>>
        %dma_wait3A_393 = arith.constant 0 : i32
        %dma_wait3A_394 = arith.constant 0 : i32
        %dma_wait3A_395 = tpu.memref_slice %arg2[%dma_wait3A_393, %dma_wait3A_394] : memref<100000x16xf32, #tpu.memory_space<hbm>> -> memref<100000x16xf32, #tpu.memory_space<hbm>>
        tpu.wait_indirect_dma semaphore(%arg25 : memref<!tpu.dma_semaphore, #tpu.memory_space<semaphore_mem>>) src(%dma_wait3A_395 : memref<100000x16xf32, #tpu.memory_space<hbm>>) dst(%dma_wait3A_390 : memref<80x16xf32, #tpu.memory_space<vmem>>)
        %dma_wait3A_396 = arith.constant 240 : i32
        %dma_wait3A_397 = arith.constant 0 : i32
        %dma_wait3A_398 = tpu.memref_slice %arg17[%dma_wait3A_396, %dma_wait3A_397] : memref<800x16xf32, #tpu.memory_space<vmem>> -> memref<80x16xf32, #tpu.memory_space<vmem>>
        %dma_wait3A_399 = arith.constant 240 : i32
        %dma_wait3A_400 = tpu.memref_slice %arg11[%dma_wait3A_399] : memref<800xi32, #tpu.memory_space<vmem>> -> memref<80xi32, #tpu.memory_space<vmem>>
        %dma_wait3A_401 = arith.constant 0 : i32
        %dma_wait3A_402 = arith.constant 0 : i32
        %dma_wait3A_403 = tpu.memref_slice %arg2[%dma_wait3A_401, %dma_wait3A_402] : memref<100000x16xf32, #tpu.memory_space<hbm>> -> memref<100000x16xf32, #tpu.memory_space<hbm>>
        tpu.wait_indirect_dma semaphore(%arg25 : memref<!tpu.dma_semaphore, #tpu.memory_space<semaphore_mem>>) src(%dma_wait3A_403 : memref<100000x16xf32, #tpu.memory_space<hbm>>) dst(%dma_wait3A_398 : memref<80x16xf32, #tpu.memory_space<vmem>>)
        %dma_wait3A_404 = arith.constant 320 : i32
        %dma_wait3A_405 = arith.constant 0 : i32
        %dma_wait3A_406 = tpu.memref_slice %arg15[%dma_wait3A_404, %dma_wait3A_405] : memref<800x16xf32, #tpu.memory_space<vmem>> -> memref<80x16xf32, #tpu.memory_space<vmem>>
        %dma_wait3A_407 = arith.constant 320 : i32
        %dma_wait3A_408 = tpu.memref_slice %arg7[%dma_wait3A_407] : memref<800xi32, #tpu.memory_space<vmem>> -> memref<80xi32, #tpu.memory_space<vmem>>
        %dma_wait3A_409 = arith.constant 0 : i32
        %dma_wait3A_410 = arith.constant 0 : i32
        %dma_wait3A_411 = tpu.memref_slice %arg2[%dma_wait3A_409, %dma_wait3A_410] : memref<100000x16xf32, #tpu.memory_space<hbm>> -> memref<100000x16xf32, #tpu.memory_space<hbm>>
        tpu.wait_indirect_dma semaphore(%arg25 : memref<!tpu.dma_semaphore, #tpu.memory_space<semaphore_mem>>) src(%dma_wait3A_411 : memref<100000x16xf32, #tpu.memory_space<hbm>>) dst(%dma_wait3A_406 : memref<80x16xf32, #tpu.memory_space<vmem>>)
        %dma_wait3A_412 = arith.constant 320 : i32
        %dma_wait3A_413 = arith.constant 0 : i32
        %dma_wait3A_414 = tpu.memref_slice %arg17[%dma_wait3A_412, %dma_wait3A_413] : memref<800x16xf32, #tpu.memory_space<vmem>> -> memref<80x16xf32, #tpu.memory_space<vmem>>
        %dma_wait3A_415 = arith.constant 320 : i32
        %dma_wait3A_416 = tpu.memref_slice %arg11[%dma_wait3A_415] : memref<800xi32, #tpu.memory_space<vmem>> -> memref<80xi32, #tpu.memory_space<vmem>>
        %dma_wait3A_417 = arith.constant 0 : i32
        %dma_wait3A_418 = arith.constant 0 : i32
        %dma_wait3A_419 = tpu.memref_slice %arg2[%dma_wait3A_417, %dma_wait3A_418] : memref<100000x16xf32, #tpu.memory_space<hbm>> -> memref<100000x16xf32, #tpu.memory_space<hbm>>
        tpu.wait_indirect_dma semaphore(%arg25 : memref<!tpu.dma_semaphore, #tpu.memory_space<semaphore_mem>>) src(%dma_wait3A_419 : memref<100000x16xf32, #tpu.memory_space<hbm>>) dst(%dma_wait3A_414 : memref<80x16xf32, #tpu.memory_space<vmem>>)
        %dma_wait3A_420 = arith.constant 400 : i32
        %dma_wait3A_421 = arith.constant 0 : i32
        %dma_wait3A_422 = tpu.memref_slice %arg15[%dma_wait3A_420, %dma_wait3A_421] : memref<800x16xf32, #tpu.memory_space<vmem>> -> memref<80x16xf32, #tpu.memory_space<vmem>>
        %dma_wait3A_423 = arith.constant 400 : i32
        %dma_wait3A_424 = tpu.memref_slice %arg7[%dma_wait3A_423] : memref<800xi32, #tpu.memory_space<vmem>> -> memref<80xi32, #tpu.memory_space<vmem>>
        %dma_wait3A_425 = arith.constant 0 : i32
        %dma_wait3A_426 = arith.constant 0 : i32
        %dma_wait3A_427 = tpu.memref_slice %arg2[%dma_wait3A_425, %dma_wait3A_426] : memref<100000x16xf32, #tpu.memory_space<hbm>> -> memref<100000x16xf32, #tpu.memory_space<hbm>>
        tpu.wait_indirect_dma semaphore(%arg25 : memref<!tpu.dma_semaphore, #tpu.memory_space<semaphore_mem>>) src(%dma_wait3A_427 : memref<100000x16xf32, #tpu.memory_space<hbm>>) dst(%dma_wait3A_422 : memref<80x16xf32, #tpu.memory_space<vmem>>)
        %dma_wait3A_428 = arith.constant 400 : i32
        %dma_wait3A_429 = arith.constant 0 : i32
        %dma_wait3A_430 = tpu.memref_slice %arg17[%dma_wait3A_428, %dma_wait3A_429] : memref<800x16xf32, #tpu.memory_space<vmem>> -> memref<80x16xf32, #tpu.memory_space<vmem>>
        %dma_wait3A_431 = arith.constant 400 : i32
        %dma_wait3A_432 = tpu.memref_slice %arg11[%dma_wait3A_431] : memref<800xi32, #tpu.memory_space<vmem>> -> memref<80xi32, #tpu.memory_space<vmem>>
        %dma_wait3A_433 = arith.constant 0 : i32
        %dma_wait3A_434 = arith.constant 0 : i32
        %dma_wait3A_435 = tpu.memref_slice %arg2[%dma_wait3A_433, %dma_wait3A_434] : memref<100000x16xf32, #tpu.memory_space<hbm>> -> memref<100000x16xf32, #tpu.memory_space<hbm>>
        tpu.wait_indirect_dma semaphore(%arg25 : memref<!tpu.dma_semaphore, #tpu.memory_space<semaphore_mem>>) src(%dma_wait3A_435 : memref<100000x16xf32, #tpu.memory_space<hbm>>) dst(%dma_wait3A_430 : memref<80x16xf32, #tpu.memory_space<vmem>>)
        %dma_wait3A_436 = arith.constant 480 : i32
        %dma_wait3A_437 = arith.constant 0 : i32
        %dma_wait3A_438 = tpu.memref_slice %arg15[%dma_wait3A_436, %dma_wait3A_437] : memref<800x16xf32, #tpu.memory_space<vmem>> -> memref<80x16xf32, #tpu.memory_space<vmem>>
        %dma_wait3A_439 = arith.constant 480 : i32
        %dma_wait3A_440 = tpu.memref_slice %arg7[%dma_wait3A_439] : memref<800xi32, #tpu.memory_space<vmem>> -> memref<80xi32, #tpu.memory_space<vmem>>
        %dma_wait3A_441 = arith.constant 0 : i32
        %dma_wait3A_442 = arith.constant 0 : i32
        %dma_wait3A_443 = tpu.memref_slice %arg2[%dma_wait3A_441, %dma_wait3A_442] : memref<100000x16xf32, #tpu.memory_space<hbm>> -> memref<100000x16xf32, #tpu.memory_space<hbm>>
        tpu.wait_indirect_dma semaphore(%arg25 : memref<!tpu.dma_semaphore, #tpu.memory_space<semaphore_mem>>) src(%dma_wait3A_443 : memref<100000x16xf32, #tpu.memory_space<hbm>>) dst(%dma_wait3A_438 : memref<80x16xf32, #tpu.memory_space<vmem>>)
        %dma_wait3A_444 = arith.constant 480 : i32
        %dma_wait3A_445 = arith.constant 0 : i32
        %dma_wait3A_446 = tpu.memref_slice %arg17[%dma_wait3A_444, %dma_wait3A_445] : memref<800x16xf32, #tpu.memory_space<vmem>> -> memref<80x16xf32, #tpu.memory_space<vmem>>
        %dma_wait3A_447 = arith.constant 480 : i32
        %dma_wait3A_448 = tpu.memref_slice %arg11[%dma_wait3A_447] : memref<800xi32, #tpu.memory_space<vmem>> -> memref<80xi32, #tpu.memory_space<vmem>>
        %dma_wait3A_449 = arith.constant 0 : i32
        %dma_wait3A_450 = arith.constant 0 : i32
        %dma_wait3A_451 = tpu.memref_slice %arg2[%dma_wait3A_449, %dma_wait3A_450] : memref<100000x16xf32, #tpu.memory_space<hbm>> -> memref<100000x16xf32, #tpu.memory_space<hbm>>
        tpu.wait_indirect_dma semaphore(%arg25 : memref<!tpu.dma_semaphore, #tpu.memory_space<semaphore_mem>>) src(%dma_wait3A_451 : memref<100000x16xf32, #tpu.memory_space<hbm>>) dst(%dma_wait3A_446 : memref<80x16xf32, #tpu.memory_space<vmem>>)
        %dma_wait3A_452 = arith.constant 560 : i32
        %dma_wait3A_453 = arith.constant 0 : i32
        %dma_wait3A_454 = tpu.memref_slice %arg15[%dma_wait3A_452, %dma_wait3A_453] : memref<800x16xf32, #tpu.memory_space<vmem>> -> memref<80x16xf32, #tpu.memory_space<vmem>>
        %dma_wait3A_455 = arith.constant 560 : i32
        %dma_wait3A_456 = tpu.memref_slice %arg7[%dma_wait3A_455] : memref<800xi32, #tpu.memory_space<vmem>> -> memref<80xi32, #tpu.memory_space<vmem>>
        %dma_wait3A_457 = arith.constant 0 : i32
        %dma_wait3A_458 = arith.constant 0 : i32
        %dma_wait3A_459 = tpu.memref_slice %arg2[%dma_wait3A_457, %dma_wait3A_458] : memref<100000x16xf32, #tpu.memory_space<hbm>> -> memref<100000x16xf32, #tpu.memory_space<hbm>>
        tpu.wait_indirect_dma semaphore(%arg25 : memref<!tpu.dma_semaphore, #tpu.memory_space<semaphore_mem>>) src(%dma_wait3A_459 : memref<100000x16xf32, #tpu.memory_space<hbm>>) dst(%dma_wait3A_454 : memref<80x16xf32, #tpu.memory_space<vmem>>)
        %dma_wait3A_460 = arith.constant 560 : i32
        %dma_wait3A_461 = arith.constant 0 : i32
        %dma_wait3A_462 = tpu.memref_slice %arg17[%dma_wait3A_460, %dma_wait3A_461] : memref<800x16xf32, #tpu.memory_space<vmem>> -> memref<80x16xf32, #tpu.memory_space<vmem>>
        %dma_wait3A_463 = arith.constant 560 : i32
        %dma_wait3A_464 = tpu.memref_slice %arg11[%dma_wait3A_463] : memref<800xi32, #tpu.memory_space<vmem>> -> memref<80xi32, #tpu.memory_space<vmem>>
        %dma_wait3A_465 = arith.constant 0 : i32
        %dma_wait3A_466 = arith.constant 0 : i32
        %dma_wait3A_467 = tpu.memref_slice %arg2[%dma_wait3A_465, %dma_wait3A_466] : memref<100000x16xf32, #tpu.memory_space<hbm>> -> memref<100000x16xf32, #tpu.memory_space<hbm>>
        tpu.wait_indirect_dma semaphore(%arg25 : memref<!tpu.dma_semaphore, #tpu.memory_space<semaphore_mem>>) src(%dma_wait3A_467 : memref<100000x16xf32, #tpu.memory_space<hbm>>) dst(%dma_wait3A_462 : memref<80x16xf32, #tpu.memory_space<vmem>>)
        %dma_wait3A_468 = arith.constant 640 : i32
        %dma_wait3A_469 = arith.constant 0 : i32
        %dma_wait3A_470 = tpu.memref_slice %arg15[%dma_wait3A_468, %dma_wait3A_469] : memref<800x16xf32, #tpu.memory_space<vmem>> -> memref<80x16xf32, #tpu.memory_space<vmem>>
        %dma_wait3A_471 = arith.constant 640 : i32
        %dma_wait3A_472 = tpu.memref_slice %arg7[%dma_wait3A_471] : memref<800xi32, #tpu.memory_space<vmem>> -> memref<80xi32, #tpu.memory_space<vmem>>
        %dma_wait3A_473 = arith.constant 0 : i32
        %dma_wait3A_474 = arith.constant 0 : i32
        %dma_wait3A_475 = tpu.memref_slice %arg2[%dma_wait3A_473, %dma_wait3A_474] : memref<100000x16xf32, #tpu.memory_space<hbm>> -> memref<100000x16xf32, #tpu.memory_space<hbm>>
        tpu.wait_indirect_dma semaphore(%arg25 : memref<!tpu.dma_semaphore, #tpu.memory_space<semaphore_mem>>) src(%dma_wait3A_475 : memref<100000x16xf32, #tpu.memory_space<hbm>>) dst(%dma_wait3A_470 : memref<80x16xf32, #tpu.memory_space<vmem>>)
        %dma_wait3A_476 = arith.constant 640 : i32
        %dma_wait3A_477 = arith.constant 0 : i32
        %dma_wait3A_478 = tpu.memref_slice %arg17[%dma_wait3A_476, %dma_wait3A_477] : memref<800x16xf32, #tpu.memory_space<vmem>> -> memref<80x16xf32, #tpu.memory_space<vmem>>
        %dma_wait3A_479 = arith.constant 640 : i32
        %dma_wait3A_480 = tpu.memref_slice %arg11[%dma_wait3A_479] : memref<800xi32, #tpu.memory_space<vmem>> -> memref<80xi32, #tpu.memory_space<vmem>>
        %dma_wait3A_481 = arith.constant 0 : i32
        %dma_wait3A_482 = arith.constant 0 : i32
        %dma_wait3A_483 = tpu.memref_slice %arg2[%dma_wait3A_481, %dma_wait3A_482] : memref<100000x16xf32, #tpu.memory_space<hbm>> -> memref<100000x16xf32, #tpu.memory_space<hbm>>
        tpu.wait_indirect_dma semaphore(%arg25 : memref<!tpu.dma_semaphore, #tpu.memory_space<semaphore_mem>>) src(%dma_wait3A_483 : memref<100000x16xf32, #tpu.memory_space<hbm>>) dst(%dma_wait3A_478 : memref<80x16xf32, #tpu.memory_space<vmem>>)
        %dma_wait3A_484 = arith.constant 720 : i32
        %dma_wait3A_485 = arith.constant 0 : i32
        %dma_wait3A_486 = tpu.memref_slice %arg15[%dma_wait3A_484, %dma_wait3A_485] : memref<800x16xf32, #tpu.memory_space<vmem>> -> memref<80x16xf32, #tpu.memory_space<vmem>>
        %dma_wait3A_487 = arith.constant 720 : i32
        %dma_wait3A_488 = tpu.memref_slice %arg7[%dma_wait3A_487] : memref<800xi32, #tpu.memory_space<vmem>> -> memref<80xi32, #tpu.memory_space<vmem>>
        %dma_wait3A_489 = arith.constant 0 : i32
        %dma_wait3A_490 = arith.constant 0 : i32
        %dma_wait3A_491 = tpu.memref_slice %arg2[%dma_wait3A_489, %dma_wait3A_490] : memref<100000x16xf32, #tpu.memory_space<hbm>> -> memref<100000x16xf32, #tpu.memory_space<hbm>>
        tpu.wait_indirect_dma semaphore(%arg25 : memref<!tpu.dma_semaphore, #tpu.memory_space<semaphore_mem>>) src(%dma_wait3A_491 : memref<100000x16xf32, #tpu.memory_space<hbm>>) dst(%dma_wait3A_486 : memref<80x16xf32, #tpu.memory_space<vmem>>)
        %dma_wait3A_492 = arith.constant 720 : i32
        %dma_wait3A_493 = arith.constant 0 : i32
        %dma_wait3A_494 = tpu.memref_slice %arg17[%dma_wait3A_492, %dma_wait3A_493] : memref<800x16xf32, #tpu.memory_space<vmem>> -> memref<80x16xf32, #tpu.memory_space<vmem>>
        %dma_wait3A_495 = arith.constant 720 : i32
        %dma_wait3A_496 = tpu.memref_slice %arg11[%dma_wait3A_495] : memref<800xi32, #tpu.memory_space<vmem>> -> memref<80xi32, #tpu.memory_space<vmem>>
        %dma_wait3A_497 = arith.constant 0 : i32
        %dma_wait3A_498 = arith.constant 0 : i32
        %dma_wait3A_499 = tpu.memref_slice %arg2[%dma_wait3A_497, %dma_wait3A_498] : memref<100000x16xf32, #tpu.memory_space<hbm>> -> memref<100000x16xf32, #tpu.memory_space<hbm>>
        tpu.wait_indirect_dma semaphore(%arg25 : memref<!tpu.dma_semaphore, #tpu.memory_space<semaphore_mem>>) src(%dma_wait3A_499 : memref<100000x16xf32, #tpu.memory_space<hbm>>) dst(%dma_wait3A_494 : memref<80x16xf32, #tpu.memory_space<vmem>>)
        %ge3A = arith.constant 2 : i32
        %ge3A_500 = arith.cmpi sge, %add3A_302, %ge3A : i32
        %convert_element_type3A_501 = arith.extui %ge3A_500 : i1 to i32
        %cond3A_502 = arith.constant 0 : i32
        %cond3A_503 = arith.cmpi ne, %convert_element_type3A_501, %cond3A_502 : i32
        scf.if %cond3A_503 {
          %sub3A = arith.constant 2 : i32
          %sub3A_559 = arith.subi %add3A_302, %sub3A : i32
          %mul3A_560 = arith.constant 32 : i32
          %mul3A_561 = arith.muli %sub3A_559, %mul3A_560 : i32
          %add3A_562 = arith.addi %mul3A_561, %add3A : i32
          %mul3A_563 = arith.constant 800 : i32
          %mul3A_564 = arith.muli %add3A_562, %mul3A_563 : i32
          %add3A_565 = arith.constant 0 : i32
          %add3A_566 = arith.addi %add3A_565, %mul3A_564 : i32
          %add3A_567 = arith.constant 3200000 : i32
          %add3A_568 = arith.addi %add3A_567, %mul3A_564 : i32
          %add3A_569 = arith.constant 6400000 : i32
          %add3A_570 = arith.addi %add3A_569, %mul3A_564 : i32
          %add3A_571 = arith.constant 9600000 : i32
          %add3A_572 = arith.addi %add3A_571, %mul3A_564 : i32
          %dma_wait3A_573 = arith.constant 0 : i32
          %dma_wait3A_574 = arith.constant 0 : i32
          %dma_wait3A_575 = tpu.memref_slice %arg19[%dma_wait3A_573, %dma_wait3A_574] : memref<4x800xf32, #tpu.memory_space<vmem>> -> memref<1x800xf32, #tpu.memory_space<vmem>>
          %dma_wait3A_576 = tpu.memref_squeeze %dma_wait3A_575 : memref<1x800xf32, #tpu.memory_space<vmem>> -> memref<800xf32, #tpu.memory_space<vmem>>
          %dma_wait3A_577 = tpu.memref_slice %arg5[%add3A_566] : memref<12800000xf32, #tpu.memory_space<hbm>> -> memref<800xf32, #tpu.memory_space<hbm>>
          %dma_wait3A_578 = tpu.memref_slice %arg5[%add3A_566] : memref<12800000xf32, #tpu.memory_space<hbm>> -> memref<800xf32, #tpu.memory_space<hbm>>
          %dma_wait3A_579 = arith.constant 0 : i32
          %dma_wait3A_580 = tpu.memref_slice %arg19[%dma_wait3A_573, %dma_wait3A_579] : memref<4x800xf32, #tpu.memory_space<vmem>> -> memref<1x800xf32, #tpu.memory_space<vmem>>
          %dma_wait3A_581 = tpu.memref_squeeze %dma_wait3A_580 : memref<1x800xf32, #tpu.memory_space<vmem>> -> memref<800xf32, #tpu.memory_space<vmem>>
          tpu.wait_dma2 semaphore(%arg27 : memref<!tpu.dma_semaphore, #tpu.memory_space<semaphore_mem>>) src(%dma_wait3A_581 : memref<800xf32, #tpu.memory_space<vmem>>) dst(%dma_wait3A_578 : memref<800xf32, #tpu.memory_space<hbm>>)
          %dma_wait3A_582 = arith.constant 1 : i32
          %dma_wait3A_583 = arith.constant 0 : i32
          %dma_wait3A_584 = tpu.memref_slice %arg19[%dma_wait3A_582, %dma_wait3A_583] : memref<4x800xf32, #tpu.memory_space<vmem>> -> memref<1x800xf32, #tpu.memory_space<vmem>>
          %dma_wait3A_585 = tpu.memref_squeeze %dma_wait3A_584 : memref<1x800xf32, #tpu.memory_space<vmem>> -> memref<800xf32, #tpu.memory_space<vmem>>
          %dma_wait3A_586 = tpu.memref_slice %arg5[%add3A_568] : memref<12800000xf32, #tpu.memory_space<hbm>> -> memref<800xf32, #tpu.memory_space<hbm>>
          %dma_wait3A_587 = tpu.memref_slice %arg5[%add3A_568] : memref<12800000xf32, #tpu.memory_space<hbm>> -> memref<800xf32, #tpu.memory_space<hbm>>
          %dma_wait3A_588 = arith.constant 0 : i32
          %dma_wait3A_589 = tpu.memref_slice %arg19[%dma_wait3A_582, %dma_wait3A_588] : memref<4x800xf32, #tpu.memory_space<vmem>> -> memref<1x800xf32, #tpu.memory_space<vmem>>
          %dma_wait3A_590 = tpu.memref_squeeze %dma_wait3A_589 : memref<1x800xf32, #tpu.memory_space<vmem>> -> memref<800xf32, #tpu.memory_space<vmem>>
          tpu.wait_dma2 semaphore(%arg27 : memref<!tpu.dma_semaphore, #tpu.memory_space<semaphore_mem>>) src(%dma_wait3A_590 : memref<800xf32, #tpu.memory_space<vmem>>) dst(%dma_wait3A_587 : memref<800xf32, #tpu.memory_space<hbm>>)
          %dma_wait3A_591 = arith.constant 2 : i32
          %dma_wait3A_592 = arith.constant 0 : i32
          %dma_wait3A_593 = tpu.memref_slice %arg19[%dma_wait3A_591, %dma_wait3A_592] : memref<4x800xf32, #tpu.memory_space<vmem>> -> memref<1x800xf32, #tpu.memory_space<vmem>>
          %dma_wait3A_594 = tpu.memref_squeeze %dma_wait3A_593 : memref<1x800xf32, #tpu.memory_space<vmem>> -> memref<800xf32, #tpu.memory_space<vmem>>
          %dma_wait3A_595 = tpu.memref_slice %arg5[%add3A_570] : memref<12800000xf32, #tpu.memory_space<hbm>> -> memref<800xf32, #tpu.memory_space<hbm>>
          %dma_wait3A_596 = tpu.memref_slice %arg5[%add3A_570] : memref<12800000xf32, #tpu.memory_space<hbm>> -> memref<800xf32, #tpu.memory_space<hbm>>
          %dma_wait3A_597 = arith.constant 0 : i32
          %dma_wait3A_598 = tpu.memref_slice %arg19[%dma_wait3A_591, %dma_wait3A_597] : memref<4x800xf32, #tpu.memory_space<vmem>> -> memref<1x800xf32, #tpu.memory_space<vmem>>
          %dma_wait3A_599 = tpu.memref_squeeze %dma_wait3A_598 : memref<1x800xf32, #tpu.memory_space<vmem>> -> memref<800xf32, #tpu.memory_space<vmem>>
          tpu.wait_dma2 semaphore(%arg27 : memref<!tpu.dma_semaphore, #tpu.memory_space<semaphore_mem>>) src(%dma_wait3A_599 : memref<800xf32, #tpu.memory_space<vmem>>) dst(%dma_wait3A_596 : memref<800xf32, #tpu.memory_space<hbm>>)
          %dma_wait3A_600 = arith.constant 3 : i32
          %dma_wait3A_601 = arith.constant 0 : i32
          %dma_wait3A_602 = tpu.memref_slice %arg19[%dma_wait3A_600, %dma_wait3A_601] : memref<4x800xf32, #tpu.memory_space<vmem>> -> memref<1x800xf32, #tpu.memory_space<vmem>>
          %dma_wait3A_603 = tpu.memref_squeeze %dma_wait3A_602 : memref<1x800xf32, #tpu.memory_space<vmem>> -> memref<800xf32, #tpu.memory_space<vmem>>
          %dma_wait3A_604 = tpu.memref_slice %arg5[%add3A_572] : memref<12800000xf32, #tpu.memory_space<hbm>> -> memref<800xf32, #tpu.memory_space<hbm>>
          %dma_wait3A_605 = tpu.memref_slice %arg5[%add3A_572] : memref<12800000xf32, #tpu.memory_space<hbm>> -> memref<800xf32, #tpu.memory_space<hbm>>
          %dma_wait3A_606 = arith.constant 0 : i32
          %dma_wait3A_607 = tpu.memref_slice %arg19[%dma_wait3A_600, %dma_wait3A_606] : memref<4x800xf32, #tpu.memory_space<vmem>> -> memref<1x800xf32, #tpu.memory_space<vmem>>
          %dma_wait3A_608 = tpu.memref_squeeze %dma_wait3A_607 : memref<1x800xf32, #tpu.memory_space<vmem>> -> memref<800xf32, #tpu.memory_space<vmem>>
          tpu.wait_dma2 semaphore(%arg27 : memref<!tpu.dma_semaphore, #tpu.memory_space<semaphore_mem>>) src(%dma_wait3A_608 : memref<800xf32, #tpu.memory_space<vmem>>) dst(%dma_wait3A_605 : memref<800xf32, #tpu.memory_space<hbm>>)
        } else {
        }
        %scan3A_504 = arith.constant 0 : i32
        %scan3A_505 = arith.constant 0 : i32
        %scan3A_506 = arith.constant 50 : i32
        %scan3A_507 = arith.addi %scan3A_505, %scan3A_506 : i32
        %scan3A_508 = arith.constant 1 : i32
        scf.for %scan3A_559 = %scan3A_505 to %scan3A_507 step %scan3A_508  : i32 {
          %mul3A_560 = arith.constant 16 : i32
          %mul3A_561 = arith.muli %scan3A_559, %mul3A_560 : i32
          %iota3A = tpu.iota {dimensions = array<i32: 0>} : vector<16xi32>
          %add3A_562 = vector.broadcast %mul3A_561 : i32 to vector<16xi32>
          %add3A_563 = arith.addi %add3A_562, %iota3A : vector<16xi32>
          %get3A = arith.index_cast %mul3A_561 : i32 to index
          %get3A_564 = tpu.vector_load %arg7[%get3A] {strides = array<i32>} : memref<800xi32, #tpu.memory_space<vmem>>, vector<16xi32>,
          %and3A = arith.constant 15 : i32
          %and3A_565 = vector.broadcast %and3A : i32 to vector<16xi32>
          %and3A_566 = arith.andi %get3A_564, %and3A_565 : vector<16xi32>
          %get3A_567 = arith.index_cast %mul3A_561 : i32 to index
          %get3A_568 = tpu.vector_load %arg11[%get3A_567] {strides = array<i32>} : memref<800xi32, #tpu.memory_space<vmem>>, vector<16xi32>,
          %and3A_569 = arith.constant 15 : i32
          %and3A_570 = vector.broadcast %and3A_569 : i32 to vector<16xi32>
          %and3A_571 = arith.andi %get3A_568, %and3A_570 : vector<16xi32>
          %add3A_572 = arith.constant 0 : i32
          %add3A_573 = vector.broadcast %add3A_572 : i32 to vector<16xi32>
          %add3A_574 = arith.addi %and3A_566, %add3A_573 : vector<16xi32>
          %and3A_575 = arith.constant 15 : i32
          %and3A_576 = vector.broadcast %and3A_575 : i32 to vector<16xi32>
          %and3A_577 = arith.andi %add3A_574, %and3A_576 : vector<16xi32>
          %gather3A = tpu.vector_load_idx %arg15[%add3A_563, %and3A_577] : memref<800x16xf32, #tpu.memory_space<vmem>>[vector<16xi32>, vector<16xi32>], vector<16xf32>,
          %add3A_578 = arith.constant 0 : i32
          %add3A_579 = vector.broadcast %add3A_578 : i32 to vector<16xi32>
          %add3A_580 = arith.addi %and3A_571, %add3A_579 : vector<16xi32>
          %and3A_581 = arith.constant 15 : i32
          %and3A_582 = vector.broadcast %and3A_581 : i32 to vector<16xi32>
          %and3A_583 = arith.andi %add3A_580, %and3A_582 : vector<16xi32>
          %gather3A_584 = tpu.vector_load_idx %arg17[%add3A_563, %and3A_583] : memref<800x16xf32, #tpu.memory_space<vmem>>[vector<16xi32>, vector<16xi32>], vector<16xf32>,
          %sub3A = arith.subf %gather3A, %gather3A_584 : vector<16xf32>
          %add3A_585 = arith.constant 1 : i32
          %add3A_586 = vector.broadcast %add3A_585 : i32 to vector<16xi32>
          %add3A_587 = arith.addi %and3A_566, %add3A_586 : vector<16xi32>
          %and3A_588 = arith.constant 15 : i32
          %and3A_589 = vector.broadcast %and3A_588 : i32 to vector<16xi32>
          %and3A_590 = arith.andi %add3A_587, %and3A_589 : vector<16xi32>
          %gather3A_591 = tpu.vector_load_idx %arg15[%add3A_563, %and3A_590] : memref<800x16xf32, #tpu.memory_space<vmem>>[vector<16xi32>, vector<16xi32>], vector<16xf32>,
          %add3A_592 = arith.constant 1 : i32
          %add3A_593 = vector.broadcast %add3A_592 : i32 to vector<16xi32>
          %add3A_594 = arith.addi %and3A_571, %add3A_593 : vector<16xi32>
          %and3A_595 = arith.constant 15 : i32
          %and3A_596 = vector.broadcast %and3A_595 : i32 to vector<16xi32>
          %and3A_597 = arith.andi %add3A_594, %and3A_596 : vector<16xi32>
          %gather3A_598 = tpu.vector_load_idx %arg17[%add3A_563, %and3A_597] : memref<800x16xf32, #tpu.memory_space<vmem>>[vector<16xi32>, vector<16xi32>], vector<16xf32>,
          %sub3A_599 = arith.subf %gather3A_591, %gather3A_598 : vector<16xf32>
          %add3A_600 = arith.constant 2 : i32
          %add3A_601 = vector.broadcast %add3A_600 : i32 to vector<16xi32>
          %add3A_602 = arith.addi %and3A_566, %add3A_601 : vector<16xi32>
          %and3A_603 = arith.constant 15 : i32
          %and3A_604 = vector.broadcast %and3A_603 : i32 to vector<16xi32>
          %and3A_605 = arith.andi %add3A_602, %and3A_604 : vector<16xi32>
          %gather3A_606 = tpu.vector_load_idx %arg15[%add3A_563, %and3A_605] : memref<800x16xf32, #tpu.memory_space<vmem>>[vector<16xi32>, vector<16xi32>], vector<16xf32>,
          %add3A_607 = arith.constant 2 : i32
          %add3A_608 = vector.broadcast %add3A_607 : i32 to vector<16xi32>
          %add3A_609 = arith.addi %and3A_571, %add3A_608 : vector<16xi32>
          %and3A_610 = arith.constant 15 : i32
          %and3A_611 = vector.broadcast %and3A_610 : i32 to vector<16xi32>
          %and3A_612 = arith.andi %add3A_609, %and3A_611 : vector<16xi32>
          %gather3A_613 = tpu.vector_load_idx %arg17[%add3A_563, %and3A_612] : memref<800x16xf32, #tpu.memory_space<vmem>>[vector<16xi32>, vector<16xi32>], vector<16xf32>,
          %sub3A_614 = arith.subf %gather3A_606, %gather3A_613 : vector<16xf32>
          %add3A_615 = arith.constant 3 : i32
          %add3A_616 = vector.broadcast %add3A_615 : i32 to vector<16xi32>
          %add3A_617 = arith.addi %and3A_566, %add3A_616 : vector<16xi32>
          %and3A_618 = arith.constant 15 : i32
          %and3A_619 = vector.broadcast %and3A_618 : i32 to vector<16xi32>
          %and3A_620 = arith.andi %add3A_617, %and3A_619 : vector<16xi32>
          %gather3A_621 = tpu.vector_load_idx %arg15[%add3A_563, %and3A_620] : memref<800x16xf32, #tpu.memory_space<vmem>>[vector<16xi32>, vector<16xi32>], vector<16xf32>,
          %add3A_622 = arith.constant 3 : i32
          %add3A_623 = vector.broadcast %add3A_622 : i32 to vector<16xi32>
          %add3A_624 = arith.addi %and3A_571, %add3A_623 : vector<16xi32>
          %and3A_625 = arith.constant 15 : i32
          %and3A_626 = vector.broadcast %and3A_625 : i32 to vector<16xi32>
          %and3A_627 = arith.andi %add3A_624, %and3A_626 : vector<16xi32>
          %gather3A_628 = tpu.vector_load_idx %arg17[%add3A_563, %and3A_627] : memref<800x16xf32, #tpu.memory_space<vmem>>[vector<16xi32>, vector<16xi32>], vector<16xf32>,
          %add3A_629 = arith.addf %gather3A_621, %gather3A_628 : vector<16xf32>
          %mul3A_630 = arith.mulf %add3A_629, %sub3A : vector<16xf32>
          %add3A_631 = arith.constant 4 : i32
          %add3A_632 = vector.broadcast %add3A_631 : i32 to vector<16xi32>
          %add3A_633 = arith.addi %and3A_566, %add3A_632 : vector<16xi32>
          %and3A_634 = arith.constant 15 : i32
          %and3A_635 = vector.broadcast %and3A_634 : i32 to vector<16xi32>
          %and3A_636 = arith.andi %add3A_633, %and3A_635 : vector<16xi32>
          %gather3A_637 = tpu.vector_load_idx %arg15[%add3A_563, %and3A_636] : memref<800x16xf32, #tpu.memory_space<vmem>>[vector<16xi32>, vector<16xi32>], vector<16xf32>,
          %add3A_638 = arith.constant 4 : i32
          %add3A_639 = vector.broadcast %add3A_638 : i32 to vector<16xi32>
          %add3A_640 = arith.addi %and3A_571, %add3A_639 : vector<16xi32>
          %and3A_641 = arith.constant 15 : i32
          %and3A_642 = vector.broadcast %and3A_641 : i32 to vector<16xi32>
          %and3A_643 = arith.andi %add3A_640, %and3A_642 : vector<16xi32>
          %gather3A_644 = tpu.vector_load_idx %arg17[%add3A_563, %and3A_643] : memref<800x16xf32, #tpu.memory_space<vmem>>[vector<16xi32>, vector<16xi32>], vector<16xf32>,
          %add3A_645 = arith.addf %gather3A_637, %gather3A_644 : vector<16xf32>
          %mul3A_646 = arith.mulf %add3A_645, %sub3A_599 : vector<16xf32>
          %add3A_647 = arith.addf %mul3A_630, %mul3A_646 : vector<16xf32>
          %add3A_648 = arith.constant 5 : i32
          %add3A_649 = vector.broadcast %add3A_648 : i32 to vector<16xi32>
          %add3A_650 = arith.addi %and3A_566, %add3A_649 : vector<16xi32>
          %and3A_651 = arith.constant 15 : i32
          %and3A_652 = vector.broadcast %and3A_651 : i32 to vector<16xi32>
          %and3A_653 = arith.andi %add3A_650, %and3A_652 : vector<16xi32>
          %gather3A_654 = tpu.vector_load_idx %arg15[%add3A_563, %and3A_653] : memref<800x16xf32, #tpu.memory_space<vmem>>[vector<16xi32>, vector<16xi32>], vector<16xf32>,
          %add3A_655 = arith.constant 5 : i32
          %add3A_656 = vector.broadcast %add3A_655 : i32 to vector<16xi32>
          %add3A_657 = arith.addi %and3A_571, %add3A_656 : vector<16xi32>
          %and3A_658 = arith.constant 15 : i32
          %and3A_659 = vector.broadcast %and3A_658 : i32 to vector<16xi32>
          %and3A_660 = arith.andi %add3A_657, %and3A_659 : vector<16xi32>
          %gather3A_661 = tpu.vector_load_idx %arg17[%add3A_563, %and3A_660] : memref<800x16xf32, #tpu.memory_space<vmem>>[vector<16xi32>, vector<16xi32>], vector<16xf32>,
          %add3A_662 = arith.addf %gather3A_654, %gather3A_661 : vector<16xf32>
          %mul3A_663 = arith.mulf %add3A_662, %sub3A_614 : vector<16xf32>
          %add3A_664 = arith.addf %add3A_647, %mul3A_663 : vector<16xf32>
          %mul3A_665 = arith.constant 5.000000e-01 : f32
          %mul3A_666 = vector.broadcast %mul3A_665 : f32 to vector<16xf32>
          %mul3A_667 = arith.mulf %add3A_664, %mul3A_666 : vector<16xf32>
          %swap3A = arith.constant 0 : i32
          %swap3A_668 = arith.index_cast %swap3A : i32 to index
          %swap3A_669 = arith.index_cast %mul3A_561 : i32 to index
          %swap3A_670 = tpu.vector_load %arg19[%swap3A_668, %swap3A_669] {strides = array<i32>} : memref<4x800xf32, #tpu.memory_space<vmem>>, vector<16xf32>,
          tpu.vector_store %arg19[%swap3A_668, %swap3A_669], %mul3A_667 {strides = array<i32>} : memref<4x800xf32, #tpu.memory_space<vmem>>, vector<16xf32>,
          %add3A_671 = arith.constant 6 : i32
          %add3A_672 = vector.broadcast %add3A_671 : i32 to vector<16xi32>
          %add3A_673 = arith.addi %and3A_566, %add3A_672 : vector<16xi32>
          %and3A_674 = arith.constant 15 : i32
          %and3A_675 = vector.broadcast %and3A_674 : i32 to vector<16xi32>
          %and3A_676 = arith.andi %add3A_673, %and3A_675 : vector<16xi32>
          %gather3A_677 = tpu.vector_load_idx %arg15[%add3A_563, %and3A_676] : memref<800x16xf32, #tpu.memory_space<vmem>>[vector<16xi32>, vector<16xi32>], vector<16xf32>,
          %add3A_678 = arith.constant 6 : i32
          %add3A_679 = vector.broadcast %add3A_678 : i32 to vector<16xi32>
          %add3A_680 = arith.addi %and3A_571, %add3A_679 : vector<16xi32>
          %and3A_681 = arith.constant 15 : i32
          %and3A_682 = vector.broadcast %and3A_681 : i32 to vector<16xi32>
          %and3A_683 = arith.andi %add3A_680, %and3A_682 : vector<16xi32>
          %gather3A_684 = tpu.vector_load_idx %arg17[%add3A_563, %and3A_683] : memref<800x16xf32, #tpu.memory_space<vmem>>[vector<16xi32>, vector<16xi32>], vector<16xf32>,
          %add3A_685 = arith.addf %gather3A_677, %gather3A_684 : vector<16xf32>
          %mul3A_686 = arith.mulf %add3A_685, %sub3A : vector<16xf32>
          %add3A_687 = arith.constant 7 : i32
          %add3A_688 = vector.broadcast %add3A_687 : i32 to vector<16xi32>
          %add3A_689 = arith.addi %and3A_566, %add3A_688 : vector<16xi32>
          %and3A_690 = arith.constant 15 : i32
          %and3A_691 = vector.broadcast %and3A_690 : i32 to vector<16xi32>
          %and3A_692 = arith.andi %add3A_689, %and3A_691 : vector<16xi32>
          %gather3A_693 = tpu.vector_load_idx %arg15[%add3A_563, %and3A_692] : memref<800x16xf32, #tpu.memory_space<vmem>>[vector<16xi32>, vector<16xi32>], vector<16xf32>,
          %add3A_694 = arith.constant 7 : i32
          %add3A_695 = vector.broadcast %add3A_694 : i32 to vector<16xi32>
          %add3A_696 = arith.addi %and3A_571, %add3A_695 : vector<16xi32>
          %and3A_697 = arith.constant 15 : i32
          %and3A_698 = vector.broadcast %and3A_697 : i32 to vector<16xi32>
          %and3A_699 = arith.andi %add3A_696, %and3A_698 : vector<16xi32>
          %gather3A_700 = tpu.vector_load_idx %arg17[%add3A_563, %and3A_699] : memref<800x16xf32, #tpu.memory_space<vmem>>[vector<16xi32>, vector<16xi32>], vector<16xf32>,
          %add3A_701 = arith.addf %gather3A_693, %gather3A_700 : vector<16xf32>
          %mul3A_702 = arith.mulf %add3A_701, %sub3A_599 : vector<16xf32>
          %add3A_703 = arith.addf %mul3A_686, %mul3A_702 : vector<16xf32>
          %add3A_704 = arith.constant 8 : i32
          %add3A_705 = vector.broadcast %add3A_704 : i32 to vector<16xi32>
          %add3A_706 = arith.addi %and3A_566, %add3A_705 : vector<16xi32>
          %and3A_707 = arith.constant 15 : i32
          %and3A_708 = vector.broadcast %and3A_707 : i32 to vector<16xi32>
          %and3A_709 = arith.andi %add3A_706, %and3A_708 : vector<16xi32>
          %gather3A_710 = tpu.vector_load_idx %arg15[%add3A_563, %and3A_709] : memref<800x16xf32, #tpu.memory_space<vmem>>[vector<16xi32>, vector<16xi32>], vector<16xf32>,
          %add3A_711 = arith.constant 8 : i32
          %add3A_712 = vector.broadcast %add3A_711 : i32 to vector<16xi32>
          %add3A_713 = arith.addi %and3A_571, %add3A_712 : vector<16xi32>
          %and3A_714 = arith.constant 15 : i32
          %and3A_715 = vector.broadcast %and3A_714 : i32 to vector<16xi32>
          %and3A_716 = arith.andi %add3A_713, %and3A_715 : vector<16xi32>
          %gather3A_717 = tpu.vector_load_idx %arg17[%add3A_563, %and3A_716] : memref<800x16xf32, #tpu.memory_space<vmem>>[vector<16xi32>, vector<16xi32>], vector<16xf32>,
          %add3A_718 = arith.addf %gather3A_710, %gather3A_717 : vector<16xf32>
          %mul3A_719 = arith.mulf %add3A_718, %sub3A_614 : vector<16xf32>
          %add3A_720 = arith.addf %add3A_703, %mul3A_719 : vector<16xf32>
          %mul3A_721 = arith.constant 5.000000e-01 : f32
          %mul3A_722 = vector.broadcast %mul3A_721 : f32 to vector<16xf32>
          %mul3A_723 = arith.mulf %add3A_720, %mul3A_722 : vector<16xf32>
          %swap3A_724 = arith.constant 1 : i32
          %swap3A_725 = arith.index_cast %swap3A_724 : i32 to index
          %swap3A_726 = arith.index_cast %mul3A_561 : i32 to index
          %swap3A_727 = tpu.vector_load %arg19[%swap3A_725, %swap3A_726] {strides = array<i32>} : memref<4x800xf32, #tpu.memory_space<vmem>>, vector<16xf32>,
          tpu.vector_store %arg19[%swap3A_725, %swap3A_726], %mul3A_723 {strides = array<i32>} : memref<4x800xf32, #tpu.memory_space<vmem>>, vector<16xf32>,
          %add3A_728 = arith.constant 9 : i32
          %add3A_729 = vector.broadcast %add3A_728 : i32 to vector<16xi32>
          %add3A_730 = arith.addi %and3A_566, %add3A_729 : vector<16xi32>
          %and3A_731 = arith.constant 15 : i32
          %and3A_732 = vector.broadcast %and3A_731 : i32 to vector<16xi32>
          %and3A_733 = arith.andi %add3A_730, %and3A_732 : vector<16xi32>
          %gather3A_734 = tpu.vector_load_idx %arg15[%add3A_563, %and3A_733] : memref<800x16xf32, #tpu.memory_space<vmem>>[vector<16xi32>, vector<16xi32>], vector<16xf32>,
          %add3A_735 = arith.constant 9 : i32
          %add3A_736 = vector.broadcast %add3A_735 : i32 to vector<16xi32>
          %add3A_737 = arith.addi %and3A_571, %add3A_736 : vector<16xi32>
          %and3A_738 = arith.constant 15 : i32
          %and3A_739 = vector.broadcast %and3A_738 : i32 to vector<16xi32>
          %and3A_740 = arith.andi %add3A_737, %and3A_739 : vector<16xi32>
          %gather3A_741 = tpu.vector_load_idx %arg17[%add3A_563, %and3A_740] : memref<800x16xf32, #tpu.memory_space<vmem>>[vector<16xi32>, vector<16xi32>], vector<16xf32>,
          %add3A_742 = arith.addf %gather3A_734, %gather3A_741 : vector<16xf32>
          %mul3A_743 = arith.mulf %add3A_742, %sub3A : vector<16xf32>
          %add3A_744 = arith.constant 10 : i32
          %add3A_745 = vector.broadcast %add3A_744 : i32 to vector<16xi32>
          %add3A_746 = arith.addi %and3A_566, %add3A_745 : vector<16xi32>
          %and3A_747 = arith.constant 15 : i32
          %and3A_748 = vector.broadcast %and3A_747 : i32 to vector<16xi32>
          %and3A_749 = arith.andi %add3A_746, %and3A_748 : vector<16xi32>
          %gather3A_750 = tpu.vector_load_idx %arg15[%add3A_563, %and3A_749] : memref<800x16xf32, #tpu.memory_space<vmem>>[vector<16xi32>, vector<16xi32>], vector<16xf32>,
          %add3A_751 = arith.constant 10 : i32
          %add3A_752 = vector.broadcast %add3A_751 : i32 to vector<16xi32>
          %add3A_753 = arith.addi %and3A_571, %add3A_752 : vector<16xi32>
          %and3A_754 = arith.constant 15 : i32
          %and3A_755 = vector.broadcast %and3A_754 : i32 to vector<16xi32>
          %and3A_756 = arith.andi %add3A_753, %and3A_755 : vector<16xi32>
          %gather3A_757 = tpu.vector_load_idx %arg17[%add3A_563, %and3A_756] : memref<800x16xf32, #tpu.memory_space<vmem>>[vector<16xi32>, vector<16xi32>], vector<16xf32>,
          %add3A_758 = arith.addf %gather3A_750, %gather3A_757 : vector<16xf32>
          %mul3A_759 = arith.mulf %add3A_758, %sub3A_599 : vector<16xf32>
          %add3A_760 = arith.addf %mul3A_743, %mul3A_759 : vector<16xf32>
          %add3A_761 = arith.constant 11 : i32
          %add3A_762 = vector.broadcast %add3A_761 : i32 to vector<16xi32>
          %add3A_763 = arith.addi %and3A_566, %add3A_762 : vector<16xi32>
          %and3A_764 = arith.constant 15 : i32
          %and3A_765 = vector.broadcast %and3A_764 : i32 to vector<16xi32>
          %and3A_766 = arith.andi %add3A_763, %and3A_765 : vector<16xi32>
          %gather3A_767 = tpu.vector_load_idx %arg15[%add3A_563, %and3A_766] : memref<800x16xf32, #tpu.memory_space<vmem>>[vector<16xi32>, vector<16xi32>], vector<16xf32>,
          %add3A_768 = arith.constant 11 : i32
          %add3A_769 = vector.broadcast %add3A_768 : i32 to vector<16xi32>
          %add3A_770 = arith.addi %and3A_571, %add3A_769 : vector<16xi32>
          %and3A_771 = arith.constant 15 : i32
          %and3A_772 = vector.broadcast %and3A_771 : i32 to vector<16xi32>
          %and3A_773 = arith.andi %add3A_770, %and3A_772 : vector<16xi32>
          %gather3A_774 = tpu.vector_load_idx %arg17[%add3A_563, %and3A_773] : memref<800x16xf32, #tpu.memory_space<vmem>>[vector<16xi32>, vector<16xi32>], vector<16xf32>,
          %add3A_775 = arith.addf %gather3A_767, %gather3A_774 : vector<16xf32>
          %mul3A_776 = arith.mulf %add3A_775, %sub3A_614 : vector<16xf32>
          %add3A_777 = arith.addf %add3A_760, %mul3A_776 : vector<16xf32>
          %mul3A_778 = arith.constant 5.000000e-01 : f32
          %mul3A_779 = vector.broadcast %mul3A_778 : f32 to vector<16xf32>
          %mul3A_780 = arith.mulf %add3A_777, %mul3A_779 : vector<16xf32>
          %swap3A_781 = arith.constant 2 : i32
          %swap3A_782 = arith.index_cast %swap3A_781 : i32 to index
          %swap3A_783 = arith.index_cast %mul3A_561 : i32 to index
          %swap3A_784 = tpu.vector_load %arg19[%swap3A_782, %swap3A_783] {strides = array<i32>} : memref<4x800xf32, #tpu.memory_space<vmem>>, vector<16xf32>,
          tpu.vector_store %arg19[%swap3A_782, %swap3A_783], %mul3A_780 {strides = array<i32>} : memref<4x800xf32, #tpu.memory_space<vmem>>, vector<16xf32>,
          %add3A_785 = arith.constant 12 : i32
          %add3A_786 = vector.broadcast %add3A_785 : i32 to vector<16xi32>
          %add3A_787 = arith.addi %and3A_566, %add3A_786 : vector<16xi32>
          %and3A_788 = arith.constant 15 : i32
          %and3A_789 = vector.broadcast %and3A_788 : i32 to vector<16xi32>
          %and3A_790 = arith.andi %add3A_787, %and3A_789 : vector<16xi32>
          %gather3A_791 = tpu.vector_load_idx %arg15[%add3A_563, %and3A_790] : memref<800x16xf32, #tpu.memory_space<vmem>>[vector<16xi32>, vector<16xi32>], vector<16xf32>,
          %add3A_792 = arith.constant 12 : i32
          %add3A_793 = vector.broadcast %add3A_792 : i32 to vector<16xi32>
          %add3A_794 = arith.addi %and3A_571, %add3A_793 : vector<16xi32>
          %and3A_795 = arith.constant 15 : i32
          %and3A_796 = vector.broadcast %and3A_795 : i32 to vector<16xi32>
          %and3A_797 = arith.andi %add3A_794, %and3A_796 : vector<16xi32>
          %gather3A_798 = tpu.vector_load_idx %arg17[%add3A_563, %and3A_797] : memref<800x16xf32, #tpu.memory_space<vmem>>[vector<16xi32>, vector<16xi32>], vector<16xf32>,
          %add3A_799 = arith.addf %gather3A_791, %gather3A_798 : vector<16xf32>
          %mul3A_800 = arith.mulf %add3A_799, %sub3A : vector<16xf32>
          %add3A_801 = arith.constant 13 : i32
          %add3A_802 = vector.broadcast %add3A_801 : i32 to vector<16xi32>
          %add3A_803 = arith.addi %and3A_566, %add3A_802 : vector<16xi32>
          %and3A_804 = arith.constant 15 : i32
          %and3A_805 = vector.broadcast %and3A_804 : i32 to vector<16xi32>
          %and3A_806 = arith.andi %add3A_803, %and3A_805 : vector<16xi32>
          %gather3A_807 = tpu.vector_load_idx %arg15[%add3A_563, %and3A_806] : memref<800x16xf32, #tpu.memory_space<vmem>>[vector<16xi32>, vector<16xi32>], vector<16xf32>,
          %add3A_808 = arith.constant 13 : i32
          %add3A_809 = vector.broadcast %add3A_808 : i32 to vector<16xi32>
          %add3A_810 = arith.addi %and3A_571, %add3A_809 : vector<16xi32>
          %and3A_811 = arith.constant 15 : i32
          %and3A_812 = vector.broadcast %and3A_811 : i32 to vector<16xi32>
          %and3A_813 = arith.andi %add3A_810, %and3A_812 : vector<16xi32>
          %gather3A_814 = tpu.vector_load_idx %arg17[%add3A_563, %and3A_813] : memref<800x16xf32, #tpu.memory_space<vmem>>[vector<16xi32>, vector<16xi32>], vector<16xf32>,
          %add3A_815 = arith.addf %gather3A_807, %gather3A_814 : vector<16xf32>
          %mul3A_816 = arith.mulf %add3A_815, %sub3A_599 : vector<16xf32>
          %add3A_817 = arith.addf %mul3A_800, %mul3A_816 : vector<16xf32>
          %add3A_818 = arith.constant 14 : i32
          %add3A_819 = vector.broadcast %add3A_818 : i32 to vector<16xi32>
          %add3A_820 = arith.addi %and3A_566, %add3A_819 : vector<16xi32>
          %and3A_821 = arith.constant 15 : i32
          %and3A_822 = vector.broadcast %and3A_821 : i32 to vector<16xi32>
          %and3A_823 = arith.andi %add3A_820, %and3A_822 : vector<16xi32>
          %gather3A_824 = tpu.vector_load_idx %arg15[%add3A_563, %and3A_823] : memref<800x16xf32, #tpu.memory_space<vmem>>[vector<16xi32>, vector<16xi32>], vector<16xf32>,
          %add3A_825 = arith.constant 14 : i32
          %add3A_826 = vector.broadcast %add3A_825 : i32 to vector<16xi32>
          %add3A_827 = arith.addi %and3A_571, %add3A_826 : vector<16xi32>
          %and3A_828 = arith.constant 15 : i32
          %and3A_829 = vector.broadcast %and3A_828 : i32 to vector<16xi32>
          %and3A_830 = arith.andi %add3A_827, %and3A_829 : vector<16xi32>
          %gather3A_831 = tpu.vector_load_idx %arg17[%add3A_563, %and3A_830] : memref<800x16xf32, #tpu.memory_space<vmem>>[vector<16xi32>, vector<16xi32>], vector<16xf32>,
          %add3A_832 = arith.addf %gather3A_824, %gather3A_831 : vector<16xf32>
          %mul3A_833 = arith.mulf %add3A_832, %sub3A_614 : vector<16xf32>
          %add3A_834 = arith.addf %add3A_817, %mul3A_833 : vector<16xf32>
          %mul3A_835 = arith.constant 5.000000e-01 : f32
          %mul3A_836 = vector.broadcast %mul3A_835 : f32 to vector<16xf32>
          %mul3A_837 = arith.mulf %add3A_834, %mul3A_836 : vector<16xf32>
          %swap3A_838 = arith.constant 3 : i32
          %swap3A_839 = arith.index_cast %swap3A_838 : i32 to index
          %swap3A_840 = arith.index_cast %mul3A_561 : i32 to index
          %swap3A_841 = tpu.vector_load %arg19[%swap3A_839, %swap3A_840] {strides = array<i32>} : memref<4x800xf32, #tpu.memory_space<vmem>>, vector<16xf32>,
          tpu.vector_store %arg19[%swap3A_839, %swap3A_840], %mul3A_837 {strides = array<i32>} : memref<4x800xf32, #tpu.memory_space<vmem>>, vector<16xf32>,
        }
        %scan3A_509 = arith.constant 50 : i32
        %mul3A_510 = arith.constant 32 : i32
        %mul3A_511 = arith.muli %add3A_302, %mul3A_510 : i32
        %add3A_512 = arith.addi %mul3A_511, %add3A : i32
        %mul3A_513 = arith.constant 800 : i32
        %mul3A_514 = arith.muli %add3A_512, %mul3A_513 : i32
        %add3A_515 = arith.constant 0 : i32
        %add3A_516 = arith.addi %add3A_515, %mul3A_514 : i32
        %add3A_517 = arith.constant 3200000 : i32
        %add3A_518 = arith.addi %add3A_517, %mul3A_514 : i32
        %add3A_519 = arith.constant 6400000 : i32
        %add3A_520 = arith.addi %add3A_519, %mul3A_514 : i32
        %add3A_521 = arith.constant 9600000 : i32
        %add3A_522 = arith.addi %add3A_521, %mul3A_514 : i32
        %dma_start3A_523 = arith.constant 0 : i32
        %dma_start3A_524 = arith.constant 0 : i32
        %dma_start3A_525 = tpu.memref_slice %arg19[%dma_start3A_523, %dma_start3A_524] : memref<4x800xf32, #tpu.memory_space<vmem>> -> memref<1x800xf32, #tpu.memory_space<vmem>>
        %dma_start3A_526 = tpu.memref_squeeze %dma_start3A_525 : memref<1x800xf32, #tpu.memory_space<vmem>> -> memref<800xf32, #tpu.memory_space<vmem>>
        %dma_start3A_527 = tpu.memref_slice %arg5[%add3A_516] : memref<12800000xf32, #tpu.memory_space<hbm>> -> memref<800xf32, #tpu.memory_space<hbm>>
        %dma_start3A_528 = tpu.memref_slice %arg5[%add3A_516] : memref<12800000xf32, #tpu.memory_space<hbm>> -> memref<800xf32, #tpu.memory_space<hbm>>
        %dma_start3A_529 = arith.constant 0 : i32
        %dma_start3A_530 = tpu.memref_slice %arg19[%dma_start3A_523, %dma_start3A_529] : memref<4x800xf32, #tpu.memory_space<vmem>> -> memref<1x800xf32, #tpu.memory_space<vmem>>
        %dma_start3A_531 = tpu.memref_squeeze %dma_start3A_530 : memref<1x800xf32, #tpu.memory_space<vmem>> -> memref<800xf32, #tpu.memory_space<vmem>>
        tpu.enqueue_dma source(%dma_start3A_531 : memref<800xf32, #tpu.memory_space<vmem>>) target(%dma_start3A_528 : memref<800xf32, #tpu.memory_space<hbm>>) target_semaphore(%arg27 : memref<!tpu.dma_semaphore, #tpu.memory_space<semaphore_mem>>)
        %dma_start3A_532 = arith.constant 1 : i32
        %dma_start3A_533 = arith.constant 0 : i32
        %dma_start3A_534 = tpu.memref_slice %arg19[%dma_start3A_532, %dma_start3A_533] : memref<4x800xf32, #tpu.memory_space<vmem>> -> memref<1x800xf32, #tpu.memory_space<vmem>>
        %dma_start3A_535 = tpu.memref_squeeze %dma_start3A_534 : memref<1x800xf32, #tpu.memory_space<vmem>> -> memref<800xf32, #tpu.memory_space<vmem>>
        %dma_start3A_536 = tpu.memref_slice %arg5[%add3A_518] : memref<12800000xf32, #tpu.memory_space<hbm>> -> memref<800xf32, #tpu.memory_space<hbm>>
        %dma_start3A_537 = tpu.memref_slice %arg5[%add3A_518] : memref<12800000xf32, #tpu.memory_space<hbm>> -> memref<800xf32, #tpu.memory_space<hbm>>
        %dma_start3A_538 = arith.constant 0 : i32
        %dma_start3A_539 = tpu.memref_slice %arg19[%dma_start3A_532, %dma_start3A_538] : memref<4x800xf32, #tpu.memory_space<vmem>> -> memref<1x800xf32, #tpu.memory_space<vmem>>
        %dma_start3A_540 = tpu.memref_squeeze %dma_start3A_539 : memref<1x800xf32, #tpu.memory_space<vmem>> -> memref<800xf32, #tpu.memory_space<vmem>>
        tpu.enqueue_dma source(%dma_start3A_540 : memref<800xf32, #tpu.memory_space<vmem>>) target(%dma_start3A_537 : memref<800xf32, #tpu.memory_space<hbm>>) target_semaphore(%arg27 : memref<!tpu.dma_semaphore, #tpu.memory_space<semaphore_mem>>)
        %dma_start3A_541 = arith.constant 2 : i32
        %dma_start3A_542 = arith.constant 0 : i32
        %dma_start3A_543 = tpu.memref_slice %arg19[%dma_start3A_541, %dma_start3A_542] : memref<4x800xf32, #tpu.memory_space<vmem>> -> memref<1x800xf32, #tpu.memory_space<vmem>>
        %dma_start3A_544 = tpu.memref_squeeze %dma_start3A_543 : memref<1x800xf32, #tpu.memory_space<vmem>> -> memref<800xf32, #tpu.memory_space<vmem>>
        %dma_start3A_545 = tpu.memref_slice %arg5[%add3A_520] : memref<12800000xf32, #tpu.memory_space<hbm>> -> memref<800xf32, #tpu.memory_space<hbm>>
        %dma_start3A_546 = tpu.memref_slice %arg5[%add3A_520] : memref<12800000xf32, #tpu.memory_space<hbm>> -> memref<800xf32, #tpu.memory_space<hbm>>
        %dma_start3A_547 = arith.constant 0 : i32
        %dma_start3A_548 = tpu.memref_slice %arg19[%dma_start3A_541, %dma_start3A_547] : memref<4x800xf32, #tpu.memory_space<vmem>> -> memref<1x800xf32, #tpu.memory_space<vmem>>
        %dma_start3A_549 = tpu.memref_squeeze %dma_start3A_548 : memref<1x800xf32, #tpu.memory_space<vmem>> -> memref<800xf32, #tpu.memory_space<vmem>>
        tpu.enqueue_dma source(%dma_start3A_549 : memref<800xf32, #tpu.memory_space<vmem>>) target(%dma_start3A_546 : memref<800xf32, #tpu.memory_space<hbm>>) target_semaphore(%arg27 : memref<!tpu.dma_semaphore, #tpu.memory_space<semaphore_mem>>)
        %dma_start3A_550 = arith.constant 3 : i32
        %dma_start3A_551 = arith.constant 0 : i32
        %dma_start3A_552 = tpu.memref_slice %arg19[%dma_start3A_550, %dma_start3A_551] : memref<4x800xf32, #tpu.memory_space<vmem>> -> memref<1x800xf32, #tpu.memory_space<vmem>>
        %dma_start3A_553 = tpu.memref_squeeze %dma_start3A_552 : memref<1x800xf32, #tpu.memory_space<vmem>> -> memref<800xf32, #tpu.memory_space<vmem>>
        %dma_start3A_554 = tpu.memref_slice %arg5[%add3A_522] : memref<12800000xf32, #tpu.memory_space<hbm>> -> memref<800xf32, #tpu.memory_space<hbm>>
        %dma_start3A_555 = tpu.memref_slice %arg5[%add3A_522] : memref<12800000xf32, #tpu.memory_space<hbm>> -> memref<800xf32, #tpu.memory_space<hbm>>
        %dma_start3A_556 = arith.constant 0 : i32
        %dma_start3A_557 = tpu.memref_slice %arg19[%dma_start3A_550, %dma_start3A_556] : memref<4x800xf32, #tpu.memory_space<vmem>> -> memref<1x800xf32, #tpu.memory_space<vmem>>
        %dma_start3A_558 = tpu.memref_squeeze %dma_start3A_557 : memref<1x800xf32, #tpu.memory_space<vmem>> -> memref<800xf32, #tpu.memory_space<vmem>>
        tpu.enqueue_dma source(%dma_start3A_558 : memref<800xf32, #tpu.memory_space<vmem>>) target(%dma_start3A_555 : memref<800xf32, #tpu.memory_space<hbm>>) target_semaphore(%arg27 : memref<!tpu.dma_semaphore, #tpu.memory_space<semaphore_mem>>)
      } else {
      }
      %mul3A_308 = arith.constant 4 : i32
      %mul3A_309 = arith.muli %scan3A_292, %mul3A_308 : i32
      %add3A_310 = arith.constant 2 : i32
      %add3A_311 = arith.addi %mul3A_309, %add3A_310 : i32
      %lt3A_312 = arith.constant 125 : i32
      %lt3A_313 = arith.cmpi slt, %add3A_311, %lt3A_312 : i32
      %convert_element_type3A_314 = arith.extui %lt3A_313 : i1 to i32
      %cond3A_315 = arith.constant 0 : i32
      %cond3A_316 = arith.cmpi ne, %convert_element_type3A_314, %cond3A_315 : i32
      scf.if %cond3A_316 {
        %add3A_326 = arith.constant 1 : i32
        %add3A_327 = arith.addi %add3A_311, %add3A_326 : i32
        %lt3A_328 = arith.constant 125 : i32
        %lt3A_329 = arith.cmpi slt, %add3A_327, %lt3A_328 : i32
        %convert_element_type3A_330 = arith.extui %lt3A_329 : i1 to i32
        %cond3A_331 = arith.constant 0 : i32
        %cond3A_332 = arith.cmpi ne, %convert_element_type3A_330, %cond3A_331 : i32
        scf.if %cond3A_332 {
          %add3A_559 = arith.constant 1 : i32
          %add3A_560 = arith.addi %add3A_311, %add3A_559 : i32
          %mul3A_561 = arith.constant 32 : i32
          %mul3A_562 = arith.muli %add3A_560, %mul3A_561 : i32
          %add3A_563 = arith.addi %mul3A_562, %add3A : i32
          %mul3A_564 = arith.constant 800 : i32
          %mul3A_565 = arith.muli %add3A_563, %mul3A_564 : i32
          %dma_wait3A_566 = tpu.memref_slice %arg3[%mul3A_565] : memref<3200000xi32, #tpu.memory_space<hbm>> -> memref<800xi32, #tpu.memory_space<hbm>>
          %dma_wait3A_567 = tpu.memref_slice %arg3[%mul3A_565] : memref<3200000xi32, #tpu.memory_space<hbm>> -> memref<800xi32, #tpu.memory_space<hbm>>
          tpu.wait_dma2 semaphore(%arg23 : memref<!tpu.dma_semaphore, #tpu.memory_space<semaphore_mem>>) src(%dma_wait3A_567 : memref<800xi32, #tpu.memory_space<hbm>>) dst(%arg9 : memref<800xi32, #tpu.memory_space<vmem>>)
          %dma_wait3A_568 = tpu.memref_slice %arg4[%mul3A_565] : memref<3200000xi32, #tpu.memory_space<hbm>> -> memref<800xi32, #tpu.memory_space<hbm>>
          %dma_wait3A_569 = tpu.memref_slice %arg4[%mul3A_565] : memref<3200000xi32, #tpu.memory_space<hbm>> -> memref<800xi32, #tpu.memory_space<hbm>>
          tpu.wait_dma2 semaphore(%arg23 : memref<!tpu.dma_semaphore, #tpu.memory_space<semaphore_mem>>) src(%dma_wait3A_569 : memref<800xi32, #tpu.memory_space<hbm>>) dst(%arg13 : memref<800xi32, #tpu.memory_space<vmem>>)
          %dma_start3A_570 = arith.constant 0 : i32
          %dma_start3A_571 = arith.constant 0 : i32
          %dma_start3A_572 = tpu.memref_slice %arg15[%dma_start3A_570, %dma_start3A_571] : memref<800x16xf32, #tpu.memory_space<vmem>> -> memref<80x16xf32, #tpu.memory_space<vmem>>
          %dma_start3A_573 = arith.constant 0 : i32
          %dma_start3A_574 = tpu.memref_slice %arg9[%dma_start3A_573] : memref<800xi32, #tpu.memory_space<vmem>> -> memref<80xi32, #tpu.memory_space<vmem>>
          %dma_start3A_575 = arith.constant 0 : i32
          %dma_start3A_576 = arith.constant 0 : i32
          %dma_start3A_577 = tpu.memref_slice %arg2[%dma_start3A_575, %dma_start3A_576] : memref<100000x16xf32, #tpu.memory_space<hbm>> -> memref<100000x16xf32, #tpu.memory_space<hbm>>
          tpu.enqueue_indirect_dma source(%dma_start3A_577 : memref<100000x16xf32, #tpu.memory_space<hbm>>) target(%dma_start3A_572 : memref<80x16xf32, #tpu.memory_space<vmem>>) offsets(%dma_start3A_574 : memref<80xi32, #tpu.memory_space<vmem>>) semaphore(%arg25 : memref<!tpu.dma_semaphore, #tpu.memory_space<semaphore_mem>>)
          %dma_start3A_578 = arith.constant 0 : i32
          %dma_start3A_579 = arith.constant 0 : i32
          %dma_start3A_580 = tpu.memref_slice %arg17[%dma_start3A_578, %dma_start3A_579] : memref<800x16xf32, #tpu.memory_space<vmem>> -> memref<80x16xf32, #tpu.memory_space<vmem>>
          %dma_start3A_581 = arith.constant 0 : i32
          %dma_start3A_582 = tpu.memref_slice %arg13[%dma_start3A_581] : memref<800xi32, #tpu.memory_space<vmem>> -> memref<80xi32, #tpu.memory_space<vmem>>
          %dma_start3A_583 = arith.constant 0 : i32
          %dma_start3A_584 = arith.constant 0 : i32
          %dma_start3A_585 = tpu.memref_slice %arg2[%dma_start3A_583, %dma_start3A_584] : memref<100000x16xf32, #tpu.memory_space<hbm>> -> memref<100000x16xf32, #tpu.memory_space<hbm>>
          tpu.enqueue_indirect_dma source(%dma_start3A_585 : memref<100000x16xf32, #tpu.memory_space<hbm>>) target(%dma_start3A_580 : memref<80x16xf32, #tpu.memory_space<vmem>>) offsets(%dma_start3A_582 : memref<80xi32, #tpu.memory_space<vmem>>) semaphore(%arg25 : memref<!tpu.dma_semaphore, #tpu.memory_space<semaphore_mem>>)
          %dma_start3A_586 = arith.constant 80 : i32
          %dma_start3A_587 = arith.constant 0 : i32
          %dma_start3A_588 = tpu.memref_slice %arg15[%dma_start3A_586, %dma_start3A_587] : memref<800x16xf32, #tpu.memory_space<vmem>> -> memref<80x16xf32, #tpu.memory_space<vmem>>
          %dma_start3A_589 = arith.constant 80 : i32
          %dma_start3A_590 = tpu.memref_slice %arg9[%dma_start3A_589] : memref<800xi32, #tpu.memory_space<vmem>> -> memref<80xi32, #tpu.memory_space<vmem>>
          %dma_start3A_591 = arith.constant 0 : i32
          %dma_start3A_592 = arith.constant 0 : i32
          %dma_start3A_593 = tpu.memref_slice %arg2[%dma_start3A_591, %dma_start3A_592] : memref<100000x16xf32, #tpu.memory_space<hbm>> -> memref<100000x16xf32, #tpu.memory_space<hbm>>
          tpu.enqueue_indirect_dma source(%dma_start3A_593 : memref<100000x16xf32, #tpu.memory_space<hbm>>) target(%dma_start3A_588 : memref<80x16xf32, #tpu.memory_space<vmem>>) offsets(%dma_start3A_590 : memref<80xi32, #tpu.memory_space<vmem>>) semaphore(%arg25 : memref<!tpu.dma_semaphore, #tpu.memory_space<semaphore_mem>>)
          %dma_start3A_594 = arith.constant 80 : i32
          %dma_start3A_595 = arith.constant 0 : i32
          %dma_start3A_596 = tpu.memref_slice %arg17[%dma_start3A_594, %dma_start3A_595] : memref<800x16xf32, #tpu.memory_space<vmem>> -> memref<80x16xf32, #tpu.memory_space<vmem>>
          %dma_start3A_597 = arith.constant 80 : i32
          %dma_start3A_598 = tpu.memref_slice %arg13[%dma_start3A_597] : memref<800xi32, #tpu.memory_space<vmem>> -> memref<80xi32, #tpu.memory_space<vmem>>
          %dma_start3A_599 = arith.constant 0 : i32
          %dma_start3A_600 = arith.constant 0 : i32
          %dma_start3A_601 = tpu.memref_slice %arg2[%dma_start3A_599, %dma_start3A_600] : memref<100000x16xf32, #tpu.memory_space<hbm>> -> memref<100000x16xf32, #tpu.memory_space<hbm>>
          tpu.enqueue_indirect_dma source(%dma_start3A_601 : memref<100000x16xf32, #tpu.memory_space<hbm>>) target(%dma_start3A_596 : memref<80x16xf32, #tpu.memory_space<vmem>>) offsets(%dma_start3A_598 : memref<80xi32, #tpu.memory_space<vmem>>) semaphore(%arg25 : memref<!tpu.dma_semaphore, #tpu.memory_space<semaphore_mem>>)
          %dma_start3A_602 = arith.constant 160 : i32
          %dma_start3A_603 = arith.constant 0 : i32
          %dma_start3A_604 = tpu.memref_slice %arg15[%dma_start3A_602, %dma_start3A_603] : memref<800x16xf32, #tpu.memory_space<vmem>> -> memref<80x16xf32, #tpu.memory_space<vmem>>
          %dma_start3A_605 = arith.constant 160 : i32
          %dma_start3A_606 = tpu.memref_slice %arg9[%dma_start3A_605] : memref<800xi32, #tpu.memory_space<vmem>> -> memref<80xi32, #tpu.memory_space<vmem>>
          %dma_start3A_607 = arith.constant 0 : i32
          %dma_start3A_608 = arith.constant 0 : i32
          %dma_start3A_609 = tpu.memref_slice %arg2[%dma_start3A_607, %dma_start3A_608] : memref<100000x16xf32, #tpu.memory_space<hbm>> -> memref<100000x16xf32, #tpu.memory_space<hbm>>
          tpu.enqueue_indirect_dma source(%dma_start3A_609 : memref<100000x16xf32, #tpu.memory_space<hbm>>) target(%dma_start3A_604 : memref<80x16xf32, #tpu.memory_space<vmem>>) offsets(%dma_start3A_606 : memref<80xi32, #tpu.memory_space<vmem>>) semaphore(%arg25 : memref<!tpu.dma_semaphore, #tpu.memory_space<semaphore_mem>>)
          %dma_start3A_610 = arith.constant 160 : i32
          %dma_start3A_611 = arith.constant 0 : i32
          %dma_start3A_612 = tpu.memref_slice %arg17[%dma_start3A_610, %dma_start3A_611] : memref<800x16xf32, #tpu.memory_space<vmem>> -> memref<80x16xf32, #tpu.memory_space<vmem>>
          %dma_start3A_613 = arith.constant 160 : i32
          %dma_start3A_614 = tpu.memref_slice %arg13[%dma_start3A_613] : memref<800xi32, #tpu.memory_space<vmem>> -> memref<80xi32, #tpu.memory_space<vmem>>
          %dma_start3A_615 = arith.constant 0 : i32
          %dma_start3A_616 = arith.constant 0 : i32
          %dma_start3A_617 = tpu.memref_slice %arg2[%dma_start3A_615, %dma_start3A_616] : memref<100000x16xf32, #tpu.memory_space<hbm>> -> memref<100000x16xf32, #tpu.memory_space<hbm>>
          tpu.enqueue_indirect_dma source(%dma_start3A_617 : memref<100000x16xf32, #tpu.memory_space<hbm>>) target(%dma_start3A_612 : memref<80x16xf32, #tpu.memory_space<vmem>>) offsets(%dma_start3A_614 : memref<80xi32, #tpu.memory_space<vmem>>) semaphore(%arg25 : memref<!tpu.dma_semaphore, #tpu.memory_space<semaphore_mem>>)
          %dma_start3A_618 = arith.constant 240 : i32
          %dma_start3A_619 = arith.constant 0 : i32
          %dma_start3A_620 = tpu.memref_slice %arg15[%dma_start3A_618, %dma_start3A_619] : memref<800x16xf32, #tpu.memory_space<vmem>> -> memref<80x16xf32, #tpu.memory_space<vmem>>
          %dma_start3A_621 = arith.constant 240 : i32
          %dma_start3A_622 = tpu.memref_slice %arg9[%dma_start3A_621] : memref<800xi32, #tpu.memory_space<vmem>> -> memref<80xi32, #tpu.memory_space<vmem>>
          %dma_start3A_623 = arith.constant 0 : i32
          %dma_start3A_624 = arith.constant 0 : i32
          %dma_start3A_625 = tpu.memref_slice %arg2[%dma_start3A_623, %dma_start3A_624] : memref<100000x16xf32, #tpu.memory_space<hbm>> -> memref<100000x16xf32, #tpu.memory_space<hbm>>
          tpu.enqueue_indirect_dma source(%dma_start3A_625 : memref<100000x16xf32, #tpu.memory_space<hbm>>) target(%dma_start3A_620 : memref<80x16xf32, #tpu.memory_space<vmem>>) offsets(%dma_start3A_622 : memref<80xi32, #tpu.memory_space<vmem>>) semaphore(%arg25 : memref<!tpu.dma_semaphore, #tpu.memory_space<semaphore_mem>>)
          %dma_start3A_626 = arith.constant 240 : i32
          %dma_start3A_627 = arith.constant 0 : i32
          %dma_start3A_628 = tpu.memref_slice %arg17[%dma_start3A_626, %dma_start3A_627] : memref<800x16xf32, #tpu.memory_space<vmem>> -> memref<80x16xf32, #tpu.memory_space<vmem>>
          %dma_start3A_629 = arith.constant 240 : i32
          %dma_start3A_630 = tpu.memref_slice %arg13[%dma_start3A_629] : memref<800xi32, #tpu.memory_space<vmem>> -> memref<80xi32, #tpu.memory_space<vmem>>
          %dma_start3A_631 = arith.constant 0 : i32
          %dma_start3A_632 = arith.constant 0 : i32
          %dma_start3A_633 = tpu.memref_slice %arg2[%dma_start3A_631, %dma_start3A_632] : memref<100000x16xf32, #tpu.memory_space<hbm>> -> memref<100000x16xf32, #tpu.memory_space<hbm>>
          tpu.enqueue_indirect_dma source(%dma_start3A_633 : memref<100000x16xf32, #tpu.memory_space<hbm>>) target(%dma_start3A_628 : memref<80x16xf32, #tpu.memory_space<vmem>>) offsets(%dma_start3A_630 : memref<80xi32, #tpu.memory_space<vmem>>) semaphore(%arg25 : memref<!tpu.dma_semaphore, #tpu.memory_space<semaphore_mem>>)
          %dma_start3A_634 = arith.constant 320 : i32
          %dma_start3A_635 = arith.constant 0 : i32
          %dma_start3A_636 = tpu.memref_slice %arg15[%dma_start3A_634, %dma_start3A_635] : memref<800x16xf32, #tpu.memory_space<vmem>> -> memref<80x16xf32, #tpu.memory_space<vmem>>
          %dma_start3A_637 = arith.constant 320 : i32
          %dma_start3A_638 = tpu.memref_slice %arg9[%dma_start3A_637] : memref<800xi32, #tpu.memory_space<vmem>> -> memref<80xi32, #tpu.memory_space<vmem>>
          %dma_start3A_639 = arith.constant 0 : i32
          %dma_start3A_640 = arith.constant 0 : i32
          %dma_start3A_641 = tpu.memref_slice %arg2[%dma_start3A_639, %dma_start3A_640] : memref<100000x16xf32, #tpu.memory_space<hbm>> -> memref<100000x16xf32, #tpu.memory_space<hbm>>
          tpu.enqueue_indirect_dma source(%dma_start3A_641 : memref<100000x16xf32, #tpu.memory_space<hbm>>) target(%dma_start3A_636 : memref<80x16xf32, #tpu.memory_space<vmem>>) offsets(%dma_start3A_638 : memref<80xi32, #tpu.memory_space<vmem>>) semaphore(%arg25 : memref<!tpu.dma_semaphore, #tpu.memory_space<semaphore_mem>>)
          %dma_start3A_642 = arith.constant 320 : i32
          %dma_start3A_643 = arith.constant 0 : i32
          %dma_start3A_644 = tpu.memref_slice %arg17[%dma_start3A_642, %dma_start3A_643] : memref<800x16xf32, #tpu.memory_space<vmem>> -> memref<80x16xf32, #tpu.memory_space<vmem>>
          %dma_start3A_645 = arith.constant 320 : i32
          %dma_start3A_646 = tpu.memref_slice %arg13[%dma_start3A_645] : memref<800xi32, #tpu.memory_space<vmem>> -> memref<80xi32, #tpu.memory_space<vmem>>
          %dma_start3A_647 = arith.constant 0 : i32
          %dma_start3A_648 = arith.constant 0 : i32
          %dma_start3A_649 = tpu.memref_slice %arg2[%dma_start3A_647, %dma_start3A_648] : memref<100000x16xf32, #tpu.memory_space<hbm>> -> memref<100000x16xf32, #tpu.memory_space<hbm>>
          tpu.enqueue_indirect_dma source(%dma_start3A_649 : memref<100000x16xf32, #tpu.memory_space<hbm>>) target(%dma_start3A_644 : memref<80x16xf32, #tpu.memory_space<vmem>>) offsets(%dma_start3A_646 : memref<80xi32, #tpu.memory_space<vmem>>) semaphore(%arg25 : memref<!tpu.dma_semaphore, #tpu.memory_space<semaphore_mem>>)
          %dma_start3A_650 = arith.constant 400 : i32
          %dma_start3A_651 = arith.constant 0 : i32
          %dma_start3A_652 = tpu.memref_slice %arg15[%dma_start3A_650, %dma_start3A_651] : memref<800x16xf32, #tpu.memory_space<vmem>> -> memref<80x16xf32, #tpu.memory_space<vmem>>
          %dma_start3A_653 = arith.constant 400 : i32
          %dma_start3A_654 = tpu.memref_slice %arg9[%dma_start3A_653] : memref<800xi32, #tpu.memory_space<vmem>> -> memref<80xi32, #tpu.memory_space<vmem>>
          %dma_start3A_655 = arith.constant 0 : i32
          %dma_start3A_656 = arith.constant 0 : i32
          %dma_start3A_657 = tpu.memref_slice %arg2[%dma_start3A_655, %dma_start3A_656] : memref<100000x16xf32, #tpu.memory_space<hbm>> -> memref<100000x16xf32, #tpu.memory_space<hbm>>
          tpu.enqueue_indirect_dma source(%dma_start3A_657 : memref<100000x16xf32, #tpu.memory_space<hbm>>) target(%dma_start3A_652 : memref<80x16xf32, #tpu.memory_space<vmem>>) offsets(%dma_start3A_654 : memref<80xi32, #tpu.memory_space<vmem>>) semaphore(%arg25 : memref<!tpu.dma_semaphore, #tpu.memory_space<semaphore_mem>>)
          %dma_start3A_658 = arith.constant 400 : i32
          %dma_start3A_659 = arith.constant 0 : i32
          %dma_start3A_660 = tpu.memref_slice %arg17[%dma_start3A_658, %dma_start3A_659] : memref<800x16xf32, #tpu.memory_space<vmem>> -> memref<80x16xf32, #tpu.memory_space<vmem>>
          %dma_start3A_661 = arith.constant 400 : i32
          %dma_start3A_662 = tpu.memref_slice %arg13[%dma_start3A_661] : memref<800xi32, #tpu.memory_space<vmem>> -> memref<80xi32, #tpu.memory_space<vmem>>
          %dma_start3A_663 = arith.constant 0 : i32
          %dma_start3A_664 = arith.constant 0 : i32
          %dma_start3A_665 = tpu.memref_slice %arg2[%dma_start3A_663, %dma_start3A_664] : memref<100000x16xf32, #tpu.memory_space<hbm>> -> memref<100000x16xf32, #tpu.memory_space<hbm>>
          tpu.enqueue_indirect_dma source(%dma_start3A_665 : memref<100000x16xf32, #tpu.memory_space<hbm>>) target(%dma_start3A_660 : memref<80x16xf32, #tpu.memory_space<vmem>>) offsets(%dma_start3A_662 : memref<80xi32, #tpu.memory_space<vmem>>) semaphore(%arg25 : memref<!tpu.dma_semaphore, #tpu.memory_space<semaphore_mem>>)
          %dma_start3A_666 = arith.constant 480 : i32
          %dma_start3A_667 = arith.constant 0 : i32
          %dma_start3A_668 = tpu.memref_slice %arg15[%dma_start3A_666, %dma_start3A_667] : memref<800x16xf32, #tpu.memory_space<vmem>> -> memref<80x16xf32, #tpu.memory_space<vmem>>
          %dma_start3A_669 = arith.constant 480 : i32
          %dma_start3A_670 = tpu.memref_slice %arg9[%dma_start3A_669] : memref<800xi32, #tpu.memory_space<vmem>> -> memref<80xi32, #tpu.memory_space<vmem>>
          %dma_start3A_671 = arith.constant 0 : i32
          %dma_start3A_672 = arith.constant 0 : i32
          %dma_start3A_673 = tpu.memref_slice %arg2[%dma_start3A_671, %dma_start3A_672] : memref<100000x16xf32, #tpu.memory_space<hbm>> -> memref<100000x16xf32, #tpu.memory_space<hbm>>
          tpu.enqueue_indirect_dma source(%dma_start3A_673 : memref<100000x16xf32, #tpu.memory_space<hbm>>) target(%dma_start3A_668 : memref<80x16xf32, #tpu.memory_space<vmem>>) offsets(%dma_start3A_670 : memref<80xi32, #tpu.memory_space<vmem>>) semaphore(%arg25 : memref<!tpu.dma_semaphore, #tpu.memory_space<semaphore_mem>>)
          %dma_start3A_674 = arith.constant 480 : i32
          %dma_start3A_675 = arith.constant 0 : i32
          %dma_start3A_676 = tpu.memref_slice %arg17[%dma_start3A_674, %dma_start3A_675] : memref<800x16xf32, #tpu.memory_space<vmem>> -> memref<80x16xf32, #tpu.memory_space<vmem>>
          %dma_start3A_677 = arith.constant 480 : i32
          %dma_start3A_678 = tpu.memref_slice %arg13[%dma_start3A_677] : memref<800xi32, #tpu.memory_space<vmem>> -> memref<80xi32, #tpu.memory_space<vmem>>
          %dma_start3A_679 = arith.constant 0 : i32
          %dma_start3A_680 = arith.constant 0 : i32
          %dma_start3A_681 = tpu.memref_slice %arg2[%dma_start3A_679, %dma_start3A_680] : memref<100000x16xf32, #tpu.memory_space<hbm>> -> memref<100000x16xf32, #tpu.memory_space<hbm>>
          tpu.enqueue_indirect_dma source(%dma_start3A_681 : memref<100000x16xf32, #tpu.memory_space<hbm>>) target(%dma_start3A_676 : memref<80x16xf32, #tpu.memory_space<vmem>>) offsets(%dma_start3A_678 : memref<80xi32, #tpu.memory_space<vmem>>) semaphore(%arg25 : memref<!tpu.dma_semaphore, #tpu.memory_space<semaphore_mem>>)
          %dma_start3A_682 = arith.constant 560 : i32
          %dma_start3A_683 = arith.constant 0 : i32
          %dma_start3A_684 = tpu.memref_slice %arg15[%dma_start3A_682, %dma_start3A_683] : memref<800x16xf32, #tpu.memory_space<vmem>> -> memref<80x16xf32, #tpu.memory_space<vmem>>
          %dma_start3A_685 = arith.constant 560 : i32
          %dma_start3A_686 = tpu.memref_slice %arg9[%dma_start3A_685] : memref<800xi32, #tpu.memory_space<vmem>> -> memref<80xi32, #tpu.memory_space<vmem>>
          %dma_start3A_687 = arith.constant 0 : i32
          %dma_start3A_688 = arith.constant 0 : i32
          %dma_start3A_689 = tpu.memref_slice %arg2[%dma_start3A_687, %dma_start3A_688] : memref<100000x16xf32, #tpu.memory_space<hbm>> -> memref<100000x16xf32, #tpu.memory_space<hbm>>
          tpu.enqueue_indirect_dma source(%dma_start3A_689 : memref<100000x16xf32, #tpu.memory_space<hbm>>) target(%dma_start3A_684 : memref<80x16xf32, #tpu.memory_space<vmem>>) offsets(%dma_start3A_686 : memref<80xi32, #tpu.memory_space<vmem>>) semaphore(%arg25 : memref<!tpu.dma_semaphore, #tpu.memory_space<semaphore_mem>>)
          %dma_start3A_690 = arith.constant 560 : i32
          %dma_start3A_691 = arith.constant 0 : i32
          %dma_start3A_692 = tpu.memref_slice %arg17[%dma_start3A_690, %dma_start3A_691] : memref<800x16xf32, #tpu.memory_space<vmem>> -> memref<80x16xf32, #tpu.memory_space<vmem>>
          %dma_start3A_693 = arith.constant 560 : i32
          %dma_start3A_694 = tpu.memref_slice %arg13[%dma_start3A_693] : memref<800xi32, #tpu.memory_space<vmem>> -> memref<80xi32, #tpu.memory_space<vmem>>
          %dma_start3A_695 = arith.constant 0 : i32
          %dma_start3A_696 = arith.constant 0 : i32
          %dma_start3A_697 = tpu.memref_slice %arg2[%dma_start3A_695, %dma_start3A_696] : memref<100000x16xf32, #tpu.memory_space<hbm>> -> memref<100000x16xf32, #tpu.memory_space<hbm>>
          tpu.enqueue_indirect_dma source(%dma_start3A_697 : memref<100000x16xf32, #tpu.memory_space<hbm>>) target(%dma_start3A_692 : memref<80x16xf32, #tpu.memory_space<vmem>>) offsets(%dma_start3A_694 : memref<80xi32, #tpu.memory_space<vmem>>) semaphore(%arg25 : memref<!tpu.dma_semaphore, #tpu.memory_space<semaphore_mem>>)
          %dma_start3A_698 = arith.constant 640 : i32
          %dma_start3A_699 = arith.constant 0 : i32
          %dma_start3A_700 = tpu.memref_slice %arg15[%dma_start3A_698, %dma_start3A_699] : memref<800x16xf32, #tpu.memory_space<vmem>> -> memref<80x16xf32, #tpu.memory_space<vmem>>
          %dma_start3A_701 = arith.constant 640 : i32
          %dma_start3A_702 = tpu.memref_slice %arg9[%dma_start3A_701] : memref<800xi32, #tpu.memory_space<vmem>> -> memref<80xi32, #tpu.memory_space<vmem>>
          %dma_start3A_703 = arith.constant 0 : i32
          %dma_start3A_704 = arith.constant 0 : i32
          %dma_start3A_705 = tpu.memref_slice %arg2[%dma_start3A_703, %dma_start3A_704] : memref<100000x16xf32, #tpu.memory_space<hbm>> -> memref<100000x16xf32, #tpu.memory_space<hbm>>
          tpu.enqueue_indirect_dma source(%dma_start3A_705 : memref<100000x16xf32, #tpu.memory_space<hbm>>) target(%dma_start3A_700 : memref<80x16xf32, #tpu.memory_space<vmem>>) offsets(%dma_start3A_702 : memref<80xi32, #tpu.memory_space<vmem>>) semaphore(%arg25 : memref<!tpu.dma_semaphore, #tpu.memory_space<semaphore_mem>>)
          %dma_start3A_706 = arith.constant 640 : i32
          %dma_start3A_707 = arith.constant 0 : i32
          %dma_start3A_708 = tpu.memref_slice %arg17[%dma_start3A_706, %dma_start3A_707] : memref<800x16xf32, #tpu.memory_space<vmem>> -> memref<80x16xf32, #tpu.memory_space<vmem>>
          %dma_start3A_709 = arith.constant 640 : i32
          %dma_start3A_710 = tpu.memref_slice %arg13[%dma_start3A_709] : memref<800xi32, #tpu.memory_space<vmem>> -> memref<80xi32, #tpu.memory_space<vmem>>
          %dma_start3A_711 = arith.constant 0 : i32
          %dma_start3A_712 = arith.constant 0 : i32
          %dma_start3A_713 = tpu.memref_slice %arg2[%dma_start3A_711, %dma_start3A_712] : memref<100000x16xf32, #tpu.memory_space<hbm>> -> memref<100000x16xf32, #tpu.memory_space<hbm>>
          tpu.enqueue_indirect_dma source(%dma_start3A_713 : memref<100000x16xf32, #tpu.memory_space<hbm>>) target(%dma_start3A_708 : memref<80x16xf32, #tpu.memory_space<vmem>>) offsets(%dma_start3A_710 : memref<80xi32, #tpu.memory_space<vmem>>) semaphore(%arg25 : memref<!tpu.dma_semaphore, #tpu.memory_space<semaphore_mem>>)
          %dma_start3A_714 = arith.constant 720 : i32
          %dma_start3A_715 = arith.constant 0 : i32
          %dma_start3A_716 = tpu.memref_slice %arg15[%dma_start3A_714, %dma_start3A_715] : memref<800x16xf32, #tpu.memory_space<vmem>> -> memref<80x16xf32, #tpu.memory_space<vmem>>
          %dma_start3A_717 = arith.constant 720 : i32
          %dma_start3A_718 = tpu.memref_slice %arg9[%dma_start3A_717] : memref<800xi32, #tpu.memory_space<vmem>> -> memref<80xi32, #tpu.memory_space<vmem>>
          %dma_start3A_719 = arith.constant 0 : i32
          %dma_start3A_720 = arith.constant 0 : i32
          %dma_start3A_721 = tpu.memref_slice %arg2[%dma_start3A_719, %dma_start3A_720] : memref<100000x16xf32, #tpu.memory_space<hbm>> -> memref<100000x16xf32, #tpu.memory_space<hbm>>
          tpu.enqueue_indirect_dma source(%dma_start3A_721 : memref<100000x16xf32, #tpu.memory_space<hbm>>) target(%dma_start3A_716 : memref<80x16xf32, #tpu.memory_space<vmem>>) offsets(%dma_start3A_718 : memref<80xi32, #tpu.memory_space<vmem>>) semaphore(%arg25 : memref<!tpu.dma_semaphore, #tpu.memory_space<semaphore_mem>>)
          %dma_start3A_722 = arith.constant 720 : i32
          %dma_start3A_723 = arith.constant 0 : i32
          %dma_start3A_724 = tpu.memref_slice %arg17[%dma_start3A_722, %dma_start3A_723] : memref<800x16xf32, #tpu.memory_space<vmem>> -> memref<80x16xf32, #tpu.memory_space<vmem>>
          %dma_start3A_725 = arith.constant 720 : i32
          %dma_start3A_726 = tpu.memref_slice %arg13[%dma_start3A_725] : memref<800xi32, #tpu.memory_space<vmem>> -> memref<80xi32, #tpu.memory_space<vmem>>
          %dma_start3A_727 = arith.constant 0 : i32
          %dma_start3A_728 = arith.constant 0 : i32
          %dma_start3A_729 = tpu.memref_slice %arg2[%dma_start3A_727, %dma_start3A_728] : memref<100000x16xf32, #tpu.memory_space<hbm>> -> memref<100000x16xf32, #tpu.memory_space<hbm>>
          tpu.enqueue_indirect_dma source(%dma_start3A_729 : memref<100000x16xf32, #tpu.memory_space<hbm>>) target(%dma_start3A_724 : memref<80x16xf32, #tpu.memory_space<vmem>>) offsets(%dma_start3A_726 : memref<80xi32, #tpu.memory_space<vmem>>) semaphore(%arg25 : memref<!tpu.dma_semaphore, #tpu.memory_space<semaphore_mem>>)
        } else {
        }
        %add3A_333 = arith.constant 3 : i32
        %add3A_334 = arith.addi %add3A_311, %add3A_333 : i32
        %lt3A_335 = arith.constant 125 : i32
        %lt3A_336 = arith.cmpi slt, %add3A_334, %lt3A_335 : i32
        %convert_element_type3A_337 = arith.extui %lt3A_336 : i1 to i32
        %cond3A_338 = arith.constant 0 : i32
        %cond3A_339 = arith.cmpi ne, %convert_element_type3A_337, %cond3A_338 : i32
        scf.if %cond3A_339 {
          %add3A_559 = arith.constant 3 : i32
          %add3A_560 = arith.addi %add3A_311, %add3A_559 : i32
          %mul3A_561 = arith.constant 32 : i32
          %mul3A_562 = arith.muli %add3A_560, %mul3A_561 : i32
          %add3A_563 = arith.addi %mul3A_562, %add3A : i32
          %mul3A_564 = arith.constant 800 : i32
          %mul3A_565 = arith.muli %add3A_563, %mul3A_564 : i32
          %dma_start3A_566 = tpu.memref_slice %arg3[%mul3A_565] : memref<3200000xi32, #tpu.memory_space<hbm>> -> memref<800xi32, #tpu.memory_space<hbm>>
          %dma_start3A_567 = tpu.memref_slice %arg3[%mul3A_565] : memref<3200000xi32, #tpu.memory_space<hbm>> -> memref<800xi32, #tpu.memory_space<hbm>>
          tpu.enqueue_dma source(%dma_start3A_567 : memref<800xi32, #tpu.memory_space<hbm>>) target(%arg7 : memref<800xi32, #tpu.memory_space<vmem>>) target_semaphore(%arg21 : memref<!tpu.dma_semaphore, #tpu.memory_space<semaphore_mem>>)
          %dma_start3A_568 = tpu.memref_slice %arg4[%mul3A_565] : memref<3200000xi32, #tpu.memory_space<hbm>> -> memref<800xi32, #tpu.memory_space<hbm>>
          %dma_start3A_569 = tpu.memref_slice %arg4[%mul3A_565] : memref<3200000xi32, #tpu.memory_space<hbm>> -> memref<800xi32, #tpu.memory_space<hbm>>
          tpu.enqueue_dma source(%dma_start3A_569 : memref<800xi32, #tpu.memory_space<hbm>>) target(%arg11 : memref<800xi32, #tpu.memory_space<vmem>>) target_semaphore(%arg21 : memref<!tpu.dma_semaphore, #tpu.memory_space<semaphore_mem>>)
        } else {
        }
        %dma_wait3A_340 = arith.constant 0 : i32
        %dma_wait3A_341 = arith.constant 0 : i32
        %dma_wait3A_342 = tpu.memref_slice %arg14[%dma_wait3A_340, %dma_wait3A_341] : memref<800x16xf32, #tpu.memory_space<vmem>> -> memref<80x16xf32, #tpu.memory_space<vmem>>
        %dma_wait3A_343 = arith.constant 0 : i32
        %dma_wait3A_344 = tpu.memref_slice %arg8[%dma_wait3A_343] : memref<800xi32, #tpu.memory_space<vmem>> -> memref<80xi32, #tpu.memory_space<vmem>>
        %dma_wait3A_345 = arith.constant 0 : i32
        %dma_wait3A_346 = arith.constant 0 : i32
        %dma_wait3A_347 = tpu.memref_slice %arg2[%dma_wait3A_345, %dma_wait3A_346] : memref<100000x16xf32, #tpu.memory_space<hbm>> -> memref<100000x16xf32, #tpu.memory_space<hbm>>
        tpu.wait_indirect_dma semaphore(%arg24 : memref<!tpu.dma_semaphore, #tpu.memory_space<semaphore_mem>>) src(%dma_wait3A_347 : memref<100000x16xf32, #tpu.memory_space<hbm>>) dst(%dma_wait3A_342 : memref<80x16xf32, #tpu.memory_space<vmem>>)
        %dma_wait3A_348 = arith.constant 0 : i32
        %dma_wait3A_349 = arith.constant 0 : i32
        %dma_wait3A_350 = tpu.memref_slice %arg16[%dma_wait3A_348, %dma_wait3A_349] : memref<800x16xf32, #tpu.memory_space<vmem>> -> memref<80x16xf32, #tpu.memory_space<vmem>>
        %dma_wait3A_351 = arith.constant 0 : i32
        %dma_wait3A_352 = tpu.memref_slice %arg12[%dma_wait3A_351] : memref<800xi32, #tpu.memory_space<vmem>> -> memref<80xi32, #tpu.memory_space<vmem>>
        %dma_wait3A_353 = arith.constant 0 : i32
        %dma_wait3A_354 = arith.constant 0 : i32
        %dma_wait3A_355 = tpu.memref_slice %arg2[%dma_wait3A_353, %dma_wait3A_354] : memref<100000x16xf32, #tpu.memory_space<hbm>> -> memref<100000x16xf32, #tpu.memory_space<hbm>>
        tpu.wait_indirect_dma semaphore(%arg24 : memref<!tpu.dma_semaphore, #tpu.memory_space<semaphore_mem>>) src(%dma_wait3A_355 : memref<100000x16xf32, #tpu.memory_space<hbm>>) dst(%dma_wait3A_350 : memref<80x16xf32, #tpu.memory_space<vmem>>)
        %dma_wait3A_356 = arith.constant 80 : i32
        %dma_wait3A_357 = arith.constant 0 : i32
        %dma_wait3A_358 = tpu.memref_slice %arg14[%dma_wait3A_356, %dma_wait3A_357] : memref<800x16xf32, #tpu.memory_space<vmem>> -> memref<80x16xf32, #tpu.memory_space<vmem>>
        %dma_wait3A_359 = arith.constant 80 : i32
        %dma_wait3A_360 = tpu.memref_slice %arg8[%dma_wait3A_359] : memref<800xi32, #tpu.memory_space<vmem>> -> memref<80xi32, #tpu.memory_space<vmem>>
        %dma_wait3A_361 = arith.constant 0 : i32
        %dma_wait3A_362 = arith.constant 0 : i32
        %dma_wait3A_363 = tpu.memref_slice %arg2[%dma_wait3A_361, %dma_wait3A_362] : memref<100000x16xf32, #tpu.memory_space<hbm>> -> memref<100000x16xf32, #tpu.memory_space<hbm>>
        tpu.wait_indirect_dma semaphore(%arg24 : memref<!tpu.dma_semaphore, #tpu.memory_space<semaphore_mem>>) src(%dma_wait3A_363 : memref<100000x16xf32, #tpu.memory_space<hbm>>) dst(%dma_wait3A_358 : memref<80x16xf32, #tpu.memory_space<vmem>>)
        %dma_wait3A_364 = arith.constant 80 : i32
        %dma_wait3A_365 = arith.constant 0 : i32
        %dma_wait3A_366 = tpu.memref_slice %arg16[%dma_wait3A_364, %dma_wait3A_365] : memref<800x16xf32, #tpu.memory_space<vmem>> -> memref<80x16xf32, #tpu.memory_space<vmem>>
        %dma_wait3A_367 = arith.constant 80 : i32
        %dma_wait3A_368 = tpu.memref_slice %arg12[%dma_wait3A_367] : memref<800xi32, #tpu.memory_space<vmem>> -> memref<80xi32, #tpu.memory_space<vmem>>
        %dma_wait3A_369 = arith.constant 0 : i32
        %dma_wait3A_370 = arith.constant 0 : i32
        %dma_wait3A_371 = tpu.memref_slice %arg2[%dma_wait3A_369, %dma_wait3A_370] : memref<100000x16xf32, #tpu.memory_space<hbm>> -> memref<100000x16xf32, #tpu.memory_space<hbm>>
        tpu.wait_indirect_dma semaphore(%arg24 : memref<!tpu.dma_semaphore, #tpu.memory_space<semaphore_mem>>) src(%dma_wait3A_371 : memref<100000x16xf32, #tpu.memory_space<hbm>>) dst(%dma_wait3A_366 : memref<80x16xf32, #tpu.memory_space<vmem>>)
        %dma_wait3A_372 = arith.constant 160 : i32
        %dma_wait3A_373 = arith.constant 0 : i32
        %dma_wait3A_374 = tpu.memref_slice %arg14[%dma_wait3A_372, %dma_wait3A_373] : memref<800x16xf32, #tpu.memory_space<vmem>> -> memref<80x16xf32, #tpu.memory_space<vmem>>
        %dma_wait3A_375 = arith.constant 160 : i32
        %dma_wait3A_376 = tpu.memref_slice %arg8[%dma_wait3A_375] : memref<800xi32, #tpu.memory_space<vmem>> -> memref<80xi32, #tpu.memory_space<vmem>>
        %dma_wait3A_377 = arith.constant 0 : i32
        %dma_wait3A_378 = arith.constant 0 : i32
        %dma_wait3A_379 = tpu.memref_slice %arg2[%dma_wait3A_377, %dma_wait3A_378] : memref<100000x16xf32, #tpu.memory_space<hbm>> -> memref<100000x16xf32, #tpu.memory_space<hbm>>
        tpu.wait_indirect_dma semaphore(%arg24 : memref<!tpu.dma_semaphore, #tpu.memory_space<semaphore_mem>>) src(%dma_wait3A_379 : memref<100000x16xf32, #tpu.memory_space<hbm>>) dst(%dma_wait3A_374 : memref<80x16xf32, #tpu.memory_space<vmem>>)
        %dma_wait3A_380 = arith.constant 160 : i32
        %dma_wait3A_381 = arith.constant 0 : i32
        %dma_wait3A_382 = tpu.memref_slice %arg16[%dma_wait3A_380, %dma_wait3A_381] : memref<800x16xf32, #tpu.memory_space<vmem>> -> memref<80x16xf32, #tpu.memory_space<vmem>>
        %dma_wait3A_383 = arith.constant 160 : i32
        %dma_wait3A_384 = tpu.memref_slice %arg12[%dma_wait3A_383] : memref<800xi32, #tpu.memory_space<vmem>> -> memref<80xi32, #tpu.memory_space<vmem>>
        %dma_wait3A_385 = arith.constant 0 : i32
        %dma_wait3A_386 = arith.constant 0 : i32
        %dma_wait3A_387 = tpu.memref_slice %arg2[%dma_wait3A_385, %dma_wait3A_386] : memref<100000x16xf32, #tpu.memory_space<hbm>> -> memref<100000x16xf32, #tpu.memory_space<hbm>>
        tpu.wait_indirect_dma semaphore(%arg24 : memref<!tpu.dma_semaphore, #tpu.memory_space<semaphore_mem>>) src(%dma_wait3A_387 : memref<100000x16xf32, #tpu.memory_space<hbm>>) dst(%dma_wait3A_382 : memref<80x16xf32, #tpu.memory_space<vmem>>)
        %dma_wait3A_388 = arith.constant 240 : i32
        %dma_wait3A_389 = arith.constant 0 : i32
        %dma_wait3A_390 = tpu.memref_slice %arg14[%dma_wait3A_388, %dma_wait3A_389] : memref<800x16xf32, #tpu.memory_space<vmem>> -> memref<80x16xf32, #tpu.memory_space<vmem>>
        %dma_wait3A_391 = arith.constant 240 : i32
        %dma_wait3A_392 = tpu.memref_slice %arg8[%dma_wait3A_391] : memref<800xi32, #tpu.memory_space<vmem>> -> memref<80xi32, #tpu.memory_space<vmem>>
        %dma_wait3A_393 = arith.constant 0 : i32
        %dma_wait3A_394 = arith.constant 0 : i32
        %dma_wait3A_395 = tpu.memref_slice %arg2[%dma_wait3A_393, %dma_wait3A_394] : memref<100000x16xf32, #tpu.memory_space<hbm>> -> memref<100000x16xf32, #tpu.memory_space<hbm>>
        tpu.wait_indirect_dma semaphore(%arg24 : memref<!tpu.dma_semaphore, #tpu.memory_space<semaphore_mem>>) src(%dma_wait3A_395 : memref<100000x16xf32, #tpu.memory_space<hbm>>) dst(%dma_wait3A_390 : memref<80x16xf32, #tpu.memory_space<vmem>>)
        %dma_wait3A_396 = arith.constant 240 : i32
        %dma_wait3A_397 = arith.constant 0 : i32
        %dma_wait3A_398 = tpu.memref_slice %arg16[%dma_wait3A_396, %dma_wait3A_397] : memref<800x16xf32, #tpu.memory_space<vmem>> -> memref<80x16xf32, #tpu.memory_space<vmem>>
        %dma_wait3A_399 = arith.constant 240 : i32
        %dma_wait3A_400 = tpu.memref_slice %arg12[%dma_wait3A_399] : memref<800xi32, #tpu.memory_space<vmem>> -> memref<80xi32, #tpu.memory_space<vmem>>
        %dma_wait3A_401 = arith.constant 0 : i32
        %dma_wait3A_402 = arith.constant 0 : i32
        %dma_wait3A_403 = tpu.memref_slice %arg2[%dma_wait3A_401, %dma_wait3A_402] : memref<100000x16xf32, #tpu.memory_space<hbm>> -> memref<100000x16xf32, #tpu.memory_space<hbm>>
        tpu.wait_indirect_dma semaphore(%arg24 : memref<!tpu.dma_semaphore, #tpu.memory_space<semaphore_mem>>) src(%dma_wait3A_403 : memref<100000x16xf32, #tpu.memory_space<hbm>>) dst(%dma_wait3A_398 : memref<80x16xf32, #tpu.memory_space<vmem>>)
        %dma_wait3A_404 = arith.constant 320 : i32
        %dma_wait3A_405 = arith.constant 0 : i32
        %dma_wait3A_406 = tpu.memref_slice %arg14[%dma_wait3A_404, %dma_wait3A_405] : memref<800x16xf32, #tpu.memory_space<vmem>> -> memref<80x16xf32, #tpu.memory_space<vmem>>
        %dma_wait3A_407 = arith.constant 320 : i32
        %dma_wait3A_408 = tpu.memref_slice %arg8[%dma_wait3A_407] : memref<800xi32, #tpu.memory_space<vmem>> -> memref<80xi32, #tpu.memory_space<vmem>>
        %dma_wait3A_409 = arith.constant 0 : i32
        %dma_wait3A_410 = arith.constant 0 : i32
        %dma_wait3A_411 = tpu.memref_slice %arg2[%dma_wait3A_409, %dma_wait3A_410] : memref<100000x16xf32, #tpu.memory_space<hbm>> -> memref<100000x16xf32, #tpu.memory_space<hbm>>
        tpu.wait_indirect_dma semaphore(%arg24 : memref<!tpu.dma_semaphore, #tpu.memory_space<semaphore_mem>>) src(%dma_wait3A_411 : memref<100000x16xf32, #tpu.memory_space<hbm>>) dst(%dma_wait3A_406 : memref<80x16xf32, #tpu.memory_space<vmem>>)
        %dma_wait3A_412 = arith.constant 320 : i32
        %dma_wait3A_413 = arith.constant 0 : i32
        %dma_wait3A_414 = tpu.memref_slice %arg16[%dma_wait3A_412, %dma_wait3A_413] : memref<800x16xf32, #tpu.memory_space<vmem>> -> memref<80x16xf32, #tpu.memory_space<vmem>>
        %dma_wait3A_415 = arith.constant 320 : i32
        %dma_wait3A_416 = tpu.memref_slice %arg12[%dma_wait3A_415] : memref<800xi32, #tpu.memory_space<vmem>> -> memref<80xi32, #tpu.memory_space<vmem>>
        %dma_wait3A_417 = arith.constant 0 : i32
        %dma_wait3A_418 = arith.constant 0 : i32
        %dma_wait3A_419 = tpu.memref_slice %arg2[%dma_wait3A_417, %dma_wait3A_418] : memref<100000x16xf32, #tpu.memory_space<hbm>> -> memref<100000x16xf32, #tpu.memory_space<hbm>>
        tpu.wait_indirect_dma semaphore(%arg24 : memref<!tpu.dma_semaphore, #tpu.memory_space<semaphore_mem>>) src(%dma_wait3A_419 : memref<100000x16xf32, #tpu.memory_space<hbm>>) dst(%dma_wait3A_414 : memref<80x16xf32, #tpu.memory_space<vmem>>)
        %dma_wait3A_420 = arith.constant 400 : i32
        %dma_wait3A_421 = arith.constant 0 : i32
        %dma_wait3A_422 = tpu.memref_slice %arg14[%dma_wait3A_420, %dma_wait3A_421] : memref<800x16xf32, #tpu.memory_space<vmem>> -> memref<80x16xf32, #tpu.memory_space<vmem>>
        %dma_wait3A_423 = arith.constant 400 : i32
        %dma_wait3A_424 = tpu.memref_slice %arg8[%dma_wait3A_423] : memref<800xi32, #tpu.memory_space<vmem>> -> memref<80xi32, #tpu.memory_space<vmem>>
        %dma_wait3A_425 = arith.constant 0 : i32
        %dma_wait3A_426 = arith.constant 0 : i32
        %dma_wait3A_427 = tpu.memref_slice %arg2[%dma_wait3A_425, %dma_wait3A_426] : memref<100000x16xf32, #tpu.memory_space<hbm>> -> memref<100000x16xf32, #tpu.memory_space<hbm>>
        tpu.wait_indirect_dma semaphore(%arg24 : memref<!tpu.dma_semaphore, #tpu.memory_space<semaphore_mem>>) src(%dma_wait3A_427 : memref<100000x16xf32, #tpu.memory_space<hbm>>) dst(%dma_wait3A_422 : memref<80x16xf32, #tpu.memory_space<vmem>>)
        %dma_wait3A_428 = arith.constant 400 : i32
        %dma_wait3A_429 = arith.constant 0 : i32
        %dma_wait3A_430 = tpu.memref_slice %arg16[%dma_wait3A_428, %dma_wait3A_429] : memref<800x16xf32, #tpu.memory_space<vmem>> -> memref<80x16xf32, #tpu.memory_space<vmem>>
        %dma_wait3A_431 = arith.constant 400 : i32
        %dma_wait3A_432 = tpu.memref_slice %arg12[%dma_wait3A_431] : memref<800xi32, #tpu.memory_space<vmem>> -> memref<80xi32, #tpu.memory_space<vmem>>
        %dma_wait3A_433 = arith.constant 0 : i32
        %dma_wait3A_434 = arith.constant 0 : i32
        %dma_wait3A_435 = tpu.memref_slice %arg2[%dma_wait3A_433, %dma_wait3A_434] : memref<100000x16xf32, #tpu.memory_space<hbm>> -> memref<100000x16xf32, #tpu.memory_space<hbm>>
        tpu.wait_indirect_dma semaphore(%arg24 : memref<!tpu.dma_semaphore, #tpu.memory_space<semaphore_mem>>) src(%dma_wait3A_435 : memref<100000x16xf32, #tpu.memory_space<hbm>>) dst(%dma_wait3A_430 : memref<80x16xf32, #tpu.memory_space<vmem>>)
        %dma_wait3A_436 = arith.constant 480 : i32
        %dma_wait3A_437 = arith.constant 0 : i32
        %dma_wait3A_438 = tpu.memref_slice %arg14[%dma_wait3A_436, %dma_wait3A_437] : memref<800x16xf32, #tpu.memory_space<vmem>> -> memref<80x16xf32, #tpu.memory_space<vmem>>
        %dma_wait3A_439 = arith.constant 480 : i32
        %dma_wait3A_440 = tpu.memref_slice %arg8[%dma_wait3A_439] : memref<800xi32, #tpu.memory_space<vmem>> -> memref<80xi32, #tpu.memory_space<vmem>>
        %dma_wait3A_441 = arith.constant 0 : i32
        %dma_wait3A_442 = arith.constant 0 : i32
        %dma_wait3A_443 = tpu.memref_slice %arg2[%dma_wait3A_441, %dma_wait3A_442] : memref<100000x16xf32, #tpu.memory_space<hbm>> -> memref<100000x16xf32, #tpu.memory_space<hbm>>
        tpu.wait_indirect_dma semaphore(%arg24 : memref<!tpu.dma_semaphore, #tpu.memory_space<semaphore_mem>>) src(%dma_wait3A_443 : memref<100000x16xf32, #tpu.memory_space<hbm>>) dst(%dma_wait3A_438 : memref<80x16xf32, #tpu.memory_space<vmem>>)
        %dma_wait3A_444 = arith.constant 480 : i32
        %dma_wait3A_445 = arith.constant 0 : i32
        %dma_wait3A_446 = tpu.memref_slice %arg16[%dma_wait3A_444, %dma_wait3A_445] : memref<800x16xf32, #tpu.memory_space<vmem>> -> memref<80x16xf32, #tpu.memory_space<vmem>>
        %dma_wait3A_447 = arith.constant 480 : i32
        %dma_wait3A_448 = tpu.memref_slice %arg12[%dma_wait3A_447] : memref<800xi32, #tpu.memory_space<vmem>> -> memref<80xi32, #tpu.memory_space<vmem>>
        %dma_wait3A_449 = arith.constant 0 : i32
        %dma_wait3A_450 = arith.constant 0 : i32
        %dma_wait3A_451 = tpu.memref_slice %arg2[%dma_wait3A_449, %dma_wait3A_450] : memref<100000x16xf32, #tpu.memory_space<hbm>> -> memref<100000x16xf32, #tpu.memory_space<hbm>>
        tpu.wait_indirect_dma semaphore(%arg24 : memref<!tpu.dma_semaphore, #tpu.memory_space<semaphore_mem>>) src(%dma_wait3A_451 : memref<100000x16xf32, #tpu.memory_space<hbm>>) dst(%dma_wait3A_446 : memref<80x16xf32, #tpu.memory_space<vmem>>)
        %dma_wait3A_452 = arith.constant 560 : i32
        %dma_wait3A_453 = arith.constant 0 : i32
        %dma_wait3A_454 = tpu.memref_slice %arg14[%dma_wait3A_452, %dma_wait3A_453] : memref<800x16xf32, #tpu.memory_space<vmem>> -> memref<80x16xf32, #tpu.memory_space<vmem>>
        %dma_wait3A_455 = arith.constant 560 : i32
        %dma_wait3A_456 = tpu.memref_slice %arg8[%dma_wait3A_455] : memref<800xi32, #tpu.memory_space<vmem>> -> memref<80xi32, #tpu.memory_space<vmem>>
        %dma_wait3A_457 = arith.constant 0 : i32
        %dma_wait3A_458 = arith.constant 0 : i32
        %dma_wait3A_459 = tpu.memref_slice %arg2[%dma_wait3A_457, %dma_wait3A_458] : memref<100000x16xf32, #tpu.memory_space<hbm>> -> memref<100000x16xf32, #tpu.memory_space<hbm>>
        tpu.wait_indirect_dma semaphore(%arg24 : memref<!tpu.dma_semaphore, #tpu.memory_space<semaphore_mem>>) src(%dma_wait3A_459 : memref<100000x16xf32, #tpu.memory_space<hbm>>) dst(%dma_wait3A_454 : memref<80x16xf32, #tpu.memory_space<vmem>>)
        %dma_wait3A_460 = arith.constant 560 : i32
        %dma_wait3A_461 = arith.constant 0 : i32
        %dma_wait3A_462 = tpu.memref_slice %arg16[%dma_wait3A_460, %dma_wait3A_461] : memref<800x16xf32, #tpu.memory_space<vmem>> -> memref<80x16xf32, #tpu.memory_space<vmem>>
        %dma_wait3A_463 = arith.constant 560 : i32
        %dma_wait3A_464 = tpu.memref_slice %arg12[%dma_wait3A_463] : memref<800xi32, #tpu.memory_space<vmem>> -> memref<80xi32, #tpu.memory_space<vmem>>
        %dma_wait3A_465 = arith.constant 0 : i32
        %dma_wait3A_466 = arith.constant 0 : i32
        %dma_wait3A_467 = tpu.memref_slice %arg2[%dma_wait3A_465, %dma_wait3A_466] : memref<100000x16xf32, #tpu.memory_space<hbm>> -> memref<100000x16xf32, #tpu.memory_space<hbm>>
        tpu.wait_indirect_dma semaphore(%arg24 : memref<!tpu.dma_semaphore, #tpu.memory_space<semaphore_mem>>) src(%dma_wait3A_467 : memref<100000x16xf32, #tpu.memory_space<hbm>>) dst(%dma_wait3A_462 : memref<80x16xf32, #tpu.memory_space<vmem>>)
        %dma_wait3A_468 = arith.constant 640 : i32
        %dma_wait3A_469 = arith.constant 0 : i32
        %dma_wait3A_470 = tpu.memref_slice %arg14[%dma_wait3A_468, %dma_wait3A_469] : memref<800x16xf32, #tpu.memory_space<vmem>> -> memref<80x16xf32, #tpu.memory_space<vmem>>
        %dma_wait3A_471 = arith.constant 640 : i32
        %dma_wait3A_472 = tpu.memref_slice %arg8[%dma_wait3A_471] : memref<800xi32, #tpu.memory_space<vmem>> -> memref<80xi32, #tpu.memory_space<vmem>>
        %dma_wait3A_473 = arith.constant 0 : i32
        %dma_wait3A_474 = arith.constant 0 : i32
        %dma_wait3A_475 = tpu.memref_slice %arg2[%dma_wait3A_473, %dma_wait3A_474] : memref<100000x16xf32, #tpu.memory_space<hbm>> -> memref<100000x16xf32, #tpu.memory_space<hbm>>
        tpu.wait_indirect_dma semaphore(%arg24 : memref<!tpu.dma_semaphore, #tpu.memory_space<semaphore_mem>>) src(%dma_wait3A_475 : memref<100000x16xf32, #tpu.memory_space<hbm>>) dst(%dma_wait3A_470 : memref<80x16xf32, #tpu.memory_space<vmem>>)
        %dma_wait3A_476 = arith.constant 640 : i32
        %dma_wait3A_477 = arith.constant 0 : i32
        %dma_wait3A_478 = tpu.memref_slice %arg16[%dma_wait3A_476, %dma_wait3A_477] : memref<800x16xf32, #tpu.memory_space<vmem>> -> memref<80x16xf32, #tpu.memory_space<vmem>>
        %dma_wait3A_479 = arith.constant 640 : i32
        %dma_wait3A_480 = tpu.memref_slice %arg12[%dma_wait3A_479] : memref<800xi32, #tpu.memory_space<vmem>> -> memref<80xi32, #tpu.memory_space<vmem>>
        %dma_wait3A_481 = arith.constant 0 : i32
        %dma_wait3A_482 = arith.constant 0 : i32
        %dma_wait3A_483 = tpu.memref_slice %arg2[%dma_wait3A_481, %dma_wait3A_482] : memref<100000x16xf32, #tpu.memory_space<hbm>> -> memref<100000x16xf32, #tpu.memory_space<hbm>>
        tpu.wait_indirect_dma semaphore(%arg24 : memref<!tpu.dma_semaphore, #tpu.memory_space<semaphore_mem>>) src(%dma_wait3A_483 : memref<100000x16xf32, #tpu.memory_space<hbm>>) dst(%dma_wait3A_478 : memref<80x16xf32, #tpu.memory_space<vmem>>)
        %dma_wait3A_484 = arith.constant 720 : i32
        %dma_wait3A_485 = arith.constant 0 : i32
        %dma_wait3A_486 = tpu.memref_slice %arg14[%dma_wait3A_484, %dma_wait3A_485] : memref<800x16xf32, #tpu.memory_space<vmem>> -> memref<80x16xf32, #tpu.memory_space<vmem>>
        %dma_wait3A_487 = arith.constant 720 : i32
        %dma_wait3A_488 = tpu.memref_slice %arg8[%dma_wait3A_487] : memref<800xi32, #tpu.memory_space<vmem>> -> memref<80xi32, #tpu.memory_space<vmem>>
        %dma_wait3A_489 = arith.constant 0 : i32
        %dma_wait3A_490 = arith.constant 0 : i32
        %dma_wait3A_491 = tpu.memref_slice %arg2[%dma_wait3A_489, %dma_wait3A_490] : memref<100000x16xf32, #tpu.memory_space<hbm>> -> memref<100000x16xf32, #tpu.memory_space<hbm>>
        tpu.wait_indirect_dma semaphore(%arg24 : memref<!tpu.dma_semaphore, #tpu.memory_space<semaphore_mem>>) src(%dma_wait3A_491 : memref<100000x16xf32, #tpu.memory_space<hbm>>) dst(%dma_wait3A_486 : memref<80x16xf32, #tpu.memory_space<vmem>>)
        %dma_wait3A_492 = arith.constant 720 : i32
        %dma_wait3A_493 = arith.constant 0 : i32
        %dma_wait3A_494 = tpu.memref_slice %arg16[%dma_wait3A_492, %dma_wait3A_493] : memref<800x16xf32, #tpu.memory_space<vmem>> -> memref<80x16xf32, #tpu.memory_space<vmem>>
        %dma_wait3A_495 = arith.constant 720 : i32
        %dma_wait3A_496 = tpu.memref_slice %arg12[%dma_wait3A_495] : memref<800xi32, #tpu.memory_space<vmem>> -> memref<80xi32, #tpu.memory_space<vmem>>
        %dma_wait3A_497 = arith.constant 0 : i32
        %dma_wait3A_498 = arith.constant 0 : i32
        %dma_wait3A_499 = tpu.memref_slice %arg2[%dma_wait3A_497, %dma_wait3A_498] : memref<100000x16xf32, #tpu.memory_space<hbm>> -> memref<100000x16xf32, #tpu.memory_space<hbm>>
        tpu.wait_indirect_dma semaphore(%arg24 : memref<!tpu.dma_semaphore, #tpu.memory_space<semaphore_mem>>) src(%dma_wait3A_499 : memref<100000x16xf32, #tpu.memory_space<hbm>>) dst(%dma_wait3A_494 : memref<80x16xf32, #tpu.memory_space<vmem>>)
        %ge3A = arith.constant 2 : i32
        %ge3A_500 = arith.cmpi sge, %add3A_311, %ge3A : i32
        %convert_element_type3A_501 = arith.extui %ge3A_500 : i1 to i32
        %cond3A_502 = arith.constant 0 : i32
        %cond3A_503 = arith.cmpi ne, %convert_element_type3A_501, %cond3A_502 : i32
        scf.if %cond3A_503 {
          %sub3A = arith.constant 2 : i32
          %sub3A_559 = arith.subi %add3A_311, %sub3A : i32
          %mul3A_560 = arith.constant 32 : i32
          %mul3A_561 = arith.muli %sub3A_559, %mul3A_560 : i32
          %add3A_562 = arith.addi %mul3A_561, %add3A : i32
          %mul3A_563 = arith.constant 800 : i32
          %mul3A_564 = arith.muli %add3A_562, %mul3A_563 : i32
          %add3A_565 = arith.constant 0 : i32
          %add3A_566 = arith.addi %add3A_565, %mul3A_564 : i32
          %add3A_567 = arith.constant 3200000 : i32
          %add3A_568 = arith.addi %add3A_567, %mul3A_564 : i32
          %add3A_569 = arith.constant 6400000 : i32
          %add3A_570 = arith.addi %add3A_569, %mul3A_564 : i32
          %add3A_571 = arith.constant 9600000 : i32
          %add3A_572 = arith.addi %add3A_571, %mul3A_564 : i32
          %dma_wait3A_573 = arith.constant 0 : i32
          %dma_wait3A_574 = arith.constant 0 : i32
          %dma_wait3A_575 = tpu.memref_slice %arg18[%dma_wait3A_573, %dma_wait3A_574] : memref<4x800xf32, #tpu.memory_space<vmem>> -> memref<1x800xf32, #tpu.memory_space<vmem>>
          %dma_wait3A_576 = tpu.memref_squeeze %dma_wait3A_575 : memref<1x800xf32, #tpu.memory_space<vmem>> -> memref<800xf32, #tpu.memory_space<vmem>>
          %dma_wait3A_577 = tpu.memref_slice %arg5[%add3A_566] : memref<12800000xf32, #tpu.memory_space<hbm>> -> memref<800xf32, #tpu.memory_space<hbm>>
          %dma_wait3A_578 = tpu.memref_slice %arg5[%add3A_566] : memref<12800000xf32, #tpu.memory_space<hbm>> -> memref<800xf32, #tpu.memory_space<hbm>>
          %dma_wait3A_579 = arith.constant 0 : i32
          %dma_wait3A_580 = tpu.memref_slice %arg18[%dma_wait3A_573, %dma_wait3A_579] : memref<4x800xf32, #tpu.memory_space<vmem>> -> memref<1x800xf32, #tpu.memory_space<vmem>>
          %dma_wait3A_581 = tpu.memref_squeeze %dma_wait3A_580 : memref<1x800xf32, #tpu.memory_space<vmem>> -> memref<800xf32, #tpu.memory_space<vmem>>
          tpu.wait_dma2 semaphore(%arg26 : memref<!tpu.dma_semaphore, #tpu.memory_space<semaphore_mem>>) src(%dma_wait3A_581 : memref<800xf32, #tpu.memory_space<vmem>>) dst(%dma_wait3A_578 : memref<800xf32, #tpu.memory_space<hbm>>)
          %dma_wait3A_582 = arith.constant 1 : i32
          %dma_wait3A_583 = arith.constant 0 : i32
          %dma_wait3A_584 = tpu.memref_slice %arg18[%dma_wait3A_582, %dma_wait3A_583] : memref<4x800xf32, #tpu.memory_space<vmem>> -> memref<1x800xf32, #tpu.memory_space<vmem>>
          %dma_wait3A_585 = tpu.memref_squeeze %dma_wait3A_584 : memref<1x800xf32, #tpu.memory_space<vmem>> -> memref<800xf32, #tpu.memory_space<vmem>>
          %dma_wait3A_586 = tpu.memref_slice %arg5[%add3A_568] : memref<12800000xf32, #tpu.memory_space<hbm>> -> memref<800xf32, #tpu.memory_space<hbm>>
          %dma_wait3A_587 = tpu.memref_slice %arg5[%add3A_568] : memref<12800000xf32, #tpu.memory_space<hbm>> -> memref<800xf32, #tpu.memory_space<hbm>>
          %dma_wait3A_588 = arith.constant 0 : i32
          %dma_wait3A_589 = tpu.memref_slice %arg18[%dma_wait3A_582, %dma_wait3A_588] : memref<4x800xf32, #tpu.memory_space<vmem>> -> memref<1x800xf32, #tpu.memory_space<vmem>>
          %dma_wait3A_590 = tpu.memref_squeeze %dma_wait3A_589 : memref<1x800xf32, #tpu.memory_space<vmem>> -> memref<800xf32, #tpu.memory_space<vmem>>
          tpu.wait_dma2 semaphore(%arg26 : memref<!tpu.dma_semaphore, #tpu.memory_space<semaphore_mem>>) src(%dma_wait3A_590 : memref<800xf32, #tpu.memory_space<vmem>>) dst(%dma_wait3A_587 : memref<800xf32, #tpu.memory_space<hbm>>)
          %dma_wait3A_591 = arith.constant 2 : i32
          %dma_wait3A_592 = arith.constant 0 : i32
          %dma_wait3A_593 = tpu.memref_slice %arg18[%dma_wait3A_591, %dma_wait3A_592] : memref<4x800xf32, #tpu.memory_space<vmem>> -> memref<1x800xf32, #tpu.memory_space<vmem>>
          %dma_wait3A_594 = tpu.memref_squeeze %dma_wait3A_593 : memref<1x800xf32, #tpu.memory_space<vmem>> -> memref<800xf32, #tpu.memory_space<vmem>>
          %dma_wait3A_595 = tpu.memref_slice %arg5[%add3A_570] : memref<12800000xf32, #tpu.memory_space<hbm>> -> memref<800xf32, #tpu.memory_space<hbm>>
          %dma_wait3A_596 = tpu.memref_slice %arg5[%add3A_570] : memref<12800000xf32, #tpu.memory_space<hbm>> -> memref<800xf32, #tpu.memory_space<hbm>>
          %dma_wait3A_597 = arith.constant 0 : i32
          %dma_wait3A_598 = tpu.memref_slice %arg18[%dma_wait3A_591, %dma_wait3A_597] : memref<4x800xf32, #tpu.memory_space<vmem>> -> memref<1x800xf32, #tpu.memory_space<vmem>>
          %dma_wait3A_599 = tpu.memref_squeeze %dma_wait3A_598 : memref<1x800xf32, #tpu.memory_space<vmem>> -> memref<800xf32, #tpu.memory_space<vmem>>
          tpu.wait_dma2 semaphore(%arg26 : memref<!tpu.dma_semaphore, #tpu.memory_space<semaphore_mem>>) src(%dma_wait3A_599 : memref<800xf32, #tpu.memory_space<vmem>>) dst(%dma_wait3A_596 : memref<800xf32, #tpu.memory_space<hbm>>)
          %dma_wait3A_600 = arith.constant 3 : i32
          %dma_wait3A_601 = arith.constant 0 : i32
          %dma_wait3A_602 = tpu.memref_slice %arg18[%dma_wait3A_600, %dma_wait3A_601] : memref<4x800xf32, #tpu.memory_space<vmem>> -> memref<1x800xf32, #tpu.memory_space<vmem>>
          %dma_wait3A_603 = tpu.memref_squeeze %dma_wait3A_602 : memref<1x800xf32, #tpu.memory_space<vmem>> -> memref<800xf32, #tpu.memory_space<vmem>>
          %dma_wait3A_604 = tpu.memref_slice %arg5[%add3A_572] : memref<12800000xf32, #tpu.memory_space<hbm>> -> memref<800xf32, #tpu.memory_space<hbm>>
          %dma_wait3A_605 = tpu.memref_slice %arg5[%add3A_572] : memref<12800000xf32, #tpu.memory_space<hbm>> -> memref<800xf32, #tpu.memory_space<hbm>>
          %dma_wait3A_606 = arith.constant 0 : i32
          %dma_wait3A_607 = tpu.memref_slice %arg18[%dma_wait3A_600, %dma_wait3A_606] : memref<4x800xf32, #tpu.memory_space<vmem>> -> memref<1x800xf32, #tpu.memory_space<vmem>>
          %dma_wait3A_608 = tpu.memref_squeeze %dma_wait3A_607 : memref<1x800xf32, #tpu.memory_space<vmem>> -> memref<800xf32, #tpu.memory_space<vmem>>
          tpu.wait_dma2 semaphore(%arg26 : memref<!tpu.dma_semaphore, #tpu.memory_space<semaphore_mem>>) src(%dma_wait3A_608 : memref<800xf32, #tpu.memory_space<vmem>>) dst(%dma_wait3A_605 : memref<800xf32, #tpu.memory_space<hbm>>)
        } else {
        }
        %scan3A_504 = arith.constant 0 : i32
        %scan3A_505 = arith.constant 0 : i32
        %scan3A_506 = arith.constant 50 : i32
        %scan3A_507 = arith.addi %scan3A_505, %scan3A_506 : i32
        %scan3A_508 = arith.constant 1 : i32
        scf.for %scan3A_559 = %scan3A_505 to %scan3A_507 step %scan3A_508  : i32 {
          %mul3A_560 = arith.constant 16 : i32
          %mul3A_561 = arith.muli %scan3A_559, %mul3A_560 : i32
          %iota3A = tpu.iota {dimensions = array<i32: 0>} : vector<16xi32>
          %add3A_562 = vector.broadcast %mul3A_561 : i32 to vector<16xi32>
          %add3A_563 = arith.addi %add3A_562, %iota3A : vector<16xi32>
          %get3A = arith.index_cast %mul3A_561 : i32 to index
          %get3A_564 = tpu.vector_load %arg8[%get3A] {strides = array<i32>} : memref<800xi32, #tpu.memory_space<vmem>>, vector<16xi32>,
          %and3A = arith.constant 15 : i32
          %and3A_565 = vector.broadcast %and3A : i32 to vector<16xi32>
          %and3A_566 = arith.andi %get3A_564, %and3A_565 : vector<16xi32>
          %get3A_567 = arith.index_cast %mul3A_561 : i32 to index
          %get3A_568 = tpu.vector_load %arg12[%get3A_567] {strides = array<i32>} : memref<800xi32, #tpu.memory_space<vmem>>, vector<16xi32>,
          %and3A_569 = arith.constant 15 : i32
          %and3A_570 = vector.broadcast %and3A_569 : i32 to vector<16xi32>
          %and3A_571 = arith.andi %get3A_568, %and3A_570 : vector<16xi32>
          %add3A_572 = arith.constant 0 : i32
          %add3A_573 = vector.broadcast %add3A_572 : i32 to vector<16xi32>
          %add3A_574 = arith.addi %and3A_566, %add3A_573 : vector<16xi32>
          %and3A_575 = arith.constant 15 : i32
          %and3A_576 = vector.broadcast %and3A_575 : i32 to vector<16xi32>
          %and3A_577 = arith.andi %add3A_574, %and3A_576 : vector<16xi32>
          %gather3A = tpu.vector_load_idx %arg14[%add3A_563, %and3A_577] : memref<800x16xf32, #tpu.memory_space<vmem>>[vector<16xi32>, vector<16xi32>], vector<16xf32>,
          %add3A_578 = arith.constant 0 : i32
          %add3A_579 = vector.broadcast %add3A_578 : i32 to vector<16xi32>
          %add3A_580 = arith.addi %and3A_571, %add3A_579 : vector<16xi32>
          %and3A_581 = arith.constant 15 : i32
          %and3A_582 = vector.broadcast %and3A_581 : i32 to vector<16xi32>
          %and3A_583 = arith.andi %add3A_580, %and3A_582 : vector<16xi32>
          %gather3A_584 = tpu.vector_load_idx %arg16[%add3A_563, %and3A_583] : memref<800x16xf32, #tpu.memory_space<vmem>>[vector<16xi32>, vector<16xi32>], vector<16xf32>,
          %sub3A = arith.subf %gather3A, %gather3A_584 : vector<16xf32>
          %add3A_585 = arith.constant 1 : i32
          %add3A_586 = vector.broadcast %add3A_585 : i32 to vector<16xi32>
          %add3A_587 = arith.addi %and3A_566, %add3A_586 : vector<16xi32>
          %and3A_588 = arith.constant 15 : i32
          %and3A_589 = vector.broadcast %and3A_588 : i32 to vector<16xi32>
          %and3A_590 = arith.andi %add3A_587, %and3A_589 : vector<16xi32>
          %gather3A_591 = tpu.vector_load_idx %arg14[%add3A_563, %and3A_590] : memref<800x16xf32, #tpu.memory_space<vmem>>[vector<16xi32>, vector<16xi32>], vector<16xf32>,
          %add3A_592 = arith.constant 1 : i32
          %add3A_593 = vector.broadcast %add3A_592 : i32 to vector<16xi32>
          %add3A_594 = arith.addi %and3A_571, %add3A_593 : vector<16xi32>
          %and3A_595 = arith.constant 15 : i32
          %and3A_596 = vector.broadcast %and3A_595 : i32 to vector<16xi32>
          %and3A_597 = arith.andi %add3A_594, %and3A_596 : vector<16xi32>
          %gather3A_598 = tpu.vector_load_idx %arg16[%add3A_563, %and3A_597] : memref<800x16xf32, #tpu.memory_space<vmem>>[vector<16xi32>, vector<16xi32>], vector<16xf32>,
          %sub3A_599 = arith.subf %gather3A_591, %gather3A_598 : vector<16xf32>
          %add3A_600 = arith.constant 2 : i32
          %add3A_601 = vector.broadcast %add3A_600 : i32 to vector<16xi32>
          %add3A_602 = arith.addi %and3A_566, %add3A_601 : vector<16xi32>
          %and3A_603 = arith.constant 15 : i32
          %and3A_604 = vector.broadcast %and3A_603 : i32 to vector<16xi32>
          %and3A_605 = arith.andi %add3A_602, %and3A_604 : vector<16xi32>
          %gather3A_606 = tpu.vector_load_idx %arg14[%add3A_563, %and3A_605] : memref<800x16xf32, #tpu.memory_space<vmem>>[vector<16xi32>, vector<16xi32>], vector<16xf32>,
          %add3A_607 = arith.constant 2 : i32
          %add3A_608 = vector.broadcast %add3A_607 : i32 to vector<16xi32>
          %add3A_609 = arith.addi %and3A_571, %add3A_608 : vector<16xi32>
          %and3A_610 = arith.constant 15 : i32
          %and3A_611 = vector.broadcast %and3A_610 : i32 to vector<16xi32>
          %and3A_612 = arith.andi %add3A_609, %and3A_611 : vector<16xi32>
          %gather3A_613 = tpu.vector_load_idx %arg16[%add3A_563, %and3A_612] : memref<800x16xf32, #tpu.memory_space<vmem>>[vector<16xi32>, vector<16xi32>], vector<16xf32>,
          %sub3A_614 = arith.subf %gather3A_606, %gather3A_613 : vector<16xf32>
          %add3A_615 = arith.constant 3 : i32
          %add3A_616 = vector.broadcast %add3A_615 : i32 to vector<16xi32>
          %add3A_617 = arith.addi %and3A_566, %add3A_616 : vector<16xi32>
          %and3A_618 = arith.constant 15 : i32
          %and3A_619 = vector.broadcast %and3A_618 : i32 to vector<16xi32>
          %and3A_620 = arith.andi %add3A_617, %and3A_619 : vector<16xi32>
          %gather3A_621 = tpu.vector_load_idx %arg14[%add3A_563, %and3A_620] : memref<800x16xf32, #tpu.memory_space<vmem>>[vector<16xi32>, vector<16xi32>], vector<16xf32>,
          %add3A_622 = arith.constant 3 : i32
          %add3A_623 = vector.broadcast %add3A_622 : i32 to vector<16xi32>
          %add3A_624 = arith.addi %and3A_571, %add3A_623 : vector<16xi32>
          %and3A_625 = arith.constant 15 : i32
          %and3A_626 = vector.broadcast %and3A_625 : i32 to vector<16xi32>
          %and3A_627 = arith.andi %add3A_624, %and3A_626 : vector<16xi32>
          %gather3A_628 = tpu.vector_load_idx %arg16[%add3A_563, %and3A_627] : memref<800x16xf32, #tpu.memory_space<vmem>>[vector<16xi32>, vector<16xi32>], vector<16xf32>,
          %add3A_629 = arith.addf %gather3A_621, %gather3A_628 : vector<16xf32>
          %mul3A_630 = arith.mulf %add3A_629, %sub3A : vector<16xf32>
          %add3A_631 = arith.constant 4 : i32
          %add3A_632 = vector.broadcast %add3A_631 : i32 to vector<16xi32>
          %add3A_633 = arith.addi %and3A_566, %add3A_632 : vector<16xi32>
          %and3A_634 = arith.constant 15 : i32
          %and3A_635 = vector.broadcast %and3A_634 : i32 to vector<16xi32>
          %and3A_636 = arith.andi %add3A_633, %and3A_635 : vector<16xi32>
          %gather3A_637 = tpu.vector_load_idx %arg14[%add3A_563, %and3A_636] : memref<800x16xf32, #tpu.memory_space<vmem>>[vector<16xi32>, vector<16xi32>], vector<16xf32>,
          %add3A_638 = arith.constant 4 : i32
          %add3A_639 = vector.broadcast %add3A_638 : i32 to vector<16xi32>
          %add3A_640 = arith.addi %and3A_571, %add3A_639 : vector<16xi32>
          %and3A_641 = arith.constant 15 : i32
          %and3A_642 = vector.broadcast %and3A_641 : i32 to vector<16xi32>
          %and3A_643 = arith.andi %add3A_640, %and3A_642 : vector<16xi32>
          %gather3A_644 = tpu.vector_load_idx %arg16[%add3A_563, %and3A_643] : memref<800x16xf32, #tpu.memory_space<vmem>>[vector<16xi32>, vector<16xi32>], vector<16xf32>,
          %add3A_645 = arith.addf %gather3A_637, %gather3A_644 : vector<16xf32>
          %mul3A_646 = arith.mulf %add3A_645, %sub3A_599 : vector<16xf32>
          %add3A_647 = arith.addf %mul3A_630, %mul3A_646 : vector<16xf32>
          %add3A_648 = arith.constant 5 : i32
          %add3A_649 = vector.broadcast %add3A_648 : i32 to vector<16xi32>
          %add3A_650 = arith.addi %and3A_566, %add3A_649 : vector<16xi32>
          %and3A_651 = arith.constant 15 : i32
          %and3A_652 = vector.broadcast %and3A_651 : i32 to vector<16xi32>
          %and3A_653 = arith.andi %add3A_650, %and3A_652 : vector<16xi32>
          %gather3A_654 = tpu.vector_load_idx %arg14[%add3A_563, %and3A_653] : memref<800x16xf32, #tpu.memory_space<vmem>>[vector<16xi32>, vector<16xi32>], vector<16xf32>,
          %add3A_655 = arith.constant 5 : i32
          %add3A_656 = vector.broadcast %add3A_655 : i32 to vector<16xi32>
          %add3A_657 = arith.addi %and3A_571, %add3A_656 : vector<16xi32>
          %and3A_658 = arith.constant 15 : i32
          %and3A_659 = vector.broadcast %and3A_658 : i32 to vector<16xi32>
          %and3A_660 = arith.andi %add3A_657, %and3A_659 : vector<16xi32>
          %gather3A_661 = tpu.vector_load_idx %arg16[%add3A_563, %and3A_660] : memref<800x16xf32, #tpu.memory_space<vmem>>[vector<16xi32>, vector<16xi32>], vector<16xf32>,
          %add3A_662 = arith.addf %gather3A_654, %gather3A_661 : vector<16xf32>
          %mul3A_663 = arith.mulf %add3A_662, %sub3A_614 : vector<16xf32>
          %add3A_664 = arith.addf %add3A_647, %mul3A_663 : vector<16xf32>
          %mul3A_665 = arith.constant 5.000000e-01 : f32
          %mul3A_666 = vector.broadcast %mul3A_665 : f32 to vector<16xf32>
          %mul3A_667 = arith.mulf %add3A_664, %mul3A_666 : vector<16xf32>
          %swap3A = arith.constant 0 : i32
          %swap3A_668 = arith.index_cast %swap3A : i32 to index
          %swap3A_669 = arith.index_cast %mul3A_561 : i32 to index
          %swap3A_670 = tpu.vector_load %arg18[%swap3A_668, %swap3A_669] {strides = array<i32>} : memref<4x800xf32, #tpu.memory_space<vmem>>, vector<16xf32>,
          tpu.vector_store %arg18[%swap3A_668, %swap3A_669], %mul3A_667 {strides = array<i32>} : memref<4x800xf32, #tpu.memory_space<vmem>>, vector<16xf32>,
          %add3A_671 = arith.constant 6 : i32
          %add3A_672 = vector.broadcast %add3A_671 : i32 to vector<16xi32>
          %add3A_673 = arith.addi %and3A_566, %add3A_672 : vector<16xi32>
          %and3A_674 = arith.constant 15 : i32
          %and3A_675 = vector.broadcast %and3A_674 : i32 to vector<16xi32>
          %and3A_676 = arith.andi %add3A_673, %and3A_675 : vector<16xi32>
          %gather3A_677 = tpu.vector_load_idx %arg14[%add3A_563, %and3A_676] : memref<800x16xf32, #tpu.memory_space<vmem>>[vector<16xi32>, vector<16xi32>], vector<16xf32>,
          %add3A_678 = arith.constant 6 : i32
          %add3A_679 = vector.broadcast %add3A_678 : i32 to vector<16xi32>
          %add3A_680 = arith.addi %and3A_571, %add3A_679 : vector<16xi32>
          %and3A_681 = arith.constant 15 : i32
          %and3A_682 = vector.broadcast %and3A_681 : i32 to vector<16xi32>
          %and3A_683 = arith.andi %add3A_680, %and3A_682 : vector<16xi32>
          %gather3A_684 = tpu.vector_load_idx %arg16[%add3A_563, %and3A_683] : memref<800x16xf32, #tpu.memory_space<vmem>>[vector<16xi32>, vector<16xi32>], vector<16xf32>,
          %add3A_685 = arith.addf %gather3A_677, %gather3A_684 : vector<16xf32>
          %mul3A_686 = arith.mulf %add3A_685, %sub3A : vector<16xf32>
          %add3A_687 = arith.constant 7 : i32
          %add3A_688 = vector.broadcast %add3A_687 : i32 to vector<16xi32>
          %add3A_689 = arith.addi %and3A_566, %add3A_688 : vector<16xi32>
          %and3A_690 = arith.constant 15 : i32
          %and3A_691 = vector.broadcast %and3A_690 : i32 to vector<16xi32>
          %and3A_692 = arith.andi %add3A_689, %and3A_691 : vector<16xi32>
          %gather3A_693 = tpu.vector_load_idx %arg14[%add3A_563, %and3A_692] : memref<800x16xf32, #tpu.memory_space<vmem>>[vector<16xi32>, vector<16xi32>], vector<16xf32>,
          %add3A_694 = arith.constant 7 : i32
          %add3A_695 = vector.broadcast %add3A_694 : i32 to vector<16xi32>
          %add3A_696 = arith.addi %and3A_571, %add3A_695 : vector<16xi32>
          %and3A_697 = arith.constant 15 : i32
          %and3A_698 = vector.broadcast %and3A_697 : i32 to vector<16xi32>
          %and3A_699 = arith.andi %add3A_696, %and3A_698 : vector<16xi32>
          %gather3A_700 = tpu.vector_load_idx %arg16[%add3A_563, %and3A_699] : memref<800x16xf32, #tpu.memory_space<vmem>>[vector<16xi32>, vector<16xi32>], vector<16xf32>,
          %add3A_701 = arith.addf %gather3A_693, %gather3A_700 : vector<16xf32>
          %mul3A_702 = arith.mulf %add3A_701, %sub3A_599 : vector<16xf32>
          %add3A_703 = arith.addf %mul3A_686, %mul3A_702 : vector<16xf32>
          %add3A_704 = arith.constant 8 : i32
          %add3A_705 = vector.broadcast %add3A_704 : i32 to vector<16xi32>
          %add3A_706 = arith.addi %and3A_566, %add3A_705 : vector<16xi32>
          %and3A_707 = arith.constant 15 : i32
          %and3A_708 = vector.broadcast %and3A_707 : i32 to vector<16xi32>
          %and3A_709 = arith.andi %add3A_706, %and3A_708 : vector<16xi32>
          %gather3A_710 = tpu.vector_load_idx %arg14[%add3A_563, %and3A_709] : memref<800x16xf32, #tpu.memory_space<vmem>>[vector<16xi32>, vector<16xi32>], vector<16xf32>,
          %add3A_711 = arith.constant 8 : i32
          %add3A_712 = vector.broadcast %add3A_711 : i32 to vector<16xi32>
          %add3A_713 = arith.addi %and3A_571, %add3A_712 : vector<16xi32>
          %and3A_714 = arith.constant 15 : i32
          %and3A_715 = vector.broadcast %and3A_714 : i32 to vector<16xi32>
          %and3A_716 = arith.andi %add3A_713, %and3A_715 : vector<16xi32>
          %gather3A_717 = tpu.vector_load_idx %arg16[%add3A_563, %and3A_716] : memref<800x16xf32, #tpu.memory_space<vmem>>[vector<16xi32>, vector<16xi32>], vector<16xf32>,
          %add3A_718 = arith.addf %gather3A_710, %gather3A_717 : vector<16xf32>
          %mul3A_719 = arith.mulf %add3A_718, %sub3A_614 : vector<16xf32>
          %add3A_720 = arith.addf %add3A_703, %mul3A_719 : vector<16xf32>
          %mul3A_721 = arith.constant 5.000000e-01 : f32
          %mul3A_722 = vector.broadcast %mul3A_721 : f32 to vector<16xf32>
          %mul3A_723 = arith.mulf %add3A_720, %mul3A_722 : vector<16xf32>
          %swap3A_724 = arith.constant 1 : i32
          %swap3A_725 = arith.index_cast %swap3A_724 : i32 to index
          %swap3A_726 = arith.index_cast %mul3A_561 : i32 to index
          %swap3A_727 = tpu.vector_load %arg18[%swap3A_725, %swap3A_726] {strides = array<i32>} : memref<4x800xf32, #tpu.memory_space<vmem>>, vector<16xf32>,
          tpu.vector_store %arg18[%swap3A_725, %swap3A_726], %mul3A_723 {strides = array<i32>} : memref<4x800xf32, #tpu.memory_space<vmem>>, vector<16xf32>,
          %add3A_728 = arith.constant 9 : i32
          %add3A_729 = vector.broadcast %add3A_728 : i32 to vector<16xi32>
          %add3A_730 = arith.addi %and3A_566, %add3A_729 : vector<16xi32>
          %and3A_731 = arith.constant 15 : i32
          %and3A_732 = vector.broadcast %and3A_731 : i32 to vector<16xi32>
          %and3A_733 = arith.andi %add3A_730, %and3A_732 : vector<16xi32>
          %gather3A_734 = tpu.vector_load_idx %arg14[%add3A_563, %and3A_733] : memref<800x16xf32, #tpu.memory_space<vmem>>[vector<16xi32>, vector<16xi32>], vector<16xf32>,
          %add3A_735 = arith.constant 9 : i32
          %add3A_736 = vector.broadcast %add3A_735 : i32 to vector<16xi32>
          %add3A_737 = arith.addi %and3A_571, %add3A_736 : vector<16xi32>
          %and3A_738 = arith.constant 15 : i32
          %and3A_739 = vector.broadcast %and3A_738 : i32 to vector<16xi32>
          %and3A_740 = arith.andi %add3A_737, %and3A_739 : vector<16xi32>
          %gather3A_741 = tpu.vector_load_idx %arg16[%add3A_563, %and3A_740] : memref<800x16xf32, #tpu.memory_space<vmem>>[vector<16xi32>, vector<16xi32>], vector<16xf32>,
          %add3A_742 = arith.addf %gather3A_734, %gather3A_741 : vector<16xf32>
          %mul3A_743 = arith.mulf %add3A_742, %sub3A : vector<16xf32>
          %add3A_744 = arith.constant 10 : i32
          %add3A_745 = vector.broadcast %add3A_744 : i32 to vector<16xi32>
          %add3A_746 = arith.addi %and3A_566, %add3A_745 : vector<16xi32>
          %and3A_747 = arith.constant 15 : i32
          %and3A_748 = vector.broadcast %and3A_747 : i32 to vector<16xi32>
          %and3A_749 = arith.andi %add3A_746, %and3A_748 : vector<16xi32>
          %gather3A_750 = tpu.vector_load_idx %arg14[%add3A_563, %and3A_749] : memref<800x16xf32, #tpu.memory_space<vmem>>[vector<16xi32>, vector<16xi32>], vector<16xf32>,
          %add3A_751 = arith.constant 10 : i32
          %add3A_752 = vector.broadcast %add3A_751 : i32 to vector<16xi32>
          %add3A_753 = arith.addi %and3A_571, %add3A_752 : vector<16xi32>
          %and3A_754 = arith.constant 15 : i32
          %and3A_755 = vector.broadcast %and3A_754 : i32 to vector<16xi32>
          %and3A_756 = arith.andi %add3A_753, %and3A_755 : vector<16xi32>
          %gather3A_757 = tpu.vector_load_idx %arg16[%add3A_563, %and3A_756] : memref<800x16xf32, #tpu.memory_space<vmem>>[vector<16xi32>, vector<16xi32>], vector<16xf32>,
          %add3A_758 = arith.addf %gather3A_750, %gather3A_757 : vector<16xf32>
          %mul3A_759 = arith.mulf %add3A_758, %sub3A_599 : vector<16xf32>
          %add3A_760 = arith.addf %mul3A_743, %mul3A_759 : vector<16xf32>
          %add3A_761 = arith.constant 11 : i32
          %add3A_762 = vector.broadcast %add3A_761 : i32 to vector<16xi32>
          %add3A_763 = arith.addi %and3A_566, %add3A_762 : vector<16xi32>
          %and3A_764 = arith.constant 15 : i32
          %and3A_765 = vector.broadcast %and3A_764 : i32 to vector<16xi32>
          %and3A_766 = arith.andi %add3A_763, %and3A_765 : vector<16xi32>
          %gather3A_767 = tpu.vector_load_idx %arg14[%add3A_563, %and3A_766] : memref<800x16xf32, #tpu.memory_space<vmem>>[vector<16xi32>, vector<16xi32>], vector<16xf32>,
          %add3A_768 = arith.constant 11 : i32
          %add3A_769 = vector.broadcast %add3A_768 : i32 to vector<16xi32>
          %add3A_770 = arith.addi %and3A_571, %add3A_769 : vector<16xi32>
          %and3A_771 = arith.constant 15 : i32
          %and3A_772 = vector.broadcast %and3A_771 : i32 to vector<16xi32>
          %and3A_773 = arith.andi %add3A_770, %and3A_772 : vector<16xi32>
          %gather3A_774 = tpu.vector_load_idx %arg16[%add3A_563, %and3A_773] : memref<800x16xf32, #tpu.memory_space<vmem>>[vector<16xi32>, vector<16xi32>], vector<16xf32>,
          %add3A_775 = arith.addf %gather3A_767, %gather3A_774 : vector<16xf32>
          %mul3A_776 = arith.mulf %add3A_775, %sub3A_614 : vector<16xf32>
          %add3A_777 = arith.addf %add3A_760, %mul3A_776 : vector<16xf32>
          %mul3A_778 = arith.constant 5.000000e-01 : f32
          %mul3A_779 = vector.broadcast %mul3A_778 : f32 to vector<16xf32>
          %mul3A_780 = arith.mulf %add3A_777, %mul3A_779 : vector<16xf32>
          %swap3A_781 = arith.constant 2 : i32
          %swap3A_782 = arith.index_cast %swap3A_781 : i32 to index
          %swap3A_783 = arith.index_cast %mul3A_561 : i32 to index
          %swap3A_784 = tpu.vector_load %arg18[%swap3A_782, %swap3A_783] {strides = array<i32>} : memref<4x800xf32, #tpu.memory_space<vmem>>, vector<16xf32>,
          tpu.vector_store %arg18[%swap3A_782, %swap3A_783], %mul3A_780 {strides = array<i32>} : memref<4x800xf32, #tpu.memory_space<vmem>>, vector<16xf32>,
          %add3A_785 = arith.constant 12 : i32
          %add3A_786 = vector.broadcast %add3A_785 : i32 to vector<16xi32>
          %add3A_787 = arith.addi %and3A_566, %add3A_786 : vector<16xi32>
          %and3A_788 = arith.constant 15 : i32
          %and3A_789 = vector.broadcast %and3A_788 : i32 to vector<16xi32>
          %and3A_790 = arith.andi %add3A_787, %and3A_789 : vector<16xi32>
          %gather3A_791 = tpu.vector_load_idx %arg14[%add3A_563, %and3A_790] : memref<800x16xf32, #tpu.memory_space<vmem>>[vector<16xi32>, vector<16xi32>], vector<16xf32>,
          %add3A_792 = arith.constant 12 : i32
          %add3A_793 = vector.broadcast %add3A_792 : i32 to vector<16xi32>
          %add3A_794 = arith.addi %and3A_571, %add3A_793 : vector<16xi32>
          %and3A_795 = arith.constant 15 : i32
          %and3A_796 = vector.broadcast %and3A_795 : i32 to vector<16xi32>
          %and3A_797 = arith.andi %add3A_794, %and3A_796 : vector<16xi32>
          %gather3A_798 = tpu.vector_load_idx %arg16[%add3A_563, %and3A_797] : memref<800x16xf32, #tpu.memory_space<vmem>>[vector<16xi32>, vector<16xi32>], vector<16xf32>,
          %add3A_799 = arith.addf %gather3A_791, %gather3A_798 : vector<16xf32>
          %mul3A_800 = arith.mulf %add3A_799, %sub3A : vector<16xf32>
          %add3A_801 = arith.constant 13 : i32
          %add3A_802 = vector.broadcast %add3A_801 : i32 to vector<16xi32>
          %add3A_803 = arith.addi %and3A_566, %add3A_802 : vector<16xi32>
          %and3A_804 = arith.constant 15 : i32
          %and3A_805 = vector.broadcast %and3A_804 : i32 to vector<16xi32>
          %and3A_806 = arith.andi %add3A_803, %and3A_805 : vector<16xi32>
          %gather3A_807 = tpu.vector_load_idx %arg14[%add3A_563, %and3A_806] : memref<800x16xf32, #tpu.memory_space<vmem>>[vector<16xi32>, vector<16xi32>], vector<16xf32>,
          %add3A_808 = arith.constant 13 : i32
          %add3A_809 = vector.broadcast %add3A_808 : i32 to vector<16xi32>
          %add3A_810 = arith.addi %and3A_571, %add3A_809 : vector<16xi32>
          %and3A_811 = arith.constant 15 : i32
          %and3A_812 = vector.broadcast %and3A_811 : i32 to vector<16xi32>
          %and3A_813 = arith.andi %add3A_810, %and3A_812 : vector<16xi32>
          %gather3A_814 = tpu.vector_load_idx %arg16[%add3A_563, %and3A_813] : memref<800x16xf32, #tpu.memory_space<vmem>>[vector<16xi32>, vector<16xi32>], vector<16xf32>,
          %add3A_815 = arith.addf %gather3A_807, %gather3A_814 : vector<16xf32>
          %mul3A_816 = arith.mulf %add3A_815, %sub3A_599 : vector<16xf32>
          %add3A_817 = arith.addf %mul3A_800, %mul3A_816 : vector<16xf32>
          %add3A_818 = arith.constant 14 : i32
          %add3A_819 = vector.broadcast %add3A_818 : i32 to vector<16xi32>
          %add3A_820 = arith.addi %and3A_566, %add3A_819 : vector<16xi32>
          %and3A_821 = arith.constant 15 : i32
          %and3A_822 = vector.broadcast %and3A_821 : i32 to vector<16xi32>
          %and3A_823 = arith.andi %add3A_820, %and3A_822 : vector<16xi32>
          %gather3A_824 = tpu.vector_load_idx %arg14[%add3A_563, %and3A_823] : memref<800x16xf32, #tpu.memory_space<vmem>>[vector<16xi32>, vector<16xi32>], vector<16xf32>,
          %add3A_825 = arith.constant 14 : i32
          %add3A_826 = vector.broadcast %add3A_825 : i32 to vector<16xi32>
          %add3A_827 = arith.addi %and3A_571, %add3A_826 : vector<16xi32>
          %and3A_828 = arith.constant 15 : i32
          %and3A_829 = vector.broadcast %and3A_828 : i32 to vector<16xi32>
          %and3A_830 = arith.andi %add3A_827, %and3A_829 : vector<16xi32>
          %gather3A_831 = tpu.vector_load_idx %arg16[%add3A_563, %and3A_830] : memref<800x16xf32, #tpu.memory_space<vmem>>[vector<16xi32>, vector<16xi32>], vector<16xf32>,
          %add3A_832 = arith.addf %gather3A_824, %gather3A_831 : vector<16xf32>
          %mul3A_833 = arith.mulf %add3A_832, %sub3A_614 : vector<16xf32>
          %add3A_834 = arith.addf %add3A_817, %mul3A_833 : vector<16xf32>
          %mul3A_835 = arith.constant 5.000000e-01 : f32
          %mul3A_836 = vector.broadcast %mul3A_835 : f32 to vector<16xf32>
          %mul3A_837 = arith.mulf %add3A_834, %mul3A_836 : vector<16xf32>
          %swap3A_838 = arith.constant 3 : i32
          %swap3A_839 = arith.index_cast %swap3A_838 : i32 to index
          %swap3A_840 = arith.index_cast %mul3A_561 : i32 to index
          %swap3A_841 = tpu.vector_load %arg18[%swap3A_839, %swap3A_840] {strides = array<i32>} : memref<4x800xf32, #tpu.memory_space<vmem>>, vector<16xf32>,
          tpu.vector_store %arg18[%swap3A_839, %swap3A_840], %mul3A_837 {strides = array<i32>} : memref<4x800xf32, #tpu.memory_space<vmem>>, vector<16xf32>,
        }
        %scan3A_509 = arith.constant 50 : i32
        %mul3A_510 = arith.constant 32 : i32
        %mul3A_511 = arith.muli %add3A_311, %mul3A_510 : i32
        %add3A_512 = arith.addi %mul3A_511, %add3A : i32
        %mul3A_513 = arith.constant 800 : i32
        %mul3A_514 = arith.muli %add3A_512, %mul3A_513 : i32
        %add3A_515 = arith.constant 0 : i32
        %add3A_516 = arith.addi %add3A_515, %mul3A_514 : i32
        %add3A_517 = arith.constant 3200000 : i32
        %add3A_518 = arith.addi %add3A_517, %mul3A_514 : i32
        %add3A_519 = arith.constant 6400000 : i32
        %add3A_520 = arith.addi %add3A_519, %mul3A_514 : i32
        %add3A_521 = arith.constant 9600000 : i32
        %add3A_522 = arith.addi %add3A_521, %mul3A_514 : i32
        %dma_start3A_523 = arith.constant 0 : i32
        %dma_start3A_524 = arith.constant 0 : i32
        %dma_start3A_525 = tpu.memref_slice %arg18[%dma_start3A_523, %dma_start3A_524] : memref<4x800xf32, #tpu.memory_space<vmem>> -> memref<1x800xf32, #tpu.memory_space<vmem>>
        %dma_start3A_526 = tpu.memref_squeeze %dma_start3A_525 : memref<1x800xf32, #tpu.memory_space<vmem>> -> memref<800xf32, #tpu.memory_space<vmem>>
        %dma_start3A_527 = tpu.memref_slice %arg5[%add3A_516] : memref<12800000xf32, #tpu.memory_space<hbm>> -> memref<800xf32, #tpu.memory_space<hbm>>
        %dma_start3A_528 = tpu.memref_slice %arg5[%add3A_516] : memref<12800000xf32, #tpu.memory_space<hbm>> -> memref<800xf32, #tpu.memory_space<hbm>>
        %dma_start3A_529 = arith.constant 0 : i32
        %dma_start3A_530 = tpu.memref_slice %arg18[%dma_start3A_523, %dma_start3A_529] : memref<4x800xf32, #tpu.memory_space<vmem>> -> memref<1x800xf32, #tpu.memory_space<vmem>>
        %dma_start3A_531 = tpu.memref_squeeze %dma_start3A_530 : memref<1x800xf32, #tpu.memory_space<vmem>> -> memref<800xf32, #tpu.memory_space<vmem>>
        tpu.enqueue_dma source(%dma_start3A_531 : memref<800xf32, #tpu.memory_space<vmem>>) target(%dma_start3A_528 : memref<800xf32, #tpu.memory_space<hbm>>) target_semaphore(%arg26 : memref<!tpu.dma_semaphore, #tpu.memory_space<semaphore_mem>>)
        %dma_start3A_532 = arith.constant 1 : i32
        %dma_start3A_533 = arith.constant 0 : i32
        %dma_start3A_534 = tpu.memref_slice %arg18[%dma_start3A_532, %dma_start3A_533] : memref<4x800xf32, #tpu.memory_space<vmem>> -> memref<1x800xf32, #tpu.memory_space<vmem>>
        %dma_start3A_535 = tpu.memref_squeeze %dma_start3A_534 : memref<1x800xf32, #tpu.memory_space<vmem>> -> memref<800xf32, #tpu.memory_space<vmem>>
        %dma_start3A_536 = tpu.memref_slice %arg5[%add3A_518] : memref<12800000xf32, #tpu.memory_space<hbm>> -> memref<800xf32, #tpu.memory_space<hbm>>
        %dma_start3A_537 = tpu.memref_slice %arg5[%add3A_518] : memref<12800000xf32, #tpu.memory_space<hbm>> -> memref<800xf32, #tpu.memory_space<hbm>>
        %dma_start3A_538 = arith.constant 0 : i32
        %dma_start3A_539 = tpu.memref_slice %arg18[%dma_start3A_532, %dma_start3A_538] : memref<4x800xf32, #tpu.memory_space<vmem>> -> memref<1x800xf32, #tpu.memory_space<vmem>>
        %dma_start3A_540 = tpu.memref_squeeze %dma_start3A_539 : memref<1x800xf32, #tpu.memory_space<vmem>> -> memref<800xf32, #tpu.memory_space<vmem>>
        tpu.enqueue_dma source(%dma_start3A_540 : memref<800xf32, #tpu.memory_space<vmem>>) target(%dma_start3A_537 : memref<800xf32, #tpu.memory_space<hbm>>) target_semaphore(%arg26 : memref<!tpu.dma_semaphore, #tpu.memory_space<semaphore_mem>>)
        %dma_start3A_541 = arith.constant 2 : i32
        %dma_start3A_542 = arith.constant 0 : i32
        %dma_start3A_543 = tpu.memref_slice %arg18[%dma_start3A_541, %dma_start3A_542] : memref<4x800xf32, #tpu.memory_space<vmem>> -> memref<1x800xf32, #tpu.memory_space<vmem>>
        %dma_start3A_544 = tpu.memref_squeeze %dma_start3A_543 : memref<1x800xf32, #tpu.memory_space<vmem>> -> memref<800xf32, #tpu.memory_space<vmem>>
        %dma_start3A_545 = tpu.memref_slice %arg5[%add3A_520] : memref<12800000xf32, #tpu.memory_space<hbm>> -> memref<800xf32, #tpu.memory_space<hbm>>
        %dma_start3A_546 = tpu.memref_slice %arg5[%add3A_520] : memref<12800000xf32, #tpu.memory_space<hbm>> -> memref<800xf32, #tpu.memory_space<hbm>>
        %dma_start3A_547 = arith.constant 0 : i32
        %dma_start3A_548 = tpu.memref_slice %arg18[%dma_start3A_541, %dma_start3A_547] : memref<4x800xf32, #tpu.memory_space<vmem>> -> memref<1x800xf32, #tpu.memory_space<vmem>>
        %dma_start3A_549 = tpu.memref_squeeze %dma_start3A_548 : memref<1x800xf32, #tpu.memory_space<vmem>> -> memref<800xf32, #tpu.memory_space<vmem>>
        tpu.enqueue_dma source(%dma_start3A_549 : memref<800xf32, #tpu.memory_space<vmem>>) target(%dma_start3A_546 : memref<800xf32, #tpu.memory_space<hbm>>) target_semaphore(%arg26 : memref<!tpu.dma_semaphore, #tpu.memory_space<semaphore_mem>>)
        %dma_start3A_550 = arith.constant 3 : i32
        %dma_start3A_551 = arith.constant 0 : i32
        %dma_start3A_552 = tpu.memref_slice %arg18[%dma_start3A_550, %dma_start3A_551] : memref<4x800xf32, #tpu.memory_space<vmem>> -> memref<1x800xf32, #tpu.memory_space<vmem>>
        %dma_start3A_553 = tpu.memref_squeeze %dma_start3A_552 : memref<1x800xf32, #tpu.memory_space<vmem>> -> memref<800xf32, #tpu.memory_space<vmem>>
        %dma_start3A_554 = tpu.memref_slice %arg5[%add3A_522] : memref<12800000xf32, #tpu.memory_space<hbm>> -> memref<800xf32, #tpu.memory_space<hbm>>
        %dma_start3A_555 = tpu.memref_slice %arg5[%add3A_522] : memref<12800000xf32, #tpu.memory_space<hbm>> -> memref<800xf32, #tpu.memory_space<hbm>>
        %dma_start3A_556 = arith.constant 0 : i32
        %dma_start3A_557 = tpu.memref_slice %arg18[%dma_start3A_550, %dma_start3A_556] : memref<4x800xf32, #tpu.memory_space<vmem>> -> memref<1x800xf32, #tpu.memory_space<vmem>>
        %dma_start3A_558 = tpu.memref_squeeze %dma_start3A_557 : memref<1x800xf32, #tpu.memory_space<vmem>> -> memref<800xf32, #tpu.memory_space<vmem>>
        tpu.enqueue_dma source(%dma_start3A_558 : memref<800xf32, #tpu.memory_space<vmem>>) target(%dma_start3A_555 : memref<800xf32, #tpu.memory_space<hbm>>) target_semaphore(%arg26 : memref<!tpu.dma_semaphore, #tpu.memory_space<semaphore_mem>>)
      } else {
      }
      %mul3A_317 = arith.constant 4 : i32
      %mul3A_318 = arith.muli %scan3A_292, %mul3A_317 : i32
      %add3A_319 = arith.constant 3 : i32
      %add3A_320 = arith.addi %mul3A_318, %add3A_319 : i32
      %lt3A_321 = arith.constant 125 : i32
      %lt3A_322 = arith.cmpi slt, %add3A_320, %lt3A_321 : i32
      %convert_element_type3A_323 = arith.extui %lt3A_322 : i1 to i32
      %cond3A_324 = arith.constant 0 : i32
      %cond3A_325 = arith.cmpi ne, %convert_element_type3A_323, %cond3A_324 : i32
      scf.if %cond3A_325 {
        %add3A_326 = arith.constant 1 : i32
        %add3A_327 = arith.addi %add3A_320, %add3A_326 : i32
        %lt3A_328 = arith.constant 125 : i32
        %lt3A_329 = arith.cmpi slt, %add3A_327, %lt3A_328 : i32
        %convert_element_type3A_330 = arith.extui %lt3A_329 : i1 to i32
        %cond3A_331 = arith.constant 0 : i32
        %cond3A_332 = arith.cmpi ne, %convert_element_type3A_330, %cond3A_331 : i32
        scf.if %cond3A_332 {
          %add3A_559 = arith.constant 1 : i32
          %add3A_560 = arith.addi %add3A_320, %add3A_559 : i32
          %mul3A_561 = arith.constant 32 : i32
          %mul3A_562 = arith.muli %add3A_560, %mul3A_561 : i32
          %add3A_563 = arith.addi %mul3A_562, %add3A : i32
          %mul3A_564 = arith.constant 800 : i32
          %mul3A_565 = arith.muli %add3A_563, %mul3A_564 : i32
          %dma_wait3A_566 = tpu.memref_slice %arg3[%mul3A_565] : memref<3200000xi32, #tpu.memory_space<hbm>> -> memref<800xi32, #tpu.memory_space<hbm>>
          %dma_wait3A_567 = tpu.memref_slice %arg3[%mul3A_565] : memref<3200000xi32, #tpu.memory_space<hbm>> -> memref<800xi32, #tpu.memory_space<hbm>>
          tpu.wait_dma2 semaphore(%arg20 : memref<!tpu.dma_semaphore, #tpu.memory_space<semaphore_mem>>) src(%dma_wait3A_567 : memref<800xi32, #tpu.memory_space<hbm>>) dst(%arg6 : memref<800xi32, #tpu.memory_space<vmem>>)
          %dma_wait3A_568 = tpu.memref_slice %arg4[%mul3A_565] : memref<3200000xi32, #tpu.memory_space<hbm>> -> memref<800xi32, #tpu.memory_space<hbm>>
          %dma_wait3A_569 = tpu.memref_slice %arg4[%mul3A_565] : memref<3200000xi32, #tpu.memory_space<hbm>> -> memref<800xi32, #tpu.memory_space<hbm>>
          tpu.wait_dma2 semaphore(%arg20 : memref<!tpu.dma_semaphore, #tpu.memory_space<semaphore_mem>>) src(%dma_wait3A_569 : memref<800xi32, #tpu.memory_space<hbm>>) dst(%arg10 : memref<800xi32, #tpu.memory_space<vmem>>)
          %dma_start3A_570 = arith.constant 0 : i32
          %dma_start3A_571 = arith.constant 0 : i32
          %dma_start3A_572 = tpu.memref_slice %arg14[%dma_start3A_570, %dma_start3A_571] : memref<800x16xf32, #tpu.memory_space<vmem>> -> memref<80x16xf32, #tpu.memory_space<vmem>>
          %dma_start3A_573 = arith.constant 0 : i32
          %dma_start3A_574 = tpu.memref_slice %arg6[%dma_start3A_573] : memref<800xi32, #tpu.memory_space<vmem>> -> memref<80xi32, #tpu.memory_space<vmem>>
          %dma_start3A_575 = arith.constant 0 : i32
          %dma_start3A_576 = arith.constant 0 : i32
          %dma_start3A_577 = tpu.memref_slice %arg2[%dma_start3A_575, %dma_start3A_576] : memref<100000x16xf32, #tpu.memory_space<hbm>> -> memref<100000x16xf32, #tpu.memory_space<hbm>>
          tpu.enqueue_indirect_dma source(%dma_start3A_577 : memref<100000x16xf32, #tpu.memory_space<hbm>>) target(%dma_start3A_572 : memref<80x16xf32, #tpu.memory_space<vmem>>) offsets(%dma_start3A_574 : memref<80xi32, #tpu.memory_space<vmem>>) semaphore(%arg24 : memref<!tpu.dma_semaphore, #tpu.memory_space<semaphore_mem>>)
          %dma_start3A_578 = arith.constant 0 : i32
          %dma_start3A_579 = arith.constant 0 : i32
          %dma_start3A_580 = tpu.memref_slice %arg16[%dma_start3A_578, %dma_start3A_579] : memref<800x16xf32, #tpu.memory_space<vmem>> -> memref<80x16xf32, #tpu.memory_space<vmem>>
          %dma_start3A_581 = arith.constant 0 : i32
          %dma_start3A_582 = tpu.memref_slice %arg10[%dma_start3A_581] : memref<800xi32, #tpu.memory_space<vmem>> -> memref<80xi32, #tpu.memory_space<vmem>>
          %dma_start3A_583 = arith.constant 0 : i32
          %dma_start3A_584 = arith.constant 0 : i32
          %dma_start3A_585 = tpu.memref_slice %arg2[%dma_start3A_583, %dma_start3A_584] : memref<100000x16xf32, #tpu.memory_space<hbm>> -> memref<100000x16xf32, #tpu.memory_space<hbm>>
          tpu.enqueue_indirect_dma source(%dma_start3A_585 : memref<100000x16xf32, #tpu.memory_space<hbm>>) target(%dma_start3A_580 : memref<80x16xf32, #tpu.memory_space<vmem>>) offsets(%dma_start3A_582 : memref<80xi32, #tpu.memory_space<vmem>>) semaphore(%arg24 : memref<!tpu.dma_semaphore, #tpu.memory_space<semaphore_mem>>)
          %dma_start3A_586 = arith.constant 80 : i32
          %dma_start3A_587 = arith.constant 0 : i32
          %dma_start3A_588 = tpu.memref_slice %arg14[%dma_start3A_586, %dma_start3A_587] : memref<800x16xf32, #tpu.memory_space<vmem>> -> memref<80x16xf32, #tpu.memory_space<vmem>>
          %dma_start3A_589 = arith.constant 80 : i32
          %dma_start3A_590 = tpu.memref_slice %arg6[%dma_start3A_589] : memref<800xi32, #tpu.memory_space<vmem>> -> memref<80xi32, #tpu.memory_space<vmem>>
          %dma_start3A_591 = arith.constant 0 : i32
          %dma_start3A_592 = arith.constant 0 : i32
          %dma_start3A_593 = tpu.memref_slice %arg2[%dma_start3A_591, %dma_start3A_592] : memref<100000x16xf32, #tpu.memory_space<hbm>> -> memref<100000x16xf32, #tpu.memory_space<hbm>>
          tpu.enqueue_indirect_dma source(%dma_start3A_593 : memref<100000x16xf32, #tpu.memory_space<hbm>>) target(%dma_start3A_588 : memref<80x16xf32, #tpu.memory_space<vmem>>) offsets(%dma_start3A_590 : memref<80xi32, #tpu.memory_space<vmem>>) semaphore(%arg24 : memref<!tpu.dma_semaphore, #tpu.memory_space<semaphore_mem>>)
          %dma_start3A_594 = arith.constant 80 : i32
          %dma_start3A_595 = arith.constant 0 : i32
          %dma_start3A_596 = tpu.memref_slice %arg16[%dma_start3A_594, %dma_start3A_595] : memref<800x16xf32, #tpu.memory_space<vmem>> -> memref<80x16xf32, #tpu.memory_space<vmem>>
          %dma_start3A_597 = arith.constant 80 : i32
          %dma_start3A_598 = tpu.memref_slice %arg10[%dma_start3A_597] : memref<800xi32, #tpu.memory_space<vmem>> -> memref<80xi32, #tpu.memory_space<vmem>>
          %dma_start3A_599 = arith.constant 0 : i32
          %dma_start3A_600 = arith.constant 0 : i32
          %dma_start3A_601 = tpu.memref_slice %arg2[%dma_start3A_599, %dma_start3A_600] : memref<100000x16xf32, #tpu.memory_space<hbm>> -> memref<100000x16xf32, #tpu.memory_space<hbm>>
          tpu.enqueue_indirect_dma source(%dma_start3A_601 : memref<100000x16xf32, #tpu.memory_space<hbm>>) target(%dma_start3A_596 : memref<80x16xf32, #tpu.memory_space<vmem>>) offsets(%dma_start3A_598 : memref<80xi32, #tpu.memory_space<vmem>>) semaphore(%arg24 : memref<!tpu.dma_semaphore, #tpu.memory_space<semaphore_mem>>)
          %dma_start3A_602 = arith.constant 160 : i32
          %dma_start3A_603 = arith.constant 0 : i32
          %dma_start3A_604 = tpu.memref_slice %arg14[%dma_start3A_602, %dma_start3A_603] : memref<800x16xf32, #tpu.memory_space<vmem>> -> memref<80x16xf32, #tpu.memory_space<vmem>>
          %dma_start3A_605 = arith.constant 160 : i32
          %dma_start3A_606 = tpu.memref_slice %arg6[%dma_start3A_605] : memref<800xi32, #tpu.memory_space<vmem>> -> memref<80xi32, #tpu.memory_space<vmem>>
          %dma_start3A_607 = arith.constant 0 : i32
          %dma_start3A_608 = arith.constant 0 : i32
          %dma_start3A_609 = tpu.memref_slice %arg2[%dma_start3A_607, %dma_start3A_608] : memref<100000x16xf32, #tpu.memory_space<hbm>> -> memref<100000x16xf32, #tpu.memory_space<hbm>>
          tpu.enqueue_indirect_dma source(%dma_start3A_609 : memref<100000x16xf32, #tpu.memory_space<hbm>>) target(%dma_start3A_604 : memref<80x16xf32, #tpu.memory_space<vmem>>) offsets(%dma_start3A_606 : memref<80xi32, #tpu.memory_space<vmem>>) semaphore(%arg24 : memref<!tpu.dma_semaphore, #tpu.memory_space<semaphore_mem>>)
          %dma_start3A_610 = arith.constant 160 : i32
          %dma_start3A_611 = arith.constant 0 : i32
          %dma_start3A_612 = tpu.memref_slice %arg16[%dma_start3A_610, %dma_start3A_611] : memref<800x16xf32, #tpu.memory_space<vmem>> -> memref<80x16xf32, #tpu.memory_space<vmem>>
          %dma_start3A_613 = arith.constant 160 : i32
          %dma_start3A_614 = tpu.memref_slice %arg10[%dma_start3A_613] : memref<800xi32, #tpu.memory_space<vmem>> -> memref<80xi32, #tpu.memory_space<vmem>>
          %dma_start3A_615 = arith.constant 0 : i32
          %dma_start3A_616 = arith.constant 0 : i32
          %dma_start3A_617 = tpu.memref_slice %arg2[%dma_start3A_615, %dma_start3A_616] : memref<100000x16xf32, #tpu.memory_space<hbm>> -> memref<100000x16xf32, #tpu.memory_space<hbm>>
          tpu.enqueue_indirect_dma source(%dma_start3A_617 : memref<100000x16xf32, #tpu.memory_space<hbm>>) target(%dma_start3A_612 : memref<80x16xf32, #tpu.memory_space<vmem>>) offsets(%dma_start3A_614 : memref<80xi32, #tpu.memory_space<vmem>>) semaphore(%arg24 : memref<!tpu.dma_semaphore, #tpu.memory_space<semaphore_mem>>)
          %dma_start3A_618 = arith.constant 240 : i32
          %dma_start3A_619 = arith.constant 0 : i32
          %dma_start3A_620 = tpu.memref_slice %arg14[%dma_start3A_618, %dma_start3A_619] : memref<800x16xf32, #tpu.memory_space<vmem>> -> memref<80x16xf32, #tpu.memory_space<vmem>>
          %dma_start3A_621 = arith.constant 240 : i32
          %dma_start3A_622 = tpu.memref_slice %arg6[%dma_start3A_621] : memref<800xi32, #tpu.memory_space<vmem>> -> memref<80xi32, #tpu.memory_space<vmem>>
          %dma_start3A_623 = arith.constant 0 : i32
          %dma_start3A_624 = arith.constant 0 : i32
          %dma_start3A_625 = tpu.memref_slice %arg2[%dma_start3A_623, %dma_start3A_624] : memref<100000x16xf32, #tpu.memory_space<hbm>> -> memref<100000x16xf32, #tpu.memory_space<hbm>>
          tpu.enqueue_indirect_dma source(%dma_start3A_625 : memref<100000x16xf32, #tpu.memory_space<hbm>>) target(%dma_start3A_620 : memref<80x16xf32, #tpu.memory_space<vmem>>) offsets(%dma_start3A_622 : memref<80xi32, #tpu.memory_space<vmem>>) semaphore(%arg24 : memref<!tpu.dma_semaphore, #tpu.memory_space<semaphore_mem>>)
          %dma_start3A_626 = arith.constant 240 : i32
          %dma_start3A_627 = arith.constant 0 : i32
          %dma_start3A_628 = tpu.memref_slice %arg16[%dma_start3A_626, %dma_start3A_627] : memref<800x16xf32, #tpu.memory_space<vmem>> -> memref<80x16xf32, #tpu.memory_space<vmem>>
          %dma_start3A_629 = arith.constant 240 : i32
          %dma_start3A_630 = tpu.memref_slice %arg10[%dma_start3A_629] : memref<800xi32, #tpu.memory_space<vmem>> -> memref<80xi32, #tpu.memory_space<vmem>>
          %dma_start3A_631 = arith.constant 0 : i32
          %dma_start3A_632 = arith.constant 0 : i32
          %dma_start3A_633 = tpu.memref_slice %arg2[%dma_start3A_631, %dma_start3A_632] : memref<100000x16xf32, #tpu.memory_space<hbm>> -> memref<100000x16xf32, #tpu.memory_space<hbm>>
          tpu.enqueue_indirect_dma source(%dma_start3A_633 : memref<100000x16xf32, #tpu.memory_space<hbm>>) target(%dma_start3A_628 : memref<80x16xf32, #tpu.memory_space<vmem>>) offsets(%dma_start3A_630 : memref<80xi32, #tpu.memory_space<vmem>>) semaphore(%arg24 : memref<!tpu.dma_semaphore, #tpu.memory_space<semaphore_mem>>)
          %dma_start3A_634 = arith.constant 320 : i32
          %dma_start3A_635 = arith.constant 0 : i32
          %dma_start3A_636 = tpu.memref_slice %arg14[%dma_start3A_634, %dma_start3A_635] : memref<800x16xf32, #tpu.memory_space<vmem>> -> memref<80x16xf32, #tpu.memory_space<vmem>>
          %dma_start3A_637 = arith.constant 320 : i32
          %dma_start3A_638 = tpu.memref_slice %arg6[%dma_start3A_637] : memref<800xi32, #tpu.memory_space<vmem>> -> memref<80xi32, #tpu.memory_space<vmem>>
          %dma_start3A_639 = arith.constant 0 : i32
          %dma_start3A_640 = arith.constant 0 : i32
          %dma_start3A_641 = tpu.memref_slice %arg2[%dma_start3A_639, %dma_start3A_640] : memref<100000x16xf32, #tpu.memory_space<hbm>> -> memref<100000x16xf32, #tpu.memory_space<hbm>>
          tpu.enqueue_indirect_dma source(%dma_start3A_641 : memref<100000x16xf32, #tpu.memory_space<hbm>>) target(%dma_start3A_636 : memref<80x16xf32, #tpu.memory_space<vmem>>) offsets(%dma_start3A_638 : memref<80xi32, #tpu.memory_space<vmem>>) semaphore(%arg24 : memref<!tpu.dma_semaphore, #tpu.memory_space<semaphore_mem>>)
          %dma_start3A_642 = arith.constant 320 : i32
          %dma_start3A_643 = arith.constant 0 : i32
          %dma_start3A_644 = tpu.memref_slice %arg16[%dma_start3A_642, %dma_start3A_643] : memref<800x16xf32, #tpu.memory_space<vmem>> -> memref<80x16xf32, #tpu.memory_space<vmem>>
          %dma_start3A_645 = arith.constant 320 : i32
          %dma_start3A_646 = tpu.memref_slice %arg10[%dma_start3A_645] : memref<800xi32, #tpu.memory_space<vmem>> -> memref<80xi32, #tpu.memory_space<vmem>>
          %dma_start3A_647 = arith.constant 0 : i32
          %dma_start3A_648 = arith.constant 0 : i32
          %dma_start3A_649 = tpu.memref_slice %arg2[%dma_start3A_647, %dma_start3A_648] : memref<100000x16xf32, #tpu.memory_space<hbm>> -> memref<100000x16xf32, #tpu.memory_space<hbm>>
          tpu.enqueue_indirect_dma source(%dma_start3A_649 : memref<100000x16xf32, #tpu.memory_space<hbm>>) target(%dma_start3A_644 : memref<80x16xf32, #tpu.memory_space<vmem>>) offsets(%dma_start3A_646 : memref<80xi32, #tpu.memory_space<vmem>>) semaphore(%arg24 : memref<!tpu.dma_semaphore, #tpu.memory_space<semaphore_mem>>)
          %dma_start3A_650 = arith.constant 400 : i32
          %dma_start3A_651 = arith.constant 0 : i32
          %dma_start3A_652 = tpu.memref_slice %arg14[%dma_start3A_650, %dma_start3A_651] : memref<800x16xf32, #tpu.memory_space<vmem>> -> memref<80x16xf32, #tpu.memory_space<vmem>>
          %dma_start3A_653 = arith.constant 400 : i32
          %dma_start3A_654 = tpu.memref_slice %arg6[%dma_start3A_653] : memref<800xi32, #tpu.memory_space<vmem>> -> memref<80xi32, #tpu.memory_space<vmem>>
          %dma_start3A_655 = arith.constant 0 : i32
          %dma_start3A_656 = arith.constant 0 : i32
          %dma_start3A_657 = tpu.memref_slice %arg2[%dma_start3A_655, %dma_start3A_656] : memref<100000x16xf32, #tpu.memory_space<hbm>> -> memref<100000x16xf32, #tpu.memory_space<hbm>>
          tpu.enqueue_indirect_dma source(%dma_start3A_657 : memref<100000x16xf32, #tpu.memory_space<hbm>>) target(%dma_start3A_652 : memref<80x16xf32, #tpu.memory_space<vmem>>) offsets(%dma_start3A_654 : memref<80xi32, #tpu.memory_space<vmem>>) semaphore(%arg24 : memref<!tpu.dma_semaphore, #tpu.memory_space<semaphore_mem>>)
          %dma_start3A_658 = arith.constant 400 : i32
          %dma_start3A_659 = arith.constant 0 : i32
          %dma_start3A_660 = tpu.memref_slice %arg16[%dma_start3A_658, %dma_start3A_659] : memref<800x16xf32, #tpu.memory_space<vmem>> -> memref<80x16xf32, #tpu.memory_space<vmem>>
          %dma_start3A_661 = arith.constant 400 : i32
          %dma_start3A_662 = tpu.memref_slice %arg10[%dma_start3A_661] : memref<800xi32, #tpu.memory_space<vmem>> -> memref<80xi32, #tpu.memory_space<vmem>>
          %dma_start3A_663 = arith.constant 0 : i32
          %dma_start3A_664 = arith.constant 0 : i32
          %dma_start3A_665 = tpu.memref_slice %arg2[%dma_start3A_663, %dma_start3A_664] : memref<100000x16xf32, #tpu.memory_space<hbm>> -> memref<100000x16xf32, #tpu.memory_space<hbm>>
          tpu.enqueue_indirect_dma source(%dma_start3A_665 : memref<100000x16xf32, #tpu.memory_space<hbm>>) target(%dma_start3A_660 : memref<80x16xf32, #tpu.memory_space<vmem>>) offsets(%dma_start3A_662 : memref<80xi32, #tpu.memory_space<vmem>>) semaphore(%arg24 : memref<!tpu.dma_semaphore, #tpu.memory_space<semaphore_mem>>)
          %dma_start3A_666 = arith.constant 480 : i32
          %dma_start3A_667 = arith.constant 0 : i32
          %dma_start3A_668 = tpu.memref_slice %arg14[%dma_start3A_666, %dma_start3A_667] : memref<800x16xf32, #tpu.memory_space<vmem>> -> memref<80x16xf32, #tpu.memory_space<vmem>>
          %dma_start3A_669 = arith.constant 480 : i32
          %dma_start3A_670 = tpu.memref_slice %arg6[%dma_start3A_669] : memref<800xi32, #tpu.memory_space<vmem>> -> memref<80xi32, #tpu.memory_space<vmem>>
          %dma_start3A_671 = arith.constant 0 : i32
          %dma_start3A_672 = arith.constant 0 : i32
          %dma_start3A_673 = tpu.memref_slice %arg2[%dma_start3A_671, %dma_start3A_672] : memref<100000x16xf32, #tpu.memory_space<hbm>> -> memref<100000x16xf32, #tpu.memory_space<hbm>>
          tpu.enqueue_indirect_dma source(%dma_start3A_673 : memref<100000x16xf32, #tpu.memory_space<hbm>>) target(%dma_start3A_668 : memref<80x16xf32, #tpu.memory_space<vmem>>) offsets(%dma_start3A_670 : memref<80xi32, #tpu.memory_space<vmem>>) semaphore(%arg24 : memref<!tpu.dma_semaphore, #tpu.memory_space<semaphore_mem>>)
          %dma_start3A_674 = arith.constant 480 : i32
          %dma_start3A_675 = arith.constant 0 : i32
          %dma_start3A_676 = tpu.memref_slice %arg16[%dma_start3A_674, %dma_start3A_675] : memref<800x16xf32, #tpu.memory_space<vmem>> -> memref<80x16xf32, #tpu.memory_space<vmem>>
          %dma_start3A_677 = arith.constant 480 : i32
          %dma_start3A_678 = tpu.memref_slice %arg10[%dma_start3A_677] : memref<800xi32, #tpu.memory_space<vmem>> -> memref<80xi32, #tpu.memory_space<vmem>>
          %dma_start3A_679 = arith.constant 0 : i32
          %dma_start3A_680 = arith.constant 0 : i32
          %dma_start3A_681 = tpu.memref_slice %arg2[%dma_start3A_679, %dma_start3A_680] : memref<100000x16xf32, #tpu.memory_space<hbm>> -> memref<100000x16xf32, #tpu.memory_space<hbm>>
          tpu.enqueue_indirect_dma source(%dma_start3A_681 : memref<100000x16xf32, #tpu.memory_space<hbm>>) target(%dma_start3A_676 : memref<80x16xf32, #tpu.memory_space<vmem>>) offsets(%dma_start3A_678 : memref<80xi32, #tpu.memory_space<vmem>>) semaphore(%arg24 : memref<!tpu.dma_semaphore, #tpu.memory_space<semaphore_mem>>)
          %dma_start3A_682 = arith.constant 560 : i32
          %dma_start3A_683 = arith.constant 0 : i32
          %dma_start3A_684 = tpu.memref_slice %arg14[%dma_start3A_682, %dma_start3A_683] : memref<800x16xf32, #tpu.memory_space<vmem>> -> memref<80x16xf32, #tpu.memory_space<vmem>>
          %dma_start3A_685 = arith.constant 560 : i32
          %dma_start3A_686 = tpu.memref_slice %arg6[%dma_start3A_685] : memref<800xi32, #tpu.memory_space<vmem>> -> memref<80xi32, #tpu.memory_space<vmem>>
          %dma_start3A_687 = arith.constant 0 : i32
          %dma_start3A_688 = arith.constant 0 : i32
          %dma_start3A_689 = tpu.memref_slice %arg2[%dma_start3A_687, %dma_start3A_688] : memref<100000x16xf32, #tpu.memory_space<hbm>> -> memref<100000x16xf32, #tpu.memory_space<hbm>>
          tpu.enqueue_indirect_dma source(%dma_start3A_689 : memref<100000x16xf32, #tpu.memory_space<hbm>>) target(%dma_start3A_684 : memref<80x16xf32, #tpu.memory_space<vmem>>) offsets(%dma_start3A_686 : memref<80xi32, #tpu.memory_space<vmem>>) semaphore(%arg24 : memref<!tpu.dma_semaphore, #tpu.memory_space<semaphore_mem>>)
          %dma_start3A_690 = arith.constant 560 : i32
          %dma_start3A_691 = arith.constant 0 : i32
          %dma_start3A_692 = tpu.memref_slice %arg16[%dma_start3A_690, %dma_start3A_691] : memref<800x16xf32, #tpu.memory_space<vmem>> -> memref<80x16xf32, #tpu.memory_space<vmem>>
          %dma_start3A_693 = arith.constant 560 : i32
          %dma_start3A_694 = tpu.memref_slice %arg10[%dma_start3A_693] : memref<800xi32, #tpu.memory_space<vmem>> -> memref<80xi32, #tpu.memory_space<vmem>>
          %dma_start3A_695 = arith.constant 0 : i32
          %dma_start3A_696 = arith.constant 0 : i32
          %dma_start3A_697 = tpu.memref_slice %arg2[%dma_start3A_695, %dma_start3A_696] : memref<100000x16xf32, #tpu.memory_space<hbm>> -> memref<100000x16xf32, #tpu.memory_space<hbm>>
          tpu.enqueue_indirect_dma source(%dma_start3A_697 : memref<100000x16xf32, #tpu.memory_space<hbm>>) target(%dma_start3A_692 : memref<80x16xf32, #tpu.memory_space<vmem>>) offsets(%dma_start3A_694 : memref<80xi32, #tpu.memory_space<vmem>>) semaphore(%arg24 : memref<!tpu.dma_semaphore, #tpu.memory_space<semaphore_mem>>)
          %dma_start3A_698 = arith.constant 640 : i32
          %dma_start3A_699 = arith.constant 0 : i32
          %dma_start3A_700 = tpu.memref_slice %arg14[%dma_start3A_698, %dma_start3A_699] : memref<800x16xf32, #tpu.memory_space<vmem>> -> memref<80x16xf32, #tpu.memory_space<vmem>>
          %dma_start3A_701 = arith.constant 640 : i32
          %dma_start3A_702 = tpu.memref_slice %arg6[%dma_start3A_701] : memref<800xi32, #tpu.memory_space<vmem>> -> memref<80xi32, #tpu.memory_space<vmem>>
          %dma_start3A_703 = arith.constant 0 : i32
          %dma_start3A_704 = arith.constant 0 : i32
          %dma_start3A_705 = tpu.memref_slice %arg2[%dma_start3A_703, %dma_start3A_704] : memref<100000x16xf32, #tpu.memory_space<hbm>> -> memref<100000x16xf32, #tpu.memory_space<hbm>>
          tpu.enqueue_indirect_dma source(%dma_start3A_705 : memref<100000x16xf32, #tpu.memory_space<hbm>>) target(%dma_start3A_700 : memref<80x16xf32, #tpu.memory_space<vmem>>) offsets(%dma_start3A_702 : memref<80xi32, #tpu.memory_space<vmem>>) semaphore(%arg24 : memref<!tpu.dma_semaphore, #tpu.memory_space<semaphore_mem>>)
          %dma_start3A_706 = arith.constant 640 : i32
          %dma_start3A_707 = arith.constant 0 : i32
          %dma_start3A_708 = tpu.memref_slice %arg16[%dma_start3A_706, %dma_start3A_707] : memref<800x16xf32, #tpu.memory_space<vmem>> -> memref<80x16xf32, #tpu.memory_space<vmem>>
          %dma_start3A_709 = arith.constant 640 : i32
          %dma_start3A_710 = tpu.memref_slice %arg10[%dma_start3A_709] : memref<800xi32, #tpu.memory_space<vmem>> -> memref<80xi32, #tpu.memory_space<vmem>>
          %dma_start3A_711 = arith.constant 0 : i32
          %dma_start3A_712 = arith.constant 0 : i32
          %dma_start3A_713 = tpu.memref_slice %arg2[%dma_start3A_711, %dma_start3A_712] : memref<100000x16xf32, #tpu.memory_space<hbm>> -> memref<100000x16xf32, #tpu.memory_space<hbm>>
          tpu.enqueue_indirect_dma source(%dma_start3A_713 : memref<100000x16xf32, #tpu.memory_space<hbm>>) target(%dma_start3A_708 : memref<80x16xf32, #tpu.memory_space<vmem>>) offsets(%dma_start3A_710 : memref<80xi32, #tpu.memory_space<vmem>>) semaphore(%arg24 : memref<!tpu.dma_semaphore, #tpu.memory_space<semaphore_mem>>)
          %dma_start3A_714 = arith.constant 720 : i32
          %dma_start3A_715 = arith.constant 0 : i32
          %dma_start3A_716 = tpu.memref_slice %arg14[%dma_start3A_714, %dma_start3A_715] : memref<800x16xf32, #tpu.memory_space<vmem>> -> memref<80x16xf32, #tpu.memory_space<vmem>>
          %dma_start3A_717 = arith.constant 720 : i32
          %dma_start3A_718 = tpu.memref_slice %arg6[%dma_start3A_717] : memref<800xi32, #tpu.memory_space<vmem>> -> memref<80xi32, #tpu.memory_space<vmem>>
          %dma_start3A_719 = arith.constant 0 : i32
          %dma_start3A_720 = arith.constant 0 : i32
          %dma_start3A_721 = tpu.memref_slice %arg2[%dma_start3A_719, %dma_start3A_720] : memref<100000x16xf32, #tpu.memory_space<hbm>> -> memref<100000x16xf32, #tpu.memory_space<hbm>>
          tpu.enqueue_indirect_dma source(%dma_start3A_721 : memref<100000x16xf32, #tpu.memory_space<hbm>>) target(%dma_start3A_716 : memref<80x16xf32, #tpu.memory_space<vmem>>) offsets(%dma_start3A_718 : memref<80xi32, #tpu.memory_space<vmem>>) semaphore(%arg24 : memref<!tpu.dma_semaphore, #tpu.memory_space<semaphore_mem>>)
          %dma_start3A_722 = arith.constant 720 : i32
          %dma_start3A_723 = arith.constant 0 : i32
          %dma_start3A_724 = tpu.memref_slice %arg16[%dma_start3A_722, %dma_start3A_723] : memref<800x16xf32, #tpu.memory_space<vmem>> -> memref<80x16xf32, #tpu.memory_space<vmem>>
          %dma_start3A_725 = arith.constant 720 : i32
          %dma_start3A_726 = tpu.memref_slice %arg10[%dma_start3A_725] : memref<800xi32, #tpu.memory_space<vmem>> -> memref<80xi32, #tpu.memory_space<vmem>>
          %dma_start3A_727 = arith.constant 0 : i32
          %dma_start3A_728 = arith.constant 0 : i32
          %dma_start3A_729 = tpu.memref_slice %arg2[%dma_start3A_727, %dma_start3A_728] : memref<100000x16xf32, #tpu.memory_space<hbm>> -> memref<100000x16xf32, #tpu.memory_space<hbm>>
          tpu.enqueue_indirect_dma source(%dma_start3A_729 : memref<100000x16xf32, #tpu.memory_space<hbm>>) target(%dma_start3A_724 : memref<80x16xf32, #tpu.memory_space<vmem>>) offsets(%dma_start3A_726 : memref<80xi32, #tpu.memory_space<vmem>>) semaphore(%arg24 : memref<!tpu.dma_semaphore, #tpu.memory_space<semaphore_mem>>)
        } else {
        }
        %add3A_333 = arith.constant 3 : i32
        %add3A_334 = arith.addi %add3A_320, %add3A_333 : i32
        %lt3A_335 = arith.constant 125 : i32
        %lt3A_336 = arith.cmpi slt, %add3A_334, %lt3A_335 : i32
        %convert_element_type3A_337 = arith.extui %lt3A_336 : i1 to i32
        %cond3A_338 = arith.constant 0 : i32
        %cond3A_339 = arith.cmpi ne, %convert_element_type3A_337, %cond3A_338 : i32
        scf.if %cond3A_339 {
          %add3A_559 = arith.constant 3 : i32
          %add3A_560 = arith.addi %add3A_320, %add3A_559 : i32
          %mul3A_561 = arith.constant 32 : i32
          %mul3A_562 = arith.muli %add3A_560, %mul3A_561 : i32
          %add3A_563 = arith.addi %mul3A_562, %add3A : i32
          %mul3A_564 = arith.constant 800 : i32
          %mul3A_565 = arith.muli %add3A_563, %mul3A_564 : i32
          %dma_start3A_566 = tpu.memref_slice %arg3[%mul3A_565] : memref<3200000xi32, #tpu.memory_space<hbm>> -> memref<800xi32, #tpu.memory_space<hbm>>
          %dma_start3A_567 = tpu.memref_slice %arg3[%mul3A_565] : memref<3200000xi32, #tpu.memory_space<hbm>> -> memref<800xi32, #tpu.memory_space<hbm>>
          tpu.enqueue_dma source(%dma_start3A_567 : memref<800xi32, #tpu.memory_space<hbm>>) target(%arg8 : memref<800xi32, #tpu.memory_space<vmem>>) target_semaphore(%arg22 : memref<!tpu.dma_semaphore, #tpu.memory_space<semaphore_mem>>)
          %dma_start3A_568 = tpu.memref_slice %arg4[%mul3A_565] : memref<3200000xi32, #tpu.memory_space<hbm>> -> memref<800xi32, #tpu.memory_space<hbm>>
          %dma_start3A_569 = tpu.memref_slice %arg4[%mul3A_565] : memref<3200000xi32, #tpu.memory_space<hbm>> -> memref<800xi32, #tpu.memory_space<hbm>>
          tpu.enqueue_dma source(%dma_start3A_569 : memref<800xi32, #tpu.memory_space<hbm>>) target(%arg12 : memref<800xi32, #tpu.memory_space<vmem>>) target_semaphore(%arg22 : memref<!tpu.dma_semaphore, #tpu.memory_space<semaphore_mem>>)
        } else {
        }
        %dma_wait3A_340 = arith.constant 0 : i32
        %dma_wait3A_341 = arith.constant 0 : i32
        %dma_wait3A_342 = tpu.memref_slice %arg15[%dma_wait3A_340, %dma_wait3A_341] : memref<800x16xf32, #tpu.memory_space<vmem>> -> memref<80x16xf32, #tpu.memory_space<vmem>>
        %dma_wait3A_343 = arith.constant 0 : i32
        %dma_wait3A_344 = tpu.memref_slice %arg9[%dma_wait3A_343] : memref<800xi32, #tpu.memory_space<vmem>> -> memref<80xi32, #tpu.memory_space<vmem>>
        %dma_wait3A_345 = arith.constant 0 : i32
        %dma_wait3A_346 = arith.constant 0 : i32
        %dma_wait3A_347 = tpu.memref_slice %arg2[%dma_wait3A_345, %dma_wait3A_346] : memref<100000x16xf32, #tpu.memory_space<hbm>> -> memref<100000x16xf32, #tpu.memory_space<hbm>>
        tpu.wait_indirect_dma semaphore(%arg25 : memref<!tpu.dma_semaphore, #tpu.memory_space<semaphore_mem>>) src(%dma_wait3A_347 : memref<100000x16xf32, #tpu.memory_space<hbm>>) dst(%dma_wait3A_342 : memref<80x16xf32, #tpu.memory_space<vmem>>)
        %dma_wait3A_348 = arith.constant 0 : i32
        %dma_wait3A_349 = arith.constant 0 : i32
        %dma_wait3A_350 = tpu.memref_slice %arg17[%dma_wait3A_348, %dma_wait3A_349] : memref<800x16xf32, #tpu.memory_space<vmem>> -> memref<80x16xf32, #tpu.memory_space<vmem>>
        %dma_wait3A_351 = arith.constant 0 : i32
        %dma_wait3A_352 = tpu.memref_slice %arg13[%dma_wait3A_351] : memref<800xi32, #tpu.memory_space<vmem>> -> memref<80xi32, #tpu.memory_space<vmem>>
        %dma_wait3A_353 = arith.constant 0 : i32
        %dma_wait3A_354 = arith.constant 0 : i32
        %dma_wait3A_355 = tpu.memref_slice %arg2[%dma_wait3A_353, %dma_wait3A_354] : memref<100000x16xf32, #tpu.memory_space<hbm>> -> memref<100000x16xf32, #tpu.memory_space<hbm>>
        tpu.wait_indirect_dma semaphore(%arg25 : memref<!tpu.dma_semaphore, #tpu.memory_space<semaphore_mem>>) src(%dma_wait3A_355 : memref<100000x16xf32, #tpu.memory_space<hbm>>) dst(%dma_wait3A_350 : memref<80x16xf32, #tpu.memory_space<vmem>>)
        %dma_wait3A_356 = arith.constant 80 : i32
        %dma_wait3A_357 = arith.constant 0 : i32
        %dma_wait3A_358 = tpu.memref_slice %arg15[%dma_wait3A_356, %dma_wait3A_357] : memref<800x16xf32, #tpu.memory_space<vmem>> -> memref<80x16xf32, #tpu.memory_space<vmem>>
        %dma_wait3A_359 = arith.constant 80 : i32
        %dma_wait3A_360 = tpu.memref_slice %arg9[%dma_wait3A_359] : memref<800xi32, #tpu.memory_space<vmem>> -> memref<80xi32, #tpu.memory_space<vmem>>
        %dma_wait3A_361 = arith.constant 0 : i32
        %dma_wait3A_362 = arith.constant 0 : i32
        %dma_wait3A_363 = tpu.memref_slice %arg2[%dma_wait3A_361, %dma_wait3A_362] : memref<100000x16xf32, #tpu.memory_space<hbm>> -> memref<100000x16xf32, #tpu.memory_space<hbm>>
        tpu.wait_indirect_dma semaphore(%arg25 : memref<!tpu.dma_semaphore, #tpu.memory_space<semaphore_mem>>) src(%dma_wait3A_363 : memref<100000x16xf32, #tpu.memory_space<hbm>>) dst(%dma_wait3A_358 : memref<80x16xf32, #tpu.memory_space<vmem>>)
        %dma_wait3A_364 = arith.constant 80 : i32
        %dma_wait3A_365 = arith.constant 0 : i32
        %dma_wait3A_366 = tpu.memref_slice %arg17[%dma_wait3A_364, %dma_wait3A_365] : memref<800x16xf32, #tpu.memory_space<vmem>> -> memref<80x16xf32, #tpu.memory_space<vmem>>
        %dma_wait3A_367 = arith.constant 80 : i32
        %dma_wait3A_368 = tpu.memref_slice %arg13[%dma_wait3A_367] : memref<800xi32, #tpu.memory_space<vmem>> -> memref<80xi32, #tpu.memory_space<vmem>>
        %dma_wait3A_369 = arith.constant 0 : i32
        %dma_wait3A_370 = arith.constant 0 : i32
        %dma_wait3A_371 = tpu.memref_slice %arg2[%dma_wait3A_369, %dma_wait3A_370] : memref<100000x16xf32, #tpu.memory_space<hbm>> -> memref<100000x16xf32, #tpu.memory_space<hbm>>
        tpu.wait_indirect_dma semaphore(%arg25 : memref<!tpu.dma_semaphore, #tpu.memory_space<semaphore_mem>>) src(%dma_wait3A_371 : memref<100000x16xf32, #tpu.memory_space<hbm>>) dst(%dma_wait3A_366 : memref<80x16xf32, #tpu.memory_space<vmem>>)
        %dma_wait3A_372 = arith.constant 160 : i32
        %dma_wait3A_373 = arith.constant 0 : i32
        %dma_wait3A_374 = tpu.memref_slice %arg15[%dma_wait3A_372, %dma_wait3A_373] : memref<800x16xf32, #tpu.memory_space<vmem>> -> memref<80x16xf32, #tpu.memory_space<vmem>>
        %dma_wait3A_375 = arith.constant 160 : i32
        %dma_wait3A_376 = tpu.memref_slice %arg9[%dma_wait3A_375] : memref<800xi32, #tpu.memory_space<vmem>> -> memref<80xi32, #tpu.memory_space<vmem>>
        %dma_wait3A_377 = arith.constant 0 : i32
        %dma_wait3A_378 = arith.constant 0 : i32
        %dma_wait3A_379 = tpu.memref_slice %arg2[%dma_wait3A_377, %dma_wait3A_378] : memref<100000x16xf32, #tpu.memory_space<hbm>> -> memref<100000x16xf32, #tpu.memory_space<hbm>>
        tpu.wait_indirect_dma semaphore(%arg25 : memref<!tpu.dma_semaphore, #tpu.memory_space<semaphore_mem>>) src(%dma_wait3A_379 : memref<100000x16xf32, #tpu.memory_space<hbm>>) dst(%dma_wait3A_374 : memref<80x16xf32, #tpu.memory_space<vmem>>)
        %dma_wait3A_380 = arith.constant 160 : i32
        %dma_wait3A_381 = arith.constant 0 : i32
        %dma_wait3A_382 = tpu.memref_slice %arg17[%dma_wait3A_380, %dma_wait3A_381] : memref<800x16xf32, #tpu.memory_space<vmem>> -> memref<80x16xf32, #tpu.memory_space<vmem>>
        %dma_wait3A_383 = arith.constant 160 : i32
        %dma_wait3A_384 = tpu.memref_slice %arg13[%dma_wait3A_383] : memref<800xi32, #tpu.memory_space<vmem>> -> memref<80xi32, #tpu.memory_space<vmem>>
        %dma_wait3A_385 = arith.constant 0 : i32
        %dma_wait3A_386 = arith.constant 0 : i32
        %dma_wait3A_387 = tpu.memref_slice %arg2[%dma_wait3A_385, %dma_wait3A_386] : memref<100000x16xf32, #tpu.memory_space<hbm>> -> memref<100000x16xf32, #tpu.memory_space<hbm>>
        tpu.wait_indirect_dma semaphore(%arg25 : memref<!tpu.dma_semaphore, #tpu.memory_space<semaphore_mem>>) src(%dma_wait3A_387 : memref<100000x16xf32, #tpu.memory_space<hbm>>) dst(%dma_wait3A_382 : memref<80x16xf32, #tpu.memory_space<vmem>>)
        %dma_wait3A_388 = arith.constant 240 : i32
        %dma_wait3A_389 = arith.constant 0 : i32
        %dma_wait3A_390 = tpu.memref_slice %arg15[%dma_wait3A_388, %dma_wait3A_389] : memref<800x16xf32, #tpu.memory_space<vmem>> -> memref<80x16xf32, #tpu.memory_space<vmem>>
        %dma_wait3A_391 = arith.constant 240 : i32
        %dma_wait3A_392 = tpu.memref_slice %arg9[%dma_wait3A_391] : memref<800xi32, #tpu.memory_space<vmem>> -> memref<80xi32, #tpu.memory_space<vmem>>
        %dma_wait3A_393 = arith.constant 0 : i32
        %dma_wait3A_394 = arith.constant 0 : i32
        %dma_wait3A_395 = tpu.memref_slice %arg2[%dma_wait3A_393, %dma_wait3A_394] : memref<100000x16xf32, #tpu.memory_space<hbm>> -> memref<100000x16xf32, #tpu.memory_space<hbm>>
        tpu.wait_indirect_dma semaphore(%arg25 : memref<!tpu.dma_semaphore, #tpu.memory_space<semaphore_mem>>) src(%dma_wait3A_395 : memref<100000x16xf32, #tpu.memory_space<hbm>>) dst(%dma_wait3A_390 : memref<80x16xf32, #tpu.memory_space<vmem>>)
        %dma_wait3A_396 = arith.constant 240 : i32
        %dma_wait3A_397 = arith.constant 0 : i32
        %dma_wait3A_398 = tpu.memref_slice %arg17[%dma_wait3A_396, %dma_wait3A_397] : memref<800x16xf32, #tpu.memory_space<vmem>> -> memref<80x16xf32, #tpu.memory_space<vmem>>
        %dma_wait3A_399 = arith.constant 240 : i32
        %dma_wait3A_400 = tpu.memref_slice %arg13[%dma_wait3A_399] : memref<800xi32, #tpu.memory_space<vmem>> -> memref<80xi32, #tpu.memory_space<vmem>>
        %dma_wait3A_401 = arith.constant 0 : i32
        %dma_wait3A_402 = arith.constant 0 : i32
        %dma_wait3A_403 = tpu.memref_slice %arg2[%dma_wait3A_401, %dma_wait3A_402] : memref<100000x16xf32, #tpu.memory_space<hbm>> -> memref<100000x16xf32, #tpu.memory_space<hbm>>
        tpu.wait_indirect_dma semaphore(%arg25 : memref<!tpu.dma_semaphore, #tpu.memory_space<semaphore_mem>>) src(%dma_wait3A_403 : memref<100000x16xf32, #tpu.memory_space<hbm>>) dst(%dma_wait3A_398 : memref<80x16xf32, #tpu.memory_space<vmem>>)
        %dma_wait3A_404 = arith.constant 320 : i32
        %dma_wait3A_405 = arith.constant 0 : i32
        %dma_wait3A_406 = tpu.memref_slice %arg15[%dma_wait3A_404, %dma_wait3A_405] : memref<800x16xf32, #tpu.memory_space<vmem>> -> memref<80x16xf32, #tpu.memory_space<vmem>>
        %dma_wait3A_407 = arith.constant 320 : i32
        %dma_wait3A_408 = tpu.memref_slice %arg9[%dma_wait3A_407] : memref<800xi32, #tpu.memory_space<vmem>> -> memref<80xi32, #tpu.memory_space<vmem>>
        %dma_wait3A_409 = arith.constant 0 : i32
        %dma_wait3A_410 = arith.constant 0 : i32
        %dma_wait3A_411 = tpu.memref_slice %arg2[%dma_wait3A_409, %dma_wait3A_410] : memref<100000x16xf32, #tpu.memory_space<hbm>> -> memref<100000x16xf32, #tpu.memory_space<hbm>>
        tpu.wait_indirect_dma semaphore(%arg25 : memref<!tpu.dma_semaphore, #tpu.memory_space<semaphore_mem>>) src(%dma_wait3A_411 : memref<100000x16xf32, #tpu.memory_space<hbm>>) dst(%dma_wait3A_406 : memref<80x16xf32, #tpu.memory_space<vmem>>)
        %dma_wait3A_412 = arith.constant 320 : i32
        %dma_wait3A_413 = arith.constant 0 : i32
        %dma_wait3A_414 = tpu.memref_slice %arg17[%dma_wait3A_412, %dma_wait3A_413] : memref<800x16xf32, #tpu.memory_space<vmem>> -> memref<80x16xf32, #tpu.memory_space<vmem>>
        %dma_wait3A_415 = arith.constant 320 : i32
        %dma_wait3A_416 = tpu.memref_slice %arg13[%dma_wait3A_415] : memref<800xi32, #tpu.memory_space<vmem>> -> memref<80xi32, #tpu.memory_space<vmem>>
        %dma_wait3A_417 = arith.constant 0 : i32
        %dma_wait3A_418 = arith.constant 0 : i32
        %dma_wait3A_419 = tpu.memref_slice %arg2[%dma_wait3A_417, %dma_wait3A_418] : memref<100000x16xf32, #tpu.memory_space<hbm>> -> memref<100000x16xf32, #tpu.memory_space<hbm>>
        tpu.wait_indirect_dma semaphore(%arg25 : memref<!tpu.dma_semaphore, #tpu.memory_space<semaphore_mem>>) src(%dma_wait3A_419 : memref<100000x16xf32, #tpu.memory_space<hbm>>) dst(%dma_wait3A_414 : memref<80x16xf32, #tpu.memory_space<vmem>>)
        %dma_wait3A_420 = arith.constant 400 : i32
        %dma_wait3A_421 = arith.constant 0 : i32
        %dma_wait3A_422 = tpu.memref_slice %arg15[%dma_wait3A_420, %dma_wait3A_421] : memref<800x16xf32, #tpu.memory_space<vmem>> -> memref<80x16xf32, #tpu.memory_space<vmem>>
        %dma_wait3A_423 = arith.constant 400 : i32
        %dma_wait3A_424 = tpu.memref_slice %arg9[%dma_wait3A_423] : memref<800xi32, #tpu.memory_space<vmem>> -> memref<80xi32, #tpu.memory_space<vmem>>
        %dma_wait3A_425 = arith.constant 0 : i32
        %dma_wait3A_426 = arith.constant 0 : i32
        %dma_wait3A_427 = tpu.memref_slice %arg2[%dma_wait3A_425, %dma_wait3A_426] : memref<100000x16xf32, #tpu.memory_space<hbm>> -> memref<100000x16xf32, #tpu.memory_space<hbm>>
        tpu.wait_indirect_dma semaphore(%arg25 : memref<!tpu.dma_semaphore, #tpu.memory_space<semaphore_mem>>) src(%dma_wait3A_427 : memref<100000x16xf32, #tpu.memory_space<hbm>>) dst(%dma_wait3A_422 : memref<80x16xf32, #tpu.memory_space<vmem>>)
        %dma_wait3A_428 = arith.constant 400 : i32
        %dma_wait3A_429 = arith.constant 0 : i32
        %dma_wait3A_430 = tpu.memref_slice %arg17[%dma_wait3A_428, %dma_wait3A_429] : memref<800x16xf32, #tpu.memory_space<vmem>> -> memref<80x16xf32, #tpu.memory_space<vmem>>
        %dma_wait3A_431 = arith.constant 400 : i32
        %dma_wait3A_432 = tpu.memref_slice %arg13[%dma_wait3A_431] : memref<800xi32, #tpu.memory_space<vmem>> -> memref<80xi32, #tpu.memory_space<vmem>>
        %dma_wait3A_433 = arith.constant 0 : i32
        %dma_wait3A_434 = arith.constant 0 : i32
        %dma_wait3A_435 = tpu.memref_slice %arg2[%dma_wait3A_433, %dma_wait3A_434] : memref<100000x16xf32, #tpu.memory_space<hbm>> -> memref<100000x16xf32, #tpu.memory_space<hbm>>
        tpu.wait_indirect_dma semaphore(%arg25 : memref<!tpu.dma_semaphore, #tpu.memory_space<semaphore_mem>>) src(%dma_wait3A_435 : memref<100000x16xf32, #tpu.memory_space<hbm>>) dst(%dma_wait3A_430 : memref<80x16xf32, #tpu.memory_space<vmem>>)
        %dma_wait3A_436 = arith.constant 480 : i32
        %dma_wait3A_437 = arith.constant 0 : i32
        %dma_wait3A_438 = tpu.memref_slice %arg15[%dma_wait3A_436, %dma_wait3A_437] : memref<800x16xf32, #tpu.memory_space<vmem>> -> memref<80x16xf32, #tpu.memory_space<vmem>>
        %dma_wait3A_439 = arith.constant 480 : i32
        %dma_wait3A_440 = tpu.memref_slice %arg9[%dma_wait3A_439] : memref<800xi32, #tpu.memory_space<vmem>> -> memref<80xi32, #tpu.memory_space<vmem>>
        %dma_wait3A_441 = arith.constant 0 : i32
        %dma_wait3A_442 = arith.constant 0 : i32
        %dma_wait3A_443 = tpu.memref_slice %arg2[%dma_wait3A_441, %dma_wait3A_442] : memref<100000x16xf32, #tpu.memory_space<hbm>> -> memref<100000x16xf32, #tpu.memory_space<hbm>>
        tpu.wait_indirect_dma semaphore(%arg25 : memref<!tpu.dma_semaphore, #tpu.memory_space<semaphore_mem>>) src(%dma_wait3A_443 : memref<100000x16xf32, #tpu.memory_space<hbm>>) dst(%dma_wait3A_438 : memref<80x16xf32, #tpu.memory_space<vmem>>)
        %dma_wait3A_444 = arith.constant 480 : i32
        %dma_wait3A_445 = arith.constant 0 : i32
        %dma_wait3A_446 = tpu.memref_slice %arg17[%dma_wait3A_444, %dma_wait3A_445] : memref<800x16xf32, #tpu.memory_space<vmem>> -> memref<80x16xf32, #tpu.memory_space<vmem>>
        %dma_wait3A_447 = arith.constant 480 : i32
        %dma_wait3A_448 = tpu.memref_slice %arg13[%dma_wait3A_447] : memref<800xi32, #tpu.memory_space<vmem>> -> memref<80xi32, #tpu.memory_space<vmem>>
        %dma_wait3A_449 = arith.constant 0 : i32
        %dma_wait3A_450 = arith.constant 0 : i32
        %dma_wait3A_451 = tpu.memref_slice %arg2[%dma_wait3A_449, %dma_wait3A_450] : memref<100000x16xf32, #tpu.memory_space<hbm>> -> memref<100000x16xf32, #tpu.memory_space<hbm>>
        tpu.wait_indirect_dma semaphore(%arg25 : memref<!tpu.dma_semaphore, #tpu.memory_space<semaphore_mem>>) src(%dma_wait3A_451 : memref<100000x16xf32, #tpu.memory_space<hbm>>) dst(%dma_wait3A_446 : memref<80x16xf32, #tpu.memory_space<vmem>>)
        %dma_wait3A_452 = arith.constant 560 : i32
        %dma_wait3A_453 = arith.constant 0 : i32
        %dma_wait3A_454 = tpu.memref_slice %arg15[%dma_wait3A_452, %dma_wait3A_453] : memref<800x16xf32, #tpu.memory_space<vmem>> -> memref<80x16xf32, #tpu.memory_space<vmem>>
        %dma_wait3A_455 = arith.constant 560 : i32
        %dma_wait3A_456 = tpu.memref_slice %arg9[%dma_wait3A_455] : memref<800xi32, #tpu.memory_space<vmem>> -> memref<80xi32, #tpu.memory_space<vmem>>
        %dma_wait3A_457 = arith.constant 0 : i32
        %dma_wait3A_458 = arith.constant 0 : i32
        %dma_wait3A_459 = tpu.memref_slice %arg2[%dma_wait3A_457, %dma_wait3A_458] : memref<100000x16xf32, #tpu.memory_space<hbm>> -> memref<100000x16xf32, #tpu.memory_space<hbm>>
        tpu.wait_indirect_dma semaphore(%arg25 : memref<!tpu.dma_semaphore, #tpu.memory_space<semaphore_mem>>) src(%dma_wait3A_459 : memref<100000x16xf32, #tpu.memory_space<hbm>>) dst(%dma_wait3A_454 : memref<80x16xf32, #tpu.memory_space<vmem>>)
        %dma_wait3A_460 = arith.constant 560 : i32
        %dma_wait3A_461 = arith.constant 0 : i32
        %dma_wait3A_462 = tpu.memref_slice %arg17[%dma_wait3A_460, %dma_wait3A_461] : memref<800x16xf32, #tpu.memory_space<vmem>> -> memref<80x16xf32, #tpu.memory_space<vmem>>
        %dma_wait3A_463 = arith.constant 560 : i32
        %dma_wait3A_464 = tpu.memref_slice %arg13[%dma_wait3A_463] : memref<800xi32, #tpu.memory_space<vmem>> -> memref<80xi32, #tpu.memory_space<vmem>>
        %dma_wait3A_465 = arith.constant 0 : i32
        %dma_wait3A_466 = arith.constant 0 : i32
        %dma_wait3A_467 = tpu.memref_slice %arg2[%dma_wait3A_465, %dma_wait3A_466] : memref<100000x16xf32, #tpu.memory_space<hbm>> -> memref<100000x16xf32, #tpu.memory_space<hbm>>
        tpu.wait_indirect_dma semaphore(%arg25 : memref<!tpu.dma_semaphore, #tpu.memory_space<semaphore_mem>>) src(%dma_wait3A_467 : memref<100000x16xf32, #tpu.memory_space<hbm>>) dst(%dma_wait3A_462 : memref<80x16xf32, #tpu.memory_space<vmem>>)
        %dma_wait3A_468 = arith.constant 640 : i32
        %dma_wait3A_469 = arith.constant 0 : i32
        %dma_wait3A_470 = tpu.memref_slice %arg15[%dma_wait3A_468, %dma_wait3A_469] : memref<800x16xf32, #tpu.memory_space<vmem>> -> memref<80x16xf32, #tpu.memory_space<vmem>>
        %dma_wait3A_471 = arith.constant 640 : i32
        %dma_wait3A_472 = tpu.memref_slice %arg9[%dma_wait3A_471] : memref<800xi32, #tpu.memory_space<vmem>> -> memref<80xi32, #tpu.memory_space<vmem>>
        %dma_wait3A_473 = arith.constant 0 : i32
        %dma_wait3A_474 = arith.constant 0 : i32
        %dma_wait3A_475 = tpu.memref_slice %arg2[%dma_wait3A_473, %dma_wait3A_474] : memref<100000x16xf32, #tpu.memory_space<hbm>> -> memref<100000x16xf32, #tpu.memory_space<hbm>>
        tpu.wait_indirect_dma semaphore(%arg25 : memref<!tpu.dma_semaphore, #tpu.memory_space<semaphore_mem>>) src(%dma_wait3A_475 : memref<100000x16xf32, #tpu.memory_space<hbm>>) dst(%dma_wait3A_470 : memref<80x16xf32, #tpu.memory_space<vmem>>)
        %dma_wait3A_476 = arith.constant 640 : i32
        %dma_wait3A_477 = arith.constant 0 : i32
        %dma_wait3A_478 = tpu.memref_slice %arg17[%dma_wait3A_476, %dma_wait3A_477] : memref<800x16xf32, #tpu.memory_space<vmem>> -> memref<80x16xf32, #tpu.memory_space<vmem>>
        %dma_wait3A_479 = arith.constant 640 : i32
        %dma_wait3A_480 = tpu.memref_slice %arg13[%dma_wait3A_479] : memref<800xi32, #tpu.memory_space<vmem>> -> memref<80xi32, #tpu.memory_space<vmem>>
        %dma_wait3A_481 = arith.constant 0 : i32
        %dma_wait3A_482 = arith.constant 0 : i32
        %dma_wait3A_483 = tpu.memref_slice %arg2[%dma_wait3A_481, %dma_wait3A_482] : memref<100000x16xf32, #tpu.memory_space<hbm>> -> memref<100000x16xf32, #tpu.memory_space<hbm>>
        tpu.wait_indirect_dma semaphore(%arg25 : memref<!tpu.dma_semaphore, #tpu.memory_space<semaphore_mem>>) src(%dma_wait3A_483 : memref<100000x16xf32, #tpu.memory_space<hbm>>) dst(%dma_wait3A_478 : memref<80x16xf32, #tpu.memory_space<vmem>>)
        %dma_wait3A_484 = arith.constant 720 : i32
        %dma_wait3A_485 = arith.constant 0 : i32
        %dma_wait3A_486 = tpu.memref_slice %arg15[%dma_wait3A_484, %dma_wait3A_485] : memref<800x16xf32, #tpu.memory_space<vmem>> -> memref<80x16xf32, #tpu.memory_space<vmem>>
        %dma_wait3A_487 = arith.constant 720 : i32
        %dma_wait3A_488 = tpu.memref_slice %arg9[%dma_wait3A_487] : memref<800xi32, #tpu.memory_space<vmem>> -> memref<80xi32, #tpu.memory_space<vmem>>
        %dma_wait3A_489 = arith.constant 0 : i32
        %dma_wait3A_490 = arith.constant 0 : i32
        %dma_wait3A_491 = tpu.memref_slice %arg2[%dma_wait3A_489, %dma_wait3A_490] : memref<100000x16xf32, #tpu.memory_space<hbm>> -> memref<100000x16xf32, #tpu.memory_space<hbm>>
        tpu.wait_indirect_dma semaphore(%arg25 : memref<!tpu.dma_semaphore, #tpu.memory_space<semaphore_mem>>) src(%dma_wait3A_491 : memref<100000x16xf32, #tpu.memory_space<hbm>>) dst(%dma_wait3A_486 : memref<80x16xf32, #tpu.memory_space<vmem>>)
        %dma_wait3A_492 = arith.constant 720 : i32
        %dma_wait3A_493 = arith.constant 0 : i32
        %dma_wait3A_494 = tpu.memref_slice %arg17[%dma_wait3A_492, %dma_wait3A_493] : memref<800x16xf32, #tpu.memory_space<vmem>> -> memref<80x16xf32, #tpu.memory_space<vmem>>
        %dma_wait3A_495 = arith.constant 720 : i32
        %dma_wait3A_496 = tpu.memref_slice %arg13[%dma_wait3A_495] : memref<800xi32, #tpu.memory_space<vmem>> -> memref<80xi32, #tpu.memory_space<vmem>>
        %dma_wait3A_497 = arith.constant 0 : i32
        %dma_wait3A_498 = arith.constant 0 : i32
        %dma_wait3A_499 = tpu.memref_slice %arg2[%dma_wait3A_497, %dma_wait3A_498] : memref<100000x16xf32, #tpu.memory_space<hbm>> -> memref<100000x16xf32, #tpu.memory_space<hbm>>
        tpu.wait_indirect_dma semaphore(%arg25 : memref<!tpu.dma_semaphore, #tpu.memory_space<semaphore_mem>>) src(%dma_wait3A_499 : memref<100000x16xf32, #tpu.memory_space<hbm>>) dst(%dma_wait3A_494 : memref<80x16xf32, #tpu.memory_space<vmem>>)
        %ge3A = arith.constant 2 : i32
        %ge3A_500 = arith.cmpi sge, %add3A_320, %ge3A : i32
        %convert_element_type3A_501 = arith.extui %ge3A_500 : i1 to i32
        %cond3A_502 = arith.constant 0 : i32
        %cond3A_503 = arith.cmpi ne, %convert_element_type3A_501, %cond3A_502 : i32
        scf.if %cond3A_503 {
          %sub3A = arith.constant 2 : i32
          %sub3A_559 = arith.subi %add3A_320, %sub3A : i32
          %mul3A_560 = arith.constant 32 : i32
          %mul3A_561 = arith.muli %sub3A_559, %mul3A_560 : i32
          %add3A_562 = arith.addi %mul3A_561, %add3A : i32
          %mul3A_563 = arith.constant 800 : i32
          %mul3A_564 = arith.muli %add3A_562, %mul3A_563 : i32
          %add3A_565 = arith.constant 0 : i32
          %add3A_566 = arith.addi %add3A_565, %mul3A_564 : i32
          %add3A_567 = arith.constant 3200000 : i32
          %add3A_568 = arith.addi %add3A_567, %mul3A_564 : i32
          %add3A_569 = arith.constant 6400000 : i32
          %add3A_570 = arith.addi %add3A_569, %mul3A_564 : i32
          %add3A_571 = arith.constant 9600000 : i32
          %add3A_572 = arith.addi %add3A_571, %mul3A_564 : i32
          %dma_wait3A_573 = arith.constant 0 : i32
          %dma_wait3A_574 = arith.constant 0 : i32
          %dma_wait3A_575 = tpu.memref_slice %arg19[%dma_wait3A_573, %dma_wait3A_574] : memref<4x800xf32, #tpu.memory_space<vmem>> -> memref<1x800xf32, #tpu.memory_space<vmem>>
          %dma_wait3A_576 = tpu.memref_squeeze %dma_wait3A_575 : memref<1x800xf32, #tpu.memory_space<vmem>> -> memref<800xf32, #tpu.memory_space<vmem>>
          %dma_wait3A_577 = tpu.memref_slice %arg5[%add3A_566] : memref<12800000xf32, #tpu.memory_space<hbm>> -> memref<800xf32, #tpu.memory_space<hbm>>
          %dma_wait3A_578 = tpu.memref_slice %arg5[%add3A_566] : memref<12800000xf32, #tpu.memory_space<hbm>> -> memref<800xf32, #tpu.memory_space<hbm>>
          %dma_wait3A_579 = arith.constant 0 : i32
          %dma_wait3A_580 = tpu.memref_slice %arg19[%dma_wait3A_573, %dma_wait3A_579] : memref<4x800xf32, #tpu.memory_space<vmem>> -> memref<1x800xf32, #tpu.memory_space<vmem>>
          %dma_wait3A_581 = tpu.memref_squeeze %dma_wait3A_580 : memref<1x800xf32, #tpu.memory_space<vmem>> -> memref<800xf32, #tpu.memory_space<vmem>>
          tpu.wait_dma2 semaphore(%arg27 : memref<!tpu.dma_semaphore, #tpu.memory_space<semaphore_mem>>) src(%dma_wait3A_581 : memref<800xf32, #tpu.memory_space<vmem>>) dst(%dma_wait3A_578 : memref<800xf32, #tpu.memory_space<hbm>>)
          %dma_wait3A_582 = arith.constant 1 : i32
          %dma_wait3A_583 = arith.constant 0 : i32
          %dma_wait3A_584 = tpu.memref_slice %arg19[%dma_wait3A_582, %dma_wait3A_583] : memref<4x800xf32, #tpu.memory_space<vmem>> -> memref<1x800xf32, #tpu.memory_space<vmem>>
          %dma_wait3A_585 = tpu.memref_squeeze %dma_wait3A_584 : memref<1x800xf32, #tpu.memory_space<vmem>> -> memref<800xf32, #tpu.memory_space<vmem>>
          %dma_wait3A_586 = tpu.memref_slice %arg5[%add3A_568] : memref<12800000xf32, #tpu.memory_space<hbm>> -> memref<800xf32, #tpu.memory_space<hbm>>
          %dma_wait3A_587 = tpu.memref_slice %arg5[%add3A_568] : memref<12800000xf32, #tpu.memory_space<hbm>> -> memref<800xf32, #tpu.memory_space<hbm>>
          %dma_wait3A_588 = arith.constant 0 : i32
          %dma_wait3A_589 = tpu.memref_slice %arg19[%dma_wait3A_582, %dma_wait3A_588] : memref<4x800xf32, #tpu.memory_space<vmem>> -> memref<1x800xf32, #tpu.memory_space<vmem>>
          %dma_wait3A_590 = tpu.memref_squeeze %dma_wait3A_589 : memref<1x800xf32, #tpu.memory_space<vmem>> -> memref<800xf32, #tpu.memory_space<vmem>>
          tpu.wait_dma2 semaphore(%arg27 : memref<!tpu.dma_semaphore, #tpu.memory_space<semaphore_mem>>) src(%dma_wait3A_590 : memref<800xf32, #tpu.memory_space<vmem>>) dst(%dma_wait3A_587 : memref<800xf32, #tpu.memory_space<hbm>>)
          %dma_wait3A_591 = arith.constant 2 : i32
          %dma_wait3A_592 = arith.constant 0 : i32
          %dma_wait3A_593 = tpu.memref_slice %arg19[%dma_wait3A_591, %dma_wait3A_592] : memref<4x800xf32, #tpu.memory_space<vmem>> -> memref<1x800xf32, #tpu.memory_space<vmem>>
          %dma_wait3A_594 = tpu.memref_squeeze %dma_wait3A_593 : memref<1x800xf32, #tpu.memory_space<vmem>> -> memref<800xf32, #tpu.memory_space<vmem>>
          %dma_wait3A_595 = tpu.memref_slice %arg5[%add3A_570] : memref<12800000xf32, #tpu.memory_space<hbm>> -> memref<800xf32, #tpu.memory_space<hbm>>
          %dma_wait3A_596 = tpu.memref_slice %arg5[%add3A_570] : memref<12800000xf32, #tpu.memory_space<hbm>> -> memref<800xf32, #tpu.memory_space<hbm>>
          %dma_wait3A_597 = arith.constant 0 : i32
          %dma_wait3A_598 = tpu.memref_slice %arg19[%dma_wait3A_591, %dma_wait3A_597] : memref<4x800xf32, #tpu.memory_space<vmem>> -> memref<1x800xf32, #tpu.memory_space<vmem>>
          %dma_wait3A_599 = tpu.memref_squeeze %dma_wait3A_598 : memref<1x800xf32, #tpu.memory_space<vmem>> -> memref<800xf32, #tpu.memory_space<vmem>>
          tpu.wait_dma2 semaphore(%arg27 : memref<!tpu.dma_semaphore, #tpu.memory_space<semaphore_mem>>) src(%dma_wait3A_599 : memref<800xf32, #tpu.memory_space<vmem>>) dst(%dma_wait3A_596 : memref<800xf32, #tpu.memory_space<hbm>>)
          %dma_wait3A_600 = arith.constant 3 : i32
          %dma_wait3A_601 = arith.constant 0 : i32
          %dma_wait3A_602 = tpu.memref_slice %arg19[%dma_wait3A_600, %dma_wait3A_601] : memref<4x800xf32, #tpu.memory_space<vmem>> -> memref<1x800xf32, #tpu.memory_space<vmem>>
          %dma_wait3A_603 = tpu.memref_squeeze %dma_wait3A_602 : memref<1x800xf32, #tpu.memory_space<vmem>> -> memref<800xf32, #tpu.memory_space<vmem>>
          %dma_wait3A_604 = tpu.memref_slice %arg5[%add3A_572] : memref<12800000xf32, #tpu.memory_space<hbm>> -> memref<800xf32, #tpu.memory_space<hbm>>
          %dma_wait3A_605 = tpu.memref_slice %arg5[%add3A_572] : memref<12800000xf32, #tpu.memory_space<hbm>> -> memref<800xf32, #tpu.memory_space<hbm>>
          %dma_wait3A_606 = arith.constant 0 : i32
          %dma_wait3A_607 = tpu.memref_slice %arg19[%dma_wait3A_600, %dma_wait3A_606] : memref<4x800xf32, #tpu.memory_space<vmem>> -> memref<1x800xf32, #tpu.memory_space<vmem>>
          %dma_wait3A_608 = tpu.memref_squeeze %dma_wait3A_607 : memref<1x800xf32, #tpu.memory_space<vmem>> -> memref<800xf32, #tpu.memory_space<vmem>>
          tpu.wait_dma2 semaphore(%arg27 : memref<!tpu.dma_semaphore, #tpu.memory_space<semaphore_mem>>) src(%dma_wait3A_608 : memref<800xf32, #tpu.memory_space<vmem>>) dst(%dma_wait3A_605 : memref<800xf32, #tpu.memory_space<hbm>>)
        } else {
        }
        %scan3A_504 = arith.constant 0 : i32
        %scan3A_505 = arith.constant 0 : i32
        %scan3A_506 = arith.constant 50 : i32
        %scan3A_507 = arith.addi %scan3A_505, %scan3A_506 : i32
        %scan3A_508 = arith.constant 1 : i32
        scf.for %scan3A_559 = %scan3A_505 to %scan3A_507 step %scan3A_508  : i32 {
          %mul3A_560 = arith.constant 16 : i32
          %mul3A_561 = arith.muli %scan3A_559, %mul3A_560 : i32
          %iota3A = tpu.iota {dimensions = array<i32: 0>} : vector<16xi32>
          %add3A_562 = vector.broadcast %mul3A_561 : i32 to vector<16xi32>
          %add3A_563 = arith.addi %add3A_562, %iota3A : vector<16xi32>
          %get3A = arith.index_cast %mul3A_561 : i32 to index
          %get3A_564 = tpu.vector_load %arg9[%get3A] {strides = array<i32>} : memref<800xi32, #tpu.memory_space<vmem>>, vector<16xi32>,
          %and3A = arith.constant 15 : i32
          %and3A_565 = vector.broadcast %and3A : i32 to vector<16xi32>
          %and3A_566 = arith.andi %get3A_564, %and3A_565 : vector<16xi32>
          %get3A_567 = arith.index_cast %mul3A_561 : i32 to index
          %get3A_568 = tpu.vector_load %arg13[%get3A_567] {strides = array<i32>} : memref<800xi32, #tpu.memory_space<vmem>>, vector<16xi32>,
          %and3A_569 = arith.constant 15 : i32
          %and3A_570 = vector.broadcast %and3A_569 : i32 to vector<16xi32>
          %and3A_571 = arith.andi %get3A_568, %and3A_570 : vector<16xi32>
          %add3A_572 = arith.constant 0 : i32
          %add3A_573 = vector.broadcast %add3A_572 : i32 to vector<16xi32>
          %add3A_574 = arith.addi %and3A_566, %add3A_573 : vector<16xi32>
          %and3A_575 = arith.constant 15 : i32
          %and3A_576 = vector.broadcast %and3A_575 : i32 to vector<16xi32>
          %and3A_577 = arith.andi %add3A_574, %and3A_576 : vector<16xi32>
          %gather3A = tpu.vector_load_idx %arg15[%add3A_563, %and3A_577] : memref<800x16xf32, #tpu.memory_space<vmem>>[vector<16xi32>, vector<16xi32>], vector<16xf32>,
          %add3A_578 = arith.constant 0 : i32
          %add3A_579 = vector.broadcast %add3A_578 : i32 to vector<16xi32>
          %add3A_580 = arith.addi %and3A_571, %add3A_579 : vector<16xi32>
          %and3A_581 = arith.constant 15 : i32
          %and3A_582 = vector.broadcast %and3A_581 : i32 to vector<16xi32>
          %and3A_583 = arith.andi %add3A_580, %and3A_582 : vector<16xi32>
          %gather3A_584 = tpu.vector_load_idx %arg17[%add3A_563, %and3A_583] : memref<800x16xf32, #tpu.memory_space<vmem>>[vector<16xi32>, vector<16xi32>], vector<16xf32>,
          %sub3A = arith.subf %gather3A, %gather3A_584 : vector<16xf32>
          %add3A_585 = arith.constant 1 : i32
          %add3A_586 = vector.broadcast %add3A_585 : i32 to vector<16xi32>
          %add3A_587 = arith.addi %and3A_566, %add3A_586 : vector<16xi32>
          %and3A_588 = arith.constant 15 : i32
          %and3A_589 = vector.broadcast %and3A_588 : i32 to vector<16xi32>
          %and3A_590 = arith.andi %add3A_587, %and3A_589 : vector<16xi32>
          %gather3A_591 = tpu.vector_load_idx %arg15[%add3A_563, %and3A_590] : memref<800x16xf32, #tpu.memory_space<vmem>>[vector<16xi32>, vector<16xi32>], vector<16xf32>,
          %add3A_592 = arith.constant 1 : i32
          %add3A_593 = vector.broadcast %add3A_592 : i32 to vector<16xi32>
          %add3A_594 = arith.addi %and3A_571, %add3A_593 : vector<16xi32>
          %and3A_595 = arith.constant 15 : i32
          %and3A_596 = vector.broadcast %and3A_595 : i32 to vector<16xi32>
          %and3A_597 = arith.andi %add3A_594, %and3A_596 : vector<16xi32>
          %gather3A_598 = tpu.vector_load_idx %arg17[%add3A_563, %and3A_597] : memref<800x16xf32, #tpu.memory_space<vmem>>[vector<16xi32>, vector<16xi32>], vector<16xf32>,
          %sub3A_599 = arith.subf %gather3A_591, %gather3A_598 : vector<16xf32>
          %add3A_600 = arith.constant 2 : i32
          %add3A_601 = vector.broadcast %add3A_600 : i32 to vector<16xi32>
          %add3A_602 = arith.addi %and3A_566, %add3A_601 : vector<16xi32>
          %and3A_603 = arith.constant 15 : i32
          %and3A_604 = vector.broadcast %and3A_603 : i32 to vector<16xi32>
          %and3A_605 = arith.andi %add3A_602, %and3A_604 : vector<16xi32>
          %gather3A_606 = tpu.vector_load_idx %arg15[%add3A_563, %and3A_605] : memref<800x16xf32, #tpu.memory_space<vmem>>[vector<16xi32>, vector<16xi32>], vector<16xf32>,
          %add3A_607 = arith.constant 2 : i32
          %add3A_608 = vector.broadcast %add3A_607 : i32 to vector<16xi32>
          %add3A_609 = arith.addi %and3A_571, %add3A_608 : vector<16xi32>
          %and3A_610 = arith.constant 15 : i32
          %and3A_611 = vector.broadcast %and3A_610 : i32 to vector<16xi32>
          %and3A_612 = arith.andi %add3A_609, %and3A_611 : vector<16xi32>
          %gather3A_613 = tpu.vector_load_idx %arg17[%add3A_563, %and3A_612] : memref<800x16xf32, #tpu.memory_space<vmem>>[vector<16xi32>, vector<16xi32>], vector<16xf32>,
          %sub3A_614 = arith.subf %gather3A_606, %gather3A_613 : vector<16xf32>
          %add3A_615 = arith.constant 3 : i32
          %add3A_616 = vector.broadcast %add3A_615 : i32 to vector<16xi32>
          %add3A_617 = arith.addi %and3A_566, %add3A_616 : vector<16xi32>
          %and3A_618 = arith.constant 15 : i32
          %and3A_619 = vector.broadcast %and3A_618 : i32 to vector<16xi32>
          %and3A_620 = arith.andi %add3A_617, %and3A_619 : vector<16xi32>
          %gather3A_621 = tpu.vector_load_idx %arg15[%add3A_563, %and3A_620] : memref<800x16xf32, #tpu.memory_space<vmem>>[vector<16xi32>, vector<16xi32>], vector<16xf32>,
          %add3A_622 = arith.constant 3 : i32
          %add3A_623 = vector.broadcast %add3A_622 : i32 to vector<16xi32>
          %add3A_624 = arith.addi %and3A_571, %add3A_623 : vector<16xi32>
          %and3A_625 = arith.constant 15 : i32
          %and3A_626 = vector.broadcast %and3A_625 : i32 to vector<16xi32>
          %and3A_627 = arith.andi %add3A_624, %and3A_626 : vector<16xi32>
          %gather3A_628 = tpu.vector_load_idx %arg17[%add3A_563, %and3A_627] : memref<800x16xf32, #tpu.memory_space<vmem>>[vector<16xi32>, vector<16xi32>], vector<16xf32>,
          %add3A_629 = arith.addf %gather3A_621, %gather3A_628 : vector<16xf32>
          %mul3A_630 = arith.mulf %add3A_629, %sub3A : vector<16xf32>
          %add3A_631 = arith.constant 4 : i32
          %add3A_632 = vector.broadcast %add3A_631 : i32 to vector<16xi32>
          %add3A_633 = arith.addi %and3A_566, %add3A_632 : vector<16xi32>
          %and3A_634 = arith.constant 15 : i32
          %and3A_635 = vector.broadcast %and3A_634 : i32 to vector<16xi32>
          %and3A_636 = arith.andi %add3A_633, %and3A_635 : vector<16xi32>
          %gather3A_637 = tpu.vector_load_idx %arg15[%add3A_563, %and3A_636] : memref<800x16xf32, #tpu.memory_space<vmem>>[vector<16xi32>, vector<16xi32>], vector<16xf32>,
          %add3A_638 = arith.constant 4 : i32
          %add3A_639 = vector.broadcast %add3A_638 : i32 to vector<16xi32>
          %add3A_640 = arith.addi %and3A_571, %add3A_639 : vector<16xi32>
          %and3A_641 = arith.constant 15 : i32
          %and3A_642 = vector.broadcast %and3A_641 : i32 to vector<16xi32>
          %and3A_643 = arith.andi %add3A_640, %and3A_642 : vector<16xi32>
          %gather3A_644 = tpu.vector_load_idx %arg17[%add3A_563, %and3A_643] : memref<800x16xf32, #tpu.memory_space<vmem>>[vector<16xi32>, vector<16xi32>], vector<16xf32>,
          %add3A_645 = arith.addf %gather3A_637, %gather3A_644 : vector<16xf32>
          %mul3A_646 = arith.mulf %add3A_645, %sub3A_599 : vector<16xf32>
          %add3A_647 = arith.addf %mul3A_630, %mul3A_646 : vector<16xf32>
          %add3A_648 = arith.constant 5 : i32
          %add3A_649 = vector.broadcast %add3A_648 : i32 to vector<16xi32>
          %add3A_650 = arith.addi %and3A_566, %add3A_649 : vector<16xi32>
          %and3A_651 = arith.constant 15 : i32
          %and3A_652 = vector.broadcast %and3A_651 : i32 to vector<16xi32>
          %and3A_653 = arith.andi %add3A_650, %and3A_652 : vector<16xi32>
          %gather3A_654 = tpu.vector_load_idx %arg15[%add3A_563, %and3A_653] : memref<800x16xf32, #tpu.memory_space<vmem>>[vector<16xi32>, vector<16xi32>], vector<16xf32>,
          %add3A_655 = arith.constant 5 : i32
          %add3A_656 = vector.broadcast %add3A_655 : i32 to vector<16xi32>
          %add3A_657 = arith.addi %and3A_571, %add3A_656 : vector<16xi32>
          %and3A_658 = arith.constant 15 : i32
          %and3A_659 = vector.broadcast %and3A_658 : i32 to vector<16xi32>
          %and3A_660 = arith.andi %add3A_657, %and3A_659 : vector<16xi32>
          %gather3A_661 = tpu.vector_load_idx %arg17[%add3A_563, %and3A_660] : memref<800x16xf32, #tpu.memory_space<vmem>>[vector<16xi32>, vector<16xi32>], vector<16xf32>,
          %add3A_662 = arith.addf %gather3A_654, %gather3A_661 : vector<16xf32>
          %mul3A_663 = arith.mulf %add3A_662, %sub3A_614 : vector<16xf32>
          %add3A_664 = arith.addf %add3A_647, %mul3A_663 : vector<16xf32>
          %mul3A_665 = arith.constant 5.000000e-01 : f32
          %mul3A_666 = vector.broadcast %mul3A_665 : f32 to vector<16xf32>
          %mul3A_667 = arith.mulf %add3A_664, %mul3A_666 : vector<16xf32>
          %swap3A = arith.constant 0 : i32
          %swap3A_668 = arith.index_cast %swap3A : i32 to index
          %swap3A_669 = arith.index_cast %mul3A_561 : i32 to index
          %swap3A_670 = tpu.vector_load %arg19[%swap3A_668, %swap3A_669] {strides = array<i32>} : memref<4x800xf32, #tpu.memory_space<vmem>>, vector<16xf32>,
          tpu.vector_store %arg19[%swap3A_668, %swap3A_669], %mul3A_667 {strides = array<i32>} : memref<4x800xf32, #tpu.memory_space<vmem>>, vector<16xf32>,
          %add3A_671 = arith.constant 6 : i32
          %add3A_672 = vector.broadcast %add3A_671 : i32 to vector<16xi32>
          %add3A_673 = arith.addi %and3A_566, %add3A_672 : vector<16xi32>
          %and3A_674 = arith.constant 15 : i32
          %and3A_675 = vector.broadcast %and3A_674 : i32 to vector<16xi32>
          %and3A_676 = arith.andi %add3A_673, %and3A_675 : vector<16xi32>
          %gather3A_677 = tpu.vector_load_idx %arg15[%add3A_563, %and3A_676] : memref<800x16xf32, #tpu.memory_space<vmem>>[vector<16xi32>, vector<16xi32>], vector<16xf32>,
          %add3A_678 = arith.constant 6 : i32
          %add3A_679 = vector.broadcast %add3A_678 : i32 to vector<16xi32>
          %add3A_680 = arith.addi %and3A_571, %add3A_679 : vector<16xi32>
          %and3A_681 = arith.constant 15 : i32
          %and3A_682 = vector.broadcast %and3A_681 : i32 to vector<16xi32>
          %and3A_683 = arith.andi %add3A_680, %and3A_682 : vector<16xi32>
          %gather3A_684 = tpu.vector_load_idx %arg17[%add3A_563, %and3A_683] : memref<800x16xf32, #tpu.memory_space<vmem>>[vector<16xi32>, vector<16xi32>], vector<16xf32>,
          %add3A_685 = arith.addf %gather3A_677, %gather3A_684 : vector<16xf32>
          %mul3A_686 = arith.mulf %add3A_685, %sub3A : vector<16xf32>
          %add3A_687 = arith.constant 7 : i32
          %add3A_688 = vector.broadcast %add3A_687 : i32 to vector<16xi32>
          %add3A_689 = arith.addi %and3A_566, %add3A_688 : vector<16xi32>
          %and3A_690 = arith.constant 15 : i32
          %and3A_691 = vector.broadcast %and3A_690 : i32 to vector<16xi32>
          %and3A_692 = arith.andi %add3A_689, %and3A_691 : vector<16xi32>
          %gather3A_693 = tpu.vector_load_idx %arg15[%add3A_563, %and3A_692] : memref<800x16xf32, #tpu.memory_space<vmem>>[vector<16xi32>, vector<16xi32>], vector<16xf32>,
          %add3A_694 = arith.constant 7 : i32
          %add3A_695 = vector.broadcast %add3A_694 : i32 to vector<16xi32>
          %add3A_696 = arith.addi %and3A_571, %add3A_695 : vector<16xi32>
          %and3A_697 = arith.constant 15 : i32
          %and3A_698 = vector.broadcast %and3A_697 : i32 to vector<16xi32>
          %and3A_699 = arith.andi %add3A_696, %and3A_698 : vector<16xi32>
          %gather3A_700 = tpu.vector_load_idx %arg17[%add3A_563, %and3A_699] : memref<800x16xf32, #tpu.memory_space<vmem>>[vector<16xi32>, vector<16xi32>], vector<16xf32>,
          %add3A_701 = arith.addf %gather3A_693, %gather3A_700 : vector<16xf32>
          %mul3A_702 = arith.mulf %add3A_701, %sub3A_599 : vector<16xf32>
          %add3A_703 = arith.addf %mul3A_686, %mul3A_702 : vector<16xf32>
          %add3A_704 = arith.constant 8 : i32
          %add3A_705 = vector.broadcast %add3A_704 : i32 to vector<16xi32>
          %add3A_706 = arith.addi %and3A_566, %add3A_705 : vector<16xi32>
          %and3A_707 = arith.constant 15 : i32
          %and3A_708 = vector.broadcast %and3A_707 : i32 to vector<16xi32>
          %and3A_709 = arith.andi %add3A_706, %and3A_708 : vector<16xi32>
          %gather3A_710 = tpu.vector_load_idx %arg15[%add3A_563, %and3A_709] : memref<800x16xf32, #tpu.memory_space<vmem>>[vector<16xi32>, vector<16xi32>], vector<16xf32>,
          %add3A_711 = arith.constant 8 : i32
          %add3A_712 = vector.broadcast %add3A_711 : i32 to vector<16xi32>
          %add3A_713 = arith.addi %and3A_571, %add3A_712 : vector<16xi32>
          %and3A_714 = arith.constant 15 : i32
          %and3A_715 = vector.broadcast %and3A_714 : i32 to vector<16xi32>
          %and3A_716 = arith.andi %add3A_713, %and3A_715 : vector<16xi32>
          %gather3A_717 = tpu.vector_load_idx %arg17[%add3A_563, %and3A_716] : memref<800x16xf32, #tpu.memory_space<vmem>>[vector<16xi32>, vector<16xi32>], vector<16xf32>,
          %add3A_718 = arith.addf %gather3A_710, %gather3A_717 : vector<16xf32>
          %mul3A_719 = arith.mulf %add3A_718, %sub3A_614 : vector<16xf32>
          %add3A_720 = arith.addf %add3A_703, %mul3A_719 : vector<16xf32>
          %mul3A_721 = arith.constant 5.000000e-01 : f32
          %mul3A_722 = vector.broadcast %mul3A_721 : f32 to vector<16xf32>
          %mul3A_723 = arith.mulf %add3A_720, %mul3A_722 : vector<16xf32>
          %swap3A_724 = arith.constant 1 : i32
          %swap3A_725 = arith.index_cast %swap3A_724 : i32 to index
          %swap3A_726 = arith.index_cast %mul3A_561 : i32 to index
          %swap3A_727 = tpu.vector_load %arg19[%swap3A_725, %swap3A_726] {strides = array<i32>} : memref<4x800xf32, #tpu.memory_space<vmem>>, vector<16xf32>,
          tpu.vector_store %arg19[%swap3A_725, %swap3A_726], %mul3A_723 {strides = array<i32>} : memref<4x800xf32, #tpu.memory_space<vmem>>, vector<16xf32>,
          %add3A_728 = arith.constant 9 : i32
          %add3A_729 = vector.broadcast %add3A_728 : i32 to vector<16xi32>
          %add3A_730 = arith.addi %and3A_566, %add3A_729 : vector<16xi32>
          %and3A_731 = arith.constant 15 : i32
          %and3A_732 = vector.broadcast %and3A_731 : i32 to vector<16xi32>
          %and3A_733 = arith.andi %add3A_730, %and3A_732 : vector<16xi32>
          %gather3A_734 = tpu.vector_load_idx %arg15[%add3A_563, %and3A_733] : memref<800x16xf32, #tpu.memory_space<vmem>>[vector<16xi32>, vector<16xi32>], vector<16xf32>,
          %add3A_735 = arith.constant 9 : i32
          %add3A_736 = vector.broadcast %add3A_735 : i32 to vector<16xi32>
          %add3A_737 = arith.addi %and3A_571, %add3A_736 : vector<16xi32>
          %and3A_738 = arith.constant 15 : i32
          %and3A_739 = vector.broadcast %and3A_738 : i32 to vector<16xi32>
          %and3A_740 = arith.andi %add3A_737, %and3A_739 : vector<16xi32>
          %gather3A_741 = tpu.vector_load_idx %arg17[%add3A_563, %and3A_740] : memref<800x16xf32, #tpu.memory_space<vmem>>[vector<16xi32>, vector<16xi32>], vector<16xf32>,
          %add3A_742 = arith.addf %gather3A_734, %gather3A_741 : vector<16xf32>
          %mul3A_743 = arith.mulf %add3A_742, %sub3A : vector<16xf32>
          %add3A_744 = arith.constant 10 : i32
          %add3A_745 = vector.broadcast %add3A_744 : i32 to vector<16xi32>
          %add3A_746 = arith.addi %and3A_566, %add3A_745 : vector<16xi32>
          %and3A_747 = arith.constant 15 : i32
          %and3A_748 = vector.broadcast %and3A_747 : i32 to vector<16xi32>
          %and3A_749 = arith.andi %add3A_746, %and3A_748 : vector<16xi32>
          %gather3A_750 = tpu.vector_load_idx %arg15[%add3A_563, %and3A_749] : memref<800x16xf32, #tpu.memory_space<vmem>>[vector<16xi32>, vector<16xi32>], vector<16xf32>,
          %add3A_751 = arith.constant 10 : i32
          %add3A_752 = vector.broadcast %add3A_751 : i32 to vector<16xi32>
          %add3A_753 = arith.addi %and3A_571, %add3A_752 : vector<16xi32>
          %and3A_754 = arith.constant 15 : i32
          %and3A_755 = vector.broadcast %and3A_754 : i32 to vector<16xi32>
          %and3A_756 = arith.andi %add3A_753, %and3A_755 : vector<16xi32>
          %gather3A_757 = tpu.vector_load_idx %arg17[%add3A_563, %and3A_756] : memref<800x16xf32, #tpu.memory_space<vmem>>[vector<16xi32>, vector<16xi32>], vector<16xf32>,
          %add3A_758 = arith.addf %gather3A_750, %gather3A_757 : vector<16xf32>
          %mul3A_759 = arith.mulf %add3A_758, %sub3A_599 : vector<16xf32>
          %add3A_760 = arith.addf %mul3A_743, %mul3A_759 : vector<16xf32>
          %add3A_761 = arith.constant 11 : i32
          %add3A_762 = vector.broadcast %add3A_761 : i32 to vector<16xi32>
          %add3A_763 = arith.addi %and3A_566, %add3A_762 : vector<16xi32>
          %and3A_764 = arith.constant 15 : i32
          %and3A_765 = vector.broadcast %and3A_764 : i32 to vector<16xi32>
          %and3A_766 = arith.andi %add3A_763, %and3A_765 : vector<16xi32>
          %gather3A_767 = tpu.vector_load_idx %arg15[%add3A_563, %and3A_766] : memref<800x16xf32, #tpu.memory_space<vmem>>[vector<16xi32>, vector<16xi32>], vector<16xf32>,
          %add3A_768 = arith.constant 11 : i32
          %add3A_769 = vector.broadcast %add3A_768 : i32 to vector<16xi32>
          %add3A_770 = arith.addi %and3A_571, %add3A_769 : vector<16xi32>
          %and3A_771 = arith.constant 15 : i32
          %and3A_772 = vector.broadcast %and3A_771 : i32 to vector<16xi32>
          %and3A_773 = arith.andi %add3A_770, %and3A_772 : vector<16xi32>
          %gather3A_774 = tpu.vector_load_idx %arg17[%add3A_563, %and3A_773] : memref<800x16xf32, #tpu.memory_space<vmem>>[vector<16xi32>, vector<16xi32>], vector<16xf32>,
          %add3A_775 = arith.addf %gather3A_767, %gather3A_774 : vector<16xf32>
          %mul3A_776 = arith.mulf %add3A_775, %sub3A_614 : vector<16xf32>
          %add3A_777 = arith.addf %add3A_760, %mul3A_776 : vector<16xf32>
          %mul3A_778 = arith.constant 5.000000e-01 : f32
          %mul3A_779 = vector.broadcast %mul3A_778 : f32 to vector<16xf32>
          %mul3A_780 = arith.mulf %add3A_777, %mul3A_779 : vector<16xf32>
          %swap3A_781 = arith.constant 2 : i32
          %swap3A_782 = arith.index_cast %swap3A_781 : i32 to index
          %swap3A_783 = arith.index_cast %mul3A_561 : i32 to index
          %swap3A_784 = tpu.vector_load %arg19[%swap3A_782, %swap3A_783] {strides = array<i32>} : memref<4x800xf32, #tpu.memory_space<vmem>>, vector<16xf32>,
          tpu.vector_store %arg19[%swap3A_782, %swap3A_783], %mul3A_780 {strides = array<i32>} : memref<4x800xf32, #tpu.memory_space<vmem>>, vector<16xf32>,
          %add3A_785 = arith.constant 12 : i32
          %add3A_786 = vector.broadcast %add3A_785 : i32 to vector<16xi32>
          %add3A_787 = arith.addi %and3A_566, %add3A_786 : vector<16xi32>
          %and3A_788 = arith.constant 15 : i32
          %and3A_789 = vector.broadcast %and3A_788 : i32 to vector<16xi32>
          %and3A_790 = arith.andi %add3A_787, %and3A_789 : vector<16xi32>
          %gather3A_791 = tpu.vector_load_idx %arg15[%add3A_563, %and3A_790] : memref<800x16xf32, #tpu.memory_space<vmem>>[vector<16xi32>, vector<16xi32>], vector<16xf32>,
          %add3A_792 = arith.constant 12 : i32
          %add3A_793 = vector.broadcast %add3A_792 : i32 to vector<16xi32>
          %add3A_794 = arith.addi %and3A_571, %add3A_793 : vector<16xi32>
          %and3A_795 = arith.constant 15 : i32
          %and3A_796 = vector.broadcast %and3A_795 : i32 to vector<16xi32>
          %and3A_797 = arith.andi %add3A_794, %and3A_796 : vector<16xi32>
          %gather3A_798 = tpu.vector_load_idx %arg17[%add3A_563, %and3A_797] : memref<800x16xf32, #tpu.memory_space<vmem>>[vector<16xi32>, vector<16xi32>], vector<16xf32>,
          %add3A_799 = arith.addf %gather3A_791, %gather3A_798 : vector<16xf32>
          %mul3A_800 = arith.mulf %add3A_799, %sub3A : vector<16xf32>
          %add3A_801 = arith.constant 13 : i32
          %add3A_802 = vector.broadcast %add3A_801 : i32 to vector<16xi32>
          %add3A_803 = arith.addi %and3A_566, %add3A_802 : vector<16xi32>
          %and3A_804 = arith.constant 15 : i32
          %and3A_805 = vector.broadcast %and3A_804 : i32 to vector<16xi32>
          %and3A_806 = arith.andi %add3A_803, %and3A_805 : vector<16xi32>
          %gather3A_807 = tpu.vector_load_idx %arg15[%add3A_563, %and3A_806] : memref<800x16xf32, #tpu.memory_space<vmem>>[vector<16xi32>, vector<16xi32>], vector<16xf32>,
          %add3A_808 = arith.constant 13 : i32
          %add3A_809 = vector.broadcast %add3A_808 : i32 to vector<16xi32>
          %add3A_810 = arith.addi %and3A_571, %add3A_809 : vector<16xi32>
          %and3A_811 = arith.constant 15 : i32
          %and3A_812 = vector.broadcast %and3A_811 : i32 to vector<16xi32>
          %and3A_813 = arith.andi %add3A_810, %and3A_812 : vector<16xi32>
          %gather3A_814 = tpu.vector_load_idx %arg17[%add3A_563, %and3A_813] : memref<800x16xf32, #tpu.memory_space<vmem>>[vector<16xi32>, vector<16xi32>], vector<16xf32>,
          %add3A_815 = arith.addf %gather3A_807, %gather3A_814 : vector<16xf32>
          %mul3A_816 = arith.mulf %add3A_815, %sub3A_599 : vector<16xf32>
          %add3A_817 = arith.addf %mul3A_800, %mul3A_816 : vector<16xf32>
          %add3A_818 = arith.constant 14 : i32
          %add3A_819 = vector.broadcast %add3A_818 : i32 to vector<16xi32>
          %add3A_820 = arith.addi %and3A_566, %add3A_819 : vector<16xi32>
          %and3A_821 = arith.constant 15 : i32
          %and3A_822 = vector.broadcast %and3A_821 : i32 to vector<16xi32>
          %and3A_823 = arith.andi %add3A_820, %and3A_822 : vector<16xi32>
          %gather3A_824 = tpu.vector_load_idx %arg15[%add3A_563, %and3A_823] : memref<800x16xf32, #tpu.memory_space<vmem>>[vector<16xi32>, vector<16xi32>], vector<16xf32>,
          %add3A_825 = arith.constant 14 : i32
          %add3A_826 = vector.broadcast %add3A_825 : i32 to vector<16xi32>
          %add3A_827 = arith.addi %and3A_571, %add3A_826 : vector<16xi32>
          %and3A_828 = arith.constant 15 : i32
          %and3A_829 = vector.broadcast %and3A_828 : i32 to vector<16xi32>
          %and3A_830 = arith.andi %add3A_827, %and3A_829 : vector<16xi32>
          %gather3A_831 = tpu.vector_load_idx %arg17[%add3A_563, %and3A_830] : memref<800x16xf32, #tpu.memory_space<vmem>>[vector<16xi32>, vector<16xi32>], vector<16xf32>,
          %add3A_832 = arith.addf %gather3A_824, %gather3A_831 : vector<16xf32>
          %mul3A_833 = arith.mulf %add3A_832, %sub3A_614 : vector<16xf32>
          %add3A_834 = arith.addf %add3A_817, %mul3A_833 : vector<16xf32>
          %mul3A_835 = arith.constant 5.000000e-01 : f32
          %mul3A_836 = vector.broadcast %mul3A_835 : f32 to vector<16xf32>
          %mul3A_837 = arith.mulf %add3A_834, %mul3A_836 : vector<16xf32>
          %swap3A_838 = arith.constant 3 : i32
          %swap3A_839 = arith.index_cast %swap3A_838 : i32 to index
          %swap3A_840 = arith.index_cast %mul3A_561 : i32 to index
          %swap3A_841 = tpu.vector_load %arg19[%swap3A_839, %swap3A_840] {strides = array<i32>} : memref<4x800xf32, #tpu.memory_space<vmem>>, vector<16xf32>,
          tpu.vector_store %arg19[%swap3A_839, %swap3A_840], %mul3A_837 {strides = array<i32>} : memref<4x800xf32, #tpu.memory_space<vmem>>, vector<16xf32>,
        }
        %scan3A_509 = arith.constant 50 : i32
        %mul3A_510 = arith.constant 32 : i32
        %mul3A_511 = arith.muli %add3A_320, %mul3A_510 : i32
        %add3A_512 = arith.addi %mul3A_511, %add3A : i32
        %mul3A_513 = arith.constant 800 : i32
        %mul3A_514 = arith.muli %add3A_512, %mul3A_513 : i32
        %add3A_515 = arith.constant 0 : i32
        %add3A_516 = arith.addi %add3A_515, %mul3A_514 : i32
        %add3A_517 = arith.constant 3200000 : i32
        %add3A_518 = arith.addi %add3A_517, %mul3A_514 : i32
        %add3A_519 = arith.constant 6400000 : i32
        %add3A_520 = arith.addi %add3A_519, %mul3A_514 : i32
        %add3A_521 = arith.constant 9600000 : i32
        %add3A_522 = arith.addi %add3A_521, %mul3A_514 : i32
        %dma_start3A_523 = arith.constant 0 : i32
        %dma_start3A_524 = arith.constant 0 : i32
        %dma_start3A_525 = tpu.memref_slice %arg19[%dma_start3A_523, %dma_start3A_524] : memref<4x800xf32, #tpu.memory_space<vmem>> -> memref<1x800xf32, #tpu.memory_space<vmem>>
        %dma_start3A_526 = tpu.memref_squeeze %dma_start3A_525 : memref<1x800xf32, #tpu.memory_space<vmem>> -> memref<800xf32, #tpu.memory_space<vmem>>
        %dma_start3A_527 = tpu.memref_slice %arg5[%add3A_516] : memref<12800000xf32, #tpu.memory_space<hbm>> -> memref<800xf32, #tpu.memory_space<hbm>>
        %dma_start3A_528 = tpu.memref_slice %arg5[%add3A_516] : memref<12800000xf32, #tpu.memory_space<hbm>> -> memref<800xf32, #tpu.memory_space<hbm>>
        %dma_start3A_529 = arith.constant 0 : i32
        %dma_start3A_530 = tpu.memref_slice %arg19[%dma_start3A_523, %dma_start3A_529] : memref<4x800xf32, #tpu.memory_space<vmem>> -> memref<1x800xf32, #tpu.memory_space<vmem>>
        %dma_start3A_531 = tpu.memref_squeeze %dma_start3A_530 : memref<1x800xf32, #tpu.memory_space<vmem>> -> memref<800xf32, #tpu.memory_space<vmem>>
        tpu.enqueue_dma source(%dma_start3A_531 : memref<800xf32, #tpu.memory_space<vmem>>) target(%dma_start3A_528 : memref<800xf32, #tpu.memory_space<hbm>>) target_semaphore(%arg27 : memref<!tpu.dma_semaphore, #tpu.memory_space<semaphore_mem>>)
        %dma_start3A_532 = arith.constant 1 : i32
        %dma_start3A_533 = arith.constant 0 : i32
        %dma_start3A_534 = tpu.memref_slice %arg19[%dma_start3A_532, %dma_start3A_533] : memref<4x800xf32, #tpu.memory_space<vmem>> -> memref<1x800xf32, #tpu.memory_space<vmem>>
        %dma_start3A_535 = tpu.memref_squeeze %dma_start3A_534 : memref<1x800xf32, #tpu.memory_space<vmem>> -> memref<800xf32, #tpu.memory_space<vmem>>
        %dma_start3A_536 = tpu.memref_slice %arg5[%add3A_518] : memref<12800000xf32, #tpu.memory_space<hbm>> -> memref<800xf32, #tpu.memory_space<hbm>>
        %dma_start3A_537 = tpu.memref_slice %arg5[%add3A_518] : memref<12800000xf32, #tpu.memory_space<hbm>> -> memref<800xf32, #tpu.memory_space<hbm>>
        %dma_start3A_538 = arith.constant 0 : i32
        %dma_start3A_539 = tpu.memref_slice %arg19[%dma_start3A_532, %dma_start3A_538] : memref<4x800xf32, #tpu.memory_space<vmem>> -> memref<1x800xf32, #tpu.memory_space<vmem>>
        %dma_start3A_540 = tpu.memref_squeeze %dma_start3A_539 : memref<1x800xf32, #tpu.memory_space<vmem>> -> memref<800xf32, #tpu.memory_space<vmem>>
        tpu.enqueue_dma source(%dma_start3A_540 : memref<800xf32, #tpu.memory_space<vmem>>) target(%dma_start3A_537 : memref<800xf32, #tpu.memory_space<hbm>>) target_semaphore(%arg27 : memref<!tpu.dma_semaphore, #tpu.memory_space<semaphore_mem>>)
        %dma_start3A_541 = arith.constant 2 : i32
        %dma_start3A_542 = arith.constant 0 : i32
        %dma_start3A_543 = tpu.memref_slice %arg19[%dma_start3A_541, %dma_start3A_542] : memref<4x800xf32, #tpu.memory_space<vmem>> -> memref<1x800xf32, #tpu.memory_space<vmem>>
        %dma_start3A_544 = tpu.memref_squeeze %dma_start3A_543 : memref<1x800xf32, #tpu.memory_space<vmem>> -> memref<800xf32, #tpu.memory_space<vmem>>
        %dma_start3A_545 = tpu.memref_slice %arg5[%add3A_520] : memref<12800000xf32, #tpu.memory_space<hbm>> -> memref<800xf32, #tpu.memory_space<hbm>>
        %dma_start3A_546 = tpu.memref_slice %arg5[%add3A_520] : memref<12800000xf32, #tpu.memory_space<hbm>> -> memref<800xf32, #tpu.memory_space<hbm>>
        %dma_start3A_547 = arith.constant 0 : i32
        %dma_start3A_548 = tpu.memref_slice %arg19[%dma_start3A_541, %dma_start3A_547] : memref<4x800xf32, #tpu.memory_space<vmem>> -> memref<1x800xf32, #tpu.memory_space<vmem>>
        %dma_start3A_549 = tpu.memref_squeeze %dma_start3A_548 : memref<1x800xf32, #tpu.memory_space<vmem>> -> memref<800xf32, #tpu.memory_space<vmem>>
        tpu.enqueue_dma source(%dma_start3A_549 : memref<800xf32, #tpu.memory_space<vmem>>) target(%dma_start3A_546 : memref<800xf32, #tpu.memory_space<hbm>>) target_semaphore(%arg27 : memref<!tpu.dma_semaphore, #tpu.memory_space<semaphore_mem>>)
        %dma_start3A_550 = arith.constant 3 : i32
        %dma_start3A_551 = arith.constant 0 : i32
        %dma_start3A_552 = tpu.memref_slice %arg19[%dma_start3A_550, %dma_start3A_551] : memref<4x800xf32, #tpu.memory_space<vmem>> -> memref<1x800xf32, #tpu.memory_space<vmem>>
        %dma_start3A_553 = tpu.memref_squeeze %dma_start3A_552 : memref<1x800xf32, #tpu.memory_space<vmem>> -> memref<800xf32, #tpu.memory_space<vmem>>
        %dma_start3A_554 = tpu.memref_slice %arg5[%add3A_522] : memref<12800000xf32, #tpu.memory_space<hbm>> -> memref<800xf32, #tpu.memory_space<hbm>>
        %dma_start3A_555 = tpu.memref_slice %arg5[%add3A_522] : memref<12800000xf32, #tpu.memory_space<hbm>> -> memref<800xf32, #tpu.memory_space<hbm>>
        %dma_start3A_556 = arith.constant 0 : i32
        %dma_start3A_557 = tpu.memref_slice %arg19[%dma_start3A_550, %dma_start3A_556] : memref<4x800xf32, #tpu.memory_space<vmem>> -> memref<1x800xf32, #tpu.memory_space<vmem>>
        %dma_start3A_558 = tpu.memref_squeeze %dma_start3A_557 : memref<1x800xf32, #tpu.memory_space<vmem>> -> memref<800xf32, #tpu.memory_space<vmem>>
        tpu.enqueue_dma source(%dma_start3A_558 : memref<800xf32, #tpu.memory_space<vmem>>) target(%dma_start3A_555 : memref<800xf32, #tpu.memory_space<hbm>>) target_semaphore(%arg27 : memref<!tpu.dma_semaphore, #tpu.memory_space<semaphore_mem>>)
      } else {
      }
    }
    %scan3A_195 = arith.constant 32 : i32
    %add3A_196 = arith.constant 3936 : i32
    %add3A_197 = arith.addi %add3A_196, %add3A : i32
    %mul3A_198 = arith.constant 800 : i32
    %mul3A_199 = arith.muli %add3A_197, %mul3A_198 : i32
    %add3A_200 = arith.constant 0 : i32
    %add3A_201 = arith.addi %add3A_200, %mul3A_199 : i32
    %add3A_202 = arith.constant 3200000 : i32
    %add3A_203 = arith.addi %add3A_202, %mul3A_199 : i32
    %add3A_204 = arith.constant 6400000 : i32
    %add3A_205 = arith.addi %add3A_204, %mul3A_199 : i32
    %add3A_206 = arith.constant 9600000 : i32
    %add3A_207 = arith.addi %add3A_206, %mul3A_199 : i32
    %dma_wait3A_208 = arith.constant 0 : i32
    %dma_wait3A_209 = arith.constant 0 : i32
    %dma_wait3A_210 = tpu.memref_slice %arg19[%dma_wait3A_208, %dma_wait3A_209] : memref<4x800xf32, #tpu.memory_space<vmem>> -> memref<1x800xf32, #tpu.memory_space<vmem>>
    %dma_wait3A_211 = tpu.memref_squeeze %dma_wait3A_210 : memref<1x800xf32, #tpu.memory_space<vmem>> -> memref<800xf32, #tpu.memory_space<vmem>>
    %dma_wait3A_212 = tpu.memref_slice %arg5[%add3A_201] : memref<12800000xf32, #tpu.memory_space<hbm>> -> memref<800xf32, #tpu.memory_space<hbm>>
    %dma_wait3A_213 = tpu.memref_slice %arg5[%add3A_201] : memref<12800000xf32, #tpu.memory_space<hbm>> -> memref<800xf32, #tpu.memory_space<hbm>>
    %dma_wait3A_214 = arith.constant 0 : i32
    %dma_wait3A_215 = tpu.memref_slice %arg19[%dma_wait3A_208, %dma_wait3A_214] : memref<4x800xf32, #tpu.memory_space<vmem>> -> memref<1x800xf32, #tpu.memory_space<vmem>>
    %dma_wait3A_216 = tpu.memref_squeeze %dma_wait3A_215 : memref<1x800xf32, #tpu.memory_space<vmem>> -> memref<800xf32, #tpu.memory_space<vmem>>
    tpu.wait_dma2 semaphore(%arg27 : memref<!tpu.dma_semaphore, #tpu.memory_space<semaphore_mem>>) src(%dma_wait3A_216 : memref<800xf32, #tpu.memory_space<vmem>>) dst(%dma_wait3A_213 : memref<800xf32, #tpu.memory_space<hbm>>)
    %dma_wait3A_217 = arith.constant 1 : i32
    %dma_wait3A_218 = arith.constant 0 : i32
    %dma_wait3A_219 = tpu.memref_slice %arg19[%dma_wait3A_217, %dma_wait3A_218] : memref<4x800xf32, #tpu.memory_space<vmem>> -> memref<1x800xf32, #tpu.memory_space<vmem>>
    %dma_wait3A_220 = tpu.memref_squeeze %dma_wait3A_219 : memref<1x800xf32, #tpu.memory_space<vmem>> -> memref<800xf32, #tpu.memory_space<vmem>>
    %dma_wait3A_221 = tpu.memref_slice %arg5[%add3A_203] : memref<12800000xf32, #tpu.memory_space<hbm>> -> memref<800xf32, #tpu.memory_space<hbm>>
    %dma_wait3A_222 = tpu.memref_slice %arg5[%add3A_203] : memref<12800000xf32, #tpu.memory_space<hbm>> -> memref<800xf32, #tpu.memory_space<hbm>>
    %dma_wait3A_223 = arith.constant 0 : i32
    %dma_wait3A_224 = tpu.memref_slice %arg19[%dma_wait3A_217, %dma_wait3A_223] : memref<4x800xf32, #tpu.memory_space<vmem>> -> memref<1x800xf32, #tpu.memory_space<vmem>>
    %dma_wait3A_225 = tpu.memref_squeeze %dma_wait3A_224 : memref<1x800xf32, #tpu.memory_space<vmem>> -> memref<800xf32, #tpu.memory_space<vmem>>
    tpu.wait_dma2 semaphore(%arg27 : memref<!tpu.dma_semaphore, #tpu.memory_space<semaphore_mem>>) src(%dma_wait3A_225 : memref<800xf32, #tpu.memory_space<vmem>>) dst(%dma_wait3A_222 : memref<800xf32, #tpu.memory_space<hbm>>)
    %dma_wait3A_226 = arith.constant 2 : i32
    %dma_wait3A_227 = arith.constant 0 : i32
    %dma_wait3A_228 = tpu.memref_slice %arg19[%dma_wait3A_226, %dma_wait3A_227] : memref<4x800xf32, #tpu.memory_space<vmem>> -> memref<1x800xf32, #tpu.memory_space<vmem>>
    %dma_wait3A_229 = tpu.memref_squeeze %dma_wait3A_228 : memref<1x800xf32, #tpu.memory_space<vmem>> -> memref<800xf32, #tpu.memory_space<vmem>>
    %dma_wait3A_230 = tpu.memref_slice %arg5[%add3A_205] : memref<12800000xf32, #tpu.memory_space<hbm>> -> memref<800xf32, #tpu.memory_space<hbm>>
    %dma_wait3A_231 = tpu.memref_slice %arg5[%add3A_205] : memref<12800000xf32, #tpu.memory_space<hbm>> -> memref<800xf32, #tpu.memory_space<hbm>>
    %dma_wait3A_232 = arith.constant 0 : i32
    %dma_wait3A_233 = tpu.memref_slice %arg19[%dma_wait3A_226, %dma_wait3A_232] : memref<4x800xf32, #tpu.memory_space<vmem>> -> memref<1x800xf32, #tpu.memory_space<vmem>>
    %dma_wait3A_234 = tpu.memref_squeeze %dma_wait3A_233 : memref<1x800xf32, #tpu.memory_space<vmem>> -> memref<800xf32, #tpu.memory_space<vmem>>
    tpu.wait_dma2 semaphore(%arg27 : memref<!tpu.dma_semaphore, #tpu.memory_space<semaphore_mem>>) src(%dma_wait3A_234 : memref<800xf32, #tpu.memory_space<vmem>>) dst(%dma_wait3A_231 : memref<800xf32, #tpu.memory_space<hbm>>)
    %dma_wait3A_235 = arith.constant 3 : i32
    %dma_wait3A_236 = arith.constant 0 : i32
    %dma_wait3A_237 = tpu.memref_slice %arg19[%dma_wait3A_235, %dma_wait3A_236] : memref<4x800xf32, #tpu.memory_space<vmem>> -> memref<1x800xf32, #tpu.memory_space<vmem>>
    %dma_wait3A_238 = tpu.memref_squeeze %dma_wait3A_237 : memref<1x800xf32, #tpu.memory_space<vmem>> -> memref<800xf32, #tpu.memory_space<vmem>>
    %dma_wait3A_239 = tpu.memref_slice %arg5[%add3A_207] : memref<12800000xf32, #tpu.memory_space<hbm>> -> memref<800xf32, #tpu.memory_space<hbm>>
    %dma_wait3A_240 = tpu.memref_slice %arg5[%add3A_207] : memref<12800000xf32, #tpu.memory_space<hbm>> -> memref<800xf32, #tpu.memory_space<hbm>>
    %dma_wait3A_241 = arith.constant 0 : i32
    %dma_wait3A_242 = tpu.memref_slice %arg19[%dma_wait3A_235, %dma_wait3A_241] : memref<4x800xf32, #tpu.memory_space<vmem>> -> memref<1x800xf32, #tpu.memory_space<vmem>>
    %dma_wait3A_243 = tpu.memref_squeeze %dma_wait3A_242 : memref<1x800xf32, #tpu.memory_space<vmem>> -> memref<800xf32, #tpu.memory_space<vmem>>
    tpu.wait_dma2 semaphore(%arg27 : memref<!tpu.dma_semaphore, #tpu.memory_space<semaphore_mem>>) src(%dma_wait3A_243 : memref<800xf32, #tpu.memory_space<vmem>>) dst(%dma_wait3A_240 : memref<800xf32, #tpu.memory_space<hbm>>)
    %add3A_244 = arith.constant 3968 : i32
    %add3A_245 = arith.addi %add3A_244, %add3A : i32
    %mul3A_246 = arith.constant 800 : i32
    %mul3A_247 = arith.muli %add3A_245, %mul3A_246 : i32
    %add3A_248 = arith.constant 0 : i32
    %add3A_249 = arith.addi %add3A_248, %mul3A_247 : i32
    %add3A_250 = arith.constant 3200000 : i32
    %add3A_251 = arith.addi %add3A_250, %mul3A_247 : i32
    %add3A_252 = arith.constant 6400000 : i32
    %add3A_253 = arith.addi %add3A_252, %mul3A_247 : i32
    %add3A_254 = arith.constant 9600000 : i32
    %add3A_255 = arith.addi %add3A_254, %mul3A_247 : i32
    %dma_wait3A_256 = arith.constant 0 : i32
    %dma_wait3A_257 = arith.constant 0 : i32
    %dma_wait3A_258 = tpu.memref_slice %arg18[%dma_wait3A_256, %dma_wait3A_257] : memref<4x800xf32, #tpu.memory_space<vmem>> -> memref<1x800xf32, #tpu.memory_space<vmem>>
    %dma_wait3A_259 = tpu.memref_squeeze %dma_wait3A_258 : memref<1x800xf32, #tpu.memory_space<vmem>> -> memref<800xf32, #tpu.memory_space<vmem>>
    %dma_wait3A_260 = tpu.memref_slice %arg5[%add3A_249] : memref<12800000xf32, #tpu.memory_space<hbm>> -> memref<800xf32, #tpu.memory_space<hbm>>
    %dma_wait3A_261 = tpu.memref_slice %arg5[%add3A_249] : memref<12800000xf32, #tpu.memory_space<hbm>> -> memref<800xf32, #tpu.memory_space<hbm>>
    %dma_wait3A_262 = arith.constant 0 : i32
    %dma_wait3A_263 = tpu.memref_slice %arg18[%dma_wait3A_256, %dma_wait3A_262] : memref<4x800xf32, #tpu.memory_space<vmem>> -> memref<1x800xf32, #tpu.memory_space<vmem>>
    %dma_wait3A_264 = tpu.memref_squeeze %dma_wait3A_263 : memref<1x800xf32, #tpu.memory_space<vmem>> -> memref<800xf32, #tpu.memory_space<vmem>>
    tpu.wait_dma2 semaphore(%arg26 : memref<!tpu.dma_semaphore, #tpu.memory_space<semaphore_mem>>) src(%dma_wait3A_264 : memref<800xf32, #tpu.memory_space<vmem>>) dst(%dma_wait3A_261 : memref<800xf32, #tpu.memory_space<hbm>>)
    %dma_wait3A_265 = arith.constant 1 : i32
    %dma_wait3A_266 = arith.constant 0 : i32
    %dma_wait3A_267 = tpu.memref_slice %arg18[%dma_wait3A_265, %dma_wait3A_266] : memref<4x800xf32, #tpu.memory_space<vmem>> -> memref<1x800xf32, #tpu.memory_space<vmem>>
    %dma_wait3A_268 = tpu.memref_squeeze %dma_wait3A_267 : memref<1x800xf32, #tpu.memory_space<vmem>> -> memref<800xf32, #tpu.memory_space<vmem>>
    %dma_wait3A_269 = tpu.memref_slice %arg5[%add3A_251] : memref<12800000xf32, #tpu.memory_space<hbm>> -> memref<800xf32, #tpu.memory_space<hbm>>
    %dma_wait3A_270 = tpu.memref_slice %arg5[%add3A_251] : memref<12800000xf32, #tpu.memory_space<hbm>> -> memref<800xf32, #tpu.memory_space<hbm>>
    %dma_wait3A_271 = arith.constant 0 : i32
    %dma_wait3A_272 = tpu.memref_slice %arg18[%dma_wait3A_265, %dma_wait3A_271] : memref<4x800xf32, #tpu.memory_space<vmem>> -> memref<1x800xf32, #tpu.memory_space<vmem>>
    %dma_wait3A_273 = tpu.memref_squeeze %dma_wait3A_272 : memref<1x800xf32, #tpu.memory_space<vmem>> -> memref<800xf32, #tpu.memory_space<vmem>>
    tpu.wait_dma2 semaphore(%arg26 : memref<!tpu.dma_semaphore, #tpu.memory_space<semaphore_mem>>) src(%dma_wait3A_273 : memref<800xf32, #tpu.memory_space<vmem>>) dst(%dma_wait3A_270 : memref<800xf32, #tpu.memory_space<hbm>>)
    %dma_wait3A_274 = arith.constant 2 : i32
    %dma_wait3A_275 = arith.constant 0 : i32
    %dma_wait3A_276 = tpu.memref_slice %arg18[%dma_wait3A_274, %dma_wait3A_275] : memref<4x800xf32, #tpu.memory_space<vmem>> -> memref<1x800xf32, #tpu.memory_space<vmem>>
    %dma_wait3A_277 = tpu.memref_squeeze %dma_wait3A_276 : memref<1x800xf32, #tpu.memory_space<vmem>> -> memref<800xf32, #tpu.memory_space<vmem>>
    %dma_wait3A_278 = tpu.memref_slice %arg5[%add3A_253] : memref<12800000xf32, #tpu.memory_space<hbm>> -> memref<800xf32, #tpu.memory_space<hbm>>
    %dma_wait3A_279 = tpu.memref_slice %arg5[%add3A_253] : memref<12800000xf32, #tpu.memory_space<hbm>> -> memref<800xf32, #tpu.memory_space<hbm>>
    %dma_wait3A_280 = arith.constant 0 : i32
    %dma_wait3A_281 = tpu.memref_slice %arg18[%dma_wait3A_274, %dma_wait3A_280] : memref<4x800xf32, #tpu.memory_space<vmem>> -> memref<1x800xf32, #tpu.memory_space<vmem>>
    %dma_wait3A_282 = tpu.memref_squeeze %dma_wait3A_281 : memref<1x800xf32, #tpu.memory_space<vmem>> -> memref<800xf32, #tpu.memory_space<vmem>>
    tpu.wait_dma2 semaphore(%arg26 : memref<!tpu.dma_semaphore, #tpu.memory_space<semaphore_mem>>) src(%dma_wait3A_282 : memref<800xf32, #tpu.memory_space<vmem>>) dst(%dma_wait3A_279 : memref<800xf32, #tpu.memory_space<hbm>>)
    %dma_wait3A_283 = arith.constant 3 : i32
    %dma_wait3A_284 = arith.constant 0 : i32
    %dma_wait3A_285 = tpu.memref_slice %arg18[%dma_wait3A_283, %dma_wait3A_284] : memref<4x800xf32, #tpu.memory_space<vmem>> -> memref<1x800xf32, #tpu.memory_space<vmem>>
    %dma_wait3A_286 = tpu.memref_squeeze %dma_wait3A_285 : memref<1x800xf32, #tpu.memory_space<vmem>> -> memref<800xf32, #tpu.memory_space<vmem>>
    %dma_wait3A_287 = tpu.memref_slice %arg5[%add3A_255] : memref<12800000xf32, #tpu.memory_space<hbm>> -> memref<800xf32, #tpu.memory_space<hbm>>
    %dma_wait3A_288 = tpu.memref_slice %arg5[%add3A_255] : memref<12800000xf32, #tpu.memory_space<hbm>> -> memref<800xf32, #tpu.memory_space<hbm>>
    %dma_wait3A_289 = arith.constant 0 : i32
    %dma_wait3A_290 = tpu.memref_slice %arg18[%dma_wait3A_283, %dma_wait3A_289] : memref<4x800xf32, #tpu.memory_space<vmem>> -> memref<1x800xf32, #tpu.memory_space<vmem>>
    %dma_wait3A_291 = tpu.memref_squeeze %dma_wait3A_290 : memref<1x800xf32, #tpu.memory_space<vmem>> -> memref<800xf32, #tpu.memory_space<vmem>>
    tpu.wait_dma2 semaphore(%arg26 : memref<!tpu.dma_semaphore, #tpu.memory_space<semaphore_mem>>) src(%dma_wait3A_291 : memref<800xf32, #tpu.memory_space<vmem>>) dst(%dma_wait3A_288 : memref<800xf32, #tpu.memory_space<hbm>>)
    return
  }
}

module attributes {stable_mosaic.version = 14 : i64} {
  func.func @_relayout_body(%arg0: i32, %arg1: memref<128000xf32, #tpu.memory_space<vmem>>, %arg2: memref<128000xf32, #tpu.memory_space<vmem>>, %arg3: memref<128000xf32, #tpu.memory_space<vmem>>, %arg4: memref<128000xf32, #tpu.memory_space<vmem>>, %arg5: memref<4x128000xf32, #tpu.memory_space<vmem>>) attributes {dimension_semantics = [#tpu.dimension_semantics<arbitrary>], iteration_bounds = array<i64: 25>, scalar_prefetch = 0 : i64, scratch_operands = 0 : i64, tpu.core_type = #tpu.core_type<tc>, window_params = [{transform_indices = @transform_0, window_bounds = array<i64: 128000>}, {transform_indices = @transform_1, window_bounds = array<i64: 128000>}, {transform_indices = @transform_2, window_bounds = array<i64: 128000>}, {transform_indices = @transform_3, window_bounds = array<i64: 128000>}, {transform_indices = @transform_4, window_bounds = array<i64: 4, 128000>}]} {
    %get3A = arith.constant 0 : index
    %get3A_0 = vector.load %arg1[%get3A] : memref<128000xf32, #tpu.memory_space<vmem>>, vector<128000xf32>
    %swap3A = arith.constant 0 : index
    %swap3A_1 = arith.constant 0 : index
    %swap3A_2 = vector.load %arg5[%swap3A, %swap3A_1] : memref<4x128000xf32, #tpu.memory_space<vmem>>, vector<1x128000xf32>
    %swap3A_3 = vector.shape_cast %swap3A_2 : vector<1x128000xf32> to vector<128000xf32>
    %swap3A_4 = vector.shape_cast %get3A_0 : vector<128000xf32> to vector<1x128000xf32>
    tpu.vector_store %arg5[%swap3A, %swap3A_1], %swap3A_4 {strides = array<i32>} : memref<4x128000xf32, #tpu.memory_space<vmem>>, vector<1x128000xf32>,
    %get3A_5 = arith.constant 0 : index
    %get3A_6 = vector.load %arg2[%get3A_5] : memref<128000xf32, #tpu.memory_space<vmem>>, vector<128000xf32>
    %swap3A_7 = arith.constant 1 : index
    %swap3A_8 = arith.constant 0 : index
    %swap3A_9 = vector.load %arg5[%swap3A_7, %swap3A_8] : memref<4x128000xf32, #tpu.memory_space<vmem>>, vector<1x128000xf32>
    %swap3A_10 = vector.shape_cast %swap3A_9 : vector<1x128000xf32> to vector<128000xf32>
    %swap3A_11 = vector.shape_cast %get3A_6 : vector<128000xf32> to vector<1x128000xf32>
    tpu.vector_store %arg5[%swap3A_7, %swap3A_8], %swap3A_11 {strides = array<i32>} : memref<4x128000xf32, #tpu.memory_space<vmem>>, vector<1x128000xf32>,
    %get3A_12 = arith.constant 0 : index
    %get3A_13 = vector.load %arg3[%get3A_12] : memref<128000xf32, #tpu.memory_space<vmem>>, vector<128000xf32>
    %swap3A_14 = arith.constant 2 : index
    %swap3A_15 = arith.constant 0 : index
    %swap3A_16 = vector.load %arg5[%swap3A_14, %swap3A_15] : memref<4x128000xf32, #tpu.memory_space<vmem>>, vector<1x128000xf32>
    %swap3A_17 = vector.shape_cast %swap3A_16 : vector<1x128000xf32> to vector<128000xf32>
    %swap3A_18 = vector.shape_cast %get3A_13 : vector<128000xf32> to vector<1x128000xf32>
    tpu.vector_store %arg5[%swap3A_14, %swap3A_15], %swap3A_18 {strides = array<i32>} : memref<4x128000xf32, #tpu.memory_space<vmem>>, vector<1x128000xf32>,
    %get3A_19 = arith.constant 0 : index
    %get3A_20 = vector.load %arg4[%get3A_19] : memref<128000xf32, #tpu.memory_space<vmem>>, vector<128000xf32>
    %swap3A_21 = arith.constant 3 : index
    %swap3A_22 = arith.constant 0 : index
    %swap3A_23 = vector.load %arg5[%swap3A_21, %swap3A_22] : memref<4x128000xf32, #tpu.memory_space<vmem>>, vector<1x128000xf32>
    %swap3A_24 = vector.shape_cast %swap3A_23 : vector<1x128000xf32> to vector<128000xf32>
    %swap3A_25 = vector.shape_cast %get3A_20 : vector<128000xf32> to vector<1x128000xf32>
    tpu.vector_store %arg5[%swap3A_21, %swap3A_22], %swap3A_25 {strides = array<i32>} : memref<4x128000xf32, #tpu.memory_space<vmem>>, vector<1x128000xf32>,
    return
  }
  func.func @transform_0(%arg0: i32) -> i32 {
    %add3A = arith.constant 0 : i32
    %add3A_0 = arith.addi %add3A, %arg0 : i32
    %c0_i32 = arith.constant 0 : i32
    return %add3A_0 : i32
  }
  func.func @transform_1(%arg0: i32) -> i32 {
    %add3A = arith.constant 25 : i32
    %add3A_0 = arith.addi %add3A, %arg0 : i32
    %c0_i32 = arith.constant 0 : i32
    return %add3A_0 : i32
  }
  func.func @transform_2(%arg0: i32) -> i32 {
    %add3A = arith.constant 50 : i32
    %add3A_0 = arith.addi %add3A, %arg0 : i32
    %c0_i32 = arith.constant 0 : i32
    return %add3A_0 : i32
  }
  func.func @transform_3(%arg0: i32) -> i32 {
    %add3A = arith.constant 75 : i32
    %add3A_0 = arith.addi %add3A, %arg0 : i32
    %c0_i32 = arith.constant 0 : i32
    return %add3A_0 : i32
  }
  func.func @transform_4(%arg0: i32) -> (i32, i32) {
    %c0_i32 = arith.constant 0 : i32
    %c0_i32_0 = arith.constant 0 : i32
    return %c0_i32, %arg0 : i32, i32
  }
}

</mosaic_0001>

<sc_bundles>
// kernel: kernel.5.cloned.1.call-start
scs
__scs_entry_jumppad:
0x0: {  	(pc) =	sbr.rel $0x88, $3  }
0x1: {  	(tag) =	ssettag $0x0;
	lr =	simm.s32 $0x1  }
0x2: {  	[smem:$0x3F9D] =	sst lr;
	_ =	strace $0xD0000000  }
0x3: {  	_ = 	snop  }
0x4: {  	_ = 	snop  }
0x5: {  	_ = 	snop  }
0x6: {  	_ = 	snop  }
0x7: {  	_ = 	snop  }
__scs_overlays_trampoline_lowered:
0x8: {  	[smem:$0x3FAC] =	sst s0  }
0x9: {  	[smem:$0x3FAD] =	sst s1  }
0xa: {  	[smem:$0x3FAE] =	sst s2  }
0xb: {  	[smem:$0x3FAF] =	sst s3  }
0xc: {  	[smem:$0x3FB0] =	sst s4  }
0xd: {  	[smem:$0x3FB1] =	sst s5  }
0xe: {  	[smem:$0x3FB2] =	sst s6  }
0xf: {  	[smem:$0x3FB3] =	sst s7  }
0x10: {  	[smem:$0x3FB4] =	sst s8  }
0x11: {  	[smem:$0x3FB5] =	sst s9;
	s0 =	simm.s32 @!p0 $0x0  }
0x12: {  	s1 =	sld [smem:$0x3F9B];
	s0 =	simm.s32 @p0 $0x1  }
0x13: {  	[smem:$0x3FB6] =	sst s0;
	s0 =	simm.s32 @!p1 $0x0  }
0x14: {  	s2 =	sld [smem:$0x3F9A];
	s0 =	simm.s32 @p1 $0x1  }
0x15: {  	[smem:$0x3FB7] =	sst s0;
	s0 =	simm.s32 @!p2 $0x0  }
0x16: {  	s3 =	sld [smem:$0x3FDB];
	s0 =	simm.s32 @p2 $0x1  }
0x17: {  	s4 =	simm.s32 $0x1BF5;
	[smem:$0x3FB9] =	sst s0  }
0x18: {  	s0 =	sld [smem:$0x3F9C];
	_ =	swait.ge [sflag:s4], $0x0  }
0x19: {  	s7 =	sld [smem:$0x3F9D]  }
0x1a: {  	s8 =	sadd.s32 $0xFFFFE003, lr  }
0x1b: {  	s9 =	sadd.s32 $0xFFFFFEF7, lr;
	s5 =	simm.s32 $0xFFFFFFFF;
	p2 =	slt.u32 s8, $0xFFFFF086  }
0x1c: {  	p1 =	slt.u32 s9, $0xF7A;
	s5 =	simm.s32 @!p2 $0x0  }
0x1d: {  	s5 =	simm.s32 @p1 $0x1;
	p0 =	seq.s32 s7, s2  }
0x1e: {  	s7 =	smul.u32 @!p0 $0xF7A, s2;
	p2 =	seq.s32 @!p0 s5, $0x0  }
0x1f: {  	s9 =	smul.u32 $0xF7A, s1;
	s8 =	simm.s32 @!p0 $0x1BF5;
	p2 =	por !p2, p0  }
0x20: {  	[sflag:s8] =	ssyncset.s32 @!p0 $0xFFFFF086;
	s6 =	sadd.s32 @!p0 s3, s7;
	s7 =	simm.s32 @!p0 $0x108  }
0x21: {  	s3 =	sadd.s32 s3, s9;
	s6 =	sadd.s32 @!p0 $0x88, s6;
	s7 =	simm.s32 @p2 $0x1082  }
0x22: {  	[simem:s7], [sflag:s8] =	dma.local @!p0 [hbm:s6], $0xF7A  }
0x23: {  	s9 =	sor.u32 $0xD0000000, s2;
	s6 =	simm.s32 $0x108;
	_ =	swait.ge @!p0 [sflag:s8], $0x0  }
0x24: {  	s3 =	sadd.s32 $0x88, s3;
	s6 =	simm.s32 @!p1 $0x1082;
	[sflag:s4] =	ssyncset.s32 $0xFFFFF086  }
0x25: {  	[simem:s6], [sflag:s4] =	dma.local [hbm:s3], $0xF7A  }
0x26: {  	[smem:$0x3F9D] =	sst s1;
	(tag) =	ssettag s2;
	_ =	strace s9  }
0x27: {  	s1 =	sld [smem:$0x3FAD]  }
0x28: {  	s2 =	sld [smem:$0x3FAE]  }
0x29: {  	s4 =	sld [smem:$0x3FB0]  }
0x2a: {  	p0 =	seq.s32 s5, $0x0;
	s5 =	sld [smem:$0x3FB1]  }
0x2b: {  	s6 =	sld [smem:$0x3FB2]  }
0x2c: {  	s7 =	sld [smem:$0x3FB3]  }
0x2d: {  	s3 =	simm.s32 $0x108;
	s8 =	sld [smem:$0x3FB4]  }
0x2e: {  	s3 =	simm.s32 @!p0 $0x1082;
	s9 =	sld [smem:$0x3FB5]  }
0x2f: {  	lr =	sadd.s32 s0, s3;
	s0 =	sld [smem:$0x3FAC]  }
0x30: {  	s3 =	sld [smem:$0x3FAF]  }
0x31: {  	[smem:$0x3FB8] =	sst s10  }
0x32: {  	s10 =	sld [smem:$0x3FB6];
	_ =	sdelay $0x3  }
0x33: {  	p0 =	seq.s32 s10, $0x1;
	s10 =	sld [smem:$0x3FB8];
	_ =	sdelay $0x3  }
0x34: {  	[smem:$0x3FB8] =	sst s10  }
0x35: {  	s10 =	sld [smem:$0x3FB7];
	_ =	sdelay $0x3  }
0x36: {  	p1 =	seq.s32 s10, $0x1;
	s10 =	sld [smem:$0x3FB8];
	_ =	sdelay $0x3  }
0x37: {  	[smem:$0x3FB8] =	sst s10  }
0x38: {  	s10 =	sld [smem:$0x3FB9]  }
0x39: {  	_ = 	snop;
	(pc) =	sbr.ind lr, $3  }
0x3a: {  	_ = 	snop  }
0x3b: {  	_ = 	snop  }
0x3c: {  	p2 =	seq.s32 s10, $0x1;
	s10 =	sld [smem:$0x3FB8]  }
0x3d: {  	_ =	shalt  }
0x3e: {  	_ =	shalt  }
0x3f: {  	_ =	shalt  }
0x40: {  	_ =	shalt  }
0x41: {  	_ =	shalt  }
0x42: {  	_ =	shalt  }
0x43: {  	_ =	shalt  }
0x44: {  	_ =	shalt  }
0x45: {  	_ =	shalt  }
0x46: {  	_ =	shalt  }
0x47: {  	_ =	shalt  }
0x48: {  	_ =	shalt  }
0x49: {  	_ =	shalt  }
0x4a: {  	_ =	shalt  }
0x4b: {  	_ =	shalt  }
0x4c: {  	_ =	shalt  }
0x4d: {  	_ =	shalt  }
0x4e: {  	_ =	shalt  }
0x4f: {  	_ =	shalt  }
0x50: {  	_ =	shalt  }
0x51: {  	_ =	shalt  }
0x52: {  	_ =	shalt  }
0x53: {  	_ =	shalt  }
0x54: {  	_ =	shalt  }
0x55: {  	_ =	shalt  }
0x56: {  	_ =	shalt  }
0x57: {  	_ =	shalt  }
0x58: {  	_ =	shalt  }
0x59: {  	_ =	shalt  }
0x5a: {  	_ =	shalt  }
0x5b: {  	_ =	shalt  }
0x5c: {  	_ =	shalt  }
0x5d: {  	_ =	shalt  }
0x5e: {  	_ =	shalt  }
0x5f: {  	_ =	shalt  }
0x60: {  	_ =	shalt  }
0x61: {  	_ =	shalt  }
0x62: {  	_ =	shalt  }
0x63: {  	_ =	shalt  }
0x64: {  	_ =	shalt  }
0x65: {  	_ =	shalt  }
0x66: {  	_ =	shalt  }
0x67: {  	_ =	shalt  }
0x68: {  	_ =	shalt  }
0x69: {  	_ =	shalt  }
0x6a: {  	_ =	shalt  }
0x6b: {  	_ =	shalt  }
0x6c: {  	_ =	shalt  }
0x6d: {  	_ =	shalt  }
0x6e: {  	_ =	shalt  }
0x6f: {  	_ =	shalt  }
0x70: {  	_ =	shalt  }
0x71: {  	_ =	shalt  }
0x72: {  	_ =	shalt  }
0x73: {  	_ =	shalt  }
0x74: {  	_ =	shalt  }
0x75: {  	_ =	shalt  }
0x76: {  	_ =	shalt  }
0x77: {  	_ =	shalt  }
0x78: {  	_ =	shalt  }
0x79: {  	_ =	shalt  }
0x7a: {  	_ =	shalt  }
0x7b: {  	_ =	shalt  }
0x7c: {  	_ =	shalt  }
0x7d: {  	_ =	shalt  }
0x7e: {  	_ =	shalt  }
0x7f: {  	_ =	shalt  }
0x80: {  	_ =	shalt  }
0x81: {  	_ =	shalt  }
0x82: {  	_ =	shalt  }
0x83: {  	_ =	shalt  }
0x84: {  	_ =	shalt  }
0x85: {  	_ =	shalt  }
0x86: {  	_ =	shalt  }
0x87: {  	_ =	shalt  }
.Lfunc_end0:
.L_simem_size_0:
called_computation_lowered:
.L_overlay_start_0:
0x88: {  	s2 =	sld [smem:$0x3FD9]  }
0x89: {  	s3 =	sld [smem:$0x3FFE];
	_ =	sdelay $0x1  }
0x8a: {  	s1 =	srdreg.scid  }
0x8b: {  	s0 =	sand.u32 $0x1, s1  }
0x8c: {  	s17 =	sshll.u32 s0, $0xA;
	s2 =	sadd.s32 s3, s2  }
0x8d: {  	s2 =	sadd.s32 s2, s17  }
0x8e: {  	[smem:$0x3FC4] =	sst s2  }
0x8f: {  	_ = 	snop  }
0x90: {  	s2 =	sld [smem:$0x3FD0];
	(tm) =	ssettm $0x1  }
0x91: {  	s18 =	sld [smem:$0x3FFB];
	_ =	sdelay $0x3  }
0x92: {  	_ =	strace s18  }
0x93: {  	s3 =	sld [smem:$0x3FFC];
	_ =	sdelay $0x3  }
0x94: {  	_ =	strace s3  }
0x95: {  	s3 =	sld [smem:$0x3FFD];
	_ =	sdelay $0x3  }
0x96: {  	_ =	strace s3  }
0x97: {  	_ =	strace $0x8FFFFFFF  }
0x98: {  	s19 =	sld [smem:$0x3FDB];
	_ =	sdelay $0x1  }
0x99: {  	s4 =	simm.s32 $_scs_section_size  }
0x9a: {  	s5 =	simm.s32 $_size__tile_overlayer_lowered;
	s6 =	simm.s32 $_tile_overlayer_lowered  }
0x9b: {  	s22 =	simm.s32 $0x1BFF;
	s21 =	sshll.u32 s6, $0x1;
	s3 =	sadd.s32 s4, s19  }
0x9c: {  	s7 =	simm.s32 $0x0;
	s20 =	sshll.u32 s5, $0x1;
	s5 =	sadd.s32 s21, s3  }
0x9d: {  	[timem:s7], [sflag:s22] =	dma.local [hbm:s5], s20  }
0x9e: {  	_ =	swait.ge [sflag:s22], s20  }
0x9f: {  	s4 =	ssub.s32 $0x0, s20;
	[sflag:s22] =	ssyncset.done $0x0  }
0xa0: {  	[sflag:s22] =	ssyncadd.s32 s4;
	_ =	sdelay $0x1  }
0xa1: {  	s23 =	simm.s32 $0x1B8B  }
0xa2: {  	_ =	swait.ge [sflag:s23], $0x1  }
0xa3: {  	[sflag:s23] =	ssyncset.done $0x0  }
0xa4: {  	s25 =	simm.s32 $0x1B8E;
	s24 =	sld [smem:$0x3FFE];
	[sflag:s23] =	ssyncadd.s32 $0xFFFFFFFF  }
0xa5: {  	s26 =	simm.s32 $execute0_lowered;
	[smem:$0x3FD2] =	sst s25  }
0xa6: {  	s5 =	sshll.u32 s26, $0x1;
	_ =	strace $0x80000046;
	[dreg:$0x1] =	wrdreg $0xFFFFFFFF  }
0xa7: {  	s28 =	simm.s32 $_size_execute0_lowered;
	s3 =	sadd.s32 s3, s5;
	[dreg:$0x0] =	wrdreg $0x0  }
0xa8: {  	s5 =	sshll.u32 s28, $0x1;
	[dreg:$0x2] =	wrdreg s3  }
0xa9: {  	[dreg:$0x3] =	wrdreg s5  }
0xaa: {  	[dreg:$0x4] =	wrdreg $0xC0  }
0xab: {  	_ =	task [dreg:s7], $0x5FFFF  }
0xac: {  	[dreg:$0x1] =	wrdreg $0xFFFFFFFF  }
0xad: {  	[dreg:$0x0] =	wrdreg $0x60  }
0xae: {  	[dreg:$0x2] =	wrdreg s24  }
0xaf: {  	[dreg:$0x3] =	wrdreg s2  }
0xb0: {  	[dreg:$0x4] =	wrdreg $0x9  }
0xb1: {  	_ =	task.clear_ibuf [dreg:s7], $0x5FFFF;
	_ =	strace $0x90000046  }
0xb2: {  	s29 =	simm.s32 $0x9;
	_ =	strace $0x80000048  }
0xb3: {  	_ =	swait.ge [sflag:s29], $0x1  }
0xb4: {  	[sflag:s29] =	ssyncadd.s32 $0xFFFFFFFF  }
0xb5: {  	_ =	strace $0x90000048  }
0xb6: {  	_ =	sfence  }
0xb7: {  	s30 =	sld [smem:$0x0];
	_ =	sdelay $0x2  }
0xb8: {  	s31 =	sshll.u32 s1, $0xD;
	s1 =	sshrl.u32 s1, $0x2  }
0xb9: {  	s3 =	sand.u32 $0x4000, s31;
	s1 =	sadd.s32 s1, s30  }
0xba: {  	s0 =	sor.u32 s3, s0;
	s1 =	sshll.u32 s1, $0x11  }
0xbb: {  	s0 =	sor.u32 s1, s0  }
0xbc: {  	s0 =	sadd.s32 $0x8F2B, s0  }
0xbd: {  	[sflag:s0] =	ssyncadd.remote.s32 $0x1  }
0xbe: {  	_ =	sfence.sel $0xFFFF  }
0xbf: {  	[dreg:$0x0] =	wrdreg $0xFFFFFFFF;
	(pc) =	sbr.abs _section_cstart, $3  }
0xc0: {  	[dreg:$0x1] =	wrdreg $0xFFFFFFFF  }
0xc1: {  	_ =	task.clear_ibuf [dreg:s7], $0x2FFFF;
	_ =	strace $0x9FFFFFFF  }
0xc2: {  	(tm) =	ssettm $0x7FFFFFFF  }
0xc3: {  	_ =	shalt  }
tec
execute0_lowered:
.L_overlay_start_1:
0x0: {  	(tag) =	ssettag $0x1  }
0x1: {  	v0 =	vimm.s32 $0xFEDCBA9;
	v1 =	vimm.s32 $0x87654321;
	v4 =	vimm.s32 $0x3210FEDC  }
0x2: {  	v5 =	vimm.s32 $0xBA987654;
	v7 =	vimm.s32 $0xDCBA9876;
	v8 =	vimm.s32 $0x52741630  }
0x3: {  	v9 =	vimm.s32 $0x6543210F;
	v10 =	vimm.s32 $0xEDCBA987;
	v12 =	vimm.s32 $0x63052741  }
0x4: {  	v13 =	vimm.s32 $0xFEDCBA98;
	v27 =	vimm.s32 $0x76543210;
	v28 =	vimm.s32 $0x74163052  }
0x5: {  	v0 =	vunpack.c.l.s4.s8 v0;
	v1 =	vunpack.c.l.s4.s8 v1;
	v4 =	vunpack.c.l.s4.s8 v4  }
0x6: {  	v7 =	vunpack.c.l.s4.s8 v7;
	v11 =	vunpack.c.l.s4.s8 v9;
	v10 =	vunpack.c.l.s4.s8 v10  }
0x7: {  	v12 =	vunpack.c.l.s4.s8 v12;
	v13 =	vunpack.c.l.s4.s8 v13;
	v27 =	vunpack.c.l.s4.s8 v27  }
0x8: {  	v28 =	vunpack.c.l.s4.s8 v28;
	v14 =	vunpack.c.0.s8.s32 v0;
	v15 =	vunpack.c.0.s8.s32 v1  }
0x9: {  	v0 =	vimm.s32 $0x10FEDCBA;
	v1 =	vimm.s32 $0x98765432;
	v20 =	vunpack.c.0.s8.s32 v4  }
0xa: {  	v26 =	vunpack.c.0.s8.s32 v7;
	v7 =	vunpack.c.l.s4.s8 v8;
	v11 =	vunpack.c.0.s8.s32 v11  }
0xb: {  	v10 =	vunpack.c.0.s8.s32 v10;
	v29 =	vunpack.c.0.s8.s32 v13;
	v27 =	vunpack.c.0.s8.s32 v27  }
0xc: {  	v13 =	vunpack.c.0.s8.s32 v28;
	v2 =	vunpack.c.l.s4.s8 v0;
	v0 =	vlaneseq.u32  }
0xd: {  	v1 =	vunpack.c.l.s4.s8 v1;
	v3 =	vcombine.low v15, v14;
	v25 =	vmul.u32 $0x3, v0  }
0xe: {  	v7 =	vunpack.c.0.s8.s32 v7;
	v11 =	vcombine.low v10, v11;
	v10 =	vunpack.c.0.s8.s32 v12  }
0xf: {  	v60 =	vand.u32 $0xF, v29;
	v61 =	vcombine.low v14, v15;
	v16 =	vunpack.c.0.s8.s32 v2  }
0x10: {  	v17 =	vunpack.c.0.s8.s32 v1;
	v1 =	vimm.s32 $0x210FEDCB;
	v2 =	vimm.s32 $0xA9876543  }
0x11: {  	v14 =	vcombine.low v60, v27;
	v1 =	vunpack.c.l.s4.s8 v1;
	v2 =	vunpack.c.l.s4.s8 v2  }
0x12: {  	v9 =	vadd.s32 $0x961, v25;
	v11 =	vand.u32 $0xF, v11;
	v12 =	vadd.s32 $0x962, v25  }
0x13: {  	v15 =	vor.u32 $0x12C0, v25;
	v6 =	vcombine.low v17, v16;
	v27 =	vcombine.low v16, v17  }
0x14: {  	v16 =	vand.u32 $0xF, v61;
	v17 =	vadd.s32 $0x12C1, v25;
	v18 =	vunpack.c.0.s8.s32 v1  }
0x15: {  	v1 =	vunpack.c.l.s4.s8 v5;
	v19 =	vunpack.c.0.s8.s32 v2;
	v2 =	vimm.s32 $0x43210FED  }
0x16: {  	v5 =	vimm.s32 $0xCBA98765;
	v4 =	vunpack.c.l.s4.s8 v2;
	v2 =	vand.u32 $0xF, v6  }
0x17: {  	s6 =	rddreg [dreg:$0x0];
	v21 =	vunpack.c.0.s8.s32 v1;
	v1 =	vand.u32 $0xF, v3;
	v3 =	vunpack.c.l.s4.s8 v5  }
0x18: {  	s1 =	rddreg [dreg:$0x1];
	v5 =	vcombine.low v19, v18;
	v62 =	vcombine.low v18, v19;
	v18 =	vand.u32 $0xF, v27  }
0x19: {  	s0 =	rddreg [dreg:$0x2];
	s2 =	simm.s32 $0x0;
	s3 =	srdreg.scid;
	v22 =	vunpack.c.0.s8.s32 v4;
	v4 =	vimm.s32 $0x543210FE;
	v6 =	vcombine.low v21, v20  }
0x1a: {  	s4 =	stileid.u32;
	s9 =	simm.s32 $0x2;
	s10 =	simm.s32 $0x960;
	v23 =	vunpack.c.0.s8.s32 v3;
	v3 =	vand.u32 $0xF, v5;
	v5 =	vunpack.c.l.s4.s8 v4  }
0x1b: {  	s11 =	simm.s32 $0x12C0;
	s12 =	simm.s32 $0x1C20;
	s13 =	simm.s32 $0x2580;
	v19 =	vadd.s32 $0x12C2, v25;
	v27 =	vcombine.low v20, v21;
	v20 =	vand.u32 $0xF, v62  }
.Ltmp0:
0x1c: {  	s14 =	simm.s32 $0x2EE0;
	s3 =	sand.u32 $0x1, s3;
	v21 =	vadd.s32 $0x1C20, v25;
	v4 =	vand.u32 $0xF, v6;
	v24 =	vunpack.c.0.s8.s32 v5;
	(pc) =	sbr.rel .LBB2_1-.Ltmp0, $4  }
0x1d: {  	s15 =	simm.s32 $0x1;
	s16 =	simm.s32 $0x0;
	s7 =	ssub.s32 $0x2, s3;
	v6 =	vcombine.low v23, v22;
	v63 =	vcombine.low v22, v23;
	v22 =	vand.u32 $0xF, v27  }
0x1e: {  	s21 =	simm.s32 $0x0;
	[smem:$0x7FF] =	sst s2;
	s8 =	sshrl.u32 s7, $0x1;
	v23 =	vadd.s32 $0x1C21, v25;
	v8 =	vcombine.low v26, v24;
	v26 =	vcombine.low v24, v26  }
0x1f: {  	s5 =	sadd.s32 $0x61B200, s6;
	s6 =	sadd.s32 $0xA00, s6;
	s8 =	ssub.s32 s7, s8;
	v5 =	vand.u32 $0xF, v6;
	v6 =	vadd.s32 $0x960, v25;
	v24 =	vand.u32 $0xF, v63  }
0x20: {  	_ =	strace $0x80000047;
	s7 =	sshll.u32 s4, $0x1;
	s8 =	smax.u32 s8, $0x1;
	v25 =	vadd.s32 $0x1C22, v25;
	v8 =	vand.u32 $0xF, v8;
	v26 =	vand.u32 $0xF, v26  }
.LBB2_7:
0x21: {  	s16 =	sadd.s32 $0x1, s16  }
0x22: {  	p0 =	sne.s32 s16, s8  }
.Ltmp1:
0x23: {  	_ = 	snop;
	(pc) =	sbr.rel @!p0 .LBB2_8-.Ltmp1, $1  }
0x24: {  	_ =	sdelay $0x3  }
.LBB2_1:
.Ltmp2:
0x25: {  	(pc) =	sbr.rel .LBB2_2-.Ltmp2, $2  }
0x26: {  	_ =	sdelay $0x2  }
0x27: {  	s17 =	simm.s32 $0x0  }
.LBB2_6:
0x28: {  	s17 =	sadd.s32 $0x1, s17  }
0x29: {  	p0 =	sne.s32 s17, $0x4  }
.Ltmp3:
0x2a: {  	_ = 	snop;
	(pc) =	sbr.rel @!p0 .LBB2_7-.Ltmp3, $1  }
0x2b: {  	_ =	sdelay $0x3  }
.LBB2_2:
0x2c: {  	s18 =	sshll.u32 s17, $0x5  }
0x2d: {  	s18 =	sor.u32 s18, s7  }
0x2e: {  	s18 =	sor.u32 s3, s18  }
0x2f: {  	p0 =	sgt.u32 s18, $0x7C  }
.Ltmp4:
0x30: {  	_ = 	snop;
	(pc) =	sbr.rel @p0 .LBB2_6-.Ltmp4, $1  }
0x31: {  	_ =	sdelay $0x3  }
0x32: {  	s19 =	smul.u32 $0x12C, s18;
	_ =	sdelay $0x1  }
0x33: {  	s20 =	sadd.s32 s6, s19  }
0x34: {  	[tilespmem:s21], [sflag:$0x2] =	stream.linear.gather [hbm4b:s20+s21], $0x960, $0x38;
	[tilespmem:$0x60E0] =	vst v63  }
0x35: {  	_ =	swait.ge [sflag:s9], $0x960  }
0x36: {  	[sflag:s9] =	ssyncset.done $0x0  }
0x37: {  	s28 =	smul.u32 $0x960, s18;
	s19 =	sadd.s32 s5, s19;
	[sflag:s9] =	ssyncadd.s32 $0xFFFFF6A0  }
0x38: {  	[tilespmem:s10], [sflag:$0x2] =	stream.linear.gather [hbm4b:s19+s21], $0x960, $0x38;
	[tilespmem:$0x60E0] =	vst v63  }
0x39: {  	s29 =	sshrl.u32 s28, $0x3;
	_ =	swait.ge [sflag:s9], $0x960  }
0x3a: {  	s19 =	sadd.s32 s5, s29;
	[sflag:s9] =	ssyncset.done $0x0  }
0x3b: {  	s30 =	sadd.s32 $0x927C, s19;
	[sflag:s9] =	ssyncadd.s32 $0xFFFFF6A0  }
0x3c: {  	[tilespmem:s11], [sflag:$0x2] =	stream.linear.gather [hbm4b:s30+s21], $0x960, $0x38;
	[tilespmem:$0x60E0] =	vst v63  }
0x3d: {  	_ =	swait.ge [sflag:s9], $0x960  }
0x3e: {  	[sflag:s9] =	ssyncset.done $0x0  }
0x3f: {  	s31 =	sadd.s32 $0x124F8, s19;
	[sflag:s9] =	ssyncadd.s32 $0xFFFFF6A0  }
0x40: {  	[tilespmem:s12], [sflag:$0x2] =	stream.linear.gather [hbm4b:s31+s21], $0x960, $0x38;
	[tilespmem:$0x60E0] =	vst v63  }
0x41: {  	v27 =	vor.u32 s21, v0;
	_ =	swait.ge [sflag:s9], $0x960  }
0x42: {  	v28 =	vmul.u32 $0x3, v27;
	[sflag:s9] =	ssyncset.done $0x0  }
0x43: {  	s19 =	sadd.s32 $0x1B774, s19;
	[sflag:s9] =	ssyncadd.s32 $0xFFFFF6A0  }
0x44: {  	[tilespmem:s13], [sflag:$0x2] =	stream.linear.gather [hbm4b:s19+s21], $0x960, $0x38;
	[tilespmem:$0x60E0] =	vst v63  }
0x45: {  	_ =	swait.ge [sflag:s9], $0x960  }
0x46: {  	[sflag:s9] =	ssyncset.done $0x0  }
0x47: {  	v27 =	vshll.u32 v27, $0x4;
	[sflag:s9] =	ssyncadd.s32 $0xFFFFF6A0  }
0x48: {  	v30 =	vor.u32 v0, v27;
	v29 =	vld.idx.msk [tilespmem:v28+s2+$0x0], $0xffff  }
0x49: {  	v31 =	vadd.s32 $0x1, v28;
	_ =	sdelay $0x3  }
0x4a: {  	[tilespmem:v30+s14+$0x0] =	vst.idx.msk $0xffff, v29  }
0x4b: {  	v30 =	vor.u32 v1, v27;
	v29 =	vld.idx.msk [tilespmem:v31+s2+$0x0], $0xffff  }
0x4c: {  	v32 =	vadd.s32 $0x2, v28;
	_ =	sdelay $0x3  }
0x4d: {  	[tilespmem:v30+s14+$0x0] =	vst.idx.msk $0xffff, v29  }
0x4e: {  	v30 =	vor.u32 v2, v27;
	v29 =	vld.idx.msk [tilespmem:v32+s2+$0x0], $0xffff;
	_ =	sdelay $0x4  }
0x4f: {  	[tilespmem:v30+s14+$0x0] =	vst.idx.msk $0xffff, v29  }
0x50: {  	v29 =	vor.u32 v3, v27;
	v28 =	vld.idx.msk [tilespmem:v28+s10+$0x0], $0xffff;
	_ =	sdelay $0x4  }
0x51: {  	[tilespmem:v29+s14+$0x0] =	vst.idx.msk $0xffff, v28  }
0x52: {  	v29 =	vor.u32 v4, v27;
	v28 =	vld.idx.msk [tilespmem:v31+s10+$0x0], $0xffff;
	_ =	sdelay $0x1  }
0x53: {  	v30 =	vmov s21  }
0x54: {  	v30 =	vmul.u32 $0x3, v30;
	_ =	sdelay $0x1  }
0x55: {  	[tilespmem:v29+s14+$0x0] =	vst.idx.msk $0xffff, v28;
	v28 =	vadd.s32 v6, v30  }
0x56: {  	v31 =	vor.u32 v5, v27;
	v29 =	vld.idx.msk [tilespmem:v32+s10+$0x0], $0xffff;
	v28 =	vand.u32 $0x1FF8, v28  }
0x57: {  	v28 =	vor.u32 v7, v28;
	_ =	sdelay $0x3  }
0x58: {  	[tilespmem:v31+s14+$0x0] =	vst.idx.msk $0xffff, v29;
	v29 =	vadd.s32 v9, v30  }
0x59: {  	v31 =	vor.u32 v8, v27;
	v28 =	vld.idx.msk [tilespmem:v28+s10+$0x0], $0xffff;
	v29 =	vand.u32 $0x1FF8, v29  }
0x5a: {  	v29 =	vor.u32 v10, v29;
	_ =	sdelay $0x3  }
0x5b: {  	[tilespmem:v31+s14+$0x0] =	vst.idx.msk $0xffff, v28;
	v28 =	vadd.s32 v12, v30  }
0x5c: {  	v31 =	vor.u32 v11, v27;
	v29 =	vld.idx.msk [tilespmem:v29+s10+$0x0], $0xffff;
	v28 =	vand.u32 $0x1FF8, v28  }
0x5d: {  	v28 =	vor.u32 v13, v28;
	_ =	sdelay $0x3  }
0x5e: {  	[tilespmem:v31+s14+$0x0] =	vst.idx.msk $0xffff, v29;
	v29 =	vadd.s32 v15, v30  }
0x5f: {  	v31 =	vor.u32 v14, v27;
	v28 =	vld.idx.msk [tilespmem:v28+s10+$0x0], $0xffff;
	v29 =	vand.u32 $0x3FF8, v29  }
0x60: {  	v29 =	vor.u32 v7, v29;
	_ =	sdelay $0x3  }
0x61: {  	[tilespmem:v31+s14+$0x0] =	vst.idx.msk $0xffff, v28;
	v28 =	vadd.s32 v17, v30  }
0x62: {  	v31 =	vor.u32 v16, v27;
	v29 =	vld.idx.msk [tilespmem:v29+s10+$0x0], $0xffff;
	v28 =	vand.u32 $0x3FF8, v28  }
0x63: {  	v28 =	vor.u32 v10, v28;
	_ =	sdelay $0x3  }
0x64: {  	[tilespmem:v31+s14+$0x0] =	vst.idx.msk $0xffff, v29;
	v29 =	vadd.s32 v19, v30  }
0x65: {  	v31 =	vor.u32 v18, v27;
	v28 =	vld.idx.msk [tilespmem:v28+s10+$0x0], $0xffff;
	v29 =	vand.u32 $0x3FF8, v29  }
0x66: {  	v29 =	vor.u32 v13, v29;
	_ =	sdelay $0x3  }
0x67: {  	[tilespmem:v31+s14+$0x0] =	vst.idx.msk $0xffff, v28;
	v28 =	vadd.s32 v21, v30  }
0x68: {  	v31 =	vor.u32 v20, v27;
	v29 =	vld.idx.msk [tilespmem:v29+s10+$0x0], $0xffff;
	v28 =	vand.u32 $0x3FF8, v28  }
0x69: {  	v28 =	vor.u32 v7, v28;
	_ =	sdelay $0x3  }
0x6a: {  	[tilespmem:v31+s14+$0x0] =	vst.idx.msk $0xffff, v29;
	v29 =	vadd.s32 v23, v30  }
0x6b: {  	v31 =	vor.u32 v22, v27;
	v28 =	vld.idx.msk [tilespmem:v28+s10+$0x0], $0xffff;
	v29 =	vand.u32 $0x3FF8, v29  }
0x6c: {  	v29 =	vor.u32 v10, v29;
	_ =	sdelay $0x3  }
0x6d: {  	[tilespmem:v31+s14+$0x0] =	vst.idx.msk $0xffff, v28;
	v28 =	vadd.s32 v25, v30  }
0x6e: {  	v30 =	vor.u32 v24, v27;
	v29 =	vld.idx.msk [tilespmem:v29+s10+$0x0], $0xffff;
	v28 =	vand.u32 $0x3FF8, v28  }
0x6f: {  	v31 =	vor.u32 v13, v28;
	_ =	sdelay $0x3  }
0x70: {  	s19 =	simm.s32 $0x10;
	[tilespmem:v30+s14+$0x0] =	vst.idx.msk $0xffff, v29  }
0x71: {  	s20 =	simm.s32 $0x20;
	v28 =	vor.u32 s19, v0;
	v29 =	vld.idx.msk [tilespmem:v31+s10+$0x0], $0xffff  }
.LBB2_4:
0x72: {  	p0 =	sne.s32 s20, $0x310;
	v30 =	vmul.u32 $0x3, v28;
	v27 =	vor.u32 v26, v27;
	_ =	sdelay $0x4  }
0x73: {  	[tilespmem:v27+s14+$0x0] =	vst.idx.msk $0xffff, v29  }
0x74: {  	v27 =	vshll.u32 v28, $0x4;
	v29 =	vld.idx.msk [tilespmem:v30+s2+$0x0], $0xffff  }
0x75: {  	v28 =	vor.u32 v0, v27  }
0x76: {  	v31 =	vadd.s32 $0x1, v30;
	_ =	sdelay $0x3  }
0x77: {  	[tilespmem:v28+s14+$0x0] =	vst.idx.msk $0xffff, v29  }
0x78: {  	v28 =	vld.idx.msk [tilespmem:v31+s2+$0x0], $0xffff  }
0x79: {  	v29 =	vor.u32 v1, v27  }
0x7a: {  	v32 =	vadd.s32 $0x2, v30;
	_ =	sdelay $0x3  }
0x7b: {  	[tilespmem:v29+s14+$0x0] =	vst.idx.msk $0xffff, v28  }
0x7c: {  	v28 =	vld.idx.msk [tilespmem:v32+s2+$0x0], $0xffff  }
0x7d: {  	v29 =	vor.u32 v2, v27;
	_ =	sdelay $0x4  }
0x7e: {  	[tilespmem:v29+s14+$0x0] =	vst.idx.msk $0xffff, v28  }
0x7f: {  	v28 =	vld.idx.msk [tilespmem:v30+s10+$0x0], $0xffff  }
0x80: {  	v29 =	vor.u32 v3, v27;
	_ =	sdelay $0x4  }
0x81: {  	[tilespmem:v29+s14+$0x0] =	vst.idx.msk $0xffff, v28  }
0x82: {  	v28 =	vld.idx.msk [tilespmem:v31+s10+$0x0], $0xffff  }
0x83: {  	v29 =	vor.u32 v4, v27;
	_ =	sdelay $0x2  }
0x84: {  	v30 =	vmov s19;
	s19 =	smov.u32 s20  }
0x85: {  	v30 =	vmul.u32 $0x3, v30  }
0x86: {  	[tilespmem:v29+s14+$0x0] =	vst.idx.msk $0xffff, v28  }
0x87: {  	v29 =	vadd.s32 v6, v30;
	v28 =	vld.idx.msk [tilespmem:v32+s10+$0x0], $0xffff  }
0x88: {  	v31 =	vor.u32 v5, v27;
	v29 =	vand.u32 $0x1FF8, v29  }
0x89: {  	v29 =	vor.u32 v7, v29;
	_ =	sdelay $0x3  }
0x8a: {  	[tilespmem:v31+s14+$0x0] =	vst.idx.msk $0xffff, v28  }
0x8b: {  	v28 =	vld.idx.msk [tilespmem:v29+s10+$0x0], $0xffff;
	v29 =	vadd.s32 v9, v30  }
0x8c: {  	v31 =	vor.u32 v8, v27;
	v29 =	vand.u32 $0x1FF8, v29  }
0x8d: {  	v29 =	vor.u32 v10, v29;
	_ =	sdelay $0x3  }
0x8e: {  	[tilespmem:v31+s14+$0x0] =	vst.idx.msk $0xffff, v28  }
0x8f: {  	v28 =	vld.idx.msk [tilespmem:v29+s10+$0x0], $0xffff;
	v29 =	vadd.s32 v12, v30  }
0x90: {  	v31 =	vor.u32 v11, v27;
	v29 =	vand.u32 $0x1FF8, v29  }
0x91: {  	v29 =	vor.u32 v13, v29;
	_ =	sdelay $0x3  }
0x92: {  	[tilespmem:v31+s14+$0x0] =	vst.idx.msk $0xffff, v28  }
0x93: {  	v28 =	vld.idx.msk [tilespmem:v29+s10+$0x0], $0xffff;
	v29 =	vadd.s32 v15, v30  }
0x94: {  	v31 =	vor.u32 v14, v27;
	v29 =	vand.u32 $0x3FF8, v29  }
0x95: {  	v29 =	vor.u32 v7, v29;
	_ =	sdelay $0x3  }
0x96: {  	[tilespmem:v31+s14+$0x0] =	vst.idx.msk $0xffff, v28  }
0x97: {  	v28 =	vld.idx.msk [tilespmem:v29+s10+$0x0], $0xffff;
	v29 =	vadd.s32 v17, v30  }
0x98: {  	v31 =	vor.u32 v16, v27;
	v29 =	vand.u32 $0x3FF8, v29  }
0x99: {  	v29 =	vor.u32 v10, v29;
	_ =	sdelay $0x3  }
0x9a: {  	[tilespmem:v31+s14+$0x0] =	vst.idx.msk $0xffff, v28  }
0x9b: {  	v28 =	vld.idx.msk [tilespmem:v29+s10+$0x0], $0xffff;
	v29 =	vadd.s32 v19, v30  }
0x9c: {  	v31 =	vor.u32 v18, v27;
	v29 =	vand.u32 $0x3FF8, v29  }
0x9d: {  	v29 =	vor.u32 v13, v29;
	_ =	sdelay $0x3  }
0x9e: {  	[tilespmem:v31+s14+$0x0] =	vst.idx.msk $0xffff, v28  }
0x9f: {  	v28 =	vld.idx.msk [tilespmem:v29+s10+$0x0], $0xffff;
	v29 =	vadd.s32 v21, v30  }
0xa0: {  	v31 =	vor.u32 v20, v27;
	v29 =	vand.u32 $0x3FF8, v29  }
0xa1: {  	v29 =	vor.u32 v7, v29;
	_ =	sdelay $0x3  }
0xa2: {  	[tilespmem:v31+s14+$0x0] =	vst.idx.msk $0xffff, v28  }
0xa3: {  	v28 =	vld.idx.msk [tilespmem:v29+s10+$0x0], $0xffff;
	v29 =	vadd.s32 v23, v30  }
0xa4: {  	v31 =	vor.u32 v22, v27;
	v29 =	vand.u32 $0x3FF8, v29  }
0xa5: {  	v29 =	vor.u32 v10, v29;
	_ =	sdelay $0x3  }
0xa6: {  	[tilespmem:v31+s14+$0x0] =	vst.idx.msk $0xffff, v28  }
0xa7: {  	v28 =	vld.idx.msk [tilespmem:v29+s10+$0x0], $0xffff;
	v29 =	vadd.s32 v25, v30  }
0xa8: {  	v30 =	vor.u32 v24, v27;
	v29 =	vand.u32 $0x3FF8, v29  }
0xa9: {  	v29 =	vor.u32 v13, v29  }
.Ltmp5:
0xaa: {  	(pc) =	sbr.rel @p0 .LBB2_4-.Ltmp5, $3  }
0xab: {  	_ =	sdelay $0x1  }
0xac: {  	[tilespmem:v30+s14+$0x0] =	vst.idx.msk $0xffff, v28  }
0xad: {  	s20 =	sadd.s32 $0x10, s20;
	v28 =	vor.u32 s19, v0;
	v29 =	vld.idx.msk [tilespmem:v29+s10+$0x0], $0xffff  }
0xae: {  	v30 =	vmul.u32 $0x3, v28;
	v27 =	vor.u32 v26, v27;
	_ =	sdelay $0x4  }
0xaf: {  	[tilespmem:v27+s14+$0x0] =	vst.idx.msk $0xffff, v29;
	v27 =	vshll.u32 v28, $0x4  }
0xb0: {  	v39 =	vld.idx.msk [tilespmem:v30+s2+$0x0], $0xffff;
	v40 =	vor.u32 v0, v27  }
0xb1: {  	v31 =	vadd.s32 $0x1, v30;
	_ =	sdelay $0x3  }
0xb2: {  	[tilespmem:v40+s14+$0x0] =	vst.idx.msk $0xffff, v39  }
0xb3: {  	v41 =	vor.u32 v1, v27;
	v28 =	vld.idx.msk [tilespmem:v31+s2+$0x0], $0xffff  }
0xb4: {  	v32 =	vadd.s32 $0x2, v30;
	_ =	sdelay $0x3  }
0xb5: {  	[tilespmem:v41+s14+$0x0] =	vst.idx.msk $0xffff, v28  }
0xb6: {  	v42 =	vor.u32 v2, v27;
	v28 =	vld.idx.msk [tilespmem:v32+s2+$0x0], $0xffff;
	_ =	sdelay $0x4  }
0xb7: {  	[tilespmem:v42+s14+$0x0] =	vst.idx.msk $0xffff, v28  }
0xb8: {  	v43 =	vor.u32 v3, v27;
	v28 =	vld.idx.msk [tilespmem:v30+s10+$0x0], $0xffff;
	_ =	sdelay $0x4  }
0xb9: {  	[tilespmem:v43+s14+$0x0] =	vst.idx.msk $0xffff, v28  }
0xba: {  	v44 =	vor.u32 v4, v27;
	v28 =	vld.idx.msk [tilespmem:v31+s10+$0x0], $0xffff;
	_ =	sdelay $0x1  }
0xbb: {  	v45 =	vmov s19  }
0xbc: {  	v30 =	vmul.u32 $0x3, v45;
	_ =	sdelay $0x1  }
0xbd: {  	v46 =	vadd.s32 v6, v30;
	[tilespmem:v44+s14+$0x0] =	vst.idx.msk $0xffff, v28  }
0xbe: {  	v47 =	vor.u32 v5, v27;
	v28 =	vand.u32 $0x1FF8, v46;
	v29 =	vld.idx.msk [tilespmem:v32+s10+$0x0], $0xffff  }
0xbf: {  	v28 =	vor.u32 v7, v28;
	_ =	sdelay $0x3  }
0xc0: {  	v48 =	vadd.s32 v9, v30;
	[tilespmem:v47+s14+$0x0] =	vst.idx.msk $0xffff, v29  }
0xc1: {  	v49 =	vor.u32 v8, v27;
	v29 =	vand.u32 $0x1FF8, v48;
	v28 =	vld.idx.msk [tilespmem:v28+s10+$0x0], $0xffff  }
0xc2: {  	v29 =	vor.u32 v10, v29;
	_ =	sdelay $0x3  }
0xc3: {  	v50 =	vadd.s32 v12, v30;
	[tilespmem:v49+s14+$0x0] =	vst.idx.msk $0xffff, v28  }
0xc4: {  	v51 =	vor.u32 v11, v27;
	v28 =	vand.u32 $0x1FF8, v50;
	v29 =	vld.idx.msk [tilespmem:v29+s10+$0x0], $0xffff  }
0xc5: {  	v28 =	vor.u32 v13, v28;
	_ =	sdelay $0x3  }
0xc6: {  	v52 =	vadd.s32 v15, v30;
	[tilespmem:v51+s14+$0x0] =	vst.idx.msk $0xffff, v29  }
0xc7: {  	v53 =	vor.u32 v14, v27;
	v29 =	vand.u32 $0x3FF8, v52;
	v28 =	vld.idx.msk [tilespmem:v28+s10+$0x0], $0xffff  }
0xc8: {  	v29 =	vor.u32 v7, v29;
	_ =	sdelay $0x3  }
0xc9: {  	v54 =	vadd.s32 v17, v30;
	[tilespmem:v53+s14+$0x0] =	vst.idx.msk $0xffff, v28  }
0xca: {  	v55 =	vor.u32 v16, v27;
	v28 =	vand.u32 $0x3FF8, v54;
	v29 =	vld.idx.msk [tilespmem:v29+s10+$0x0], $0xffff  }
0xcb: {  	v28 =	vor.u32 v10, v28;
	_ =	sdelay $0x3  }
0xcc: {  	v56 =	vadd.s32 v19, v30;
	[tilespmem:v55+s14+$0x0] =	vst.idx.msk $0xffff, v29  }
0xcd: {  	v57 =	vor.u32 v18, v27;
	v29 =	vand.u32 $0x3FF8, v56;
	v28 =	vld.idx.msk [tilespmem:v28+s10+$0x0], $0xffff  }
0xce: {  	v29 =	vor.u32 v13, v29;
	_ =	sdelay $0x3  }
0xcf: {  	v58 =	vadd.s32 v21, v30;
	[tilespmem:v57+s14+$0x0] =	vst.idx.msk $0xffff, v28  }
0xd0: {  	v59 =	vor.u32 v20, v27;
	v28 =	vand.u32 $0x3FF8, v58;
	v29 =	vld.idx.msk [tilespmem:v29+s10+$0x0], $0xffff  }
0xd1: {  	v28 =	vor.u32 v7, v28;
	_ =	sdelay $0x3  }
0xd2: {  	v60 =	vadd.s32 v23, v30;
	[tilespmem:v59+s14+$0x0] =	vst.idx.msk $0xffff, v29  }
0xd3: {  	v61 =	vor.u32 v22, v27;
	v29 =	vand.u32 $0x3FF8, v60;
	v28 =	vld.idx.msk [tilespmem:v28+s10+$0x0], $0xffff  }
0xd4: {  	v29 =	vor.u32 v10, v29;
	_ =	sdelay $0x3  }
0xd5: {  	v62 =	vadd.s32 v25, v30;
	[tilespmem:v61+s14+$0x0] =	vst.idx.msk $0xffff, v28  }
0xd6: {  	v63 =	vor.u32 v24, v27;
	v28 =	vand.u32 $0x3FF8, v62;
	v29 =	vld.idx.msk [tilespmem:v29+s10+$0x0], $0xffff  }
0xd7: {  	v28 =	vor.u32 v13, v28;
	_ =	sdelay $0x3  }
0xd8: {  	[tilespmem:v63+s14+$0x0] =	vst.idx.msk $0xffff, v29  }
0xd9: {  	v27 =	vor.u32 v26, v27;
	v28 =	vld.idx.msk [tilespmem:v28+s10+$0x0], $0xffff;
	_ =	sdelay $0x2  }
0xda: {  	s18 =	smul.u32 $0x640, s18;
	_ =	sdelay $0x1  }
.Ltmp6:
0xdb: {  	s18 =	sadd.s32 s1, s18;
	[tilespmem:v27+s14+$0x0] =	vst.idx.msk $0xffff, v28;
	(pc) =	sbr.rel .LBB2_6-.Ltmp6, $4  }
0xdc: {  	[hbm4b:s18+s2] =	stream.linear.scatter [tilespmem:s14], [sflag:$0x1], $0x3200, $0x38;
	[tilespmem:$0x60E0] =	vst v63  }
0xdd: {  	_ =	swait.ge [sflag:s15], $0x3200  }
0xde: {  	[sflag:s15] =	ssyncset.done $0x0  }
0xdf: {  	[sflag:s15] =	ssyncadd.s32 $0xFFFFCE00  }
.LBB2_8:
0xe0: {  	_ =	sfence.sel $0x180000  }
0xe1: {  	[bflag:$0x0] =	sbarrier.arrive $0xFFFF  }
0xe2: {  	p0 =	sne.s32 s4, $0x0;
	_ =	strace $0x90000047  }
0xe3: {  	s0 =	sadd.s32 @!p0 $0x100000, s0;
	[bflag:$0x2] =	sbarrier.arrive $0xFFFF  }
0xe4: {  	[sflag:s0] =	ssyncadd.tile.s32 @!p0 $0x1;
	_ =	shalt  }
.Lfunc_end2:
_tile_overlayer_lowered:
.L_overlay_start_2:
0xe5: {  	(tag) =	ssettag $0x2  }
0xe6: {  	s0 =	rddreg [dreg:$0x0];
	s2 =	stileid.u32  }
0xe7: {  	s1 =	rddreg [dreg:$0x1];
	p0 =	sne.s32 s2, $0x0  }
0xe8: {  	s3 =	rddreg [dreg:$0x2];
	[bflag:$0x3] =	sbarrier.arrive $0xFFFF;
	s2 =	simm.s32 @!p0 $0x1C01  }
0xe9: {  	[timem:s3], [sflag:s2] =	dma.local @!p0 [hbm:s0], s1  }
0xea: {  	s0 =	simm.s32 @!p0 $0x1  }
0xeb: {  	_ =	swait.ge @!p0 [sflag:s0], s1  }
0xec: {  	s1 =	ssub.s32 @!p0 $0x0, s1;
	[sflag:s0] =	ssyncset.done @!p0 $0x0  }
0xed: {  	[sflag:s0] =	ssyncadd.s32 @!p0 s1  }
0xee: {  	[bflag:$0x3] =	sbarrier.arrive $0xFFFF  }
0xef: {  	_ =	shalt  }

// kernel: kernel.8.cloned.1.call-start
scs
__scs_entry_jumppad:
0x0: {  	(pc) =	sbr.rel $0x88, $3  }
0x1: {  	(tag) =	ssettag $0x0;
	lr =	simm.s32 $0x1  }
0x2: {  	[smem:$0x3F9D] =	sst lr;
	_ =	strace $0xD0000000  }
0x3: {  	_ = 	snop  }
0x4: {  	_ = 	snop  }
0x5: {  	_ = 	snop  }
0x6: {  	_ = 	snop  }
0x7: {  	_ = 	snop  }
__scs_overlays_trampoline_lowered:
0x8: {  	[smem:$0x3FAC] =	sst s0  }
0x9: {  	[smem:$0x3FAD] =	sst s1  }
0xa: {  	[smem:$0x3FAE] =	sst s2  }
0xb: {  	[smem:$0x3FAF] =	sst s3  }
0xc: {  	[smem:$0x3FB0] =	sst s4  }
0xd: {  	[smem:$0x3FB1] =	sst s5  }
0xe: {  	[smem:$0x3FB2] =	sst s6  }
0xf: {  	[smem:$0x3FB3] =	sst s7  }
0x10: {  	[smem:$0x3FB4] =	sst s8  }
0x11: {  	[smem:$0x3FB5] =	sst s9;
	s0 =	simm.s32 @!p0 $0x0  }
0x12: {  	s1 =	sld [smem:$0x3F9B];
	s0 =	simm.s32 @p0 $0x1  }
0x13: {  	[smem:$0x3FB6] =	sst s0;
	s0 =	simm.s32 @!p1 $0x0  }
0x14: {  	s2 =	sld [smem:$0x3F9A];
	s0 =	simm.s32 @p1 $0x1  }
0x15: {  	[smem:$0x3FB7] =	sst s0;
	s0 =	simm.s32 @!p2 $0x0  }
0x16: {  	s3 =	sld [smem:$0x3FDB];
	s0 =	simm.s32 @p2 $0x1  }
0x17: {  	s4 =	simm.s32 $0x1BF5;
	[smem:$0x3FB9] =	sst s0  }
0x18: {  	s0 =	sld [smem:$0x3F9C];
	_ =	swait.ge [sflag:s4], $0x0  }
0x19: {  	s7 =	sld [smem:$0x3F9D]  }
0x1a: {  	s8 =	sadd.s32 $0xFFFFE003, lr  }
0x1b: {  	s9 =	sadd.s32 $0xFFFFFEF7, lr;
	s5 =	simm.s32 $0xFFFFFFFF;
	p2 =	slt.u32 s8, $0xFFFFF086  }
0x1c: {  	p1 =	slt.u32 s9, $0xF7A;
	s5 =	simm.s32 @!p2 $0x0  }
0x1d: {  	s5 =	simm.s32 @p1 $0x1;
	p0 =	seq.s32 s7, s2  }
0x1e: {  	s7 =	smul.u32 @!p0 $0xF7A, s2;
	p2 =	seq.s32 @!p0 s5, $0x0  }
0x1f: {  	s9 =	smul.u32 $0xF7A, s1;
	s8 =	simm.s32 @!p0 $0x1BF5;
	p2 =	por !p2, p0  }
0x20: {  	[sflag:s8] =	ssyncset.s32 @!p0 $0xFFFFF086;
	s6 =	sadd.s32 @!p0 s3, s7;
	s7 =	simm.s32 @!p0 $0x108  }
0x21: {  	s3 =	sadd.s32 s3, s9;
	s6 =	sadd.s32 @!p0 $0x88, s6;
	s7 =	simm.s32 @p2 $0x1082  }
0x22: {  	[simem:s7], [sflag:s8] =	dma.local @!p0 [hbm:s6], $0xF7A  }
0x23: {  	s9 =	sor.u32 $0xD0000000, s2;
	s6 =	simm.s32 $0x108;
	_ =	swait.ge @!p0 [sflag:s8], $0x0  }
0x24: {  	s3 =	sadd.s32 $0x88, s3;
	s6 =	simm.s32 @!p1 $0x1082;
	[sflag:s4] =	ssyncset.s32 $0xFFFFF086  }
0x25: {  	[simem:s6], [sflag:s4] =	dma.local [hbm:s3], $0xF7A  }
0x26: {  	[smem:$0x3F9D] =	sst s1;
	(tag) =	ssettag s2;
	_ =	strace s9  }
0x27: {  	s1 =	sld [smem:$0x3FAD]  }
0x28: {  	s2 =	sld [smem:$0x3FAE]  }
0x29: {  	s4 =	sld [smem:$0x3FB0]  }
0x2a: {  	p0 =	seq.s32 s5, $0x0;
	s5 =	sld [smem:$0x3FB1]  }
0x2b: {  	s6 =	sld [smem:$0x3FB2]  }
0x2c: {  	s7 =	sld [smem:$0x3FB3]  }
0x2d: {  	s3 =	simm.s32 $0x108;
	s8 =	sld [smem:$0x3FB4]  }
0x2e: {  	s3 =	simm.s32 @!p0 $0x1082;
	s9 =	sld [smem:$0x3FB5]  }
0x2f: {  	lr =	sadd.s32 s0, s3;
	s0 =	sld [smem:$0x3FAC]  }
0x30: {  	s3 =	sld [smem:$0x3FAF]  }
0x31: {  	[smem:$0x3FB8] =	sst s10  }
0x32: {  	s10 =	sld [smem:$0x3FB6];
	_ =	sdelay $0x3  }
0x33: {  	p0 =	seq.s32 s10, $0x1;
	s10 =	sld [smem:$0x3FB8];
	_ =	sdelay $0x3  }
0x34: {  	[smem:$0x3FB8] =	sst s10  }
0x35: {  	s10 =	sld [smem:$0x3FB7];
	_ =	sdelay $0x3  }
0x36: {  	p1 =	seq.s32 s10, $0x1;
	s10 =	sld [smem:$0x3FB8];
	_ =	sdelay $0x3  }
0x37: {  	[smem:$0x3FB8] =	sst s10  }
0x38: {  	s10 =	sld [smem:$0x3FB9]  }
0x39: {  	_ = 	snop;
	(pc) =	sbr.ind lr, $3  }
0x3a: {  	_ = 	snop  }
0x3b: {  	_ = 	snop  }
0x3c: {  	p2 =	seq.s32 s10, $0x1;
	s10 =	sld [smem:$0x3FB8]  }
0x3d: {  	_ =	shalt  }
0x3e: {  	_ =	shalt  }
0x3f: {  	_ =	shalt  }
0x40: {  	_ =	shalt  }
0x41: {  	_ =	shalt  }
0x42: {  	_ =	shalt  }
0x43: {  	_ =	shalt  }
0x44: {  	_ =	shalt  }
0x45: {  	_ =	shalt  }
0x46: {  	_ =	shalt  }
0x47: {  	_ =	shalt  }
0x48: {  	_ =	shalt  }
0x49: {  	_ =	shalt  }
0x4a: {  	_ =	shalt  }
0x4b: {  	_ =	shalt  }
0x4c: {  	_ =	shalt  }
0x4d: {  	_ =	shalt  }
0x4e: {  	_ =	shalt  }
0x4f: {  	_ =	shalt  }
0x50: {  	_ =	shalt  }
0x51: {  	_ =	shalt  }
0x52: {  	_ =	shalt  }
0x53: {  	_ =	shalt  }
0x54: {  	_ =	shalt  }
0x55: {  	_ =	shalt  }
0x56: {  	_ =	shalt  }
0x57: {  	_ =	shalt  }
0x58: {  	_ =	shalt  }
0x59: {  	_ =	shalt  }
0x5a: {  	_ =	shalt  }
0x5b: {  	_ =	shalt  }
0x5c: {  	_ =	shalt  }
0x5d: {  	_ =	shalt  }
0x5e: {  	_ =	shalt  }
0x5f: {  	_ =	shalt  }
0x60: {  	_ =	shalt  }
0x61: {  	_ =	shalt  }
0x62: {  	_ =	shalt  }
0x63: {  	_ =	shalt  }
0x64: {  	_ =	shalt  }
0x65: {  	_ =	shalt  }
0x66: {  	_ =	shalt  }
0x67: {  	_ =	shalt  }
0x68: {  	_ =	shalt  }
0x69: {  	_ =	shalt  }
0x6a: {  	_ =	shalt  }
0x6b: {  	_ =	shalt  }
0x6c: {  	_ =	shalt  }
0x6d: {  	_ =	shalt  }
0x6e: {  	_ =	shalt  }
0x6f: {  	_ =	shalt  }
0x70: {  	_ =	shalt  }
0x71: {  	_ =	shalt  }
0x72: {  	_ =	shalt  }
0x73: {  	_ =	shalt  }
0x74: {  	_ =	shalt  }
0x75: {  	_ =	shalt  }
0x76: {  	_ =	shalt  }
0x77: {  	_ =	shalt  }
0x78: {  	_ =	shalt  }
0x79: {  	_ =	shalt  }
0x7a: {  	_ =	shalt  }
0x7b: {  	_ =	shalt  }
0x7c: {  	_ =	shalt  }
0x7d: {  	_ =	shalt  }
0x7e: {  	_ =	shalt  }
0x7f: {  	_ =	shalt  }
0x80: {  	_ =	shalt  }
0x81: {  	_ =	shalt  }
0x82: {  	_ =	shalt  }
0x83: {  	_ =	shalt  }
0x84: {  	_ =	shalt  }
0x85: {  	_ =	shalt  }
0x86: {  	_ =	shalt  }
0x87: {  	_ =	shalt  }
.Lfunc_end0:
.L_simem_size_0:
called_computation.1_lowered:
.L_overlay_start_0:
0x88: {  	s2 =	sld [smem:$0x3FD9]  }
0x89: {  	s3 =	sld [smem:$0x3FFE];
	_ =	sdelay $0x1  }
0x8a: {  	s1 =	srdreg.scid  }
0x8b: {  	s0 =	sand.u32 $0x1, s1  }
0x8c: {  	s17 =	sshll.u32 s0, $0xA;
	s2 =	sadd.s32 s3, s2  }
0x8d: {  	s2 =	sadd.s32 s2, s17  }
0x8e: {  	[smem:$0x3FC4] =	sst s2  }
0x8f: {  	_ = 	snop  }
0x90: {  	s2 =	sld [smem:$0x3FC7]  }
0x91: {  	s18 =	sld [smem:$0x3FC6]  }
0x92: {  	s4 =	sld [smem:$0x3FD0];
	(tm) =	ssettm $0x1  }
0x93: {  	s5 =	sld [smem:$0x3FFB];
	_ =	sdelay $0x3  }
0x94: {  	_ =	strace s5  }
0x95: {  	s5 =	sld [smem:$0x3FFC];
	_ =	sdelay $0x3  }
0x96: {  	_ =	strace s5  }
0x97: {  	s5 =	sld [smem:$0x3FFD];
	_ =	sdelay $0x3  }
0x98: {  	_ =	strace s5  }
0x99: {  	_ =	strace $0x8FFFFFFF  }
0x9a: {  	s19 =	sld [smem:$0x3FDB];
	_ =	sdelay $0x1  }
0x9b: {  	s6 =	simm.s32 $_scs_section_size  }
0x9c: {  	s7 =	simm.s32 $_size__tile_overlayer_lowered;
	s8 =	simm.s32 $_tile_overlayer_lowered  }
0x9d: {  	s22 =	simm.s32 $0x1BFF;
	s21 =	sshll.u32 s8, $0x1;
	s5 =	sadd.s32 s6, s19  }
0x9e: {  	s9 =	simm.s32 $0x0;
	s20 =	sshll.u32 s7, $0x1;
	s7 =	sadd.s32 s21, s5  }
0x9f: {  	[timem:s9], [sflag:s22] =	dma.local [hbm:s7], s20  }
0xa0: {  	_ =	swait.ge [sflag:s22], s20  }
0xa1: {  	s6 =	ssub.s32 $0x0, s20;
	[sflag:s22] =	ssyncset.done $0x0  }
0xa2: {  	[sflag:s22] =	ssyncadd.s32 s6;
	_ =	sdelay $0x1  }
0xa3: {  	s23 =	simm.s32 $0x1B8B  }
0xa4: {  	_ =	swait.ge [sflag:s23], $0x1  }
0xa5: {  	[sflag:s23] =	ssyncset.done $0x0  }
0xa6: {  	s25 =	simm.s32 $0x1B8E;
	s24 =	sld [smem:$0x3FFE];
	[sflag:s23] =	ssyncadd.s32 $0xFFFFFFFF  }
0xa7: {  	s26 =	simm.s32 $execute0_lowered;
	[smem:$0x3FD2] =	sst s25  }
0xa8: {  	s7 =	sshll.u32 s26, $0x1;
	_ =	strace $0x80000049;
	[dreg:$0x1] =	wrdreg $0xFFFFFFFF  }
0xa9: {  	s28 =	simm.s32 $_size_execute0_lowered;
	s5 =	sadd.s32 s5, s7;
	[dreg:$0x0] =	wrdreg $0x0  }
0xaa: {  	s7 =	sshll.u32 s28, $0x1;
	[dreg:$0x2] =	wrdreg s5  }
0xab: {  	[dreg:$0x3] =	wrdreg s7  }
0xac: {  	[dreg:$0x4] =	wrdreg $0xC0  }
0xad: {  	_ =	task [dreg:s9], $0x5FFFF  }
0xae: {  	[dreg:$0x1] =	wrdreg $0xFFFFFFFF  }
0xaf: {  	[dreg:$0x0] =	wrdreg $0x60  }
0xb0: {  	[dreg:$0x2] =	wrdreg s4  }
0xb1: {  	[dreg:$0x3] =	wrdreg s2  }
0xb2: {  	[dreg:$0x4] =	wrdreg s18  }
0xb3: {  	[dreg:$0x5] =	wrdreg s24  }
0xb4: {  	[dreg:$0x6] =	wrdreg $0x9  }
0xb5: {  	_ =	task.clear_ibuf [dreg:s9], $0x7FFFF;
	_ =	strace $0x90000049  }
0xb6: {  	s29 =	simm.s32 $0x9;
	_ =	strace $0x8000004B  }
0xb7: {  	_ =	swait.ge [sflag:s29], $0x1  }
0xb8: {  	[sflag:s29] =	ssyncadd.s32 $0xFFFFFFFF  }
0xb9: {  	_ =	strace $0x9000004B  }
0xba: {  	_ =	sfence  }
0xbb: {  	s30 =	sld [smem:$0x0];
	_ =	sdelay $0x2  }
0xbc: {  	s31 =	sshll.u32 s1, $0xD;
	s1 =	sshrl.u32 s1, $0x2  }
0xbd: {  	s3 =	sand.u32 $0x4000, s31;
	s1 =	sadd.s32 s1, s30  }
0xbe: {  	s0 =	sor.u32 s3, s0;
	s1 =	sshll.u32 s1, $0x11  }
0xbf: {  	s0 =	sor.u32 s1, s0  }
0xc0: {  	s0 =	sadd.s32 $0x8F2B, s0  }
0xc1: {  	[sflag:s0] =	ssyncadd.remote.s32 $0x1  }
0xc2: {  	_ =	sfence.sel $0xFFFF  }
0xc3: {  	[dreg:$0x0] =	wrdreg $0xFFFFFFFF;
	(pc) =	sbr.abs _section_cstart, $3  }
0xc4: {  	[dreg:$0x1] =	wrdreg $0xFFFFFFFF  }
0xc5: {  	_ =	task.clear_ibuf [dreg:s9], $0x2FFFF;
	_ =	strace $0x9FFFFFFF  }
0xc6: {  	(tm) =	ssettm $0x7FFFFFFF  }
0xc7: {  	_ =	shalt  }
tec
execute0_lowered:
.L_overlay_start_1:
0x0: {  	(tag) =	ssettag $0x1  }
0x1: {  	s1 =	rddreg [dreg:$0x0]  }
0x2: {  	s2 =	rddreg [dreg:$0x1]  }
0x3: {  	s0 =	srdreg.scid;
	s4 =	rddreg [dreg:$0x2]  }
0x4: {  	s3 =	stileid.u32;
	s7 =	rddreg [dreg:$0x3]  }
0x5: {  	s6 =	simm.s32 $0x0;
	s28 =	simm.s32 $0x5;
	s30 =	simm.s32 $0xE100  }
0x6: {  	s10 =	simm.s32 $0xEA60;
	s12 =	simm.s32 $0x3;
	s17 =	simm.s32 $0x6  }
0x7: {  	s31 =	simm.s32 $0xAF00;
	s19 =	simm.s32 $0x7;
	s11 =	simm.s32 $0x0  }
0x8: {  	s0 =	sand.u32 $0x1, s0;
	s3 =	sshll.u32 s3, $0x1;
	[smem:$0x7FF] =	sst s6  }
0x9: {  	s7 =	sadd.s32 $0xA00, s7;
	s5 =	sor.u32 s0, s3;
	s0 =	ssub.s32 $0x2, s0  }
0xa: {  	_ =	strace $0x8000004A;
	s3 =	smul.u32 $0x64, s5;
	s25 =	sor.u32 $0x80, s5  }
0xb: {  	s8 =	smul.u32 $0x320, s5;
	s26 =	sor.u32 $0xA0, s5;
	[dreg:$0xb] =	wrdreg s25  }
0xc: {  	s9 =	sshrl.u32 s0, $0x1;
	s29 =	sor.u32 $0xC0, s5;
	[dreg:$0xc] =	wrdreg s26  }
0xd: {  	s0 =	ssub.s32 s0, s9;
	[dreg:$0xd] =	wrdreg s29;
	s25 =	simm.s32 $0x1900  }
0xe: {  	s26 =	simm.s32 $0x7D00;
	s20 =	sadd.s32 s2, s3;
	s8 =	sshrl.u32 s8, $0x3  }
0xf: {  	s3 =	sadd.s32 s4, s3;
	s0 =	smax.u32 s0, $0x1;
	[dreg:$0x5] =	wrdreg s20  }
0x10: {  	[dreg:$0x6] =	wrdreg s3;
	s21 =	sadd.s32 $0xC80, s8;
	s8 =	sadd.s32 $0x1900, s8  }
0x11: {  	[dreg:$0xe] =	wrdreg s0;
	s0 =	simm.s32 $0x4;
	s22 =	sadd.s32 s2, s21  }
.Ltmp0:
0x12: {  	s3 =	sadd.s32 s4, s21;
	[dreg:$0x7] =	wrdreg s22;
	(pc) =	sbr.rel .LBB2_1-.Ltmp0, $4  }
0x13: {  	s20 =	simm.s32 $0x8;
	s23 =	sadd.s32 s2, s8;
	[dreg:$0x8] =	wrdreg s3  }
0x14: {  	s24 =	sadd.s32 s4, s8;
	s8 =	simm.s32 $0xE740;
	[dreg:$0x9] =	wrdreg s23  }
0x15: {  	v0 =	vlaneseq.u32;
	s21 =	simm.s32 $0x2;
	[dreg:$0xa] =	wrdreg s24;
	s23 =	simm.s32 $0x1  }
0x16: {  	v0 =	vmul.u32 $0x10, v0;
	s24 =	simm.s32 $0x50;
	s3 =	simm.s32 $0xE420;
	s22 =	simm.s32 $0x4B00  }
.LBB2_26:
0x17: {  	_ =	swait.ge [sflag:s20], $0x320  }
0x18: {  	[sflag:s20] =	ssyncset.done $0x0  }
0x19: {  	[sflag:s20] =	ssyncadd.s32 $0xFFFFFCE0  }
0x1a: {  	_ =	swait.ge [sflag:s20], $0x320  }
0x1b: {  	[sflag:s20] =	ssyncset.done $0x0  }
0x1c: {  	[sflag:s20] =	ssyncadd.s32 $0xFFFFFCE0  }
0x1d: {  	_ =	swait.ge [sflag:s20], $0x320  }
0x1e: {  	[sflag:s20] =	ssyncset.done $0x0  }
0x1f: {  	[sflag:s20] =	ssyncadd.s32 $0xFFFFFCE0  }
0x20: {  	_ =	swait.ge [sflag:s20], $0x320  }
0x21: {  	[sflag:s20] =	ssyncset.done $0x0  }
0x22: {  	[sflag:s20] =	ssyncadd.s32 $0xFFFFFCE0  }
0x23: {  	_ =	swait.ge [sflag:s19], $0x320  }
0x24: {  	[sflag:s19] =	ssyncset.done $0x0  }
0x25: {  	[sflag:s19] =	ssyncadd.s32 $0xFFFFFCE0  }
0x26: {  	_ =	swait.ge [sflag:s19], $0x320  }
0x27: {  	[sflag:s19] =	ssyncset.done $0x0  }
0x28: {  	[sflag:s19] =	ssyncadd.s32 $0xFFFFFCE0  }
0x29: {  	_ =	swait.ge [sflag:s19], $0x320  }
0x2a: {  	[sflag:s19] =	ssyncset.done $0x0  }
0x2b: {  	[sflag:s19] =	ssyncadd.s32 $0xFFFFFCE0  }
0x2c: {  	_ =	swait.ge [sflag:s19], $0x320  }
0x2d: {  	s11 =	rddreg [dreg:$0xf]  }
0x2e: {  	s9 =	rddreg [dreg:$0xe];
	s11 =	sadd.s32 $0x1, s11  }
0x2f: {  	p0 =	sne.s32 s11, s9  }
.Ltmp1:
0x30: {  	_ = 	snop;
	(pc) =	sbr.rel @!p0 .LBB2_27-.Ltmp1, $3  }
0x31: {  	_ =	sdelay $0x1  }
0x32: {  	[sflag:s19] =	ssyncset.done $0x0  }
0x33: {  	[sflag:s19] =	ssyncadd.s32 $0xFFFFFCE0  }
.LBB2_1:
0x34: {  	[dreg:$0xf] =	wrdreg s11  }
0x35: {  	s9 =	rddreg [dreg:$0x5]  }
0x36: {  	[tilespmem:s6], [sflag:$0x1] =	stream.linear.gather [hbm4b:s9+s6], $0x320, $0x38;
	[tilespmem:$0xFA00] =	vst v63  }
0x37: {  	s18 =	rddreg [dreg:$0x6];
	s11 =	simm.s32 $0xC80  }
0x38: {  	[tilespmem:s11], [sflag:$0x1] =	stream.linear.gather [hbm4b:s18+s6], $0x320, $0x38;
	[tilespmem:$0xFA00] =	vst v63  }
0x39: {  	s29 =	rddreg [dreg:$0x7];
	s13 =	simm.s32 $0x320  }
0x3a: {  	[tilespmem:s13], [sflag:$0x2] =	stream.linear.gather [hbm4b:s29+s6], $0x320, $0x38;
	[tilespmem:$0xFA00] =	vst v63  }
0x3b: {  	s14 =	simm.s32 $0xFA0;
	s13 =	rddreg [dreg:$0x8]  }
0x3c: {  	[tilespmem:s14], [sflag:$0x2] =	stream.linear.gather [hbm4b:s13+s6], $0x320, $0x38;
	[tilespmem:$0xFA00] =	vst v63  }
0x3d: {  	s15 =	rddreg [dreg:$0x9];
	s16 =	simm.s32 $0x640  }
0x3e: {  	[tilespmem:s16], [sflag:$0x3] =	stream.linear.gather [hbm4b:s15+s6], $0x320, $0x38;
	[tilespmem:$0xFA00] =	vst v63  }
0x3f: {  	s18 =	rddreg [dreg:$0xa];
	s29 =	simm.s32 $0x12C0  }
0x40: {  	[tilespmem:s29], [sflag:$0x3] =	stream.linear.gather [hbm4b:s18+s6], $0x320, $0x38;
	[tilespmem:$0xFA00] =	vst v63  }
0x41: {  	_ =	swait.ge [sflag:s23], $0x320  }
0x42: {  	[sflag:s23] =	ssyncset.done $0x0  }
0x43: {  	[sflag:s23] =	ssyncadd.s32 $0xFFFFFCE0  }
0x44: {  	_ =	swait.ge [sflag:s23], $0x320  }
0x45: {  	[sflag:s23] =	ssyncset.done $0x0  }
0x46: {  	[sflag:s23] =	ssyncadd.s32 $0xFFFFFCE0  }
0x47: {  	[tilespmem:s25], [sflag:$0x5] =	stream.indirect.gather [hbm4b:s1+s24], $0x10, s6, s24, $0xb8;
	[tilespmem:$0xFA00] =	vst v63  }
0x48: {  	_ = 	snop  }
0x49: {  	[tilespmem:s26], [sflag:$0x5] =	stream.indirect.gather [hbm4b:s1+s24], $0x10, s11, s24, $0xb8;
	[tilespmem:$0xFA00] =	vst v63  }
0x4a: {  	s14 =	simm.s32 $0x1E00  }
0x4b: {  	[tilespmem:s14], [sflag:$0x5] =	stream.indirect.gather [hbm4b:s1+s24], $0x10, s24, s24, $0xb8;
	[tilespmem:$0xFA00] =	vst v63  }
0x4c: {  	s15 =	simm.s32 $0xCD0;
	s16 =	simm.s32 $0x8200  }
0x4d: {  	[tilespmem:s16], [sflag:$0x5] =	stream.indirect.gather [hbm4b:s1+s24], $0x10, s15, s24, $0xb8;
	[tilespmem:$0xFA00] =	vst v63  }
0x4e: {  	s18 =	simm.s32 $0xA0;
	s29 =	simm.s32 $0x2300  }
0x4f: {  	[tilespmem:s29], [sflag:$0x5] =	stream.indirect.gather [hbm4b:s1+s24], $0x10, s18, s24, $0xb8;
	[tilespmem:$0xFA00] =	vst v63  }
0x50: {  	s13 =	simm.s32 $0xD20;
	s14 =	simm.s32 $0x8700  }
0x51: {  	[tilespmem:s14], [sflag:$0x5] =	stream.indirect.gather [hbm4b:s1+s24], $0x10, s13, s24, $0xb8;
	[tilespmem:$0xFA00] =	vst v63  }
0x52: {  	s15 =	simm.s32 $0xF0;
	s16 =	simm.s32 $0x2800  }
0x53: {  	[tilespmem:s16], [sflag:$0x5] =	stream.indirect.gather [hbm4b:s1+s24], $0x10, s15, s24, $0xb8;
	[tilespmem:$0xFA00] =	vst v63  }
0x54: {  	s18 =	simm.s32 $0xD70;
	s29 =	simm.s32 $0x8C00  }
0x55: {  	[tilespmem:s29], [sflag:$0x5] =	stream.indirect.gather [hbm4b:s1+s24], $0x10, s18, s24, $0xb8;
	[tilespmem:$0xFA00] =	vst v63  }
0x56: {  	s13 =	simm.s32 $0x140;
	s14 =	simm.s32 $0x2D00  }
0x57: {  	[tilespmem:s14], [sflag:$0x5] =	stream.indirect.gather [hbm4b:s1+s24], $0x10, s13, s24, $0xb8;
	[tilespmem:$0xFA00] =	vst v63  }
0x58: {  	s15 =	simm.s32 $0xDC0;
	s16 =	simm.s32 $0x9100  }
0x59: {  	[tilespmem:s16], [sflag:$0x5] =	stream.indirect.gather [hbm4b:s1+s24], $0x10, s15, s24, $0xb8;
	[tilespmem:$0xFA00] =	vst v63  }
0x5a: {  	s18 =	simm.s32 $0x190;
	s29 =	simm.s32 $0x3200  }
0x5b: {  	[tilespmem:s29], [sflag:$0x5] =	stream.indirect.gather [hbm4b:s1+s24], $0x10, s18, s24, $0xb8;
	[tilespmem:$0xFA00] =	vst v63  }
0x5c: {  	s13 =	simm.s32 $0xE10;
	s14 =	simm.s32 $0x9600  }
0x5d: {  	[tilespmem:s14], [sflag:$0x5] =	stream.indirect.gather [hbm4b:s1+s24], $0x10, s13, s24, $0xb8;
	[tilespmem:$0xFA00] =	vst v63  }
0x5e: {  	s15 =	simm.s32 $0x1E0;
	s16 =	simm.s32 $0x3700  }
0x5f: {  	[tilespmem:s16], [sflag:$0x5] =	stream.indirect.gather [hbm4b:s1+s24], $0x10, s15, s24, $0xb8;
	[tilespmem:$0xFA00] =	vst v63  }
0x60: {  	s18 =	simm.s32 $0xE60;
	s29 =	simm.s32 $0x9B00  }
0x61: {  	[tilespmem:s29], [sflag:$0x5] =	stream.indirect.gather [hbm4b:s1+s24], $0x10, s18, s24, $0xb8;
	[tilespmem:$0xFA00] =	vst v63  }
0x62: {  	s13 =	simm.s32 $0x230;
	s14 =	simm.s32 $0x3C00  }
0x63: {  	[tilespmem:s14], [sflag:$0x5] =	stream.indirect.gather [hbm4b:s1+s24], $0x10, s13, s24, $0xb8;
	[tilespmem:$0xFA00] =	vst v63  }
0x64: {  	s15 =	simm.s32 $0xEB0;
	s16 =	simm.s32 $0xA000  }
0x65: {  	[tilespmem:s16], [sflag:$0x5] =	stream.indirect.gather [hbm4b:s1+s24], $0x10, s15, s24, $0xb8;
	[tilespmem:$0xFA00] =	vst v63  }
0x66: {  	s18 =	simm.s32 $0x280;
	s29 =	simm.s32 $0x4100  }
0x67: {  	[tilespmem:s29], [sflag:$0x5] =	stream.indirect.gather [hbm4b:s1+s24], $0x10, s18, s24, $0xb8;
	[tilespmem:$0xFA00] =	vst v63  }
0x68: {  	s13 =	simm.s32 $0xF00;
	s14 =	simm.s32 $0xA500  }
0x69: {  	[tilespmem:s14], [sflag:$0x5] =	stream.indirect.gather [hbm4b:s1+s24], $0x10, s13, s24, $0xb8;
	[tilespmem:$0xFA00] =	vst v63  }
.Ltmp2:
0x6a: {  	s15 =	simm.s32 $0x2D0;
	s16 =	simm.s32 $0x4600;
	(pc) =	sbr.rel .LBB2_2-.Ltmp2, $4  }
0x6b: {  	[tilespmem:s16], [sflag:$0x5] =	stream.indirect.gather [hbm4b:s1+s24], $0x10, s15, s24, $0xb8;
	[tilespmem:$0xFA00] =	vst v63  }
0x6c: {  	s18 =	simm.s32 $0xF50;
	s29 =	simm.s32 $0xAA00  }
0x6d: {  	[tilespmem:s29], [sflag:$0x5] =	stream.indirect.gather [hbm4b:s1+s24], $0x10, s18, s24, $0xb8;
	[tilespmem:$0xFA00] =	vst v63  }
0x6e: {  	s18 =	simm.s32 $0x0  }
.LBB2_25:
0x6f: {  	s18 =	sadd.s32 $0x1, s18  }
0x70: {  	p0 =	sne.s32 s18, $0x20  }
.Ltmp3:
0x71: {  	_ = 	snop;
	(pc) =	sbr.rel @!p0 .LBB2_26-.Ltmp3, $1  }
0x72: {  	_ =	sdelay $0x3  }
.LBB2_2:
0x73: {  	p0 =	seq.s32 s18, $0x1F  }
.Ltmp4:
0x74: {  	_ = 	snop;
	(pc) =	sbr.rel @!p0 .LBB2_4-.Ltmp4, $2  }
0x75: {  	_ =	sdelay $0x2  }
0x76: {  	s15 =	sshll.u32 s18, $0x2  }
.Ltmp5:
0x77: {  	(pc) =	sbr.rel .LBB2_5-.Ltmp5, $2  }
0x78: {  	_ =	sdelay $0x2  }
0x79: {  	s16 =	simm.s32 $0x7F;
	p1 =	por $0x0, $0x0  }
.LBB2_4:
0x7a: {  	_ =	swait.ge [sflag:s21], $0x320  }
0x7b: {  	[sflag:s21] =	ssyncset.done $0x0  }
0x7c: {  	[sflag:s21] =	ssyncadd.s32 $0xFFFFFCE0  }
0x7d: {  	_ =	swait.ge [sflag:s21], $0x320  }
0x7e: {  	[sflag:s21] =	ssyncset.done $0x0  }
0x7f: {  	s9 =	simm.s32 $0x320;
	[sflag:s21] =	ssyncadd.s32 $0xFFFFFCE0  }
0x80: {  	[tilespmem:s22], [sflag:$0x6] =	stream.indirect.gather [hbm4b:s1+s24], $0x10, s9, s24, $0xb8;
	[tilespmem:$0xFA00] =	vst v63  }
0x81: {  	s16 =	simm.s32 $0xFA0  }
0x82: {  	[tilespmem:s31], [sflag:$0x6] =	stream.indirect.gather [hbm4b:s1+s24], $0x10, s16, s24, $0xb8;
	[tilespmem:$0xFA00] =	vst v63  }
0x83: {  	s29 =	simm.s32 $0x5000;
	s11 =	simm.s32 $0x370  }
0x84: {  	[tilespmem:s29], [sflag:$0x6] =	stream.indirect.gather [hbm4b:s1+s24], $0x10, s11, s24, $0xb8;
	[tilespmem:$0xFA00] =	vst v63  }
0x85: {  	s13 =	simm.s32 $0xB400;
	s14 =	simm.s32 $0xFF0  }
0x86: {  	[tilespmem:s13], [sflag:$0x6] =	stream.indirect.gather [hbm4b:s1+s24], $0x10, s14, s24, $0xb8;
	[tilespmem:$0xFA00] =	vst v63  }
0x87: {  	s16 =	simm.s32 $0x5500;
	s29 =	simm.s32 $0x3C0  }
0x88: {  	[tilespmem:s16], [sflag:$0x6] =	stream.indirect.gather [hbm4b:s1+s24], $0x10, s29, s24, $0xb8;
	[tilespmem:$0xFA00] =	vst v63  }
0x89: {  	s13 =	simm.s32 $0xB900;
	s14 =	simm.s32 $0x1040  }
0x8a: {  	[tilespmem:s13], [sflag:$0x6] =	stream.indirect.gather [hbm4b:s1+s24], $0x10, s14, s24, $0xb8;
	[tilespmem:$0xFA00] =	vst v63  }
0x8b: {  	s16 =	simm.s32 $0x5A00;
	s29 =	simm.s32 $0x410  }
0x8c: {  	[tilespmem:s16], [sflag:$0x6] =	stream.indirect.gather [hbm4b:s1+s24], $0x10, s29, s24, $0xb8;
	[tilespmem:$0xFA00] =	vst v63  }
0x8d: {  	s13 =	simm.s32 $0xBE00;
	s14 =	simm.s32 $0x1090  }
0x8e: {  	[tilespmem:s13], [sflag:$0x6] =	stream.indirect.gather [hbm4b:s1+s24], $0x10, s14, s24, $0xb8;
	[tilespmem:$0xFA00] =	vst v63  }
0x8f: {  	s16 =	simm.s32 $0x5F00;
	s29 =	simm.s32 $0x460  }
0x90: {  	[tilespmem:s16], [sflag:$0x6] =	stream.indirect.gather [hbm4b:s1+s24], $0x10, s29, s24, $0xb8;
	[tilespmem:$0xFA00] =	vst v63  }
0x91: {  	s13 =	simm.s32 $0xC300;
	s14 =	simm.s32 $0x10E0  }
0x92: {  	[tilespmem:s13], [sflag:$0x6] =	stream.indirect.gather [hbm4b:s1+s24], $0x10, s14, s24, $0xb8;
	[tilespmem:$0xFA00] =	vst v63  }
0x93: {  	s16 =	simm.s32 $0x6400;
	s29 =	simm.s32 $0x4B0  }
0x94: {  	[tilespmem:s16], [sflag:$0x6] =	stream.indirect.gather [hbm4b:s1+s24], $0x10, s29, s24, $0xb8;
	[tilespmem:$0xFA00] =	vst v63  }
0x95: {  	s13 =	simm.s32 $0xC800;
	s14 =	simm.s32 $0x1130  }
0x96: {  	[tilespmem:s13], [sflag:$0x6] =	stream.indirect.gather [hbm4b:s1+s24], $0x10, s14, s24, $0xb8;
	[tilespmem:$0xFA00] =	vst v63  }
0x97: {  	s16 =	simm.s32 $0x6900;
	s29 =	simm.s32 $0x500  }
0x98: {  	[tilespmem:s16], [sflag:$0x6] =	stream.indirect.gather [hbm4b:s1+s24], $0x10, s29, s24, $0xb8;
	[tilespmem:$0xFA00] =	vst v63  }
0x99: {  	s13 =	simm.s32 $0xCD00;
	s14 =	simm.s32 $0x1180  }
0x9a: {  	[tilespmem:s13], [sflag:$0x6] =	stream.indirect.gather [hbm4b:s1+s24], $0x10, s14, s24, $0xb8;
	[tilespmem:$0xFA00] =	vst v63  }
0x9b: {  	s16 =	simm.s32 $0x6E00;
	s29 =	simm.s32 $0x550  }
0x9c: {  	[tilespmem:s16], [sflag:$0x6] =	stream.indirect.gather [hbm4b:s1+s24], $0x10, s29, s24, $0xb8;
	[tilespmem:$0xFA00] =	vst v63  }
0x9d: {  	s13 =	simm.s32 $0xD200;
	s14 =	simm.s32 $0x11D0  }
0x9e: {  	[tilespmem:s13], [sflag:$0x6] =	stream.indirect.gather [hbm4b:s1+s24], $0x10, s14, s24, $0xb8;
	[tilespmem:$0xFA00] =	vst v63  }
0x9f: {  	s16 =	simm.s32 $0x7300;
	s29 =	simm.s32 $0x5A0  }
0xa0: {  	[tilespmem:s16], [sflag:$0x6] =	stream.indirect.gather [hbm4b:s1+s24], $0x10, s29, s24, $0xb8;
	[tilespmem:$0xFA00] =	vst v63  }
0xa1: {  	s11 =	simm.s32 $0xD700;
	s13 =	simm.s32 $0x1220  }
0xa2: {  	[tilespmem:s11], [sflag:$0x6] =	stream.indirect.gather [hbm4b:s1+s24], $0x10, s13, s24, $0xb8;
	[tilespmem:$0xFA00] =	vst v63  }
0xa3: {  	s14 =	simm.s32 $0x7800;
	s16 =	simm.s32 $0x5F0  }
0xa4: {  	[tilespmem:s14], [sflag:$0x6] =	stream.indirect.gather [hbm4b:s1+s24], $0x10, s16, s24, $0xb8;
	[tilespmem:$0xFA00] =	vst v63  }
0xa5: {  	s16 =	sor.u32 $0x3, s15  }
0xa6: {  	p2 =	sgt.u32 s16, $0x7C  }
0xa7: {  	s29 =	simm.s32 $0xDC00;
	s13 =	simm.s32 $0x1270;
	s9 =	sshll.u32 @!p2 s16, $0x5  }
0xa8: {  	[tilespmem:s29], [sflag:$0x6] =	stream.indirect.gather [hbm4b:s1+s24], $0x10, s13, s24, $0xb8;
	[tilespmem:$0xFA00] =	vst v63  }
0xa9: {  	s9 =	sor.u32 @!p2 s5, s9  }
0xaa: {  	s9 =	smul.u32 @!p2 $0x64, s9  }
0xab: {  	p1 =	por $0x0, $0x0;
	s13 =	simm.s32 @!p2 $0x0  }
0xac: {  	s14 =	simm.s32 @!p2 $0x960;
	p3 =	por @!p2 $0x1, $0x1;
	s11 =	sadd.s32 @!p2 s2, s9  }
0xad: {  	[tilespmem:s14], [sflag:$0x4] =	stream.linear.gather @!p2 [hbm4b:s11+s13], $0x320, $0x38;
	[tilespmem:$0xFA00] =	vst v63  }
0xae: {  	p1 =	por @!p2 p3, p3;
	s9 =	sadd.s32 @!p2 s4, s9;
	s11 =	simm.s32 @!p2 $0x15E0  }
0xaf: {  	[tilespmem:s11], [sflag:$0x4] =	stream.linear.gather @!p2 [hbm4b:s9+s13], $0x320, $0x38;
	[tilespmem:$0xFA00] =	vst v63  }
.LBB2_5:
0xb0: {  	_ =	swait.ge [sflag:s28], $0x500  }
0xb1: {  	[sflag:s28] =	ssyncset.done $0x0  }
0xb2: {  	[sflag:s28] =	ssyncadd.s32 $0xFFFFFB00  }
0xb3: {  	_ =	swait.ge [sflag:s28], $0x500  }
0xb4: {  	[sflag:s28] =	ssyncset.done $0x0  }
0xb5: {  	[sflag:s28] =	ssyncadd.s32 $0xFFFFFB00  }
0xb6: {  	_ =	swait.ge [sflag:s28], $0x500  }
0xb7: {  	[sflag:s28] =	ssyncset.done $0x0  }
0xb8: {  	[sflag:s28] =	ssyncadd.s32 $0xFFFFFB00  }
0xb9: {  	_ =	swait.ge [sflag:s28], $0x500  }
0xba: {  	[sflag:s28] =	ssyncset.done $0x0  }
0xbb: {  	[sflag:s28] =	ssyncadd.s32 $0xFFFFFB00  }
0xbc: {  	_ =	swait.ge [sflag:s28], $0x500  }
0xbd: {  	[sflag:s28] =	ssyncset.done $0x0  }
0xbe: {  	[sflag:s28] =	ssyncadd.s32 $0xFFFFFB00  }
0xbf: {  	_ =	swait.ge [sflag:s28], $0x500  }
0xc0: {  	[sflag:s28] =	ssyncset.done $0x0  }
0xc1: {  	[sflag:s28] =	ssyncadd.s32 $0xFFFFFB00  }
0xc2: {  	_ =	swait.ge [sflag:s28], $0x500  }
0xc3: {  	[sflag:s28] =	ssyncset.done $0x0  }
0xc4: {  	[sflag:s28] =	ssyncadd.s32 $0xFFFFFB00  }
0xc5: {  	_ =	swait.ge [sflag:s28], $0x500  }
0xc6: {  	[sflag:s28] =	ssyncset.done $0x0  }
0xc7: {  	[sflag:s28] =	ssyncadd.s32 $0xFFFFFB00  }
0xc8: {  	_ =	swait.ge [sflag:s28], $0x500  }
0xc9: {  	[sflag:s28] =	ssyncset.done $0x0  }
0xca: {  	[sflag:s28] =	ssyncadd.s32 $0xFFFFFB00  }
0xcb: {  	_ =	swait.ge [sflag:s28], $0x500  }
0xcc: {  	[sflag:s28] =	ssyncset.done $0x0  }
0xcd: {  	[sflag:s28] =	ssyncadd.s32 $0xFFFFFB00  }
0xce: {  	_ =	swait.ge [sflag:s28], $0x500  }
0xcf: {  	[sflag:s28] =	ssyncset.done $0x0  }
0xd0: {  	[sflag:s28] =	ssyncadd.s32 $0xFFFFFB00  }
0xd1: {  	_ =	swait.ge [sflag:s28], $0x500  }
0xd2: {  	[sflag:s28] =	ssyncset.done $0x0  }
0xd3: {  	[sflag:s28] =	ssyncadd.s32 $0xFFFFFB00  }
0xd4: {  	_ =	swait.ge [sflag:s28], $0x500  }
0xd5: {  	[sflag:s28] =	ssyncset.done $0x0  }
0xd6: {  	[sflag:s28] =	ssyncadd.s32 $0xFFFFFB00  }
0xd7: {  	_ =	swait.ge [sflag:s28], $0x500  }
0xd8: {  	[sflag:s28] =	ssyncset.done $0x0  }
0xd9: {  	[sflag:s28] =	ssyncadd.s32 $0xFFFFFB00  }
0xda: {  	_ =	swait.ge [sflag:s28], $0x500  }
0xdb: {  	[sflag:s28] =	ssyncset.done $0x0  }
0xdc: {  	[sflag:s28] =	ssyncadd.s32 $0xFFFFFB00  }
0xdd: {  	_ =	swait.ge [sflag:s28], $0x500  }
0xde: {  	[sflag:s28] =	ssyncset.done $0x0  }
0xdf: {  	[sflag:s28] =	ssyncadd.s32 $0xFFFFFB00  }
0xe0: {  	_ =	swait.ge [sflag:s28], $0x500  }
0xe1: {  	[sflag:s28] =	ssyncset.done $0x0  }
0xe2: {  	[sflag:s28] =	ssyncadd.s32 $0xFFFFFB00  }
0xe3: {  	_ =	swait.ge [sflag:s28], $0x500  }
0xe4: {  	[sflag:s28] =	ssyncset.done $0x0  }
0xe5: {  	[sflag:s28] =	ssyncadd.s32 $0xFFFFFB00  }
0xe6: {  	_ =	swait.ge [sflag:s28], $0x500  }
0xe7: {  	[sflag:s28] =	ssyncset.done $0x0  }
0xe8: {  	[sflag:s28] =	ssyncadd.s32 $0xFFFFFB00  }
0xe9: {  	_ =	swait.ge [sflag:s28], $0x500  }
0xea: {  	p2 =	seq.s32 s18, $0x0;
	[sflag:s28] =	ssyncset.done $0x0  }
0xeb: {  	s9 =	simm.s32 @!p2 $0x7;
	[sflag:s28] =	ssyncadd.s32 $0xFFFFFB00  }
0xec: {  	_ =	swait.ge @!p2 [sflag:s9], $0x320  }
0xed: {  	[sflag:s9] =	ssyncset.done @!p2 $0x0  }
0xee: {  	[sflag:s9] =	ssyncadd.s32 @!p2 $0xFFFFFCE0  }
0xef: {  	_ =	swait.ge @!p2 [sflag:s9], $0x320  }
0xf0: {  	[sflag:s9] =	ssyncset.done @!p2 $0x0  }
0xf1: {  	[sflag:s9] =	ssyncadd.s32 @!p2 $0xFFFFFCE0  }
0xf2: {  	_ =	swait.ge @!p2 [sflag:s9], $0x320  }
0xf3: {  	[sflag:s9] =	ssyncset.done @!p2 $0x0  }
0xf4: {  	[sflag:s9] =	ssyncadd.s32 @!p2 $0xFFFFFCE0  }
0xf5: {  	_ =	swait.ge @!p2 [sflag:s9], $0x320  }
0xf6: {  	s13 =	simm.s32 $0xC80;
	s14 =	simm.s32 $0xE420;
	[sflag:s9] =	ssyncset.done @!p2 $0x0  }
0xf7: {  	s11 =	simm.s32 $0x0;
	[sflag:s9] =	ssyncadd.s32 @!p2 $0xFFFFFCE0;
	s9 =	simm.s32 $0x0  }
.LBB2_6:
0xf8: {  	v3 =	vld [tilespmem:s9+$0x0]  }
0xf9: {  	v2 =	vld [tilespmem:s13+$0x0];
	_ =	sdelay $0x1  }
0xfa: {  	v1 =	vmov s11  }
0xfb: {  	v1 =	vshll.u32 v1, $0x4  }
0xfc: {  	v1 =	vor.u32 v0, v1;
	v4 =	vand.u32 $0xF, v3  }
0xfd: {  	v5 =	vand.u32 $0xF, v2;
	v6 =	vadd.s32 $0x1, v3;
	v4 =	vor.u32 v1, v4  }
0xfe: {  	v7 =	vadd.s32 $0x1, v2;
	v5 =	vor.u32 v1, v5;
	v6 =	vand.u32 $0xF, v6  }
0xff: {  	v8 =	vadd.s32 $0x2, v3;
	v7 =	vand.u32 $0xF, v7;
	v6 =	vor.u32 v1, v6  }
0x100: {  	v9 =	vadd.s32 $0x2, v2;
	v8 =	vand.u32 $0xF, v8;
	v7 =	vor.u32 v1, v7  }
0x101: {  	v10 =	vadd.s32 $0x3, v3;
	v9 =	vand.u32 $0xF, v9;
	v8 =	vor.u32 v1, v8  }
0x102: {  	v12 =	vadd.s32 $0x3, v2;
	v10 =	vand.u32 $0xF, v10;
	v9 =	vor.u32 v1, v9;
	v11 =	vld.idx.msk [tilespmem:v4+s25+$0x0], $0xffff  }
0x103: {  	v14 =	vadd.s32 $0x4, v3;
	v12 =	vand.u32 $0xF, v12;
	v10 =	vor.u32 v1, v10;
	v13 =	vld.idx.msk [tilespmem:v5+s26+$0x0], $0xffff  }
0x104: {  	v15 =	vadd.s32 $0x4, v2;
	v14 =	vand.u32 $0xF, v14;
	v12 =	vor.u32 v1, v12;
	v6 =	vld.idx.msk [tilespmem:v6+s25+$0x0], $0xffff  }
0x105: {  	v16 =	vadd.s32 $0x5, v3;
	v15 =	vand.u32 $0xF, v15;
	v14 =	vor.u32 v1, v14;
	v7 =	vld.idx.msk [tilespmem:v7+s26+$0x0], $0xffff  }
0x106: {  	v17 =	vadd.s32 $0x5, v2;
	v16 =	vand.u32 $0xF, v16;
	v15 =	vor.u32 v1, v15;
	v8 =	vld.idx.msk [tilespmem:v8+s25+$0x0], $0xffff  }
0x107: {  	v17 =	vand.u32 $0xF, v17;
	v16 =	vor.u32 v1, v16;
	v9 =	vld.idx.msk [tilespmem:v9+s26+$0x0], $0xffff  }
0x108: {  	v17 =	vor.u32 v1, v17;
	v10 =	vld.idx.msk [tilespmem:v10+s25+$0x0], $0xffff  }
0x109: {  	v12 =	vld.idx.msk [tilespmem:v12+s26+$0x0], $0xffff  }
0x10a: {  	v14 =	vld.idx.msk [tilespmem:v14+s25+$0x0], $0xffff  }
0x10b: {  	v15 =	vld.idx.msk [tilespmem:v15+s26+$0x0], $0xffff  }
0x10c: {  	v16 =	vld.idx.msk [tilespmem:v16+s25+$0x0], $0xffff  }
0x10d: {  	v17 =	vld.idx.msk [tilespmem:v17+s26+$0x0], $0xffff;
	_ =	sdelay $0x1  }
0x10e: {  	v11 =	vsub.f32 v11, v13;
	v6 =	vsub.f32 v6, v7  }
0x10f: {  	v33 =	vadd.f32 v12, v10;
	v34 =	vadd.f32 v15, v14  }
0x110: {  	v8 =	vsub.f32 v8, v9  }
0x111: {  	v36 =	vadd.f32 v17, v16;
	v7 =	vmul.f32 v33, v11;
	v35 =	vmul.f32 v34, v6;
	_ =	sdelay $0x1  }
0x112: {  	v38 =	vadd.s32 $0x6, v3;
	v37 =	vmul.f32 v36, v8;
	v7 =	vadd.f32 v35, v7  }
0x113: {  	v40 =	vadd.s32 $0x6, v2;
	v41 =	vadd.s32 $0x7, v3;
	v39 =	vand.u32 $0xF, v38  }
0x114: {  	v9 =	vor.u32 v1, v39;
	v10 =	vand.u32 $0xF, v40;
	v7 =	vadd.f32 v37, v7  }
0x115: {  	v42 =	vadd.s32 $0x7, v2;
	v12 =	vand.u32 $0xF, v41;
	v10 =	vor.u32 v1, v10  }
0x116: {  	v13 =	vand.u32 $0xF, v42;
	v12 =	vor.u32 v1, v12;
	v7 =	vmul.f32 $5.000000000e-01, v7  }
0x117: {  	v13 =	vor.u32 v1, v13  }
0x118: {  	v4 =	vxor.u32 $0x8, v4;
	[tilespmem:s14+$0xFFFFFCE0] =	vst v7  }
0x119: {  	v5 =	vxor.u32 $0x8, v5;
	v7 =	vld.idx.msk [tilespmem:v9+s25+$0x0], $0xffff  }
0x11a: {  	v43 =	vld.idx.msk [tilespmem:v10+s26+$0x0], $0xffff  }
0x11b: {  	v44 =	vld.idx.msk [tilespmem:v12+s25+$0x0], $0xffff  }
0x11c: {  	v45 =	vld.idx.msk [tilespmem:v13+s26+$0x0], $0xffff  }
0x11d: {  	v4 =	vld.idx.msk [tilespmem:v4+s25+$0x0], $0xffff  }
0x11e: {  	v5 =	vld.idx.msk [tilespmem:v5+s26+$0x0], $0xffff;
	_ =	sdelay $0x2  }
0x11f: {  	v7 =	vadd.f32 v43, v7;
	v46 =	vadd.f32 v45, v44;
	_ =	sdelay $0x1  }
0x120: {  	v4 =	vadd.f32 v5, v4;
	v7 =	vmul.f32 v7, v11;
	v9 =	vmul.f32 v46, v6  }
0x121: {  	v48 =	vadd.s32 $0x9, v3  }
0x122: {  	v49 =	vadd.s32 $0x9, v2;
	v4 =	vmul.f32 v4, v8;
	v47 =	vadd.f32 v9, v7  }
0x123: {  	v50 =	vadd.s32 $0xA, v3;
	v51 =	vadd.s32 $0xA, v2;
	v5 =	vand.u32 $0xF, v48  }
0x124: {  	v5 =	vor.u32 v1, v5;
	v7 =	vand.u32 $0xF, v49;
	v4 =	vadd.f32 v4, v47  }
0x125: {  	v52 =	vadd.s32 $0xB, v3;
	v9 =	vand.u32 $0xF, v50;
	v7 =	vor.u32 v1, v7  }
0x126: {  	v10 =	vand.u32 $0xF, v51;
	v9 =	vor.u32 v1, v9;
	v4 =	vmul.f32 $5.000000000e-01, v4  }
0x127: {  	v53 =	vadd.s32 $0xB, v2;
	v12 =	vand.u32 $0xF, v52;
	v10 =	vor.u32 v1, v10  }
0x128: {  	v55 =	vand.u32 $0xF, v53;
	v54 =	vor.u32 v1, v12;
	[tilespmem:s14+$0x0] =	vst v4  }
0x129: {  	v12 =	vor.u32 v1, v55;
	v5 =	vld.idx.msk [tilespmem:v5+s25+$0x0], $0xffff  }
0x12a: {  	v7 =	vld.idx.msk [tilespmem:v7+s26+$0x0], $0xffff  }
0x12b: {  	v9 =	vld.idx.msk [tilespmem:v9+s25+$0x0], $0xffff  }
0x12c: {  	v10 =	vld.idx.msk [tilespmem:v10+s26+$0x0], $0xffff  }
0x12d: {  	v4 =	vld.idx.msk [tilespmem:v54+s25+$0x0], $0xffff  }
0x12e: {  	v12 =	vld.idx.msk [tilespmem:v12+s26+$0x0], $0xffff;
	_ =	sdelay $0x2  }
0x12f: {  	v5 =	vadd.f32 v7, v5;
	v56 =	vadd.f32 v10, v9;
	_ =	sdelay $0x1  }
0x130: {  	v4 =	vadd.f32 v12, v4;
	v5 =	vmul.f32 v5, v11;
	v7 =	vmul.f32 v56, v6  }
0x131: {  	v57 =	vadd.s32 $0xC, v3  }
0x132: {  	v58 =	vadd.s32 $0xC, v2;
	v4 =	vmul.f32 v4, v8;
	v5 =	vadd.f32 v7, v5  }
0x133: {  	v59 =	vadd.s32 $0xD, v3;
	v60 =	vadd.s32 $0xD, v2;
	v7 =	vand.u32 $0xF, v58  }
0x134: {  	v9 =	vand.u32 $0xF, v59;
	v7 =	vor.u32 v1, v7;
	v4 =	vadd.f32 v4, v5  }
0x135: {  	v3 =	vadd.s32 $0xE, v3;
	v10 =	vand.u32 $0xF, v60;
	v9 =	vor.u32 v1, v9  }
0x136: {  	v10 =	vor.u32 v1, v10;
	v5 =	vand.u32 $0xF, v57;
	v4 =	vmul.f32 $5.000000000e-01, v4  }
0x137: {  	v2 =	vadd.s32 $0xE, v2;
	v3 =	vand.u32 $0xF, v3;
	v5 =	vor.u32 v1, v5  }
0x138: {  	v2 =	vand.u32 $0xF, v2;
	v3 =	vor.u32 v1, v3;
	[tilespmem:s14+$0x320] =	vst v4  }
0x139: {  	v1 =	vor.u32 v1, v2;
	v2 =	vld.idx.msk [tilespmem:v7+s26+$0x0], $0xffff  }
0x13a: {  	v61 =	vld.idx.msk [tilespmem:v9+s25+$0x0], $0xffff  }
0x13b: {  	v62 =	vld.idx.msk [tilespmem:v10+s26+$0x0], $0xffff  }
0x13c: {  	v4 =	vld.idx.msk [tilespmem:v5+s25+$0x0], $0xffff  }
0x13d: {  	v3 =	vld.idx.msk [tilespmem:v3+s25+$0x0], $0xffff  }
0x13e: {  	v1 =	vld.idx.msk [tilespmem:v1+s26+$0x0], $0xffff;
	_ =	sdelay $0x2  }
0x13f: {  	v63 =	vadd.f32 v62, v61;
	v2 =	vadd.f32 v2, v4;
	_ =	sdelay $0x1  }
0x140: {  	v1 =	vadd.f32 v1, v3;
	v4 =	vmul.f32 v63, v6;
	v2 =	vmul.f32 v2, v11;
	_ =	sdelay $0x1  }
0x141: {  	v1 =	vmul.f32 v1, v8;
	v2 =	vadd.f32 v4, v2  }
0x142: {  	p3 =	sne.s32 s11, $0x310  }
.Ltmp6:
0x143: {  	v1 =	vadd.f32 v1, v2;
	(pc) =	sbr.rel @p3 .LBB2_6-.Ltmp6, $4  }
0x144: {  	_ = 	snop  }
0x145: {  	v1 =	vmul.f32 $5.000000000e-01, v1  }
0x146: {  	s9 =	sadd.s32 $0x10, s9  }
0x147: {  	s13 =	sadd.s32 $0x10, s13;
	s11 =	sadd.s32 $0x10, s11;
	[tilespmem:s14+$0x640] =	vst v1;
	s14 =	sadd.s32 $0x10, s14  }
0x148: {  	s14 =	sshll.u32 s18, $0x7  }
0x149: {  	s9 =	sor.u32 s5, s14  }
0x14a: {  	s9 =	smul.u32 $0x320, s9;
	_ =	sdelay $0x1  }
0x14b: {  	s9 =	sshrl.u32 s9, $0x3  }
0x14c: {  	s9 =	sadd.s32 s7, s9  }
0x14d: {  	[hbm4b:s9+s6] =	stream.linear.scatter [tilespmem:s30], [sflag:$0x7], $0x320, $0x38;
	[tilespmem:$0xFA00] =	vst v63  }
0x14e: {  	s11 =	sadd.s32 $0x61A80, s9  }
0x14f: {  	[hbm4b:s11+s6] =	stream.linear.scatter [tilespmem:s3], [sflag:$0x7], $0x320, $0x38;
	[tilespmem:$0xFA00] =	vst v63  }
0x150: {  	s29 =	sadd.s32 $0xC3500, s9  }
0x151: {  	[hbm4b:s29+s6] =	stream.linear.scatter [tilespmem:s8], [sflag:$0x7], $0x320, $0x38;
	[tilespmem:$0xFA00] =	vst v63  }
0x152: {  	s9 =	sadd.s32 $0x124F80, s9  }
0x153: {  	[hbm4b:s9+s6] =	stream.linear.scatter [tilespmem:s10], [sflag:$0x7], $0x320, $0x38;
	[tilespmem:$0xFA00] =	vst v63  }
0x154: {  	s9 =	sor.u32 $0x1, s15  }
0x155: {  	p3 =	sgt.u32 s9, $0x7C  }
.Ltmp7:
0x156: {  	_ = 	snop;
	(pc) =	sbr.rel @p3 .LBB2_13-.Ltmp7, $1  }
0x157: {  	_ =	sdelay $0x3  }
0x158: {  	p3 =	sgt.u32 s18, $0x1E  }
.Ltmp8:
0x159: {  	_ = 	snop;
	(pc) =	sbr.rel @p3 .LBB2_10-.Ltmp8, $1  }
0x15a: {  	_ =	sdelay $0x3  }
0x15b: {  	_ =	swait.ge [sflag:s12], $0x320  }
0x15c: {  	[sflag:s12] =	ssyncset.done $0x0  }
0x15d: {  	[sflag:s12] =	ssyncadd.s32 $0xFFFFFCE0  }
0x15e: {  	_ =	swait.ge [sflag:s12], $0x320  }
0x15f: {  	[sflag:s12] =	ssyncset.done $0x0  }
0x160: {  	s11 =	simm.s32 $0x640;
	[sflag:s12] =	ssyncadd.s32 $0xFFFFFCE0  }
0x161: {  	[tilespmem:s25], [sflag:$0x5] =	stream.indirect.gather [hbm4b:s1+s24], $0x10, s11, s24, $0xb8;
	[tilespmem:$0xFA00] =	vst v63  }
0x162: {  	s29 =	simm.s32 $0x12C0  }
0x163: {  	[tilespmem:s26], [sflag:$0x5] =	stream.indirect.gather [hbm4b:s1+s24], $0x10, s29, s24, $0xb8;
	[tilespmem:$0xFA00] =	vst v63  }
0x164: {  	s30 =	simm.s32 $0x1E00;
	s13 =	simm.s32 $0x690  }
0x165: {  	[tilespmem:s30], [sflag:$0x5] =	stream.indirect.gather [hbm4b:s1+s24], $0x10, s13, s24, $0xb8;
	[tilespmem:$0xFA00] =	vst v63  }
0x166: {  	s29 =	simm.s32 $0x8200;
	s30 =	simm.s32 $0x1310  }
0x167: {  	[tilespmem:s29], [sflag:$0x5] =	stream.indirect.gather [hbm4b:s1+s24], $0x10, s30, s24, $0xb8;
	[tilespmem:$0xFA00] =	vst v63  }
0x168: {  	s29 =	simm.s32 $0x2300;
	s30 =	simm.s32 $0x6E0  }
0x169: {  	[tilespmem:s29], [sflag:$0x5] =	stream.indirect.gather [hbm4b:s1+s24], $0x10, s30, s24, $0xb8;
	[tilespmem:$0xFA00] =	vst v63  }
0x16a: {  	s29 =	simm.s32 $0x8700;
	s30 =	simm.s32 $0x1360  }
0x16b: {  	[tilespmem:s29], [sflag:$0x5] =	stream.indirect.gather [hbm4b:s1+s24], $0x10, s30, s24, $0xb8;
	[tilespmem:$0xFA00] =	vst v63  }
0x16c: {  	s29 =	simm.s32 $0x2800;
	s30 =	simm.s32 $0x730  }
0x16d: {  	[tilespmem:s29], [sflag:$0x5] =	stream.indirect.gather [hbm4b:s1+s24], $0x10, s30, s24, $0xb8;
	[tilespmem:$0xFA00] =	vst v63  }
0x16e: {  	s29 =	simm.s32 $0x8C00;
	s30 =	simm.s32 $0x13B0  }
0x16f: {  	[tilespmem:s29], [sflag:$0x5] =	stream.indirect.gather [hbm4b:s1+s24], $0x10, s30, s24, $0xb8;
	[tilespmem:$0xFA00] =	vst v63  }
0x170: {  	s29 =	simm.s32 $0x2D00;
	s30 =	simm.s32 $0x780  }
0x171: {  	[tilespmem:s29], [sflag:$0x5] =	stream.indirect.gather [hbm4b:s1+s24], $0x10, s30, s24, $0xb8;
	[tilespmem:$0xFA00] =	vst v63  }
0x172: {  	s29 =	simm.s32 $0x9100;
	s30 =	simm.s32 $0x1400  }
0x173: {  	[tilespmem:s29], [sflag:$0x5] =	stream.indirect.gather [hbm4b:s1+s24], $0x10, s30, s24, $0xb8;
	[tilespmem:$0xFA00] =	vst v63  }
0x174: {  	s29 =	simm.s32 $0x3200;
	s30 =	simm.s32 $0x7D0  }
0x175: {  	[tilespmem:s29], [sflag:$0x5] =	stream.indirect.gather [hbm4b:s1+s24], $0x10, s30, s24, $0xb8;
	[tilespmem:$0xFA00] =	vst v63  }
0x176: {  	s29 =	simm.s32 $0x9600;
	s30 =	simm.s32 $0x1450  }
0x177: {  	[tilespmem:s29], [sflag:$0x5] =	stream.indirect.gather [hbm4b:s1+s24], $0x10, s30, s24, $0xb8;
	[tilespmem:$0xFA00] =	vst v63  }
0x178: {  	s29 =	simm.s32 $0x3700;
	s30 =	simm.s32 $0x820  }
0x179: {  	[tilespmem:s29], [sflag:$0x5] =	stream.indirect.gather [hbm4b:s1+s24], $0x10, s30, s24, $0xb8;
	[tilespmem:$0xFA00] =	vst v63  }
0x17a: {  	s29 =	simm.s32 $0x9B00;
	s30 =	simm.s32 $0x14A0  }
0x17b: {  	[tilespmem:s29], [sflag:$0x5] =	stream.indirect.gather [hbm4b:s1+s24], $0x10, s30, s24, $0xb8;
	[tilespmem:$0xFA00] =	vst v63  }
0x17c: {  	s29 =	simm.s32 $0x3C00;
	s30 =	simm.s32 $0x870  }
0x17d: {  	[tilespmem:s29], [sflag:$0x5] =	stream.indirect.gather [hbm4b:s1+s24], $0x10, s30, s24, $0xb8;
	[tilespmem:$0xFA00] =	vst v63  }
0x17e: {  	s29 =	simm.s32 $0xA000;
	s30 =	simm.s32 $0x14F0  }
0x17f: {  	[tilespmem:s29], [sflag:$0x5] =	stream.indirect.gather [hbm4b:s1+s24], $0x10, s30, s24, $0xb8;
	[tilespmem:$0xFA00] =	vst v63  }
0x180: {  	s29 =	simm.s32 $0x4100;
	s30 =	simm.s32 $0x8C0  }
0x181: {  	[tilespmem:s29], [sflag:$0x5] =	stream.indirect.gather [hbm4b:s1+s24], $0x10, s30, s24, $0xb8;
	[tilespmem:$0xFA00] =	vst v63  }
0x182: {  	s29 =	simm.s32 $0xA500;
	s30 =	simm.s32 $0x1540  }
0x183: {  	[tilespmem:s29], [sflag:$0x5] =	stream.indirect.gather [hbm4b:s1+s24], $0x10, s30, s24, $0xb8;
	[tilespmem:$0xFA00] =	vst v63  }
0x184: {  	s29 =	simm.s32 $0x4600;
	s30 =	simm.s32 $0x910  }
0x185: {  	[tilespmem:s29], [sflag:$0x5] =	stream.indirect.gather [hbm4b:s1+s24], $0x10, s30, s24, $0xb8;
	[tilespmem:$0xFA00] =	vst v63  }
0x186: {  	s29 =	simm.s32 $0xAA00;
	s30 =	simm.s32 $0x1590  }
0x187: {  	[tilespmem:s29], [sflag:$0x5] =	stream.indirect.gather [hbm4b:s1+s24], $0x10, s30, s24, $0xb8;
	[tilespmem:$0xFA00] =	vst v63  }
.LBB2_10:
0x188: {  	s11 =	rddreg [dreg:$0xb]  }
0x189: {  	s11 =	sadd.s32 s11, s14  }
0x18a: {  	s11 =	smul.u32 $0x64, s11;
	_ =	sdelay $0x1  }
0x18b: {  	s13 =	sadd.s32 s2, s11  }
0x18c: {  	[tilespmem:s6], [sflag:$0x1] =	stream.linear.gather [hbm4b:s13+s6], $0x320, $0x38;
	[tilespmem:$0xFA00] =	vst v63  }
0x18d: {  	s11 =	sadd.s32 s4, s11;
	s13 =	simm.s32 $0xC80  }
0x18e: {  	[tilespmem:s13], [sflag:$0x1] =	stream.linear.gather [hbm4b:s11+s6], $0x320, $0x38;
	[tilespmem:$0xFA00] =	vst v63  }
0x18f: {  	_ =	swait.ge [sflag:s17], $0x500  }
0x190: {  	[sflag:s17] =	ssyncset.done $0x0  }
0x191: {  	[sflag:s17] =	ssyncadd.s32 $0xFFFFFB00  }
0x192: {  	_ =	swait.ge [sflag:s17], $0x500  }
0x193: {  	[sflag:s17] =	ssyncset.done $0x0  }
0x194: {  	[sflag:s17] =	ssyncadd.s32 $0xFFFFFB00  }
0x195: {  	_ =	swait.ge [sflag:s17], $0x500  }
0x196: {  	[sflag:s17] =	ssyncset.done $0x0  }
0x197: {  	[sflag:s17] =	ssyncadd.s32 $0xFFFFFB00  }
0x198: {  	_ =	swait.ge [sflag:s17], $0x500  }
0x199: {  	[sflag:s17] =	ssyncset.done $0x0  }
0x19a: {  	[sflag:s17] =	ssyncadd.s32 $0xFFFFFB00  }
0x19b: {  	_ =	swait.ge [sflag:s17], $0x500  }
0x19c: {  	[sflag:s17] =	ssyncset.done $0x0  }
0x19d: {  	[sflag:s17] =	ssyncadd.s32 $0xFFFFFB00  }
0x19e: {  	_ =	swait.ge [sflag:s17], $0x500  }
0x19f: {  	[sflag:s17] =	ssyncset.done $0x0  }
0x1a0: {  	[sflag:s17] =	ssyncadd.s32 $0xFFFFFB00  }
0x1a1: {  	_ =	swait.ge [sflag:s17], $0x500  }
0x1a2: {  	[sflag:s17] =	ssyncset.done $0x0  }
0x1a3: {  	[sflag:s17] =	ssyncadd.s32 $0xFFFFFB00  }
0x1a4: {  	_ =	swait.ge [sflag:s17], $0x500  }
0x1a5: {  	[sflag:s17] =	ssyncset.done $0x0  }
0x1a6: {  	[sflag:s17] =	ssyncadd.s32 $0xFFFFFB00  }
0x1a7: {  	_ =	swait.ge [sflag:s17], $0x500  }
0x1a8: {  	[sflag:s17] =	ssyncset.done $0x0  }
0x1a9: {  	[sflag:s17] =	ssyncadd.s32 $0xFFFFFB00  }
0x1aa: {  	_ =	swait.ge [sflag:s17], $0x500  }
0x1ab: {  	[sflag:s17] =	ssyncset.done $0x0  }
0x1ac: {  	[sflag:s17] =	ssyncadd.s32 $0xFFFFFB00  }
0x1ad: {  	_ =	swait.ge [sflag:s17], $0x500  }
0x1ae: {  	[sflag:s17] =	ssyncset.done $0x0  }
0x1af: {  	[sflag:s17] =	ssyncadd.s32 $0xFFFFFB00  }
0x1b0: {  	_ =	swait.ge [sflag:s17], $0x500  }
0x1b1: {  	[sflag:s17] =	ssyncset.done $0x0  }
0x1b2: {  	[sflag:s17] =	ssyncadd.s32 $0xFFFFFB00  }
0x1b3: {  	_ =	swait.ge [sflag:s17], $0x500  }
0x1b4: {  	[sflag:s17] =	ssyncset.done $0x0  }
0x1b5: {  	[sflag:s17] =	ssyncadd.s32 $0xFFFFFB00  }
0x1b6: {  	_ =	swait.ge [sflag:s17], $0x500  }
0x1b7: {  	[sflag:s17] =	ssyncset.done $0x0  }
0x1b8: {  	[sflag:s17] =	ssyncadd.s32 $0xFFFFFB00  }
0x1b9: {  	_ =	swait.ge [sflag:s17], $0x500  }
0x1ba: {  	[sflag:s17] =	ssyncset.done $0x0  }
0x1bb: {  	[sflag:s17] =	ssyncadd.s32 $0xFFFFFB00  }
0x1bc: {  	_ =	swait.ge [sflag:s17], $0x500  }
0x1bd: {  	[sflag:s17] =	ssyncset.done $0x0  }
0x1be: {  	[sflag:s17] =	ssyncadd.s32 $0xFFFFFB00  }
0x1bf: {  	_ =	swait.ge [sflag:s17], $0x500  }
0x1c0: {  	[sflag:s17] =	ssyncset.done $0x0  }
0x1c1: {  	[sflag:s17] =	ssyncadd.s32 $0xFFFFFB00  }
0x1c2: {  	_ =	swait.ge [sflag:s17], $0x500  }
0x1c3: {  	[sflag:s17] =	ssyncset.done $0x0  }
0x1c4: {  	[sflag:s17] =	ssyncadd.s32 $0xFFFFFB00  }
0x1c5: {  	_ =	swait.ge [sflag:s17], $0x500  }
0x1c6: {  	[sflag:s17] =	ssyncset.done $0x0  }
0x1c7: {  	[sflag:s17] =	ssyncadd.s32 $0xFFFFFB00  }
0x1c8: {  	_ =	swait.ge [sflag:s17], $0x500  }
0x1c9: {  	[sflag:s17] =	ssyncset.done $0x0  }
0x1ca: {  	s11 =	simm.s32 @!p2 $0x8;
	[sflag:s17] =	ssyncadd.s32 $0xFFFFFB00  }
0x1cb: {  	_ =	swait.ge @!p2 [sflag:s11], $0x320  }
0x1cc: {  	[sflag:s11] =	ssyncset.done @!p2 $0x0  }
0x1cd: {  	[sflag:s11] =	ssyncadd.s32 @!p2 $0xFFFFFCE0  }
0x1ce: {  	_ =	swait.ge @!p2 [sflag:s11], $0x320  }
0x1cf: {  	[sflag:s11] =	ssyncset.done @!p2 $0x0  }
0x1d0: {  	[sflag:s11] =	ssyncadd.s32 @!p2 $0xFFFFFCE0  }
0x1d1: {  	_ =	swait.ge @!p2 [sflag:s11], $0x320  }
0x1d2: {  	[sflag:s11] =	ssyncset.done @!p2 $0x0  }
0x1d3: {  	[sflag:s11] =	ssyncadd.s32 @!p2 $0xFFFFFCE0  }
0x1d4: {  	_ =	swait.ge @!p2 [sflag:s11], $0x320  }
0x1d5: {  	s29 =	simm.s32 $0x320;
	s30 =	simm.s32 $0xF0A0;
	[sflag:s11] =	ssyncset.done @!p2 $0x0  }
0x1d6: {  	s13 =	simm.s32 $0x0;
	[sflag:s11] =	ssyncadd.s32 @!p2 $0xFFFFFCE0;
	s11 =	simm.s32 $0xFA0  }
.LBB2_11:
0x1d7: {  	v3 =	vld [tilespmem:s29+$0x0]  }
0x1d8: {  	v2 =	vld [tilespmem:s11+$0x0];
	_ =	sdelay $0x1  }
0x1d9: {  	v1 =	vmov s13  }
0x1da: {  	v1 =	vshll.u32 v1, $0x4  }
0x1db: {  	v1 =	vor.u32 v0, v1;
	v4 =	vand.u32 $0xF, v3  }
0x1dc: {  	v5 =	vand.u32 $0xF, v2;
	v6 =	vadd.s32 $0x1, v3;
	v4 =	vor.u32 v1, v4  }
0x1dd: {  	v7 =	vadd.s32 $0x1, v2;
	v5 =	vor.u32 v1, v5;
	v6 =	vand.u32 $0xF, v6  }
0x1de: {  	v8 =	vadd.s32 $0x2, v3;
	v7 =	vand.u32 $0xF, v7;
	v6 =	vor.u32 v1, v6  }
0x1df: {  	v9 =	vadd.s32 $0x2, v2;
	v8 =	vand.u32 $0xF, v8;
	v7 =	vor.u32 v1, v7  }
0x1e0: {  	v10 =	vadd.s32 $0x3, v3;
	v9 =	vand.u32 $0xF, v9;
	v8 =	vor.u32 v1, v8  }
0x1e1: {  	v12 =	vadd.s32 $0x3, v2;
	v10 =	vand.u32 $0xF, v10;
	v9 =	vor.u32 v1, v9;
	v11 =	vld.idx.msk [tilespmem:v4+s22+$0x0], $0xffff  }
0x1e2: {  	v14 =	vadd.s32 $0x4, v3;
	v12 =	vand.u32 $0xF, v12;
	v10 =	vor.u32 v1, v10;
	v13 =	vld.idx.msk [tilespmem:v5+s31+$0x0], $0xffff  }
0x1e3: {  	v15 =	vadd.s32 $0x4, v2;
	v14 =	vand.u32 $0xF, v14;
	v12 =	vor.u32 v1, v12;
	v6 =	vld.idx.msk [tilespmem:v6+s22+$0x0], $0xffff  }
0x1e4: {  	v16 =	vadd.s32 $0x5, v3;
	v15 =	vand.u32 $0xF, v15;
	v14 =	vor.u32 v1, v14;
	v7 =	vld.idx.msk [tilespmem:v7+s31+$0x0], $0xffff  }
0x1e5: {  	v17 =	vadd.s32 $0x5, v2;
	v16 =	vand.u32 $0xF, v16;
	v15 =	vor.u32 v1, v15;
	v8 =	vld.idx.msk [tilespmem:v8+s22+$0x0], $0xffff  }
0x1e6: {  	v17 =	vand.u32 $0xF, v17;
	v16 =	vor.u32 v1, v16;
	v9 =	vld.idx.msk [tilespmem:v9+s31+$0x0], $0xffff  }
0x1e7: {  	v17 =	vor.u32 v1, v17;
	v10 =	vld.idx.msk [tilespmem:v10+s22+$0x0], $0xffff  }
0x1e8: {  	v12 =	vld.idx.msk [tilespmem:v12+s31+$0x0], $0xffff  }
0x1e9: {  	v14 =	vld.idx.msk [tilespmem:v14+s22+$0x0], $0xffff  }
0x1ea: {  	v15 =	vld.idx.msk [tilespmem:v15+s31+$0x0], $0xffff  }
0x1eb: {  	v16 =	vld.idx.msk [tilespmem:v16+s22+$0x0], $0xffff  }
0x1ec: {  	v17 =	vld.idx.msk [tilespmem:v17+s31+$0x0], $0xffff;
	_ =	sdelay $0x1  }
0x1ed: {  	v11 =	vsub.f32 v11, v13;
	v6 =	vsub.f32 v6, v7  }
0x1ee: {  	v33 =	vadd.f32 v12, v10;
	v34 =	vadd.f32 v15, v14  }
0x1ef: {  	v8 =	vsub.f32 v8, v9  }
0x1f0: {  	v36 =	vadd.f32 v17, v16;
	v7 =	vmul.f32 v33, v11;
	v35 =	vmul.f32 v34, v6;
	_ =	sdelay $0x1  }
0x1f1: {  	v38 =	vadd.s32 $0x6, v3;
	v37 =	vmul.f32 v36, v8;
	v7 =	vadd.f32 v35, v7  }
0x1f2: {  	v40 =	vadd.s32 $0x6, v2;
	v41 =	vadd.s32 $0x7, v3;
	v39 =	vand.u32 $0xF, v38  }
0x1f3: {  	v9 =	vor.u32 v1, v39;
	v10 =	vand.u32 $0xF, v40;
	v7 =	vadd.f32 v37, v7  }
0x1f4: {  	v42 =	vadd.s32 $0x7, v2;
	v12 =	vand.u32 $0xF, v41;
	v10 =	vor.u32 v1, v10  }
0x1f5: {  	v13 =	vand.u32 $0xF, v42;
	v12 =	vor.u32 v1, v12;
	v7 =	vmul.f32 $5.000000000e-01, v7  }
0x1f6: {  	v13 =	vor.u32 v1, v13  }
0x1f7: {  	v4 =	vxor.u32 $0x8, v4;
	[tilespmem:s30+$0xFFFFFCE0] =	vst v7  }
0x1f8: {  	v5 =	vxor.u32 $0x8, v5;
	v7 =	vld.idx.msk [tilespmem:v9+s22+$0x0], $0xffff  }
0x1f9: {  	v43 =	vld.idx.msk [tilespmem:v10+s31+$0x0], $0xffff  }
0x1fa: {  	v44 =	vld.idx.msk [tilespmem:v12+s22+$0x0], $0xffff  }
0x1fb: {  	v45 =	vld.idx.msk [tilespmem:v13+s31+$0x0], $0xffff  }
0x1fc: {  	v4 =	vld.idx.msk [tilespmem:v4+s22+$0x0], $0xffff  }
0x1fd: {  	v5 =	vld.idx.msk [tilespmem:v5+s31+$0x0], $0xffff;
	_ =	sdelay $0x2  }
0x1fe: {  	v7 =	vadd.f32 v43, v7;
	v46 =	vadd.f32 v45, v44;
	_ =	sdelay $0x1  }
0x1ff: {  	v4 =	vadd.f32 v5, v4;
	v7 =	vmul.f32 v7, v11;
	v9 =	vmul.f32 v46, v6  }
0x200: {  	v48 =	vadd.s32 $0x9, v3  }
0x201: {  	v49 =	vadd.s32 $0x9, v2;
	v4 =	vmul.f32 v4, v8;
	v47 =	vadd.f32 v9, v7  }
0x202: {  	v50 =	vadd.s32 $0xA, v3;
	v51 =	vadd.s32 $0xA, v2;
	v5 =	vand.u32 $0xF, v48  }
0x203: {  	v5 =	vor.u32 v1, v5;
	v7 =	vand.u32 $0xF, v49;
	v4 =	vadd.f32 v4, v47  }
0x204: {  	v52 =	vadd.s32 $0xB, v3;
	v9 =	vand.u32 $0xF, v50;
	v7 =	vor.u32 v1, v7  }
0x205: {  	v10 =	vand.u32 $0xF, v51;
	v9 =	vor.u32 v1, v9;
	v4 =	vmul.f32 $5.000000000e-01, v4  }
0x206: {  	v53 =	vadd.s32 $0xB, v2;
	v12 =	vand.u32 $0xF, v52;
	v10 =	vor.u32 v1, v10  }
0x207: {  	v55 =	vand.u32 $0xF, v53;
	v54 =	vor.u32 v1, v12;
	[tilespmem:s30+$0x0] =	vst v4  }
0x208: {  	v12 =	vor.u32 v1, v55;
	v5 =	vld.idx.msk [tilespmem:v5+s22+$0x0], $0xffff  }
0x209: {  	v7 =	vld.idx.msk [tilespmem:v7+s31+$0x0], $0xffff  }
0x20a: {  	v9 =	vld.idx.msk [tilespmem:v9+s22+$0x0], $0xffff  }
0x20b: {  	v10 =	vld.idx.msk [tilespmem:v10+s31+$0x0], $0xffff  }
0x20c: {  	v4 =	vld.idx.msk [tilespmem:v54+s22+$0x0], $0xffff  }
0x20d: {  	v12 =	vld.idx.msk [tilespmem:v12+s31+$0x0], $0xffff;
	_ =	sdelay $0x2  }
0x20e: {  	v5 =	vadd.f32 v7, v5;
	v56 =	vadd.f32 v10, v9;
	_ =	sdelay $0x1  }
0x20f: {  	v4 =	vadd.f32 v12, v4;
	v5 =	vmul.f32 v5, v11;
	v7 =	vmul.f32 v56, v6  }
0x210: {  	v57 =	vadd.s32 $0xC, v3  }
0x211: {  	v58 =	vadd.s32 $0xC, v2;
	v4 =	vmul.f32 v4, v8;
	v5 =	vadd.f32 v7, v5  }
0x212: {  	v59 =	vadd.s32 $0xD, v3;
	v60 =	vadd.s32 $0xD, v2;
	v7 =	vand.u32 $0xF, v58  }
0x213: {  	v9 =	vand.u32 $0xF, v59;
	v7 =	vor.u32 v1, v7;
	v4 =	vadd.f32 v4, v5  }
0x214: {  	v3 =	vadd.s32 $0xE, v3;
	v10 =	vand.u32 $0xF, v60;
	v9 =	vor.u32 v1, v9  }
0x215: {  	v10 =	vor.u32 v1, v10;
	v5 =	vand.u32 $0xF, v57;
	v4 =	vmul.f32 $5.000000000e-01, v4  }
0x216: {  	v2 =	vadd.s32 $0xE, v2;
	v3 =	vand.u32 $0xF, v3;
	v5 =	vor.u32 v1, v5  }
0x217: {  	v2 =	vand.u32 $0xF, v2;
	v3 =	vor.u32 v1, v3;
	[tilespmem:s30+$0x320] =	vst v4  }
0x218: {  	v1 =	vor.u32 v1, v2;
	v2 =	vld.idx.msk [tilespmem:v7+s31+$0x0], $0xffff  }
0x219: {  	v61 =	vld.idx.msk [tilespmem:v9+s22+$0x0], $0xffff  }
0x21a: {  	v62 =	vld.idx.msk [tilespmem:v10+s31+$0x0], $0xffff  }
0x21b: {  	v4 =	vld.idx.msk [tilespmem:v5+s22+$0x0], $0xffff  }
0x21c: {  	v3 =	vld.idx.msk [tilespmem:v3+s22+$0x0], $0xffff  }
0x21d: {  	v1 =	vld.idx.msk [tilespmem:v1+s31+$0x0], $0xffff;
	_ =	sdelay $0x2  }
0x21e: {  	v63 =	vadd.f32 v62, v61;
	v2 =	vadd.f32 v2, v4;
	_ =	sdelay $0x1  }
0x21f: {  	v1 =	vadd.f32 v1, v3;
	v4 =	vmul.f32 v63, v6;
	v2 =	vmul.f32 v2, v11;
	_ =	sdelay $0x1  }
0x220: {  	v1 =	vmul.f32 v1, v8;
	v2 =	vadd.f32 v4, v2  }
0x221: {  	p2 =	sne.s32 s13, $0x310  }
.Ltmp9:
0x222: {  	v1 =	vadd.f32 v1, v2;
	(pc) =	sbr.rel @p2 .LBB2_11-.Ltmp9, $4  }
0x223: {  	_ = 	snop  }
0x224: {  	v1 =	vmul.f32 $5.000000000e-01, v1  }
0x225: {  	s29 =	sadd.s32 $0x10, s29  }
0x226: {  	s11 =	sadd.s32 $0x10, s11;
	s13 =	sadd.s32 $0x10, s13;
	[tilespmem:s30+$0x640] =	vst v1;
	s30 =	sadd.s32 $0x10, s30  }
0x227: {  	s9 =	sshll.u32 s9, $0x5  }
0x228: {  	s9 =	sor.u32 s5, s9  }
0x229: {  	s9 =	smul.u32 $0x320, s9;
	_ =	sdelay $0x1  }
0x22a: {  	s9 =	sshrl.u32 s9, $0x3  }
0x22b: {  	s11 =	simm.s32 $0xED80;
	s9 =	sadd.s32 s7, s9  }
0x22c: {  	[hbm4b:s9+s6] =	stream.linear.scatter [tilespmem:s11], [sflag:$0x8], $0x320, $0x38;
	[tilespmem:$0xFA00] =	vst v63  }
0x22d: {  	s13 =	simm.s32 $0xF0A0;
	s29 =	sadd.s32 $0x61A80, s9  }
0x22e: {  	[hbm4b:s29+s6] =	stream.linear.scatter [tilespmem:s13], [sflag:$0x8], $0x320, $0x38;
	[tilespmem:$0xFA00] =	vst v63  }
0x22f: {  	s13 =	sadd.s32 $0xC3500, s9;
	s29 =	simm.s32 $0xF3C0  }
0x230: {  	[hbm4b:s13+s6] =	stream.linear.scatter [tilespmem:s29], [sflag:$0x8], $0x320, $0x38;
	[tilespmem:$0xFA00] =	vst v63  }
0x231: {  	s30 =	simm.s32 $0xE100;
	s9 =	sadd.s32 $0x124F80, s9;
	s29 =	simm.s32 $0xF6E0  }
0x232: {  	[hbm4b:s9+s6] =	stream.linear.scatter [tilespmem:s29], [sflag:$0x8], $0x320, $0x38;
	[tilespmem:$0xFA00] =	vst v63  }
.LBB2_13:
0x233: {  	s15 =	sor.u32 $0x2, s15  }
0x234: {  	p2 =	sgt.u32 s15, $0x7C  }
.Ltmp10:
0x235: {  	_ = 	snop;
	(pc) =	sbr.rel @p2 .LBB2_19-.Ltmp10, $1  }
0x236: {  	_ =	sdelay $0x3  }
.Ltmp11:
0x237: {  	(pc) =	sbr.rel @!p1 .LBB2_16-.Ltmp11, $1  }
0x238: {  	_ =	sdelay $0x3  }
0x239: {  	_ =	swait.ge [sflag:s0], $0x320  }
0x23a: {  	[sflag:s0] =	ssyncset.done $0x0  }
0x23b: {  	[sflag:s0] =	ssyncadd.s32 $0xFFFFFCE0  }
0x23c: {  	_ =	swait.ge [sflag:s0], $0x320  }
0x23d: {  	[sflag:s0] =	ssyncset.done $0x0  }
0x23e: {  	s9 =	simm.s32 $0x960;
	[sflag:s0] =	ssyncadd.s32 $0xFFFFFCE0  }
0x23f: {  	[tilespmem:s22], [sflag:$0x6] =	stream.indirect.gather [hbm4b:s1+s24], $0x10, s9, s24, $0xb8;
	[tilespmem:$0xFA00] =	vst v63  }
0x240: {  	s13 =	simm.s32 $0x15E0  }
0x241: {  	[tilespmem:s31], [sflag:$0x6] =	stream.indirect.gather [hbm4b:s1+s24], $0x10, s13, s24, $0xb8;
	[tilespmem:$0xFA00] =	vst v63  }
0x242: {  	s29 =	simm.s32 $0x9B0;
	s11 =	simm.s32 $0x5000  }
0x243: {  	[tilespmem:s11], [sflag:$0x6] =	stream.indirect.gather [hbm4b:s1+s24], $0x10, s29, s24, $0xb8;
	[tilespmem:$0xFA00] =	vst v63  }
0x244: {  	s13 =	simm.s32 $0x1630;
	s29 =	simm.s32 $0xB400  }
0x245: {  	[tilespmem:s29], [sflag:$0x6] =	stream.indirect.gather [hbm4b:s1+s24], $0x10, s13, s24, $0xb8;
	[tilespmem:$0xFA00] =	vst v63  }
0x246: {  	s13 =	simm.s32 $0xA00;
	s29 =	simm.s32 $0x5500  }
0x247: {  	[tilespmem:s29], [sflag:$0x6] =	stream.indirect.gather [hbm4b:s1+s24], $0x10, s13, s24, $0xb8;
	[tilespmem:$0xFA00] =	vst v63  }
0x248: {  	s13 =	simm.s32 $0x1680;
	s29 =	simm.s32 $0xB900  }
0x249: {  	[tilespmem:s29], [sflag:$0x6] =	stream.indirect.gather [hbm4b:s1+s24], $0x10, s13, s24, $0xb8;
	[tilespmem:$0xFA00] =	vst v63  }
0x24a: {  	s13 =	simm.s32 $0xA50;
	s29 =	simm.s32 $0x5A00  }
0x24b: {  	[tilespmem:s29], [sflag:$0x6] =	stream.indirect.gather [hbm4b:s1+s24], $0x10, s13, s24, $0xb8;
	[tilespmem:$0xFA00] =	vst v63  }
0x24c: {  	s13 =	simm.s32 $0x16D0;
	s29 =	simm.s32 $0xBE00  }
0x24d: {  	[tilespmem:s29], [sflag:$0x6] =	stream.indirect.gather [hbm4b:s1+s24], $0x10, s13, s24, $0xb8;
	[tilespmem:$0xFA00] =	vst v63  }
0x24e: {  	s13 =	simm.s32 $0xAA0;
	s29 =	simm.s32 $0x5F00  }
0x24f: {  	[tilespmem:s29], [sflag:$0x6] =	stream.indirect.gather [hbm4b:s1+s24], $0x10, s13, s24, $0xb8;
	[tilespmem:$0xFA00] =	vst v63  }
0x250: {  	s13 =	simm.s32 $0x1720;
	s29 =	simm.s32 $0xC300  }
0x251: {  	[tilespmem:s29], [sflag:$0x6] =	stream.indirect.gather [hbm4b:s1+s24], $0x10, s13, s24, $0xb8;
	[tilespmem:$0xFA00] =	vst v63  }
0x252: {  	s13 =	simm.s32 $0xAF0;
	s29 =	simm.s32 $0x6400  }
0x253: {  	[tilespmem:s29], [sflag:$0x6] =	stream.indirect.gather [hbm4b:s1+s24], $0x10, s13, s24, $0xb8;
	[tilespmem:$0xFA00] =	vst v63  }
0x254: {  	s13 =	simm.s32 $0x1770;
	s29 =	simm.s32 $0xC800  }
0x255: {  	[tilespmem:s29], [sflag:$0x6] =	stream.indirect.gather [hbm4b:s1+s24], $0x10, s13, s24, $0xb8;
	[tilespmem:$0xFA00] =	vst v63  }
0x256: {  	s13 =	simm.s32 $0xB40;
	s29 =	simm.s32 $0x6900  }
0x257: {  	[tilespmem:s29], [sflag:$0x6] =	stream.indirect.gather [hbm4b:s1+s24], $0x10, s13, s24, $0xb8;
	[tilespmem:$0xFA00] =	vst v63  }
0x258: {  	s13 =	simm.s32 $0x17C0;
	s29 =	simm.s32 $0xCD00  }
0x259: {  	[tilespmem:s29], [sflag:$0x6] =	stream.indirect.gather [hbm4b:s1+s24], $0x10, s13, s24, $0xb8;
	[tilespmem:$0xFA00] =	vst v63  }
0x25a: {  	s13 =	simm.s32 $0xB90;
	s29 =	simm.s32 $0x6E00  }
0x25b: {  	[tilespmem:s29], [sflag:$0x6] =	stream.indirect.gather [hbm4b:s1+s24], $0x10, s13, s24, $0xb8;
	[tilespmem:$0xFA00] =	vst v63  }
0x25c: {  	s13 =	simm.s32 $0x1810;
	s29 =	simm.s32 $0xD200  }
0x25d: {  	[tilespmem:s29], [sflag:$0x6] =	stream.indirect.gather [hbm4b:s1+s24], $0x10, s13, s24, $0xb8;
	[tilespmem:$0xFA00] =	vst v63  }
0x25e: {  	s13 =	simm.s32 $0xBE0;
	s29 =	simm.s32 $0x7300  }
0x25f: {  	[tilespmem:s29], [sflag:$0x6] =	stream.indirect.gather [hbm4b:s1+s24], $0x10, s13, s24, $0xb8;
	[tilespmem:$0xFA00] =	vst v63  }
0x260: {  	s13 =	simm.s32 $0x1860;
	s29 =	simm.s32 $0xD700  }
0x261: {  	[tilespmem:s29], [sflag:$0x6] =	stream.indirect.gather [hbm4b:s1+s24], $0x10, s13, s24, $0xb8;
	[tilespmem:$0xFA00] =	vst v63  }
0x262: {  	s13 =	simm.s32 $0xC30;
	s29 =	simm.s32 $0x7800  }
0x263: {  	[tilespmem:s29], [sflag:$0x6] =	stream.indirect.gather [hbm4b:s1+s24], $0x10, s13, s24, $0xb8;
	[tilespmem:$0xFA00] =	vst v63  }
0x264: {  	s13 =	simm.s32 $0x18B0;
	s29 =	simm.s32 $0xDC00  }
0x265: {  	[tilespmem:s29], [sflag:$0x6] =	stream.indirect.gather [hbm4b:s1+s24], $0x10, s13, s24, $0xb8;
	[tilespmem:$0xFA00] =	vst v63  }
.LBB2_16:
0x266: {  	p2 =	sgt.u32 s18, $0x1D;
	s9 =	rddreg [dreg:$0xc]  }
0x267: {  	s9 =	sadd.s32 @!p2 s9, s14  }
0x268: {  	s9 =	smul.u32 @!p2 $0x64, s9;
	_ =	sdelay $0x1  }
0x269: {  	s13 =	simm.s32 @!p2 $0x0;
	s29 =	simm.s32 @!p2 $0x320;
	s11 =	sadd.s32 @!p2 s2, s9  }
0x26a: {  	[tilespmem:s29], [sflag:$0x2] =	stream.linear.gather @!p2 [hbm4b:s11+s13], $0x320, $0x38;
	[tilespmem:$0xFA00] =	vst v63  }
0x26b: {  	s9 =	sadd.s32 @!p2 s4, s9;
	s11 =	simm.s32 @!p2 $0xFA0  }
0x26c: {  	[tilespmem:s11], [sflag:$0x2] =	stream.linear.gather @!p2 [hbm4b:s9+s13], $0x320, $0x38;
	[tilespmem:$0xFA00] =	vst v63  }
0x26d: {  	_ =	swait.ge [sflag:s28], $0x500  }
0x26e: {  	[sflag:s28] =	ssyncset.done $0x0  }
0x26f: {  	[sflag:s28] =	ssyncadd.s32 $0xFFFFFB00  }
0x270: {  	_ =	swait.ge [sflag:s28], $0x500  }
0x271: {  	[sflag:s28] =	ssyncset.done $0x0  }
0x272: {  	[sflag:s28] =	ssyncadd.s32 $0xFFFFFB00  }
0x273: {  	_ =	swait.ge [sflag:s28], $0x500  }
0x274: {  	[sflag:s28] =	ssyncset.done $0x0  }
0x275: {  	[sflag:s28] =	ssyncadd.s32 $0xFFFFFB00  }
0x276: {  	_ =	swait.ge [sflag:s28], $0x500  }
0x277: {  	[sflag:s28] =	ssyncset.done $0x0  }
0x278: {  	[sflag:s28] =	ssyncadd.s32 $0xFFFFFB00  }
0x279: {  	_ =	swait.ge [sflag:s28], $0x500  }
0x27a: {  	[sflag:s28] =	ssyncset.done $0x0  }
0x27b: {  	[sflag:s28] =	ssyncadd.s32 $0xFFFFFB00  }
0x27c: {  	_ =	swait.ge [sflag:s28], $0x500  }
0x27d: {  	[sflag:s28] =	ssyncset.done $0x0  }
0x27e: {  	[sflag:s28] =	ssyncadd.s32 $0xFFFFFB00  }
0x27f: {  	_ =	swait.ge [sflag:s28], $0x500  }
0x280: {  	[sflag:s28] =	ssyncset.done $0x0  }
0x281: {  	[sflag:s28] =	ssyncadd.s32 $0xFFFFFB00  }
0x282: {  	_ =	swait.ge [sflag:s28], $0x500  }
0x283: {  	[sflag:s28] =	ssyncset.done $0x0  }
0x284: {  	[sflag:s28] =	ssyncadd.s32 $0xFFFFFB00  }
0x285: {  	_ =	swait.ge [sflag:s28], $0x500  }
0x286: {  	[sflag:s28] =	ssyncset.done $0x0  }
0x287: {  	[sflag:s28] =	ssyncadd.s32 $0xFFFFFB00  }
0x288: {  	_ =	swait.ge [sflag:s28], $0x500  }
0x289: {  	[sflag:s28] =	ssyncset.done $0x0  }
0x28a: {  	[sflag:s28] =	ssyncadd.s32 $0xFFFFFB00  }
0x28b: {  	_ =	swait.ge [sflag:s28], $0x500  }
0x28c: {  	[sflag:s28] =	ssyncset.done $0x0  }
0x28d: {  	[sflag:s28] =	ssyncadd.s32 $0xFFFFFB00  }
0x28e: {  	_ =	swait.ge [sflag:s28], $0x500  }
0x28f: {  	[sflag:s28] =	ssyncset.done $0x0  }
0x290: {  	[sflag:s28] =	ssyncadd.s32 $0xFFFFFB00  }
0x291: {  	_ =	swait.ge [sflag:s28], $0x500  }
0x292: {  	[sflag:s28] =	ssyncset.done $0x0  }
0x293: {  	[sflag:s28] =	ssyncadd.s32 $0xFFFFFB00  }
0x294: {  	_ =	swait.ge [sflag:s28], $0x500  }
0x295: {  	[sflag:s28] =	ssyncset.done $0x0  }
0x296: {  	[sflag:s28] =	ssyncadd.s32 $0xFFFFFB00  }
0x297: {  	_ =	swait.ge [sflag:s28], $0x500  }
0x298: {  	[sflag:s28] =	ssyncset.done $0x0  }
0x299: {  	[sflag:s28] =	ssyncadd.s32 $0xFFFFFB00  }
0x29a: {  	_ =	swait.ge [sflag:s28], $0x500  }
0x29b: {  	[sflag:s28] =	ssyncset.done $0x0  }
0x29c: {  	[sflag:s28] =	ssyncadd.s32 $0xFFFFFB00  }
0x29d: {  	_ =	swait.ge [sflag:s28], $0x500  }
0x29e: {  	[sflag:s28] =	ssyncset.done $0x0  }
0x29f: {  	[sflag:s28] =	ssyncadd.s32 $0xFFFFFB00  }
0x2a0: {  	_ =	swait.ge [sflag:s28], $0x500  }
0x2a1: {  	[sflag:s28] =	ssyncset.done $0x0  }
0x2a2: {  	[sflag:s28] =	ssyncadd.s32 $0xFFFFFB00  }
0x2a3: {  	_ =	swait.ge [sflag:s28], $0x500  }
0x2a4: {  	[sflag:s28] =	ssyncset.done $0x0  }
0x2a5: {  	[sflag:s28] =	ssyncadd.s32 $0xFFFFFB00  }
0x2a6: {  	_ =	swait.ge [sflag:s28], $0x500  }
0x2a7: {  	[sflag:s28] =	ssyncset.done $0x0  }
0x2a8: {  	[sflag:s28] =	ssyncadd.s32 $0xFFFFFB00  }
0x2a9: {  	_ =	swait.ge [sflag:s19], $0x320  }
0x2aa: {  	[sflag:s19] =	ssyncset.done $0x0  }
0x2ab: {  	[sflag:s19] =	ssyncadd.s32 $0xFFFFFCE0  }
0x2ac: {  	_ =	swait.ge [sflag:s19], $0x320  }
0x2ad: {  	[sflag:s19] =	ssyncset.done $0x0  }
0x2ae: {  	[sflag:s19] =	ssyncadd.s32 $0xFFFFFCE0  }
0x2af: {  	_ =	swait.ge [sflag:s19], $0x320  }
0x2b0: {  	[sflag:s19] =	ssyncset.done $0x0  }
0x2b1: {  	[sflag:s19] =	ssyncadd.s32 $0xFFFFFCE0  }
0x2b2: {  	_ =	swait.ge [sflag:s19], $0x320  }
0x2b3: {  	s29 =	simm.s32 $0xE420;
	s9 =	simm.s32 $0x0;
	[sflag:s19] =	ssyncset.done $0x0  }
0x2b4: {  	s13 =	simm.s32 $0x640;
	s11 =	simm.s32 $0x12C0;
	[sflag:s19] =	ssyncadd.s32 $0xFFFFFCE0  }
.LBB2_17:
0x2b5: {  	v3 =	vld [tilespmem:s13+$0x0]  }
0x2b6: {  	v2 =	vld [tilespmem:s11+$0x0];
	_ =	sdelay $0x1  }
0x2b7: {  	v1 =	vmov s9  }
0x2b8: {  	v1 =	vshll.u32 v1, $0x4  }
0x2b9: {  	v1 =	vor.u32 v0, v1;
	v4 =	vand.u32 $0xF, v3  }
0x2ba: {  	v5 =	vand.u32 $0xF, v2;
	v6 =	vadd.s32 $0x1, v3;
	v4 =	vor.u32 v1, v4  }
0x2bb: {  	v7 =	vadd.s32 $0x1, v2;
	v5 =	vor.u32 v1, v5;
	v6 =	vand.u32 $0xF, v6  }
0x2bc: {  	v8 =	vadd.s32 $0x2, v3;
	v7 =	vand.u32 $0xF, v7;
	v6 =	vor.u32 v1, v6  }
0x2bd: {  	v9 =	vadd.s32 $0x2, v2;
	v8 =	vand.u32 $0xF, v8;
	v7 =	vor.u32 v1, v7  }
0x2be: {  	v10 =	vadd.s32 $0x3, v3;
	v9 =	vand.u32 $0xF, v9;
	v8 =	vor.u32 v1, v8  }
0x2bf: {  	v12 =	vadd.s32 $0x3, v2;
	v10 =	vand.u32 $0xF, v10;
	v9 =	vor.u32 v1, v9;
	v11 =	vld.idx.msk [tilespmem:v4+s25+$0x0], $0xffff  }
0x2c0: {  	v14 =	vadd.s32 $0x4, v3;
	v12 =	vand.u32 $0xF, v12;
	v10 =	vor.u32 v1, v10;
	v13 =	vld.idx.msk [tilespmem:v5+s26+$0x0], $0xffff  }
0x2c1: {  	v15 =	vadd.s32 $0x4, v2;
	v14 =	vand.u32 $0xF, v14;
	v12 =	vor.u32 v1, v12;
	v6 =	vld.idx.msk [tilespmem:v6+s25+$0x0], $0xffff  }
0x2c2: {  	v16 =	vadd.s32 $0x5, v3;
	v15 =	vand.u32 $0xF, v15;
	v14 =	vor.u32 v1, v14;
	v7 =	vld.idx.msk [tilespmem:v7+s26+$0x0], $0xffff  }
0x2c3: {  	v17 =	vadd.s32 $0x5, v2;
	v16 =	vand.u32 $0xF, v16;
	v15 =	vor.u32 v1, v15;
	v8 =	vld.idx.msk [tilespmem:v8+s25+$0x0], $0xffff  }
0x2c4: {  	v17 =	vand.u32 $0xF, v17;
	v16 =	vor.u32 v1, v16;
	v9 =	vld.idx.msk [tilespmem:v9+s26+$0x0], $0xffff  }
0x2c5: {  	v17 =	vor.u32 v1, v17;
	v10 =	vld.idx.msk [tilespmem:v10+s25+$0x0], $0xffff  }
0x2c6: {  	v12 =	vld.idx.msk [tilespmem:v12+s26+$0x0], $0xffff  }
0x2c7: {  	v14 =	vld.idx.msk [tilespmem:v14+s25+$0x0], $0xffff  }
0x2c8: {  	v15 =	vld.idx.msk [tilespmem:v15+s26+$0x0], $0xffff  }
0x2c9: {  	v16 =	vld.idx.msk [tilespmem:v16+s25+$0x0], $0xffff  }
0x2ca: {  	v17 =	vld.idx.msk [tilespmem:v17+s26+$0x0], $0xffff;
	_ =	sdelay $0x1  }
0x2cb: {  	v11 =	vsub.f32 v11, v13;
	v6 =	vsub.f32 v6, v7  }
0x2cc: {  	v33 =	vadd.f32 v12, v10;
	v34 =	vadd.f32 v15, v14  }
0x2cd: {  	v8 =	vsub.f32 v8, v9  }
0x2ce: {  	v36 =	vadd.f32 v17, v16;
	v7 =	vmul.f32 v33, v11;
	v35 =	vmul.f32 v34, v6;
	_ =	sdelay $0x1  }
0x2cf: {  	v38 =	vadd.s32 $0x6, v3;
	v37 =	vmul.f32 v36, v8;
	v7 =	vadd.f32 v35, v7  }
0x2d0: {  	v40 =	vadd.s32 $0x6, v2;
	v41 =	vadd.s32 $0x7, v3;
	v39 =	vand.u32 $0xF, v38  }
0x2d1: {  	v9 =	vor.u32 v1, v39;
	v10 =	vand.u32 $0xF, v40;
	v7 =	vadd.f32 v37, v7  }
0x2d2: {  	v42 =	vadd.s32 $0x7, v2;
	v12 =	vand.u32 $0xF, v41;
	v10 =	vor.u32 v1, v10  }
0x2d3: {  	v13 =	vand.u32 $0xF, v42;
	v12 =	vor.u32 v1, v12;
	v7 =	vmul.f32 $5.000000000e-01, v7  }
0x2d4: {  	v13 =	vor.u32 v1, v13  }
0x2d5: {  	v4 =	vxor.u32 $0x8, v4;
	[tilespmem:s29+$0xFFFFFCE0] =	vst v7  }
0x2d6: {  	v5 =	vxor.u32 $0x8, v5;
	v7 =	vld.idx.msk [tilespmem:v9+s25+$0x0], $0xffff  }
0x2d7: {  	v43 =	vld.idx.msk [tilespmem:v10+s26+$0x0], $0xffff  }
0x2d8: {  	v44 =	vld.idx.msk [tilespmem:v12+s25+$0x0], $0xffff  }
0x2d9: {  	v45 =	vld.idx.msk [tilespmem:v13+s26+$0x0], $0xffff  }
0x2da: {  	v4 =	vld.idx.msk [tilespmem:v4+s25+$0x0], $0xffff  }
0x2db: {  	v5 =	vld.idx.msk [tilespmem:v5+s26+$0x0], $0xffff;
	_ =	sdelay $0x2  }
0x2dc: {  	v7 =	vadd.f32 v43, v7;
	v46 =	vadd.f32 v45, v44;
	_ =	sdelay $0x1  }
0x2dd: {  	v4 =	vadd.f32 v5, v4;
	v7 =	vmul.f32 v7, v11;
	v9 =	vmul.f32 v46, v6  }
0x2de: {  	v48 =	vadd.s32 $0x9, v3  }
0x2df: {  	v49 =	vadd.s32 $0x9, v2;
	v4 =	vmul.f32 v4, v8;
	v47 =	vadd.f32 v9, v7  }
0x2e0: {  	v50 =	vadd.s32 $0xA, v3;
	v51 =	vadd.s32 $0xA, v2;
	v5 =	vand.u32 $0xF, v48  }
0x2e1: {  	v5 =	vor.u32 v1, v5;
	v7 =	vand.u32 $0xF, v49;
	v4 =	vadd.f32 v4, v47  }
0x2e2: {  	v52 =	vadd.s32 $0xB, v3;
	v9 =	vand.u32 $0xF, v50;
	v7 =	vor.u32 v1, v7  }
0x2e3: {  	v10 =	vand.u32 $0xF, v51;
	v9 =	vor.u32 v1, v9;
	v4 =	vmul.f32 $5.000000000e-01, v4  }
0x2e4: {  	v53 =	vadd.s32 $0xB, v2;
	v12 =	vand.u32 $0xF, v52;
	v10 =	vor.u32 v1, v10  }
0x2e5: {  	v55 =	vand.u32 $0xF, v53;
	v54 =	vor.u32 v1, v12;
	[tilespmem:s29+$0x0] =	vst v4  }
0x2e6: {  	v12 =	vor.u32 v1, v55;
	v5 =	vld.idx.msk [tilespmem:v5+s25+$0x0], $0xffff  }
0x2e7: {  	v7 =	vld.idx.msk [tilespmem:v7+s26+$0x0], $0xffff  }
0x2e8: {  	v9 =	vld.idx.msk [tilespmem:v9+s25+$0x0], $0xffff  }
0x2e9: {  	v10 =	vld.idx.msk [tilespmem:v10+s26+$0x0], $0xffff  }
0x2ea: {  	v4 =	vld.idx.msk [tilespmem:v54+s25+$0x0], $0xffff  }
0x2eb: {  	v12 =	vld.idx.msk [tilespmem:v12+s26+$0x0], $0xffff;
	_ =	sdelay $0x2  }
0x2ec: {  	v5 =	vadd.f32 v7, v5;
	v56 =	vadd.f32 v10, v9;
	_ =	sdelay $0x1  }
0x2ed: {  	v4 =	vadd.f32 v12, v4;
	v5 =	vmul.f32 v5, v11;
	v7 =	vmul.f32 v56, v6  }
0x2ee: {  	v57 =	vadd.s32 $0xC, v3  }
0x2ef: {  	v58 =	vadd.s32 $0xC, v2;
	v4 =	vmul.f32 v4, v8;
	v5 =	vadd.f32 v7, v5  }
0x2f0: {  	v59 =	vadd.s32 $0xD, v3;
	v60 =	vadd.s32 $0xD, v2;
	v7 =	vand.u32 $0xF, v58  }
0x2f1: {  	v9 =	vand.u32 $0xF, v59;
	v7 =	vor.u32 v1, v7;
	v4 =	vadd.f32 v4, v5  }
0x2f2: {  	v3 =	vadd.s32 $0xE, v3;
	v10 =	vand.u32 $0xF, v60;
	v9 =	vor.u32 v1, v9  }
0x2f3: {  	v10 =	vor.u32 v1, v10;
	v5 =	vand.u32 $0xF, v57;
	v4 =	vmul.f32 $5.000000000e-01, v4  }
0x2f4: {  	v2 =	vadd.s32 $0xE, v2;
	v3 =	vand.u32 $0xF, v3;
	v5 =	vor.u32 v1, v5  }
0x2f5: {  	v2 =	vand.u32 $0xF, v2;
	v3 =	vor.u32 v1, v3;
	[tilespmem:s29+$0x320] =	vst v4  }
0x2f6: {  	v1 =	vor.u32 v1, v2;
	v2 =	vld.idx.msk [tilespmem:v7+s26+$0x0], $0xffff  }
0x2f7: {  	v61 =	vld.idx.msk [tilespmem:v9+s25+$0x0], $0xffff  }
0x2f8: {  	v62 =	vld.idx.msk [tilespmem:v10+s26+$0x0], $0xffff  }
0x2f9: {  	v4 =	vld.idx.msk [tilespmem:v5+s25+$0x0], $0xffff  }
0x2fa: {  	v3 =	vld.idx.msk [tilespmem:v3+s25+$0x0], $0xffff  }
0x2fb: {  	v1 =	vld.idx.msk [tilespmem:v1+s26+$0x0], $0xffff;
	_ =	sdelay $0x2  }
0x2fc: {  	v63 =	vadd.f32 v62, v61;
	v2 =	vadd.f32 v2, v4;
	_ =	sdelay $0x1  }
0x2fd: {  	v1 =	vadd.f32 v1, v3;
	v4 =	vmul.f32 v63, v6;
	v2 =	vmul.f32 v2, v11;
	_ =	sdelay $0x1  }
0x2fe: {  	v1 =	vmul.f32 v1, v8;
	v2 =	vadd.f32 v4, v2  }
0x2ff: {  	p2 =	sne.s32 s9, $0x310  }
.Ltmp12:
0x300: {  	v1 =	vadd.f32 v1, v2;
	(pc) =	sbr.rel @p2 .LBB2_17-.Ltmp12, $4  }
0x301: {  	_ = 	snop  }
0x302: {  	v1 =	vmul.f32 $5.000000000e-01, v1  }
0x303: {  	s13 =	sadd.s32 $0x10, s13  }
0x304: {  	s11 =	sadd.s32 $0x10, s11;
	s9 =	sadd.s32 $0x10, s9;
	[tilespmem:s29+$0x640] =	vst v1;
	s29 =	sadd.s32 $0x10, s29  }
0x305: {  	s9 =	sshll.u32 s15, $0x5  }
0x306: {  	s9 =	sor.u32 s5, s9  }
0x307: {  	s9 =	smul.u32 $0x320, s9;
	_ =	sdelay $0x1  }
0x308: {  	s9 =	sshrl.u32 s9, $0x3  }
0x309: {  	s9 =	sadd.s32 s7, s9  }
0x30a: {  	[hbm4b:s9+s6] =	stream.linear.scatter [tilespmem:s30], [sflag:$0x7], $0x320, $0x38;
	[tilespmem:$0xFA00] =	vst v63  }
0x30b: {  	s11 =	sadd.s32 $0x61A80, s9  }
0x30c: {  	[hbm4b:s11+s6] =	stream.linear.scatter [tilespmem:s3], [sflag:$0x7], $0x320, $0x38;
	[tilespmem:$0xFA00] =	vst v63  }
0x30d: {  	s29 =	sadd.s32 $0xC3500, s9  }
0x30e: {  	[hbm4b:s29+s6] =	stream.linear.scatter [tilespmem:s8], [sflag:$0x7], $0x320, $0x38;
	[tilespmem:$0xFA00] =	vst v63  }
0x30f: {  	s9 =	sadd.s32 $0x124F80, s9  }
0x310: {  	[hbm4b:s9+s6] =	stream.linear.scatter [tilespmem:s10], [sflag:$0x7], $0x320, $0x38;
	[tilespmem:$0xFA00] =	vst v63  }
.LBB2_19:
.Ltmp13:
0x311: {  	(pc) =	sbr.rel @!p1 .LBB2_25-.Ltmp13, $1  }
0x312: {  	_ =	sdelay $0x3  }
.Ltmp14:
0x313: {  	(pc) =	sbr.rel @p0 .LBB2_22-.Ltmp14, $1  }
0x314: {  	_ =	sdelay $0x3  }
0x315: {  	_ =	swait.ge [sflag:s23], $0x320  }
0x316: {  	[sflag:s23] =	ssyncset.done $0x0  }
0x317: {  	[sflag:s23] =	ssyncadd.s32 $0xFFFFFCE0  }
0x318: {  	_ =	swait.ge [sflag:s23], $0x320  }
0x319: {  	[sflag:s23] =	ssyncset.done $0x0  }
0x31a: {  	[sflag:s23] =	ssyncadd.s32 $0xFFFFFCE0  }
0x31b: {  	[tilespmem:s25], [sflag:$0x5] =	stream.indirect.gather [hbm4b:s1+s24], $0x10, s6, s24, $0xb8;
	[tilespmem:$0xFA00] =	vst v63  }
0x31c: {  	s9 =	simm.s32 $0xC80  }
0x31d: {  	[tilespmem:s26], [sflag:$0x5] =	stream.indirect.gather [hbm4b:s1+s24], $0x10, s9, s24, $0xb8;
	[tilespmem:$0xFA00] =	vst v63  }
0x31e: {  	s15 =	simm.s32 $0x1E00  }
0x31f: {  	[tilespmem:s15], [sflag:$0x5] =	stream.indirect.gather [hbm4b:s1+s24], $0x10, s24, s24, $0xb8;
	[tilespmem:$0xFA00] =	vst v63  }
0x320: {  	s29 =	simm.s32 $0xCD0;
	s11 =	simm.s32 $0x8200  }
0x321: {  	[tilespmem:s11], [sflag:$0x5] =	stream.indirect.gather [hbm4b:s1+s24], $0x10, s29, s24, $0xb8;
	[tilespmem:$0xFA00] =	vst v63  }
0x322: {  	s13 =	simm.s32 $0x2300;
	s11 =	simm.s32 $0xA0  }
0x323: {  	[tilespmem:s13], [sflag:$0x5] =	stream.indirect.gather [hbm4b:s1+s24], $0x10, s11, s24, $0xb8;
	[tilespmem:$0xFA00] =	vst v63  }
0x324: {  	s15 =	simm.s32 $0xD20;
	s29 =	simm.s32 $0x8700  }
0x325: {  	[tilespmem:s29], [sflag:$0x5] =	stream.indirect.gather [hbm4b:s1+s24], $0x10, s15, s24, $0xb8;
	[tilespmem:$0xFA00] =	vst v63  }
0x326: {  	s11 =	simm.s32 $0xF0;
	s13 =	simm.s32 $0x2800  }
0x327: {  	[tilespmem:s13], [sflag:$0x5] =	stream.indirect.gather [hbm4b:s1+s24], $0x10, s11, s24, $0xb8;
	[tilespmem:$0xFA00] =	vst v63  }
0x328: {  	s15 =	simm.s32 $0xD70;
	s29 =	simm.s32 $0x8C00  }
0x329: {  	[tilespmem:s29], [sflag:$0x5] =	stream.indirect.gather [hbm4b:s1+s24], $0x10, s15, s24, $0xb8;
	[tilespmem:$0xFA00] =	vst v63  }
0x32a: {  	s11 =	simm.s32 $0x140;
	s13 =	simm.s32 $0x2D00  }
0x32b: {  	[tilespmem:s13], [sflag:$0x5] =	stream.indirect.gather [hbm4b:s1+s24], $0x10, s11, s24, $0xb8;
	[tilespmem:$0xFA00] =	vst v63  }
0x32c: {  	s15 =	simm.s32 $0xDC0;
	s29 =	simm.s32 $0x9100  }
0x32d: {  	[tilespmem:s29], [sflag:$0x5] =	stream.indirect.gather [hbm4b:s1+s24], $0x10, s15, s24, $0xb8;
	[tilespmem:$0xFA00] =	vst v63  }
0x32e: {  	s11 =	simm.s32 $0x190;
	s13 =	simm.s32 $0x3200  }
0x32f: {  	[tilespmem:s13], [sflag:$0x5] =	stream.indirect.gather [hbm4b:s1+s24], $0x10, s11, s24, $0xb8;
	[tilespmem:$0xFA00] =	vst v63  }
0x330: {  	s15 =	simm.s32 $0xE10;
	s29 =	simm.s32 $0x9600  }
0x331: {  	[tilespmem:s29], [sflag:$0x5] =	stream.indirect.gather [hbm4b:s1+s24], $0x10, s15, s24, $0xb8;
	[tilespmem:$0xFA00] =	vst v63  }
0x332: {  	s11 =	simm.s32 $0x1E0;
	s13 =	simm.s32 $0x3700  }
0x333: {  	[tilespmem:s13], [sflag:$0x5] =	stream.indirect.gather [hbm4b:s1+s24], $0x10, s11, s24, $0xb8;
	[tilespmem:$0xFA00] =	vst v63  }
0x334: {  	s15 =	simm.s32 $0xE60;
	s29 =	simm.s32 $0x9B00  }
0x335: {  	[tilespmem:s29], [sflag:$0x5] =	stream.indirect.gather [hbm4b:s1+s24], $0x10, s15, s24, $0xb8;
	[tilespmem:$0xFA00] =	vst v63  }
0x336: {  	s11 =	simm.s32 $0x230;
	s13 =	simm.s32 $0x3C00  }
0x337: {  	[tilespmem:s13], [sflag:$0x5] =	stream.indirect.gather [hbm4b:s1+s24], $0x10, s11, s24, $0xb8;
	[tilespmem:$0xFA00] =	vst v63  }
0x338: {  	s15 =	simm.s32 $0xEB0;
	s29 =	simm.s32 $0xA000  }
0x339: {  	[tilespmem:s29], [sflag:$0x5] =	stream.indirect.gather [hbm4b:s1+s24], $0x10, s15, s24, $0xb8;
	[tilespmem:$0xFA00] =	vst v63  }
0x33a: {  	p0 =	sgt.u32 s18, $0x1D;
	s11 =	simm.s32 $0x280;
	s13 =	simm.s32 $0x4100  }
0x33b: {  	[tilespmem:s13], [sflag:$0x5] =	stream.indirect.gather [hbm4b:s1+s24], $0x10, s11, s24, $0xb8;
	[tilespmem:$0xFA00] =	vst v63  }
0x33c: {  	s9 =	rddreg [dreg:$0xd];
	s15 =	simm.s32 $0xF00;
	s29 =	simm.s32 $0xA500  }
0x33d: {  	[tilespmem:s29], [sflag:$0x5] =	stream.indirect.gather [hbm4b:s1+s24], $0x10, s15, s24, $0xb8;
	[tilespmem:$0xFA00] =	vst v63  }
0x33e: {  	s9 =	sadd.s32 @!p0 s9, s14;
	s13 =	simm.s32 $0x2D0;
	s15 =	simm.s32 $0x4600  }
0x33f: {  	[tilespmem:s15], [sflag:$0x5] =	stream.indirect.gather [hbm4b:s1+s24], $0x10, s13, s24, $0xb8;
	[tilespmem:$0xFA00] =	vst v63  }
0x340: {  	s9 =	smul.u32 @!p0 $0x64, s9;
	s29 =	simm.s32 $0xF50;
	s13 =	simm.s32 $0xAA00  }
0x341: {  	[tilespmem:s13], [sflag:$0x5] =	stream.indirect.gather [hbm4b:s1+s24], $0x10, s29, s24, $0xb8;
	[tilespmem:$0xFA00] =	vst v63  }
0x342: {  	s14 =	simm.s32 @!p0 $0x640;
	s11 =	sadd.s32 @!p0 s2, s9;
	s13 =	simm.s32 @!p0 $0x0  }
0x343: {  	[tilespmem:s14], [sflag:$0x3] =	stream.linear.gather @!p0 [hbm4b:s11+s13], $0x320, $0x38;
	[tilespmem:$0xFA00] =	vst v63  }
0x344: {  	s9 =	sadd.s32 @!p0 s4, s9;
	s11 =	simm.s32 @!p0 $0x12C0  }
0x345: {  	[tilespmem:s11], [sflag:$0x3] =	stream.linear.gather @!p0 [hbm4b:s9+s13], $0x320, $0x38;
	[tilespmem:$0xFA00] =	vst v63  }
.LBB2_22:
0x346: {  	_ =	swait.ge [sflag:s17], $0x500  }
0x347: {  	[sflag:s17] =	ssyncset.done $0x0  }
0x348: {  	[sflag:s17] =	ssyncadd.s32 $0xFFFFFB00  }
0x349: {  	_ =	swait.ge [sflag:s17], $0x500  }
0x34a: {  	[sflag:s17] =	ssyncset.done $0x0  }
0x34b: {  	[sflag:s17] =	ssyncadd.s32 $0xFFFFFB00  }
0x34c: {  	_ =	swait.ge [sflag:s17], $0x500  }
0x34d: {  	[sflag:s17] =	ssyncset.done $0x0  }
0x34e: {  	[sflag:s17] =	ssyncadd.s32 $0xFFFFFB00  }
0x34f: {  	_ =	swait.ge [sflag:s17], $0x500  }
0x350: {  	[sflag:s17] =	ssyncset.done $0x0  }
0x351: {  	[sflag:s17] =	ssyncadd.s32 $0xFFFFFB00  }
0x352: {  	_ =	swait.ge [sflag:s17], $0x500  }
0x353: {  	[sflag:s17] =	ssyncset.done $0x0  }
0x354: {  	[sflag:s17] =	ssyncadd.s32 $0xFFFFFB00  }
0x355: {  	_ =	swait.ge [sflag:s17], $0x500  }
0x356: {  	[sflag:s17] =	ssyncset.done $0x0  }
0x357: {  	[sflag:s17] =	ssyncadd.s32 $0xFFFFFB00  }
0x358: {  	_ =	swait.ge [sflag:s17], $0x500  }
0x359: {  	[sflag:s17] =	ssyncset.done $0x0  }
0x35a: {  	[sflag:s17] =	ssyncadd.s32 $0xFFFFFB00  }
0x35b: {  	_ =	swait.ge [sflag:s17], $0x500  }
0x35c: {  	[sflag:s17] =	ssyncset.done $0x0  }
0x35d: {  	[sflag:s17] =	ssyncadd.s32 $0xFFFFFB00  }
0x35e: {  	_ =	swait.ge [sflag:s17], $0x500  }
0x35f: {  	[sflag:s17] =	ssyncset.done $0x0  }
0x360: {  	[sflag:s17] =	ssyncadd.s32 $0xFFFFFB00  }
0x361: {  	_ =	swait.ge [sflag:s17], $0x500  }
0x362: {  	[sflag:s17] =	ssyncset.done $0x0  }
0x363: {  	[sflag:s17] =	ssyncadd.s32 $0xFFFFFB00  }
0x364: {  	_ =	swait.ge [sflag:s17], $0x500  }
0x365: {  	[sflag:s17] =	ssyncset.done $0x0  }
0x366: {  	[sflag:s17] =	ssyncadd.s32 $0xFFFFFB00  }
0x367: {  	_ =	swait.ge [sflag:s17], $0x500  }
0x368: {  	[sflag:s17] =	ssyncset.done $0x0  }
0x369: {  	[sflag:s17] =	ssyncadd.s32 $0xFFFFFB00  }
0x36a: {  	_ =	swait.ge [sflag:s17], $0x500  }
0x36b: {  	[sflag:s17] =	ssyncset.done $0x0  }
0x36c: {  	[sflag:s17] =	ssyncadd.s32 $0xFFFFFB00  }
0x36d: {  	_ =	swait.ge [sflag:s17], $0x500  }
0x36e: {  	[sflag:s17] =	ssyncset.done $0x0  }
0x36f: {  	[sflag:s17] =	ssyncadd.s32 $0xFFFFFB00  }
0x370: {  	_ =	swait.ge [sflag:s17], $0x500  }
0x371: {  	[sflag:s17] =	ssyncset.done $0x0  }
0x372: {  	[sflag:s17] =	ssyncadd.s32 $0xFFFFFB00  }
0x373: {  	_ =	swait.ge [sflag:s17], $0x500  }
0x374: {  	[sflag:s17] =	ssyncset.done $0x0  }
0x375: {  	[sflag:s17] =	ssyncadd.s32 $0xFFFFFB00  }
0x376: {  	_ =	swait.ge [sflag:s17], $0x500  }
0x377: {  	[sflag:s17] =	ssyncset.done $0x0  }
0x378: {  	[sflag:s17] =	ssyncadd.s32 $0xFFFFFB00  }
0x379: {  	_ =	swait.ge [sflag:s17], $0x500  }
0x37a: {  	[sflag:s17] =	ssyncset.done $0x0  }
0x37b: {  	[sflag:s17] =	ssyncadd.s32 $0xFFFFFB00  }
0x37c: {  	_ =	swait.ge [sflag:s17], $0x500  }
0x37d: {  	[sflag:s17] =	ssyncset.done $0x0  }
0x37e: {  	[sflag:s17] =	ssyncadd.s32 $0xFFFFFB00  }
0x37f: {  	_ =	swait.ge [sflag:s17], $0x500  }
0x380: {  	[sflag:s17] =	ssyncset.done $0x0  }
0x381: {  	[sflag:s17] =	ssyncadd.s32 $0xFFFFFB00  }
0x382: {  	_ =	swait.ge [sflag:s20], $0x320  }
0x383: {  	[sflag:s20] =	ssyncset.done $0x0  }
0x384: {  	[sflag:s20] =	ssyncadd.s32 $0xFFFFFCE0  }
0x385: {  	_ =	swait.ge [sflag:s20], $0x320  }
0x386: {  	[sflag:s20] =	ssyncset.done $0x0  }
0x387: {  	[sflag:s20] =	ssyncadd.s32 $0xFFFFFCE0  }
0x388: {  	_ =	swait.ge [sflag:s20], $0x320  }
0x389: {  	[sflag:s20] =	ssyncset.done $0x0  }
0x38a: {  	[sflag:s20] =	ssyncadd.s32 $0xFFFFFCE0  }
0x38b: {  	_ =	swait.ge [sflag:s20], $0x320  }
0x38c: {  	s9 =	simm.s32 $0x0;
	s13 =	simm.s32 $0x960;
	[sflag:s20] =	ssyncset.done $0x0  }
0x38d: {  	s11 =	simm.s32 $0x15E0;
	s14 =	simm.s32 $0xF0A0;
	[sflag:s20] =	ssyncadd.s32 $0xFFFFFCE0  }
.LBB2_23:
0x38e: {  	v3 =	vld [tilespmem:s13+$0x0]  }
0x38f: {  	v2 =	vld [tilespmem:s11+$0x0];
	_ =	sdelay $0x1  }
0x390: {  	v1 =	vmov s9  }
0x391: {  	v1 =	vshll.u32 v1, $0x4  }
0x392: {  	v1 =	vor.u32 v0, v1;
	v4 =	vand.u32 $0xF, v3  }
0x393: {  	v5 =	vand.u32 $0xF, v2;
	v6 =	vadd.s32 $0x1, v3;
	v4 =	vor.u32 v1, v4  }
0x394: {  	v7 =	vadd.s32 $0x1, v2;
	v5 =	vor.u32 v1, v5;
	v6 =	vand.u32 $0xF, v6  }
0x395: {  	v8 =	vadd.s32 $0x2, v3;
	v7 =	vand.u32 $0xF, v7;
	v6 =	vor.u32 v1, v6  }
0x396: {  	v9 =	vadd.s32 $0x2, v2;
	v8 =	vand.u32 $0xF, v8;
	v7 =	vor.u32 v1, v7  }
0x397: {  	v10 =	vadd.s32 $0x3, v3;
	v9 =	vand.u32 $0xF, v9;
	v8 =	vor.u32 v1, v8  }
0x398: {  	v12 =	vadd.s32 $0x3, v2;
	v10 =	vand.u32 $0xF, v10;
	v9 =	vor.u32 v1, v9;
	v11 =	vld.idx.msk [tilespmem:v4+s22+$0x0], $0xffff  }
0x399: {  	v14 =	vadd.s32 $0x4, v3;
	v12 =	vand.u32 $0xF, v12;
	v10 =	vor.u32 v1, v10;
	v13 =	vld.idx.msk [tilespmem:v5+s31+$0x0], $0xffff  }
0x39a: {  	v15 =	vadd.s32 $0x4, v2;
	v14 =	vand.u32 $0xF, v14;
	v12 =	vor.u32 v1, v12;
	v6 =	vld.idx.msk [tilespmem:v6+s22+$0x0], $0xffff  }
0x39b: {  	v16 =	vadd.s32 $0x5, v3;
	v15 =	vand.u32 $0xF, v15;
	v14 =	vor.u32 v1, v14;
	v7 =	vld.idx.msk [tilespmem:v7+s31+$0x0], $0xffff  }
0x39c: {  	v17 =	vadd.s32 $0x5, v2;
	v16 =	vand.u32 $0xF, v16;
	v15 =	vor.u32 v1, v15;
	v8 =	vld.idx.msk [tilespmem:v8+s22+$0x0], $0xffff  }
0x39d: {  	v17 =	vand.u32 $0xF, v17;
	v16 =	vor.u32 v1, v16;
	v9 =	vld.idx.msk [tilespmem:v9+s31+$0x0], $0xffff  }
0x39e: {  	v17 =	vor.u32 v1, v17;
	v10 =	vld.idx.msk [tilespmem:v10+s22+$0x0], $0xffff  }
0x39f: {  	v12 =	vld.idx.msk [tilespmem:v12+s31+$0x0], $0xffff  }
0x3a0: {  	v14 =	vld.idx.msk [tilespmem:v14+s22+$0x0], $0xffff  }
0x3a1: {  	v15 =	vld.idx.msk [tilespmem:v15+s31+$0x0], $0xffff  }
0x3a2: {  	v16 =	vld.idx.msk [tilespmem:v16+s22+$0x0], $0xffff  }
0x3a3: {  	v17 =	vld.idx.msk [tilespmem:v17+s31+$0x0], $0xffff;
	_ =	sdelay $0x1  }
0x3a4: {  	v11 =	vsub.f32 v11, v13;
	v6 =	vsub.f32 v6, v7  }
0x3a5: {  	v33 =	vadd.f32 v12, v10;
	v34 =	vadd.f32 v15, v14  }
0x3a6: {  	v8 =	vsub.f32 v8, v9  }
0x3a7: {  	v36 =	vadd.f32 v17, v16;
	v7 =	vmul.f32 v33, v11;
	v35 =	vmul.f32 v34, v6;
	_ =	sdelay $0x1  }
0x3a8: {  	v38 =	vadd.s32 $0x6, v3;
	v37 =	vmul.f32 v36, v8;
	v7 =	vadd.f32 v35, v7  }
0x3a9: {  	v40 =	vadd.s32 $0x6, v2;
	v41 =	vadd.s32 $0x7, v3;
	v39 =	vand.u32 $0xF, v38  }
0x3aa: {  	v9 =	vor.u32 v1, v39;
	v10 =	vand.u32 $0xF, v40;
	v7 =	vadd.f32 v37, v7  }
0x3ab: {  	v42 =	vadd.s32 $0x7, v2;
	v12 =	vand.u32 $0xF, v41;
	v10 =	vor.u32 v1, v10  }
0x3ac: {  	v13 =	vand.u32 $0xF, v42;
	v12 =	vor.u32 v1, v12;
	v7 =	vmul.f32 $5.000000000e-01, v7  }
0x3ad: {  	v13 =	vor.u32 v1, v13  }
0x3ae: {  	v4 =	vxor.u32 $0x8, v4;
	[tilespmem:s14+$0xFFFFFCE0] =	vst v7  }
0x3af: {  	v5 =	vxor.u32 $0x8, v5;
	v7 =	vld.idx.msk [tilespmem:v9+s22+$0x0], $0xffff  }
0x3b0: {  	v43 =	vld.idx.msk [tilespmem:v10+s31+$0x0], $0xffff  }
0x3b1: {  	v44 =	vld.idx.msk [tilespmem:v12+s22+$0x0], $0xffff  }
0x3b2: {  	v45 =	vld.idx.msk [tilespmem:v13+s31+$0x0], $0xffff  }
0x3b3: {  	v4 =	vld.idx.msk [tilespmem:v4+s22+$0x0], $0xffff  }
0x3b4: {  	v5 =	vld.idx.msk [tilespmem:v5+s31+$0x0], $0xffff;
	_ =	sdelay $0x2  }
0x3b5: {  	v7 =	vadd.f32 v43, v7;
	v46 =	vadd.f32 v45, v44;
	_ =	sdelay $0x1  }
0x3b6: {  	v4 =	vadd.f32 v5, v4;
	v7 =	vmul.f32 v7, v11;
	v9 =	vmul.f32 v46, v6  }
0x3b7: {  	v48 =	vadd.s32 $0x9, v3  }
0x3b8: {  	v49 =	vadd.s32 $0x9, v2;
	v4 =	vmul.f32 v4, v8;
	v47 =	vadd.f32 v9, v7  }
0x3b9: {  	v50 =	vadd.s32 $0xA, v3;
	v51 =	vadd.s32 $0xA, v2;
	v5 =	vand.u32 $0xF, v48  }
0x3ba: {  	v5 =	vor.u32 v1, v5;
	v7 =	vand.u32 $0xF, v49;
	v4 =	vadd.f32 v4, v47  }
0x3bb: {  	v52 =	vadd.s32 $0xB, v3;
	v9 =	vand.u32 $0xF, v50;
	v7 =	vor.u32 v1, v7  }
0x3bc: {  	v10 =	vand.u32 $0xF, v51;
	v9 =	vor.u32 v1, v9;
	v4 =	vmul.f32 $5.000000000e-01, v4  }
0x3bd: {  	v53 =	vadd.s32 $0xB, v2;
	v12 =	vand.u32 $0xF, v52;
	v10 =	vor.u32 v1, v10  }
0x3be: {  	v55 =	vand.u32 $0xF, v53;
	v54 =	vor.u32 v1, v12;
	[tilespmem:s14+$0x0] =	vst v4  }
0x3bf: {  	v12 =	vor.u32 v1, v55;
	v5 =	vld.idx.msk [tilespmem:v5+s22+$0x0], $0xffff  }
0x3c0: {  	v7 =	vld.idx.msk [tilespmem:v7+s31+$0x0], $0xffff  }
0x3c1: {  	v9 =	vld.idx.msk [tilespmem:v9+s22+$0x0], $0xffff  }
0x3c2: {  	v10 =	vld.idx.msk [tilespmem:v10+s31+$0x0], $0xffff  }
0x3c3: {  	v4 =	vld.idx.msk [tilespmem:v54+s22+$0x0], $0xffff  }
0x3c4: {  	v12 =	vld.idx.msk [tilespmem:v12+s31+$0x0], $0xffff;
	_ =	sdelay $0x2  }
0x3c5: {  	v5 =	vadd.f32 v7, v5;
	v56 =	vadd.f32 v10, v9;
	_ =	sdelay $0x1  }
0x3c6: {  	v4 =	vadd.f32 v12, v4;
	v5 =	vmul.f32 v5, v11;
	v7 =	vmul.f32 v56, v6  }
0x3c7: {  	v57 =	vadd.s32 $0xC, v3  }
0x3c8: {  	v58 =	vadd.s32 $0xC, v2;
	v4 =	vmul.f32 v4, v8;
	v5 =	vadd.f32 v7, v5  }
0x3c9: {  	v59 =	vadd.s32 $0xD, v3;
	v60 =	vadd.s32 $0xD, v2;
	v7 =	vand.u32 $0xF, v58  }
0x3ca: {  	v9 =	vand.u32 $0xF, v59;
	v7 =	vor.u32 v1, v7;
	v4 =	vadd.f32 v4, v5  }
0x3cb: {  	v3 =	vadd.s32 $0xE, v3;
	v10 =	vand.u32 $0xF, v60;
	v9 =	vor.u32 v1, v9  }
0x3cc: {  	v10 =	vor.u32 v1, v10;
	v5 =	vand.u32 $0xF, v57;
	v4 =	vmul.f32 $5.000000000e-01, v4  }
0x3cd: {  	v2 =	vadd.s32 $0xE, v2;
	v3 =	vand.u32 $0xF, v3;
	v5 =	vor.u32 v1, v5  }
0x3ce: {  	v2 =	vand.u32 $0xF, v2;
	v3 =	vor.u32 v1, v3;
	[tilespmem:s14+$0x320] =	vst v4  }
0x3cf: {  	v1 =	vor.u32 v1, v2;
	v2 =	vld.idx.msk [tilespmem:v7+s31+$0x0], $0xffff  }
0x3d0: {  	v61 =	vld.idx.msk [tilespmem:v9+s22+$0x0], $0xffff  }
0x3d1: {  	v62 =	vld.idx.msk [tilespmem:v10+s31+$0x0], $0xffff  }
0x3d2: {  	v4 =	vld.idx.msk [tilespmem:v5+s22+$0x0], $0xffff  }
0x3d3: {  	v3 =	vld.idx.msk [tilespmem:v3+s22+$0x0], $0xffff  }
0x3d4: {  	v1 =	vld.idx.msk [tilespmem:v1+s31+$0x0], $0xffff;
	_ =	sdelay $0x2  }
0x3d5: {  	v63 =	vadd.f32 v62, v61;
	v2 =	vadd.f32 v2, v4;
	_ =	sdelay $0x1  }
0x3d6: {  	v1 =	vadd.f32 v1, v3;
	v4 =	vmul.f32 v63, v6;
	v2 =	vmul.f32 v2, v11;
	_ =	sdelay $0x1  }
0x3d7: {  	v1 =	vmul.f32 v1, v8;
	v2 =	vadd.f32 v4, v2  }
0x3d8: {  	p0 =	sne.s32 s9, $0x310  }
.Ltmp15:
0x3d9: {  	v1 =	vadd.f32 v1, v2;
	(pc) =	sbr.rel @p0 .LBB2_23-.Ltmp15, $4  }
0x3da: {  	_ = 	snop  }
0x3db: {  	v1 =	vmul.f32 $5.000000000e-01, v1  }
0x3dc: {  	s13 =	sadd.s32 $0x10, s13  }
0x3dd: {  	s11 =	sadd.s32 $0x10, s11;
	s9 =	sadd.s32 $0x10, s9;
	[tilespmem:s14+$0x640] =	vst v1;
	s14 =	sadd.s32 $0x10, s14  }
0x3de: {  	s9 =	sshll.u32 s16, $0x5  }
0x3df: {  	s9 =	sor.u32 s5, s9  }
0x3e0: {  	s9 =	smul.u32 $0x320, s9;
	_ =	sdelay $0x1  }
0x3e1: {  	s9 =	sshrl.u32 s9, $0x3  }
0x3e2: {  	s11 =	simm.s32 $0xED80;
	s9 =	sadd.s32 s7, s9  }
0x3e3: {  	[hbm4b:s9+s6] =	stream.linear.scatter [tilespmem:s11], [sflag:$0x8], $0x320, $0x38;
	[tilespmem:$0xFA00] =	vst v63  }
0x3e4: {  	s13 =	simm.s32 $0xF0A0;
	s14 =	sadd.s32 $0x61A80, s9  }
0x3e5: {  	[hbm4b:s14+s6] =	stream.linear.scatter [tilespmem:s13], [sflag:$0x8], $0x320, $0x38;
	[tilespmem:$0xFA00] =	vst v63  }
.Ltmp16:
0x3e6: {  	_ = 	snop;
	(pc) =	sbr.rel .LBB2_25-.Ltmp16, $4  }
0x3e7: {  	s16 =	simm.s32 $0xF3C0;
	s15 =	sadd.s32 $0xC3500, s9  }
0x3e8: {  	[hbm4b:s15+s6] =	stream.linear.scatter [tilespmem:s16], [sflag:$0x8], $0x320, $0x38;
	[tilespmem:$0xFA00] =	vst v63  }
0x3e9: {  	s29 =	simm.s32 $0xF6E0;
	s9 =	sadd.s32 $0x124F80, s9  }
0x3ea: {  	[hbm4b:s9+s6] =	stream.linear.scatter [tilespmem:s29], [sflag:$0x8], $0x320, $0x38;
	[tilespmem:$0xFA00] =	vst v63  }
.LBB2_27:
0x3eb: {  	_ =	sfence.sel $0x180000  }
0x3ec: {  	[bflag:$0x0] =	sbarrier.arrive $0xFFFF  }
0x3ed: {  	_ =	strace $0x9000004A  }
0x3ee: {  	s0 =	stileid.u32;
	[bflag:$0x2] =	sbarrier.arrive $0xFFFF  }
0x3ef: {  	p0 =	sne.s32 s0, $0x0;
	s0 =	rddreg [dreg:$0x4]  }
0x3f0: {  	s0 =	sadd.s32 @!p0 $0x100000, s0  }
0x3f1: {  	[sflag:s0] =	ssyncadd.tile.s32 @!p0 $0x1;
	_ =	shalt  }
.Lfunc_end2:
_tile_overlayer_lowered:
.L_overlay_start_2:
0x3f2: {  	(tag) =	ssettag $0x2  }
0x3f3: {  	s0 =	rddreg [dreg:$0x0];
	s2 =	stileid.u32  }
0x3f4: {  	s1 =	rddreg [dreg:$0x1];
	p0 =	sne.s32 s2, $0x0  }
0x3f5: {  	s3 =	rddreg [dreg:$0x2];
	[bflag:$0x3] =	sbarrier.arrive $0xFFFF;
	s2 =	simm.s32 @!p0 $0x1C09  }
0x3f6: {  	[timem:s3], [sflag:s2] =	dma.local @!p0 [hbm:s0], s1  }
0x3f7: {  	s0 =	simm.s32 @!p0 $0x9  }
0x3f8: {  	_ =	swait.ge @!p0 [sflag:s0], s1  }
0x3f9: {  	s1 =	ssub.s32 @!p0 $0x0, s1;
	[sflag:s0] =	ssyncset.done @!p0 $0x0  }
0x3fa: {  	[sflag:s0] =	ssyncadd.s32 @!p0 s1  }
0x3fb: {  	[bflag:$0x3] =	sbarrier.arrive $0xFFFF  }
0x3fc: {  	_ =	shalt  }

</sc_bundles>
